<compile_context>
chip_gen: v7x
topology: tpu7x:2x2x1
jax: 0.10.2.dev20260603
libtpu: 0.0.44.dev20260713+nightly
codegen_flags: <defaults>
</compile_context>

<pallas_src>
import jax
import jax.numpy as jnp
from jax import lax
from jax.experimental import pallas as pl
from jax.experimental.pallas import tpu as pltpu
from jax.experimental.pallas import tpu_sc as plsc

B, L, D = 1024, 200, 128
N = B * L
EPS = 1e-12

NC, NS, LANES = 2, 16, 16
NW = NC * NS
ROWS_PER_W = N // NW
CHUNK = 64
NCHUNK = ROWS_PER_W // CHUNK
NPAIR = NCHUNK // 2
SEG = D // LANES
SPLIT = 2
SUB = CHUNK // SPLIT


def _rsqrt(x):
    i = lax.bitcast_convert_type(x, jnp.int32)
    i = jnp.int32(0x5F3759DF) - lax.shift_right_arithmetic(i, 1)
    y = lax.bitcast_convert_type(i, jnp.float32)
    for _ in range(3):
        y = y * (1.5 - 0.5 * x * y * y)
    return y


def _body(ids_hbm, wtab, wpos, ppos, grid, cate, gamma_hbm, beta_hbm,
          out_hbm, ids_v, bufs0, bufs1, gb_v, gsem0, gsem1, osem0, osem1,
          isem):
    wid = lax.axis_index("s") * NC + lax.axis_index("c")
    base = wid * ROWS_PER_W

    bufs = (bufs0, bufs1)
    gsem = (gsem0, gsem1)
    osem = (osem0, osem1)
    tabs = (wtab, wpos, ppos, grid, cate)

    pltpu.sync_copy(gamma_hbm, gb_v.at[0])
    pltpu.sync_copy(beta_hbm, gb_v.at[1])
    gvec = [gb_v[0, pl.ds(s * LANES, LANES)] for s in range(SEG)]
    bvec = [gb_v[1, pl.ds(s * LANES, LANES)] for s in range(SEG)]

    def idx_copy(p, slot):
        return pltpu.make_async_copy(
            ids_hbm.at[:, pl.ds(base + p * (2 * CHUNK), 2 * CHUNK)],
            ids_v.at[slot, pl.ds(0, 5)], isem)

    def issue(slot, off, s):
        for j in range(5):
            for h in range(SPLIT):
                pltpu.async_copy(
                    tabs[j].at[ids_v.at[slot, j, pl.ds(off + h * SUB, SUB)]],
                    bufs[s].at[j, pl.ds(h * SUB, SUB)], gsem[s])

    def drain_gathers(slot, off, s):
        for j in range(5):
            for h in range(SPLIT):
                pltpu.make_async_copy(
                    tabs[j].at[ids_v.at[slot, j, pl.ds(off + h * SUB, SUB)]],
                    bufs[s].at[j, pl.ds(h * SUB, SUB)], gsem[s]).wait()

    def out_copy(g, s):
        return pltpu.make_async_copy(
            bufs[s].at[0], out_hbm.at[pl.ds(base + g * CHUNK, CHUNK)],
            osem[s])

    idx_copy(0, 0).start()
    idx_copy(0, 0).wait()
    issue(0, 0, 0)

    def quad_body(q, carry):
        for u in (0, 1):
          p = 2 * q + u
          pa = u
          pb = 1 - u
          @pl.when(p + 1 < NPAIR)
          def _():
              idx_copy(p + 1, pb).start()

          for s in (0, 1):
            g = 2 * p + s
            nxt = 1 - s
            @pl.when(g + 1 < NCHUNK)
            def _():
                @pl.when(g >= 1)
                def _():
                    out_copy(g - 1, nxt).wait()
                if s == 0:
                    issue(pa, CHUNK, nxt)
                else:
                    idx_copy(p + 1, pb).wait()
                    issue(pb, 0, nxt)

            drain_gathers(pa, s * CHUNK, s)
            b = bufs[s]

            def row(r, rc):
                vs = []
                for seg in range(SEG):
                    sl = pl.ds(seg * LANES, LANES)
                    vs.append(b[0, r, sl] + b[1, r, sl] + b[2, r, sl]
                              + b[3, r, sl] + b[4, r, sl])
                tot = vs[0]
                for seg in range(1, SEG):
                    tot = tot + vs[seg]
                mean = lax.broadcast(jnp.sum(tot) * (1.0 / D), (LANES,))
                xs = [v - mean for v in vs]
                sq = xs[0] * xs[0]
                for seg in range(1, SEG):
                    sq = sq + xs[seg] * xs[seg]
                var = lax.broadcast(jnp.sum(sq) * (1.0 / D) + EPS, (LANES,))
                rstd = _rsqrt(var)
                for seg in range(SEG):
                    sl = pl.ds(seg * LANES, LANES)
                    b[0, r, sl] = xs[seg] * rstd * gvec[seg] + bvec[seg]
                return rc

            lax.fori_loop(0, CHUNK, row, 0, unroll=1)
            out_copy(g, s).start()
        return carry

    lax.fori_loop(0, NPAIR // 2, quad_body, 0, unroll=1)
    out_copy(NCHUNK - 2, 0).wait()
    out_copy(NCHUNK - 1, 1).wait()


@jax.jit
def _poiembed_sc(ids, word_tab, wpos_tab, ppos_tab, grid_tab, cate_tab,
                 ln_gamma, ln_beta):
    mesh = plsc.VectorSubcoreMesh(core_axis_name="c", subcore_axis_name="s")
    f = pl.kernel(
        _body,
        out_type=jax.ShapeDtypeStruct((N, D), jnp.float32),
        mesh=mesh,
        compiler_params=pltpu.CompilerParams(needs_layout_passes=False),
        scratch_types=[
            pltpu.VMEM((2, 8, 2 * CHUNK), jnp.int32),
            pltpu.VMEM((5, CHUNK, D), jnp.float32),
            pltpu.VMEM((5, CHUNK, D), jnp.float32),
            pltpu.VMEM((2, D), jnp.float32),
            pltpu.SemaphoreType.DMA,
            pltpu.SemaphoreType.DMA,
            pltpu.SemaphoreType.DMA,
            pltpu.SemaphoreType.DMA,
            pltpu.SemaphoreType.DMA,
        ],
    )
    return f(ids, word_tab, wpos_tab, ppos_tab, grid_tab, cate_tab,
             ln_gamma, ln_beta)


def kernel(poi_name_token_ids, word_level_pos_ids, poi_level_pos_ids,
           grid_level_pos_ids, poi_cate_ids,
           word_tab, wpos_tab, ppos_tab, grid_tab, cate_tab,
           ln_gamma, ln_beta):
    ids = jnp.stack([
        poi_name_token_ids.reshape(-1),
        word_level_pos_ids.reshape(-1),
        poi_level_pos_ids.reshape(-1),
        grid_level_pos_ids.reshape(-1),
        poi_cate_ids.reshape(-1),
    ], axis=0)
    out = _poiembed_sc(ids, word_tab, wpos_tab, ppos_tab, grid_tab,
                       cate_tab, ln_gamma, ln_beta)
    return out.reshape(B, L, D)

# --- scband reference (transcript-rebuilt; emitter-appended) ---
"""Pipeline reference for scband-poiembed-65171833749802 (READ-ONLY COPY).

The authoritative reference and input builder live on the scoring server;
editing this copy changes nothing except your own understanding.
"""

import jax, jax.numpy as jnp
import numpy as np

B, L, D = 1024, 200, 128
VOCAB = 100000
MAX_LEN_TOKEN = 200
MAX_LEN_POI = 50
NUM_GRID = 100 * 100
POI_CATE = 1000
EPS = 1e-12


def setup_inputs(seed: int = 0) -> dict:
    key = jax.random.key(seed)
    ks = jax.random.split(key, 12)
    word_tab = jax.random.normal(ks[0], (VOCAB, D), dtype=jnp.float32) * 0.02
    word_tab = word_tab.at[0].set(0.0)  # padding_idx=0
    wpos_tab = jax.random.normal(ks[1], (MAX_LEN_TOKEN, D), dtype=jnp.float32) * 0.02
    ppos_tab = jax.random.normal(ks[2], (MAX_LEN_POI, D), dtype=jnp.float32) * 0.02
    grid_tab = jax.random.normal(ks[3], (NUM_GRID + 2, D), dtype=jnp.float32) * 0.02
    cate_tab = jax.random.normal(ks[4], (POI_CATE, D), dtype=jnp.float32) * 0.02
    ln_gamma = jnp.ones((D,), dtype=jnp.float32)
    ln_beta = jnp.zeros((D,), dtype=jnp.float32)
    poi_name_token_ids = jax.random.randint(ks[5], (B, L), 0, VOCAB, dtype=jnp.int32)
    word_level_pos_ids = jax.random.randint(ks[6], (B, L), 0, MAX_LEN_TOKEN, dtype=jnp.int32)
    poi_level_pos_ids = jax.random.randint(ks[7], (B, L), 0, MAX_LEN_POI, dtype=jnp.int32)
    grid_level_pos_ids = jax.random.randint(ks[8], (B, L), 0, NUM_GRID + 2, dtype=jnp.int32)
    poi_cate_ids = jax.random.randint(ks[9], (B, L), 0, POI_CATE, dtype=jnp.int32)
    return {
        'poi_name_token_ids': poi_name_token_ids,
        'word_level_pos_ids': word_level_pos_ids,
        'poi_level_pos_ids': poi_level_pos_ids,
        'grid_level_pos_ids': grid_level_pos_ids,
        'poi_cate_ids': poi_cate_ids,
        'word_tab': word_tab,
        'wpos_tab': wpos_tab,
        'ppos_tab': ppos_tab,
        'grid_tab': grid_tab,
        'cate_tab': cate_tab,
        'ln_gamma': ln_gamma,
        'ln_beta': ln_beta,
    }


def _layer_norm(x, gamma, beta, eps):
    mean = jnp.mean(x, axis=-1, keepdims=True)
    var = jnp.mean((x - mean) ** 2, axis=-1, keepdims=True)
    return (x - mean) / jnp.sqrt(var + eps) * gamma + beta


def reference(poi_name_token_ids, word_level_pos_ids, poi_level_pos_ids,
              grid_level_pos_ids, poi_cate_ids,
              word_tab, wpos_tab, ppos_tab, grid_tab, cate_tab,
              ln_gamma, ln_beta):
    tok_emb = jnp.take(word_tab, poi_name_token_ids, axis=0)
    wpos_emb = jnp.take(wpos_tab, word_level_pos_ids, axis=0)
    ppos_emb = jnp.take(ppos_tab, poi_level_pos_ids, axis=0)
    grid_emb = jnp.take(grid_tab, grid_level_pos_ids, axis=0)
    cate_emb = jnp.take(cate_tab, poi_cate_ids, axis=0)
    poi_embedding = tok_emb + wpos_emb + ppos_emb + grid_emb + cate_emb
    poi_embedding = _layer_norm(poi_embedding, ln_gamma, ln_beta, EPS)
    # dropout is identity in eval mode
    return poi_embedding

if __name__ == "__main__":
    import jax
    _d = setup_inputs()
    print(jax.jit(kernel)(*tuple(_d.values())))

</pallas_src>

<mosaic_0001>
#map = affine_map<(d0, d1) -> (0, 0)>
#map1 = affine_map<(d0, d1) -> (0)>
module attributes {stable_mosaic.version = 14 : i64} {
  func.func @_body(%arg0: i32, %arg1: i32, %arg2: memref<5x204800xi32, #tpu.memory_space<hbm>>, %arg3: memref<100000x128xf32, #tpu.memory_space<hbm>>, %arg4: memref<200x128xf32, #tpu.memory_space<hbm>>, %arg5: memref<50x128xf32, #tpu.memory_space<hbm>>, %arg6: memref<10002x128xf32, #tpu.memory_space<hbm>>, %arg7: memref<1000x128xf32, #tpu.memory_space<hbm>>, %arg8: memref<128xf32, #tpu.memory_space<hbm>>, %arg9: memref<128xf32, #tpu.memory_space<hbm>>, %arg10: memref<204800x128xf32, #tpu.memory_space<hbm>>, %arg11: memref<2x8x128xi32, #tpu.memory_space<vmem>>, %arg12: memref<5x64x128xf32, #tpu.memory_space<vmem>>, %arg13: memref<5x64x128xf32, #tpu.memory_space<vmem>>, %arg14: memref<2x128xf32, #tpu.memory_space<vmem>>, %arg15: memref<!tpu.dma_semaphore, #tpu.memory_space<semaphore_mem>>, %arg16: memref<!tpu.dma_semaphore, #tpu.memory_space<semaphore_mem>>, %arg17: memref<!tpu.dma_semaphore, #tpu.memory_space<semaphore_mem>>, %arg18: memref<!tpu.dma_semaphore, #tpu.memory_space<semaphore_mem>>, %arg19: memref<!tpu.dma_semaphore, #tpu.memory_space<semaphore_mem>>) attributes {dimension_semantics = [#tpu.dimension_semantics<core_parallel>, #tpu.dimension_semantics<subcore_parallel>], iteration_bounds = array<i64: 2, 16>, scalar_prefetch = 0 : i64, scratch_operands = 9 : i64, tpu.core_type = #tpu.core_type<sc_vector_subcore>, window_params = [{transform_indices = #map}, {transform_indices = #map}, {transform_indices = #map}, {transform_indices = #map}, {transform_indices = #map}, {transform_indices = #map}, {transform_indices = #map1}, {transform_indices = #map1}, {transform_indices = #map}]} {
    %mul3A = arith.constant 2 : i32
    %mul3A_0 = arith.muli %arg1, %mul3A : i32
    %add3A = arith.addi %mul3A_0, %arg0 : i32
    %mul3A_1 = arith.constant 6400 : i32
    %mul3A_2 = arith.muli %add3A, %mul3A_1 : i32
    %run_scoped3A = arith.constant 0 : i32
    "tpu.region"() ({
      %run_scoped3A_260 = tpu.sem_alloc : memref<!tpu.dma_semaphore, #tpu.memory_space<semaphore_mem>>
      %dma_start3A_261 = arith.constant 0 : i32
      %dma_start3A_262 = tpu.memref_slice %arg14[%run_scoped3A, %dma_start3A_261] : memref<2x128xf32, #tpu.memory_space<vmem>> -> memref<1x128xf32, #tpu.memory_space<vmem>>
      %dma_start3A_263 = tpu.memref_squeeze %dma_start3A_262 : memref<1x128xf32, #tpu.memory_space<vmem>> -> memref<128xf32, #tpu.memory_space<vmem>>
      %dma_start3A_264 = arith.constant 0 : i32
      %dma_start3A_265 = tpu.memref_slice %arg14[%run_scoped3A, %dma_start3A_264] : memref<2x128xf32, #tpu.memory_space<vmem>> -> memref<1x128xf32, #tpu.memory_space<vmem>>
      %dma_start3A_266 = tpu.memref_squeeze %dma_start3A_265 : memref<1x128xf32, #tpu.memory_space<vmem>> -> memref<128xf32, #tpu.memory_space<vmem>>
      tpu.enqueue_dma source(%arg8 : memref<128xf32, #tpu.memory_space<hbm>>) target(%dma_start3A_266 : memref<128xf32, #tpu.memory_space<vmem>>) target_semaphore(%run_scoped3A_260 : memref<!tpu.dma_semaphore, #tpu.memory_space<semaphore_mem>>)
      %dma_wait3A_267 = arith.constant 0 : i32
      %dma_wait3A_268 = tpu.memref_slice %arg14[%run_scoped3A, %dma_wait3A_267] : memref<2x128xf32, #tpu.memory_space<vmem>> -> memref<1x128xf32, #tpu.memory_space<vmem>>
      %dma_wait3A_269 = tpu.memref_squeeze %dma_wait3A_268 : memref<1x128xf32, #tpu.memory_space<vmem>> -> memref<128xf32, #tpu.memory_space<vmem>>
      %dma_wait3A_270 = arith.constant 0 : i32
      %dma_wait3A_271 = tpu.memref_slice %arg14[%run_scoped3A, %dma_wait3A_270] : memref<2x128xf32, #tpu.memory_space<vmem>> -> memref<1x128xf32, #tpu.memory_space<vmem>>
      %dma_wait3A_272 = tpu.memref_squeeze %dma_wait3A_271 : memref<1x128xf32, #tpu.memory_space<vmem>> -> memref<128xf32, #tpu.memory_space<vmem>>
      tpu.wait_dma2 semaphore(%run_scoped3A_260 : memref<!tpu.dma_semaphore, #tpu.memory_space<semaphore_mem>>) src(%arg8 : memref<128xf32, #tpu.memory_space<hbm>>) dst(%dma_wait3A_272 : memref<128xf32, #tpu.memory_space<vmem>>)
      tpu.yield
    }) : () -> ()
    %run_scoped3A_3 = arith.constant 1 : i32
    "tpu.region"() ({
      %run_scoped3A_260 = tpu.sem_alloc : memref<!tpu.dma_semaphore, #tpu.memory_space<semaphore_mem>>
      %dma_start3A_261 = arith.constant 0 : i32
      %dma_start3A_262 = tpu.memref_slice %arg14[%run_scoped3A_3, %dma_start3A_261] : memref<2x128xf32, #tpu.memory_space<vmem>> -> memref<1x128xf32, #tpu.memory_space<vmem>>
      %dma_start3A_263 = tpu.memref_squeeze %dma_start3A_262 : memref<1x128xf32, #tpu.memory_space<vmem>> -> memref<128xf32, #tpu.memory_space<vmem>>
      %dma_start3A_264 = arith.constant 0 : i32
      %dma_start3A_265 = tpu.memref_slice %arg14[%run_scoped3A_3, %dma_start3A_264] : memref<2x128xf32, #tpu.memory_space<vmem>> -> memref<1x128xf32, #tpu.memory_space<vmem>>
      %dma_start3A_266 = tpu.memref_squeeze %dma_start3A_265 : memref<1x128xf32, #tpu.memory_space<vmem>> -> memref<128xf32, #tpu.memory_space<vmem>>
      tpu.enqueue_dma source(%arg9 : memref<128xf32, #tpu.memory_space<hbm>>) target(%dma_start3A_266 : memref<128xf32, #tpu.memory_space<vmem>>) target_semaphore(%run_scoped3A_260 : memref<!tpu.dma_semaphore, #tpu.memory_space<semaphore_mem>>)
      %dma_wait3A_267 = arith.constant 0 : i32
      %dma_wait3A_268 = tpu.memref_slice %arg14[%run_scoped3A_3, %dma_wait3A_267] : memref<2x128xf32, #tpu.memory_space<vmem>> -> memref<1x128xf32, #tpu.memory_space<vmem>>
      %dma_wait3A_269 = tpu.memref_squeeze %dma_wait3A_268 : memref<1x128xf32, #tpu.memory_space<vmem>> -> memref<128xf32, #tpu.memory_space<vmem>>
      %dma_wait3A_270 = arith.constant 0 : i32
      %dma_wait3A_271 = tpu.memref_slice %arg14[%run_scoped3A_3, %dma_wait3A_270] : memref<2x128xf32, #tpu.memory_space<vmem>> -> memref<1x128xf32, #tpu.memory_space<vmem>>
      %dma_wait3A_272 = tpu.memref_squeeze %dma_wait3A_271 : memref<1x128xf32, #tpu.memory_space<vmem>> -> memref<128xf32, #tpu.memory_space<vmem>>
      tpu.wait_dma2 semaphore(%run_scoped3A_260 : memref<!tpu.dma_semaphore, #tpu.memory_space<semaphore_mem>>) src(%arg9 : memref<128xf32, #tpu.memory_space<hbm>>) dst(%dma_wait3A_272 : memref<128xf32, #tpu.memory_space<vmem>>)
      tpu.yield
    }) : () -> ()
    %get3A = arith.constant 0 : i32
    %get3A_4 = arith.index_cast %get3A : i32 to index
    %get3A_5 = arith.constant 0 : index
    %get3A_6 = tpu.vector_load %arg14[%get3A_4, %get3A_5] {strides = array<i32>} : memref<2x128xf32, #tpu.memory_space<vmem>>, vector<16xf32>,
    %get3A_7 = arith.constant 0 : i32
    %get3A_8 = arith.index_cast %get3A_7 : i32 to index
    %get3A_9 = arith.constant 16 : index
    %get3A_10 = tpu.vector_load %arg14[%get3A_8, %get3A_9] {strides = array<i32>} : memref<2x128xf32, #tpu.memory_space<vmem>>, vector<16xf32>,
    %get3A_11 = arith.constant 0 : i32
    %get3A_12 = arith.index_cast %get3A_11 : i32 to index
    %get3A_13 = arith.constant 32 : index
    %get3A_14 = tpu.vector_load %arg14[%get3A_12, %get3A_13] {strides = array<i32>} : memref<2x128xf32, #tpu.memory_space<vmem>>, vector<16xf32>,
    %get3A_15 = arith.constant 0 : i32
    %get3A_16 = arith.index_cast %get3A_15 : i32 to index
    %get3A_17 = arith.constant 48 : index
    %get3A_18 = tpu.vector_load %arg14[%get3A_16, %get3A_17] {strides = array<i32>} : memref<2x128xf32, #tpu.memory_space<vmem>>, vector<16xf32>,
    %get3A_19 = arith.constant 0 : i32
    %get3A_20 = arith.index_cast %get3A_19 : i32 to index
    %get3A_21 = arith.constant 64 : index
    %get3A_22 = tpu.vector_load %arg14[%get3A_20, %get3A_21] {strides = array<i32>} : memref<2x128xf32, #tpu.memory_space<vmem>>, vector<16xf32>,
    %get3A_23 = arith.constant 0 : i32
    %get3A_24 = arith.index_cast %get3A_23 : i32 to index
    %get3A_25 = arith.constant 80 : index
    %get3A_26 = tpu.vector_load %arg14[%get3A_24, %get3A_25] {strides = array<i32>} : memref<2x128xf32, #tpu.memory_space<vmem>>, vector<16xf32>,
    %get3A_27 = arith.constant 0 : i32
    %get3A_28 = arith.index_cast %get3A_27 : i32 to index
    %get3A_29 = arith.constant 96 : index
    %get3A_30 = tpu.vector_load %arg14[%get3A_28, %get3A_29] {strides = array<i32>} : memref<2x128xf32, #tpu.memory_space<vmem>>, vector<16xf32>,
    %get3A_31 = arith.constant 0 : i32
    %get3A_32 = arith.index_cast %get3A_31 : i32 to index
    %get3A_33 = arith.constant 112 : index
    %get3A_34 = tpu.vector_load %arg14[%get3A_32, %get3A_33] {strides = array<i32>} : memref<2x128xf32, #tpu.memory_space<vmem>>, vector<16xf32>,
    %get3A_35 = arith.constant 1 : i32
    %get3A_36 = arith.index_cast %get3A_35 : i32 to index
    %get3A_37 = arith.constant 0 : index
    %get3A_38 = tpu.vector_load %arg14[%get3A_36, %get3A_37] {strides = array<i32>} : memref<2x128xf32, #tpu.memory_space<vmem>>, vector<16xf32>,
    %get3A_39 = arith.constant 1 : i32
    %get3A_40 = arith.index_cast %get3A_39 : i32 to index
    %get3A_41 = arith.constant 16 : index
    %get3A_42 = tpu.vector_load %arg14[%get3A_40, %get3A_41] {strides = array<i32>} : memref<2x128xf32, #tpu.memory_space<vmem>>, vector<16xf32>,
    %get3A_43 = arith.constant 1 : i32
    %get3A_44 = arith.index_cast %get3A_43 : i32 to index
    %get3A_45 = arith.constant 32 : index
    %get3A_46 = tpu.vector_load %arg14[%get3A_44, %get3A_45] {strides = array<i32>} : memref<2x128xf32, #tpu.memory_space<vmem>>, vector<16xf32>,
    %get3A_47 = arith.constant 1 : i32
    %get3A_48 = arith.index_cast %get3A_47 : i32 to index
    %get3A_49 = arith.constant 48 : index
    %get3A_50 = tpu.vector_load %arg14[%get3A_48, %get3A_49] {strides = array<i32>} : memref<2x128xf32, #tpu.memory_space<vmem>>, vector<16xf32>,
    %get3A_51 = arith.constant 1 : i32
    %get3A_52 = arith.index_cast %get3A_51 : i32 to index
    %get3A_53 = arith.constant 64 : index
    %get3A_54 = tpu.vector_load %arg14[%get3A_52, %get3A_53] {strides = array<i32>} : memref<2x128xf32, #tpu.memory_space<vmem>>, vector<16xf32>,
    %get3A_55 = arith.constant 1 : i32
    %get3A_56 = arith.index_cast %get3A_55 : i32 to index
    %get3A_57 = arith.constant 80 : index
    %get3A_58 = tpu.vector_load %arg14[%get3A_56, %get3A_57] {strides = array<i32>} : memref<2x128xf32, #tpu.memory_space<vmem>>, vector<16xf32>,
    %get3A_59 = arith.constant 1 : i32
    %get3A_60 = arith.index_cast %get3A_59 : i32 to index
    %get3A_61 = arith.constant 96 : index
    %get3A_62 = tpu.vector_load %arg14[%get3A_60, %get3A_61] {strides = array<i32>} : memref<2x128xf32, #tpu.memory_space<vmem>>, vector<16xf32>,
    %get3A_63 = arith.constant 1 : i32
    %get3A_64 = arith.index_cast %get3A_63 : i32 to index
    %get3A_65 = arith.constant 112 : index
    %get3A_66 = tpu.vector_load %arg14[%get3A_64, %get3A_65] {strides = array<i32>} : memref<2x128xf32, #tpu.memory_space<vmem>>, vector<16xf32>,
    %add3A_67 = arith.constant 0 : i32
    %add3A_68 = arith.addi %mul3A_2, %add3A_67 : i32
    %dma_start3A = arith.constant 0 : i32
    %dma_start3A_69 = arith.constant 0 : i32
    %dma_start3A_70 = arith.constant 0 : i32
    %dma_start3A_71 = tpu.memref_slice %arg11[%dma_start3A, %dma_start3A_69, %dma_start3A_70] : memref<2x8x128xi32, #tpu.memory_space<vmem>> -> memref<1x5x128xi32, #tpu.memory_space<vmem>>
    %dma_start3A_72 = tpu.memref_squeeze %dma_start3A_71 : memref<1x5x128xi32, #tpu.memory_space<vmem>> -> memref<5x128xi32, #tpu.memory_space<vmem>>
    %dma_start3A_73 = arith.constant 0 : i32
    %dma_start3A_74 = tpu.memref_slice %arg2[%dma_start3A_73, %add3A_68] : memref<5x204800xi32, #tpu.memory_space<hbm>> -> memref<5x128xi32, #tpu.memory_space<hbm>>
    %dma_start3A_75 = arith.constant 0 : i32
    %dma_start3A_76 = arith.constant 0 : i32
    %dma_start3A_77 = tpu.memref_slice %arg11[%dma_start3A, %dma_start3A_75, %dma_start3A_76] : memref<2x8x128xi32, #tpu.memory_space<vmem>> -> memref<1x5x128xi32, #tpu.memory_space<vmem>>
    %dma_start3A_78 = tpu.memref_squeeze %dma_start3A_77 : memref<1x5x128xi32, #tpu.memory_space<vmem>> -> memref<5x128xi32, #tpu.memory_space<vmem>>
    %dma_start3A_79 = arith.constant 0 : i32
    %dma_start3A_80 = tpu.memref_slice %arg2[%dma_start3A_79, %add3A_68] : memref<5x204800xi32, #tpu.memory_space<hbm>> -> memref<5x128xi32, #tpu.memory_space<hbm>>
    tpu.enqueue_dma source(%dma_start3A_80 : memref<5x128xi32, #tpu.memory_space<hbm>>) target(%dma_start3A_78 : memref<5x128xi32, #tpu.memory_space<vmem>>) target_semaphore(%arg19 : memref<!tpu.dma_semaphore, #tpu.memory_space<semaphore_mem>>)
    %add3A_81 = arith.constant 0 : i32
    %add3A_82 = arith.addi %mul3A_2, %add3A_81 : i32
    %dma_wait3A = arith.constant 0 : i32
    %dma_wait3A_83 = arith.constant 0 : i32
    %dma_wait3A_84 = arith.constant 0 : i32
    %dma_wait3A_85 = tpu.memref_slice %arg11[%dma_wait3A, %dma_wait3A_83, %dma_wait3A_84] : memref<2x8x128xi32, #tpu.memory_space<vmem>> -> memref<1x5x128xi32, #tpu.memory_space<vmem>>
    %dma_wait3A_86 = tpu.memref_squeeze %dma_wait3A_85 : memref<1x5x128xi32, #tpu.memory_space<vmem>> -> memref<5x128xi32, #tpu.memory_space<vmem>>
    %dma_wait3A_87 = arith.constant 0 : i32
    %dma_wait3A_88 = tpu.memref_slice %arg2[%dma_wait3A_87, %add3A_82] : memref<5x204800xi32, #tpu.memory_space<hbm>> -> memref<5x128xi32, #tpu.memory_space<hbm>>
    %dma_wait3A_89 = arith.constant 0 : i32
    %dma_wait3A_90 = arith.constant 0 : i32
    %dma_wait3A_91 = tpu.memref_slice %arg11[%dma_wait3A, %dma_wait3A_89, %dma_wait3A_90] : memref<2x8x128xi32, #tpu.memory_space<vmem>> -> memref<1x5x128xi32, #tpu.memory_space<vmem>>
    %dma_wait3A_92 = tpu.memref_squeeze %dma_wait3A_91 : memref<1x5x128xi32, #tpu.memory_space<vmem>> -> memref<5x128xi32, #tpu.memory_space<vmem>>
    %dma_wait3A_93 = arith.constant 0 : i32
    %dma_wait3A_94 = tpu.memref_slice %arg2[%dma_wait3A_93, %add3A_82] : memref<5x204800xi32, #tpu.memory_space<hbm>> -> memref<5x128xi32, #tpu.memory_space<hbm>>
    tpu.wait_dma2 semaphore(%arg19 : memref<!tpu.dma_semaphore, #tpu.memory_space<semaphore_mem>>) src(%dma_wait3A_94 : memref<5x128xi32, #tpu.memory_space<hbm>>) dst(%dma_wait3A_92 : memref<5x128xi32, #tpu.memory_space<vmem>>)
    %dma_start3A_95 = arith.constant 0 : i32
    %dma_start3A_96 = arith.constant 0 : i32
    %dma_start3A_97 = arith.constant 0 : i32
    %dma_start3A_98 = arith.constant 0 : i32
    %dma_start3A_99 = arith.constant 0 : i32
    %dma_start3A_100 = tpu.memref_slice %arg12[%dma_start3A_97, %dma_start3A_98, %dma_start3A_99] : memref<5x64x128xf32, #tpu.memory_space<vmem>> -> memref<1x32x128xf32, #tpu.memory_space<vmem>>
    %dma_start3A_101 = tpu.memref_squeeze %dma_start3A_100 : memref<1x32x128xf32, #tpu.memory_space<vmem>> -> memref<32x128xf32, #tpu.memory_space<vmem>>
    %dma_start3A_102 = arith.constant 0 : i32
    %dma_start3A_103 = tpu.memref_slice %arg11[%dma_start3A_95, %dma_start3A_96, %dma_start3A_102] : memref<2x8x128xi32, #tpu.memory_space<vmem>> -> memref<1x1x32xi32, #tpu.memory_space<vmem>>
    %dma_start3A_104 = tpu.memref_squeeze %dma_start3A_103 : memref<1x1x32xi32, #tpu.memory_space<vmem>> -> memref<32xi32, #tpu.memory_space<vmem>>
    %dma_start3A_105 = arith.constant 0 : i32
    %dma_start3A_106 = arith.constant 0 : i32
    %dma_start3A_107 = tpu.memref_slice %arg3[%dma_start3A_105, %dma_start3A_106] : memref<100000x128xf32, #tpu.memory_space<hbm>> -> memref<100000x128xf32, #tpu.memory_space<hbm>>
    tpu.enqueue_indirect_dma source(%dma_start3A_107 : memref<100000x128xf32, #tpu.memory_space<hbm>>) target(%dma_start3A_101 : memref<32x128xf32, #tpu.memory_space<vmem>>) offsets(%dma_start3A_104 : memref<32xi32, #tpu.memory_space<vmem>>) semaphore(%arg15 : memref<!tpu.dma_semaphore, #tpu.memory_space<semaphore_mem>>)
    %dma_start3A_108 = arith.constant 0 : i32
    %dma_start3A_109 = arith.constant 0 : i32
    %dma_start3A_110 = arith.constant 0 : i32
    %dma_start3A_111 = arith.constant 32 : i32
    %dma_start3A_112 = arith.constant 0 : i32
    %dma_start3A_113 = tpu.memref_slice %arg12[%dma_start3A_110, %dma_start3A_111, %dma_start3A_112] : memref<5x64x128xf32, #tpu.memory_space<vmem>> -> memref<1x32x128xf32, #tpu.memory_space<vmem>>
    %dma_start3A_114 = tpu.memref_squeeze %dma_start3A_113 : memref<1x32x128xf32, #tpu.memory_space<vmem>> -> memref<32x128xf32, #tpu.memory_space<vmem>>
    %dma_start3A_115 = arith.constant 32 : i32
    %dma_start3A_116 = tpu.memref_slice %arg11[%dma_start3A_108, %dma_start3A_109, %dma_start3A_115] : memref<2x8x128xi32, #tpu.memory_space<vmem>> -> memref<1x1x32xi32, #tpu.memory_space<vmem>>
    %dma_start3A_117 = tpu.memref_squeeze %dma_start3A_116 : memref<1x1x32xi32, #tpu.memory_space<vmem>> -> memref<32xi32, #tpu.memory_space<vmem>>
    %dma_start3A_118 = arith.constant 0 : i32
    %dma_start3A_119 = arith.constant 0 : i32
    %dma_start3A_120 = tpu.memref_slice %arg3[%dma_start3A_118, %dma_start3A_119] : memref<100000x128xf32, #tpu.memory_space<hbm>> -> memref<100000x128xf32, #tpu.memory_space<hbm>>
    tpu.enqueue_indirect_dma source(%dma_start3A_120 : memref<100000x128xf32, #tpu.memory_space<hbm>>) target(%dma_start3A_114 : memref<32x128xf32, #tpu.memory_space<vmem>>) offsets(%dma_start3A_117 : memref<32xi32, #tpu.memory_space<vmem>>) semaphore(%arg15 : memref<!tpu.dma_semaphore, #tpu.memory_space<semaphore_mem>>)
    %dma_start3A_121 = arith.constant 0 : i32
    %dma_start3A_122 = arith.constant 1 : i32
    %dma_start3A_123 = arith.constant 1 : i32
    %dma_start3A_124 = arith.constant 0 : i32
    %dma_start3A_125 = arith.constant 0 : i32
    %dma_start3A_126 = tpu.memref_slice %arg12[%dma_start3A_123, %dma_start3A_124, %dma_start3A_125] : memref<5x64x128xf32, #tpu.memory_space<vmem>> -> memref<1x32x128xf32, #tpu.memory_space<vmem>>
    %dma_start3A_127 = tpu.memref_squeeze %dma_start3A_126 : memref<1x32x128xf32, #tpu.memory_space<vmem>> -> memref<32x128xf32, #tpu.memory_space<vmem>>
    %dma_start3A_128 = arith.constant 0 : i32
    %dma_start3A_129 = tpu.memref_slice %arg11[%dma_start3A_121, %dma_start3A_122, %dma_start3A_128] : memref<2x8x128xi32, #tpu.memory_space<vmem>> -> memref<1x1x32xi32, #tpu.memory_space<vmem>>
    %dma_start3A_130 = tpu.memref_squeeze %dma_start3A_129 : memref<1x1x32xi32, #tpu.memory_space<vmem>> -> memref<32xi32, #tpu.memory_space<vmem>>
    %dma_start3A_131 = arith.constant 0 : i32
    %dma_start3A_132 = arith.constant 0 : i32
    %dma_start3A_133 = tpu.memref_slice %arg4[%dma_start3A_131, %dma_start3A_132] : memref<200x128xf32, #tpu.memory_space<hbm>> -> memref<200x128xf32, #tpu.memory_space<hbm>>
    tpu.enqueue_indirect_dma source(%dma_start3A_133 : memref<200x128xf32, #tpu.memory_space<hbm>>) target(%dma_start3A_127 : memref<32x128xf32, #tpu.memory_space<vmem>>) offsets(%dma_start3A_130 : memref<32xi32, #tpu.memory_space<vmem>>) semaphore(%arg15 : memref<!tpu.dma_semaphore, #tpu.memory_space<semaphore_mem>>)
    %dma_start3A_134 = arith.constant 0 : i32
    %dma_start3A_135 = arith.constant 1 : i32
    %dma_start3A_136 = arith.constant 1 : i32
    %dma_start3A_137 = arith.constant 32 : i32
    %dma_start3A_138 = arith.constant 0 : i32
    %dma_start3A_139 = tpu.memref_slice %arg12[%dma_start3A_136, %dma_start3A_137, %dma_start3A_138] : memref<5x64x128xf32, #tpu.memory_space<vmem>> -> memref<1x32x128xf32, #tpu.memory_space<vmem>>
    %dma_start3A_140 = tpu.memref_squeeze %dma_start3A_139 : memref<1x32x128xf32, #tpu.memory_space<vmem>> -> memref<32x128xf32, #tpu.memory_space<vmem>>
    %dma_start3A_141 = arith.constant 32 : i32
    %dma_start3A_142 = tpu.memref_slice %arg11[%dma_start3A_134, %dma_start3A_135, %dma_start3A_141] : memref<2x8x128xi32, #tpu.memory_space<vmem>> -> memref<1x1x32xi32, #tpu.memory_space<vmem>>
    %dma_start3A_143 = tpu.memref_squeeze %dma_start3A_142 : memref<1x1x32xi32, #tpu.memory_space<vmem>> -> memref<32xi32, #tpu.memory_space<vmem>>
    %dma_start3A_144 = arith.constant 0 : i32
    %dma_start3A_145 = arith.constant 0 : i32
    %dma_start3A_146 = tpu.memref_slice %arg4[%dma_start3A_144, %dma_start3A_145] : memref<200x128xf32, #tpu.memory_space<hbm>> -> memref<200x128xf32, #tpu.memory_space<hbm>>
    tpu.enqueue_indirect_dma source(%dma_start3A_146 : memref<200x128xf32, #tpu.memory_space<hbm>>) target(%dma_start3A_140 : memref<32x128xf32, #tpu.memory_space<vmem>>) offsets(%dma_start3A_143 : memref<32xi32, #tpu.memory_space<vmem>>) semaphore(%arg15 : memref<!tpu.dma_semaphore, #tpu.memory_space<semaphore_mem>>)
    %dma_start3A_147 = arith.constant 0 : i32
    %dma_start3A_148 = arith.constant 2 : i32
    %dma_start3A_149 = arith.constant 2 : i32
    %dma_start3A_150 = arith.constant 0 : i32
    %dma_start3A_151 = arith.constant 0 : i32
    %dma_start3A_152 = tpu.memref_slice %arg12[%dma_start3A_149, %dma_start3A_150, %dma_start3A_151] : memref<5x64x128xf32, #tpu.memory_space<vmem>> -> memref<1x32x128xf32, #tpu.memory_space<vmem>>
    %dma_start3A_153 = tpu.memref_squeeze %dma_start3A_152 : memref<1x32x128xf32, #tpu.memory_space<vmem>> -> memref<32x128xf32, #tpu.memory_space<vmem>>
    %dma_start3A_154 = arith.constant 0 : i32
    %dma_start3A_155 = tpu.memref_slice %arg11[%dma_start3A_147, %dma_start3A_148, %dma_start3A_154] : memref<2x8x128xi32, #tpu.memory_space<vmem>> -> memref<1x1x32xi32, #tpu.memory_space<vmem>>
    %dma_start3A_156 = tpu.memref_squeeze %dma_start3A_155 : memref<1x1x32xi32, #tpu.memory_space<vmem>> -> memref<32xi32, #tpu.memory_space<vmem>>
    %dma_start3A_157 = arith.constant 0 : i32
    %dma_start3A_158 = arith.constant 0 : i32
    %dma_start3A_159 = tpu.memref_slice %arg5[%dma_start3A_157, %dma_start3A_158] : memref<50x128xf32, #tpu.memory_space<hbm>> -> memref<50x128xf32, #tpu.memory_space<hbm>>
    tpu.enqueue_indirect_dma source(%dma_start3A_159 : memref<50x128xf32, #tpu.memory_space<hbm>>) target(%dma_start3A_153 : memref<32x128xf32, #tpu.memory_space<vmem>>) offsets(%dma_start3A_156 : memref<32xi32, #tpu.memory_space<vmem>>) semaphore(%arg15 : memref<!tpu.dma_semaphore, #tpu.memory_space<semaphore_mem>>)
    %dma_start3A_160 = arith.constant 0 : i32
    %dma_start3A_161 = arith.constant 2 : i32
    %dma_start3A_162 = arith.constant 2 : i32
    %dma_start3A_163 = arith.constant 32 : i32
    %dma_start3A_164 = arith.constant 0 : i32
    %dma_start3A_165 = tpu.memref_slice %arg12[%dma_start3A_162, %dma_start3A_163, %dma_start3A_164] : memref<5x64x128xf32, #tpu.memory_space<vmem>> -> memref<1x32x128xf32, #tpu.memory_space<vmem>>
    %dma_start3A_166 = tpu.memref_squeeze %dma_start3A_165 : memref<1x32x128xf32, #tpu.memory_space<vmem>> -> memref<32x128xf32, #tpu.memory_space<vmem>>
    %dma_start3A_167 = arith.constant 32 : i32
    %dma_start3A_168 = tpu.memref_slice %arg11[%dma_start3A_160, %dma_start3A_161, %dma_start3A_167] : memref<2x8x128xi32, #tpu.memory_space<vmem>> -> memref<1x1x32xi32, #tpu.memory_space<vmem>>
    %dma_start3A_169 = tpu.memref_squeeze %dma_start3A_168 : memref<1x1x32xi32, #tpu.memory_space<vmem>> -> memref<32xi32, #tpu.memory_space<vmem>>
    %dma_start3A_170 = arith.constant 0 : i32
    %dma_start3A_171 = arith.constant 0 : i32
    %dma_start3A_172 = tpu.memref_slice %arg5[%dma_start3A_170, %dma_start3A_171] : memref<50x128xf32, #tpu.memory_space<hbm>> -> memref<50x128xf32, #tpu.memory_space<hbm>>
    tpu.enqueue_indirect_dma source(%dma_start3A_172 : memref<50x128xf32, #tpu.memory_space<hbm>>) target(%dma_start3A_166 : memref<32x128xf32, #tpu.memory_space<vmem>>) offsets(%dma_start3A_169 : memref<32xi32, #tpu.memory_space<vmem>>) semaphore(%arg15 : memref<!tpu.dma_semaphore, #tpu.memory_space<semaphore_mem>>)
    %dma_start3A_173 = arith.constant 0 : i32
    %dma_start3A_174 = arith.constant 3 : i32
    %dma_start3A_175 = arith.constant 3 : i32
    %dma_start3A_176 = arith.constant 0 : i32
    %dma_start3A_177 = arith.constant 0 : i32
    %dma_start3A_178 = tpu.memref_slice %arg12[%dma_start3A_175, %dma_start3A_176, %dma_start3A_177] : memref<5x64x128xf32, #tpu.memory_space<vmem>> -> memref<1x32x128xf32, #tpu.memory_space<vmem>>
    %dma_start3A_179 = tpu.memref_squeeze %dma_start3A_178 : memref<1x32x128xf32, #tpu.memory_space<vmem>> -> memref<32x128xf32, #tpu.memory_space<vmem>>
    %dma_start3A_180 = arith.constant 0 : i32
    %dma_start3A_181 = tpu.memref_slice %arg11[%dma_start3A_173, %dma_start3A_174, %dma_start3A_180] : memref<2x8x128xi32, #tpu.memory_space<vmem>> -> memref<1x1x32xi32, #tpu.memory_space<vmem>>
    %dma_start3A_182 = tpu.memref_squeeze %dma_start3A_181 : memref<1x1x32xi32, #tpu.memory_space<vmem>> -> memref<32xi32, #tpu.memory_space<vmem>>
    %dma_start3A_183 = arith.constant 0 : i32
    %dma_start3A_184 = arith.constant 0 : i32
    %dma_start3A_185 = tpu.memref_slice %arg6[%dma_start3A_183, %dma_start3A_184] : memref<10002x128xf32, #tpu.memory_space<hbm>> -> memref<10002x128xf32, #tpu.memory_space<hbm>>
    tpu.enqueue_indirect_dma source(%dma_start3A_185 : memref<10002x128xf32, #tpu.memory_space<hbm>>) target(%dma_start3A_179 : memref<32x128xf32, #tpu.memory_space<vmem>>) offsets(%dma_start3A_182 : memref<32xi32, #tpu.memory_space<vmem>>) semaphore(%arg15 : memref<!tpu.dma_semaphore, #tpu.memory_space<semaphore_mem>>)
    %dma_start3A_186 = arith.constant 0 : i32
    %dma_start3A_187 = arith.constant 3 : i32
    %dma_start3A_188 = arith.constant 3 : i32
    %dma_start3A_189 = arith.constant 32 : i32
    %dma_start3A_190 = arith.constant 0 : i32
    %dma_start3A_191 = tpu.memref_slice %arg12[%dma_start3A_188, %dma_start3A_189, %dma_start3A_190] : memref<5x64x128xf32, #tpu.memory_space<vmem>> -> memref<1x32x128xf32, #tpu.memory_space<vmem>>
    %dma_start3A_192 = tpu.memref_squeeze %dma_start3A_191 : memref<1x32x128xf32, #tpu.memory_space<vmem>> -> memref<32x128xf32, #tpu.memory_space<vmem>>
    %dma_start3A_193 = arith.constant 32 : i32
    %dma_start3A_194 = tpu.memref_slice %arg11[%dma_start3A_186, %dma_start3A_187, %dma_start3A_193] : memref<2x8x128xi32, #tpu.memory_space<vmem>> -> memref<1x1x32xi32, #tpu.memory_space<vmem>>
    %dma_start3A_195 = tpu.memref_squeeze %dma_start3A_194 : memref<1x1x32xi32, #tpu.memory_space<vmem>> -> memref<32xi32, #tpu.memory_space<vmem>>
    %dma_start3A_196 = arith.constant 0 : i32
    %dma_start3A_197 = arith.constant 0 : i32
    %dma_start3A_198 = tpu.memref_slice %arg6[%dma_start3A_196, %dma_start3A_197] : memref<10002x128xf32, #tpu.memory_space<hbm>> -> memref<10002x128xf32, #tpu.memory_space<hbm>>
    tpu.enqueue_indirect_dma source(%dma_start3A_198 : memref<10002x128xf32, #tpu.memory_space<hbm>>) target(%dma_start3A_192 : memref<32x128xf32, #tpu.memory_space<vmem>>) offsets(%dma_start3A_195 : memref<32xi32, #tpu.memory_space<vmem>>) semaphore(%arg15 : memref<!tpu.dma_semaphore, #tpu.memory_space<semaphore_mem>>)
    %dma_start3A_199 = arith.constant 0 : i32
    %dma_start3A_200 = arith.constant 4 : i32
    %dma_start3A_201 = arith.constant 4 : i32
    %dma_start3A_202 = arith.constant 0 : i32
    %dma_start3A_203 = arith.constant 0 : i32
    %dma_start3A_204 = tpu.memref_slice %arg12[%dma_start3A_201, %dma_start3A_202, %dma_start3A_203] : memref<5x64x128xf32, #tpu.memory_space<vmem>> -> memref<1x32x128xf32, #tpu.memory_space<vmem>>
    %dma_start3A_205 = tpu.memref_squeeze %dma_start3A_204 : memref<1x32x128xf32, #tpu.memory_space<vmem>> -> memref<32x128xf32, #tpu.memory_space<vmem>>
    %dma_start3A_206 = arith.constant 0 : i32
    %dma_start3A_207 = tpu.memref_slice %arg11[%dma_start3A_199, %dma_start3A_200, %dma_start3A_206] : memref<2x8x128xi32, #tpu.memory_space<vmem>> -> memref<1x1x32xi32, #tpu.memory_space<vmem>>
    %dma_start3A_208 = tpu.memref_squeeze %dma_start3A_207 : memref<1x1x32xi32, #tpu.memory_space<vmem>> -> memref<32xi32, #tpu.memory_space<vmem>>
    %dma_start3A_209 = arith.constant 0 : i32
    %dma_start3A_210 = arith.constant 0 : i32
    %dma_start3A_211 = tpu.memref_slice %arg7[%dma_start3A_209, %dma_start3A_210] : memref<1000x128xf32, #tpu.memory_space<hbm>> -> memref<1000x128xf32, #tpu.memory_space<hbm>>
    tpu.enqueue_indirect_dma source(%dma_start3A_211 : memref<1000x128xf32, #tpu.memory_space<hbm>>) target(%dma_start3A_205 : memref<32x128xf32, #tpu.memory_space<vmem>>) offsets(%dma_start3A_208 : memref<32xi32, #tpu.memory_space<vmem>>) semaphore(%arg15 : memref<!tpu.dma_semaphore, #tpu.memory_space<semaphore_mem>>)
    %dma_start3A_212 = arith.constant 0 : i32
    %dma_start3A_213 = arith.constant 4 : i32
    %dma_start3A_214 = arith.constant 4 : i32
    %dma_start3A_215 = arith.constant 32 : i32
    %dma_start3A_216 = arith.constant 0 : i32
    %dma_start3A_217 = tpu.memref_slice %arg12[%dma_start3A_214, %dma_start3A_215, %dma_start3A_216] : memref<5x64x128xf32, #tpu.memory_space<vmem>> -> memref<1x32x128xf32, #tpu.memory_space<vmem>>
    %dma_start3A_218 = tpu.memref_squeeze %dma_start3A_217 : memref<1x32x128xf32, #tpu.memory_space<vmem>> -> memref<32x128xf32, #tpu.memory_space<vmem>>
    %dma_start3A_219 = arith.constant 32 : i32
    %dma_start3A_220 = tpu.memref_slice %arg11[%dma_start3A_212, %dma_start3A_213, %dma_start3A_219] : memref<2x8x128xi32, #tpu.memory_space<vmem>> -> memref<1x1x32xi32, #tpu.memory_space<vmem>>
    %dma_start3A_221 = tpu.memref_squeeze %dma_start3A_220 : memref<1x1x32xi32, #tpu.memory_space<vmem>> -> memref<32xi32, #tpu.memory_space<vmem>>
    %dma_start3A_222 = arith.constant 0 : i32
    %dma_start3A_223 = arith.constant 0 : i32
    %dma_start3A_224 = tpu.memref_slice %arg7[%dma_start3A_222, %dma_start3A_223] : memref<1000x128xf32, #tpu.memory_space<hbm>> -> memref<1000x128xf32, #tpu.memory_space<hbm>>
    tpu.enqueue_indirect_dma source(%dma_start3A_224 : memref<1000x128xf32, #tpu.memory_space<hbm>>) target(%dma_start3A_218 : memref<32x128xf32, #tpu.memory_space<vmem>>) offsets(%dma_start3A_221 : memref<32xi32, #tpu.memory_space<vmem>>) semaphore(%arg15 : memref<!tpu.dma_semaphore, #tpu.memory_space<semaphore_mem>>)
    %scan3A = arith.constant 0 : i32
    %scan3A_225 = arith.constant 0 : i32
    %scan3A_226 = arith.constant 25 : i32
    %scan3A_227 = arith.addi %scan3A_225, %scan3A_226 : i32
    %scan3A_228 = arith.constant 1 : i32
    scf.for %scan3A_260 = %scan3A_225 to %scan3A_227 step %scan3A_228  : i32 {
      %mul3A_261 = arith.constant 2 : i32
      %mul3A_262 = arith.muli %mul3A_261, %scan3A_260 : i32
      %add3A_263 = arith.constant 0 : i32
      %add3A_264 = arith.addi %mul3A_262, %add3A_263 : i32
      %add3A_265 = arith.constant 1 : i32
      %add3A_266 = arith.addi %add3A_264, %add3A_265 : i32
      %lt3A = arith.constant 50 : i32
      %lt3A_267 = arith.cmpi slt, %add3A_266, %lt3A : i32
      %convert_element_type3A = arith.extui %lt3A_267 : i1 to i32
      %cond3A = arith.constant 0 : i32
      %cond3A_268 = arith.cmpi ne, %convert_element_type3A, %cond3A : i32
      scf.if %cond3A_268 {
        %add3A_932 = arith.constant 1 : i32
        %add3A_933 = arith.addi %add3A_264, %add3A_932 : i32
        %mul3A_934 = arith.constant 128 : i32
        %mul3A_935 = arith.muli %add3A_933, %mul3A_934 : i32
        %add3A_936 = arith.addi %mul3A_2, %mul3A_935 : i32
        %dma_start3A_937 = arith.constant 1 : i32
        %dma_start3A_938 = arith.constant 0 : i32
        %dma_start3A_939 = arith.constant 0 : i32
        %dma_start3A_940 = tpu.memref_slice %arg11[%dma_start3A_937, %dma_start3A_938, %dma_start3A_939] : memref<2x8x128xi32, #tpu.memory_space<vmem>> -> memref<1x5x128xi32, #tpu.memory_space<vmem>>
        %dma_start3A_941 = tpu.memref_squeeze %dma_start3A_940 : memref<1x5x128xi32, #tpu.memory_space<vmem>> -> memref<5x128xi32, #tpu.memory_space<vmem>>
        %dma_start3A_942 = arith.constant 0 : i32
        %dma_start3A_943 = tpu.memref_slice %arg2[%dma_start3A_942, %add3A_936] : memref<5x204800xi32, #tpu.memory_space<hbm>> -> memref<5x128xi32, #tpu.memory_space<hbm>>
        %dma_start3A_944 = arith.constant 0 : i32
        %dma_start3A_945 = arith.constant 0 : i32
        %dma_start3A_946 = tpu.memref_slice %arg11[%dma_start3A_937, %dma_start3A_944, %dma_start3A_945] : memref<2x8x128xi32, #tpu.memory_space<vmem>> -> memref<1x5x128xi32, #tpu.memory_space<vmem>>
        %dma_start3A_947 = tpu.memref_squeeze %dma_start3A_946 : memref<1x5x128xi32, #tpu.memory_space<vmem>> -> memref<5x128xi32, #tpu.memory_space<vmem>>
        %dma_start3A_948 = arith.constant 0 : i32
        %dma_start3A_949 = tpu.memref_slice %arg2[%dma_start3A_948, %add3A_936] : memref<5x204800xi32, #tpu.memory_space<hbm>> -> memref<5x128xi32, #tpu.memory_space<hbm>>
        tpu.enqueue_dma source(%dma_start3A_949 : memref<5x128xi32, #tpu.memory_space<hbm>>) target(%dma_start3A_947 : memref<5x128xi32, #tpu.memory_space<vmem>>) target_semaphore(%arg19 : memref<!tpu.dma_semaphore, #tpu.memory_space<semaphore_mem>>)
      } else {
      }
      %mul3A_269 = arith.constant 2 : i32
      %mul3A_270 = arith.muli %mul3A_269, %add3A_264 : i32
      %add3A_271 = arith.constant 0 : i32
      %add3A_272 = arith.addi %mul3A_270, %add3A_271 : i32
      %add3A_273 = arith.constant 1 : i32
      %add3A_274 = arith.addi %add3A_272, %add3A_273 : i32
      %lt3A_275 = arith.constant 100 : i32
      %lt3A_276 = arith.cmpi slt, %add3A_274, %lt3A_275 : i32
      %convert_element_type3A_277 = arith.extui %lt3A_276 : i1 to i32
      %cond3A_278 = arith.constant 0 : i32
      %cond3A_279 = arith.cmpi ne, %convert_element_type3A_277, %cond3A_278 : i32
      scf.if %cond3A_279 {
        %ge3A = arith.constant 1 : i32
        %ge3A_932 = arith.cmpi sge, %add3A_272, %ge3A : i32
        %convert_element_type3A_933 = arith.extui %ge3A_932 : i1 to i32
        %cond3A_934 = arith.constant 0 : i32
        %cond3A_935 = arith.cmpi ne, %convert_element_type3A_933, %cond3A_934 : i32
        scf.if %cond3A_935 {
          %sub3A = arith.constant 1 : i32
          %sub3A_1066 = arith.subi %add3A_272, %sub3A : i32
          %mul3A_1067 = arith.constant 64 : i32
          %mul3A_1068 = arith.muli %sub3A_1066, %mul3A_1067 : i32
          %add3A_1069 = arith.addi %mul3A_2, %mul3A_1068 : i32
          %dma_wait3A_1070 = arith.constant 0 : i32
          %dma_wait3A_1071 = arith.constant 0 : i32
          %dma_wait3A_1072 = arith.constant 0 : i32
          %dma_wait3A_1073 = tpu.memref_slice %arg13[%dma_wait3A_1070, %dma_wait3A_1071, %dma_wait3A_1072] : memref<5x64x128xf32, #tpu.memory_space<vmem>> -> memref<1x64x128xf32, #tpu.memory_space<vmem>>
          %dma_wait3A_1074 = tpu.memref_squeeze %dma_wait3A_1073 : memref<1x64x128xf32, #tpu.memory_space<vmem>> -> memref<64x128xf32, #tpu.memory_space<vmem>>
          %dma_wait3A_1075 = arith.constant 0 : i32
          %dma_wait3A_1076 = tpu.memref_slice %arg10[%add3A_1069, %dma_wait3A_1075] : memref<204800x128xf32, #tpu.memory_space<hbm>> -> memref<64x128xf32, #tpu.memory_space<hbm>>
          %dma_wait3A_1077 = arith.constant 0 : i32
          %dma_wait3A_1078 = tpu.memref_slice %arg10[%add3A_1069, %dma_wait3A_1077] : memref<204800x128xf32, #tpu.memory_space<hbm>> -> memref<64x128xf32, #tpu.memory_space<hbm>>
          %dma_wait3A_1079 = arith.constant 0 : i32
          %dma_wait3A_1080 = arith.constant 0 : i32
          %dma_wait3A_1081 = tpu.memref_slice %arg13[%dma_wait3A_1070, %dma_wait3A_1079, %dma_wait3A_1080] : memref<5x64x128xf32, #tpu.memory_space<vmem>> -> memref<1x64x128xf32, #tpu.memory_space<vmem>>
          %dma_wait3A_1082 = tpu.memref_squeeze %dma_wait3A_1081 : memref<1x64x128xf32, #tpu.memory_space<vmem>> -> memref<64x128xf32, #tpu.memory_space<vmem>>
          tpu.wait_dma2 semaphore(%arg18 : memref<!tpu.dma_semaphore, #tpu.memory_space<semaphore_mem>>) src(%dma_wait3A_1082 : memref<64x128xf32, #tpu.memory_space<vmem>>) dst(%dma_wait3A_1078 : memref<64x128xf32, #tpu.memory_space<hbm>>)
        } else {
        }
        %dma_start3A_936 = arith.constant 0 : i32
        %dma_start3A_937 = arith.constant 0 : i32
        %dma_start3A_938 = arith.constant 0 : i32
        %dma_start3A_939 = arith.constant 0 : i32
        %dma_start3A_940 = arith.constant 0 : i32
        %dma_start3A_941 = tpu.memref_slice %arg13[%dma_start3A_938, %dma_start3A_939, %dma_start3A_940] : memref<5x64x128xf32, #tpu.memory_space<vmem>> -> memref<1x32x128xf32, #tpu.memory_space<vmem>>
        %dma_start3A_942 = tpu.memref_squeeze %dma_start3A_941 : memref<1x32x128xf32, #tpu.memory_space<vmem>> -> memref<32x128xf32, #tpu.memory_space<vmem>>
        %dma_start3A_943 = arith.constant 64 : i32
        %dma_start3A_944 = tpu.memref_slice %arg11[%dma_start3A_936, %dma_start3A_937, %dma_start3A_943] : memref<2x8x128xi32, #tpu.memory_space<vmem>> -> memref<1x1x32xi32, #tpu.memory_space<vmem>>
        %dma_start3A_945 = tpu.memref_squeeze %dma_start3A_944 : memref<1x1x32xi32, #tpu.memory_space<vmem>> -> memref<32xi32, #tpu.memory_space<vmem>>
        %dma_start3A_946 = arith.constant 0 : i32
        %dma_start3A_947 = arith.constant 0 : i32
        %dma_start3A_948 = tpu.memref_slice %arg3[%dma_start3A_946, %dma_start3A_947] : memref<100000x128xf32, #tpu.memory_space<hbm>> -> memref<100000x128xf32, #tpu.memory_space<hbm>>
        tpu.enqueue_indirect_dma source(%dma_start3A_948 : memref<100000x128xf32, #tpu.memory_space<hbm>>) target(%dma_start3A_942 : memref<32x128xf32, #tpu.memory_space<vmem>>) offsets(%dma_start3A_945 : memref<32xi32, #tpu.memory_space<vmem>>) semaphore(%arg16 : memref<!tpu.dma_semaphore, #tpu.memory_space<semaphore_mem>>)
        %dma_start3A_949 = arith.constant 0 : i32
        %dma_start3A_950 = arith.constant 0 : i32
        %dma_start3A_951 = arith.constant 0 : i32
        %dma_start3A_952 = arith.constant 32 : i32
        %dma_start3A_953 = arith.constant 0 : i32
        %dma_start3A_954 = tpu.memref_slice %arg13[%dma_start3A_951, %dma_start3A_952, %dma_start3A_953] : memref<5x64x128xf32, #tpu.memory_space<vmem>> -> memref<1x32x128xf32, #tpu.memory_space<vmem>>
        %dma_start3A_955 = tpu.memref_squeeze %dma_start3A_954 : memref<1x32x128xf32, #tpu.memory_space<vmem>> -> memref<32x128xf32, #tpu.memory_space<vmem>>
        %dma_start3A_956 = arith.constant 96 : i32
        %dma_start3A_957 = tpu.memref_slice %arg11[%dma_start3A_949, %dma_start3A_950, %dma_start3A_956] : memref<2x8x128xi32, #tpu.memory_space<vmem>> -> memref<1x1x32xi32, #tpu.memory_space<vmem>>
        %dma_start3A_958 = tpu.memref_squeeze %dma_start3A_957 : memref<1x1x32xi32, #tpu.memory_space<vmem>> -> memref<32xi32, #tpu.memory_space<vmem>>
        %dma_start3A_959 = arith.constant 0 : i32
        %dma_start3A_960 = arith.constant 0 : i32
        %dma_start3A_961 = tpu.memref_slice %arg3[%dma_start3A_959, %dma_start3A_960] : memref<100000x128xf32, #tpu.memory_space<hbm>> -> memref<100000x128xf32, #tpu.memory_space<hbm>>
        tpu.enqueue_indirect_dma source(%dma_start3A_961 : memref<100000x128xf32, #tpu.memory_space<hbm>>) target(%dma_start3A_955 : memref<32x128xf32, #tpu.memory_space<vmem>>) offsets(%dma_start3A_958 : memref<32xi32, #tpu.memory_space<vmem>>) semaphore(%arg16 : memref<!tpu.dma_semaphore, #tpu.memory_space<semaphore_mem>>)
        %dma_start3A_962 = arith.constant 0 : i32
        %dma_start3A_963 = arith.constant 1 : i32
        %dma_start3A_964 = arith.constant 1 : i32
        %dma_start3A_965 = arith.constant 0 : i32
        %dma_start3A_966 = arith.constant 0 : i32
        %dma_start3A_967 = tpu.memref_slice %arg13[%dma_start3A_964, %dma_start3A_965, %dma_start3A_966] : memref<5x64x128xf32, #tpu.memory_space<vmem>> -> memref<1x32x128xf32, #tpu.memory_space<vmem>>
        %dma_start3A_968 = tpu.memref_squeeze %dma_start3A_967 : memref<1x32x128xf32, #tpu.memory_space<vmem>> -> memref<32x128xf32, #tpu.memory_space<vmem>>
        %dma_start3A_969 = arith.constant 64 : i32
        %dma_start3A_970 = tpu.memref_slice %arg11[%dma_start3A_962, %dma_start3A_963, %dma_start3A_969] : memref<2x8x128xi32, #tpu.memory_space<vmem>> -> memref<1x1x32xi32, #tpu.memory_space<vmem>>
        %dma_start3A_971 = tpu.memref_squeeze %dma_start3A_970 : memref<1x1x32xi32, #tpu.memory_space<vmem>> -> memref<32xi32, #tpu.memory_space<vmem>>
        %dma_start3A_972 = arith.constant 0 : i32
        %dma_start3A_973 = arith.constant 0 : i32
        %dma_start3A_974 = tpu.memref_slice %arg4[%dma_start3A_972, %dma_start3A_973] : memref<200x128xf32, #tpu.memory_space<hbm>> -> memref<200x128xf32, #tpu.memory_space<hbm>>
        tpu.enqueue_indirect_dma source(%dma_start3A_974 : memref<200x128xf32, #tpu.memory_space<hbm>>) target(%dma_start3A_968 : memref<32x128xf32, #tpu.memory_space<vmem>>) offsets(%dma_start3A_971 : memref<32xi32, #tpu.memory_space<vmem>>) semaphore(%arg16 : memref<!tpu.dma_semaphore, #tpu.memory_space<semaphore_mem>>)
        %dma_start3A_975 = arith.constant 0 : i32
        %dma_start3A_976 = arith.constant 1 : i32
        %dma_start3A_977 = arith.constant 1 : i32
        %dma_start3A_978 = arith.constant 32 : i32
        %dma_start3A_979 = arith.constant 0 : i32
        %dma_start3A_980 = tpu.memref_slice %arg13[%dma_start3A_977, %dma_start3A_978, %dma_start3A_979] : memref<5x64x128xf32, #tpu.memory_space<vmem>> -> memref<1x32x128xf32, #tpu.memory_space<vmem>>
        %dma_start3A_981 = tpu.memref_squeeze %dma_start3A_980 : memref<1x32x128xf32, #tpu.memory_space<vmem>> -> memref<32x128xf32, #tpu.memory_space<vmem>>
        %dma_start3A_982 = arith.constant 96 : i32
        %dma_start3A_983 = tpu.memref_slice %arg11[%dma_start3A_975, %dma_start3A_976, %dma_start3A_982] : memref<2x8x128xi32, #tpu.memory_space<vmem>> -> memref<1x1x32xi32, #tpu.memory_space<vmem>>
        %dma_start3A_984 = tpu.memref_squeeze %dma_start3A_983 : memref<1x1x32xi32, #tpu.memory_space<vmem>> -> memref<32xi32, #tpu.memory_space<vmem>>
        %dma_start3A_985 = arith.constant 0 : i32
        %dma_start3A_986 = arith.constant 0 : i32
        %dma_start3A_987 = tpu.memref_slice %arg4[%dma_start3A_985, %dma_start3A_986] : memref<200x128xf32, #tpu.memory_space<hbm>> -> memref<200x128xf32, #tpu.memory_space<hbm>>
        tpu.enqueue_indirect_dma source(%dma_start3A_987 : memref<200x128xf32, #tpu.memory_space<hbm>>) target(%dma_start3A_981 : memref<32x128xf32, #tpu.memory_space<vmem>>) offsets(%dma_start3A_984 : memref<32xi32, #tpu.memory_space<vmem>>) semaphore(%arg16 : memref<!tpu.dma_semaphore, #tpu.memory_space<semaphore_mem>>)
        %dma_start3A_988 = arith.constant 0 : i32
        %dma_start3A_989 = arith.constant 2 : i32
        %dma_start3A_990 = arith.constant 2 : i32
        %dma_start3A_991 = arith.constant 0 : i32
        %dma_start3A_992 = arith.constant 0 : i32
        %dma_start3A_993 = tpu.memref_slice %arg13[%dma_start3A_990, %dma_start3A_991, %dma_start3A_992] : memref<5x64x128xf32, #tpu.memory_space<vmem>> -> memref<1x32x128xf32, #tpu.memory_space<vmem>>
        %dma_start3A_994 = tpu.memref_squeeze %dma_start3A_993 : memref<1x32x128xf32, #tpu.memory_space<vmem>> -> memref<32x128xf32, #tpu.memory_space<vmem>>
        %dma_start3A_995 = arith.constant 64 : i32
        %dma_start3A_996 = tpu.memref_slice %arg11[%dma_start3A_988, %dma_start3A_989, %dma_start3A_995] : memref<2x8x128xi32, #tpu.memory_space<vmem>> -> memref<1x1x32xi32, #tpu.memory_space<vmem>>
        %dma_start3A_997 = tpu.memref_squeeze %dma_start3A_996 : memref<1x1x32xi32, #tpu.memory_space<vmem>> -> memref<32xi32, #tpu.memory_space<vmem>>
        %dma_start3A_998 = arith.constant 0 : i32
        %dma_start3A_999 = arith.constant 0 : i32
        %dma_start3A_1000 = tpu.memref_slice %arg5[%dma_start3A_998, %dma_start3A_999] : memref<50x128xf32, #tpu.memory_space<hbm>> -> memref<50x128xf32, #tpu.memory_space<hbm>>
        tpu.enqueue_indirect_dma source(%dma_start3A_1000 : memref<50x128xf32, #tpu.memory_space<hbm>>) target(%dma_start3A_994 : memref<32x128xf32, #tpu.memory_space<vmem>>) offsets(%dma_start3A_997 : memref<32xi32, #tpu.memory_space<vmem>>) semaphore(%arg16 : memref<!tpu.dma_semaphore, #tpu.memory_space<semaphore_mem>>)
        %dma_start3A_1001 = arith.constant 0 : i32
        %dma_start3A_1002 = arith.constant 2 : i32
        %dma_start3A_1003 = arith.constant 2 : i32
        %dma_start3A_1004 = arith.constant 32 : i32
        %dma_start3A_1005 = arith.constant 0 : i32
        %dma_start3A_1006 = tpu.memref_slice %arg13[%dma_start3A_1003, %dma_start3A_1004, %dma_start3A_1005] : memref<5x64x128xf32, #tpu.memory_space<vmem>> -> memref<1x32x128xf32, #tpu.memory_space<vmem>>
        %dma_start3A_1007 = tpu.memref_squeeze %dma_start3A_1006 : memref<1x32x128xf32, #tpu.memory_space<vmem>> -> memref<32x128xf32, #tpu.memory_space<vmem>>
        %dma_start3A_1008 = arith.constant 96 : i32
        %dma_start3A_1009 = tpu.memref_slice %arg11[%dma_start3A_1001, %dma_start3A_1002, %dma_start3A_1008] : memref<2x8x128xi32, #tpu.memory_space<vmem>> -> memref<1x1x32xi32, #tpu.memory_space<vmem>>
        %dma_start3A_1010 = tpu.memref_squeeze %dma_start3A_1009 : memref<1x1x32xi32, #tpu.memory_space<vmem>> -> memref<32xi32, #tpu.memory_space<vmem>>
        %dma_start3A_1011 = arith.constant 0 : i32
        %dma_start3A_1012 = arith.constant 0 : i32
        %dma_start3A_1013 = tpu.memref_slice %arg5[%dma_start3A_1011, %dma_start3A_1012] : memref<50x128xf32, #tpu.memory_space<hbm>> -> memref<50x128xf32, #tpu.memory_space<hbm>>
        tpu.enqueue_indirect_dma source(%dma_start3A_1013 : memref<50x128xf32, #tpu.memory_space<hbm>>) target(%dma_start3A_1007 : memref<32x128xf32, #tpu.memory_space<vmem>>) offsets(%dma_start3A_1010 : memref<32xi32, #tpu.memory_space<vmem>>) semaphore(%arg16 : memref<!tpu.dma_semaphore, #tpu.memory_space<semaphore_mem>>)
        %dma_start3A_1014 = arith.constant 0 : i32
        %dma_start3A_1015 = arith.constant 3 : i32
        %dma_start3A_1016 = arith.constant 3 : i32
        %dma_start3A_1017 = arith.constant 0 : i32
        %dma_start3A_1018 = arith.constant 0 : i32
        %dma_start3A_1019 = tpu.memref_slice %arg13[%dma_start3A_1016, %dma_start3A_1017, %dma_start3A_1018] : memref<5x64x128xf32, #tpu.memory_space<vmem>> -> memref<1x32x128xf32, #tpu.memory_space<vmem>>
        %dma_start3A_1020 = tpu.memref_squeeze %dma_start3A_1019 : memref<1x32x128xf32, #tpu.memory_space<vmem>> -> memref<32x128xf32, #tpu.memory_space<vmem>>
        %dma_start3A_1021 = arith.constant 64 : i32
        %dma_start3A_1022 = tpu.memref_slice %arg11[%dma_start3A_1014, %dma_start3A_1015, %dma_start3A_1021] : memref<2x8x128xi32, #tpu.memory_space<vmem>> -> memref<1x1x32xi32, #tpu.memory_space<vmem>>
        %dma_start3A_1023 = tpu.memref_squeeze %dma_start3A_1022 : memref<1x1x32xi32, #tpu.memory_space<vmem>> -> memref<32xi32, #tpu.memory_space<vmem>>
        %dma_start3A_1024 = arith.constant 0 : i32
        %dma_start3A_1025 = arith.constant 0 : i32
        %dma_start3A_1026 = tpu.memref_slice %arg6[%dma_start3A_1024, %dma_start3A_1025] : memref<10002x128xf32, #tpu.memory_space<hbm>> -> memref<10002x128xf32, #tpu.memory_space<hbm>>
        tpu.enqueue_indirect_dma source(%dma_start3A_1026 : memref<10002x128xf32, #tpu.memory_space<hbm>>) target(%dma_start3A_1020 : memref<32x128xf32, #tpu.memory_space<vmem>>) offsets(%dma_start3A_1023 : memref<32xi32, #tpu.memory_space<vmem>>) semaphore(%arg16 : memref<!tpu.dma_semaphore, #tpu.memory_space<semaphore_mem>>)
        %dma_start3A_1027 = arith.constant 0 : i32
        %dma_start3A_1028 = arith.constant 3 : i32
        %dma_start3A_1029 = arith.constant 3 : i32
        %dma_start3A_1030 = arith.constant 32 : i32
        %dma_start3A_1031 = arith.constant 0 : i32
        %dma_start3A_1032 = tpu.memref_slice %arg13[%dma_start3A_1029, %dma_start3A_1030, %dma_start3A_1031] : memref<5x64x128xf32, #tpu.memory_space<vmem>> -> memref<1x32x128xf32, #tpu.memory_space<vmem>>
        %dma_start3A_1033 = tpu.memref_squeeze %dma_start3A_1032 : memref<1x32x128xf32, #tpu.memory_space<vmem>> -> memref<32x128xf32, #tpu.memory_space<vmem>>
        %dma_start3A_1034 = arith.constant 96 : i32
        %dma_start3A_1035 = tpu.memref_slice %arg11[%dma_start3A_1027, %dma_start3A_1028, %dma_start3A_1034] : memref<2x8x128xi32, #tpu.memory_space<vmem>> -> memref<1x1x32xi32, #tpu.memory_space<vmem>>
        %dma_start3A_1036 = tpu.memref_squeeze %dma_start3A_1035 : memref<1x1x32xi32, #tpu.memory_space<vmem>> -> memref<32xi32, #tpu.memory_space<vmem>>
        %dma_start3A_1037 = arith.constant 0 : i32
        %dma_start3A_1038 = arith.constant 0 : i32
        %dma_start3A_1039 = tpu.memref_slice %arg6[%dma_start3A_1037, %dma_start3A_1038] : memref<10002x128xf32, #tpu.memory_space<hbm>> -> memref<10002x128xf32, #tpu.memory_space<hbm>>
        tpu.enqueue_indirect_dma source(%dma_start3A_1039 : memref<10002x128xf32, #tpu.memory_space<hbm>>) target(%dma_start3A_1033 : memref<32x128xf32, #tpu.memory_space<vmem>>) offsets(%dma_start3A_1036 : memref<32xi32, #tpu.memory_space<vmem>>) semaphore(%arg16 : memref<!tpu.dma_semaphore, #tpu.memory_space<semaphore_mem>>)
        %dma_start3A_1040 = arith.constant 0 : i32
        %dma_start3A_1041 = arith.constant 4 : i32
        %dma_start3A_1042 = arith.constant 4 : i32
        %dma_start3A_1043 = arith.constant 0 : i32
        %dma_start3A_1044 = arith.constant 0 : i32
        %dma_start3A_1045 = tpu.memref_slice %arg13[%dma_start3A_1042, %dma_start3A_1043, %dma_start3A_1044] : memref<5x64x128xf32, #tpu.memory_space<vmem>> -> memref<1x32x128xf32, #tpu.memory_space<vmem>>
        %dma_start3A_1046 = tpu.memref_squeeze %dma_start3A_1045 : memref<1x32x128xf32, #tpu.memory_space<vmem>> -> memref<32x128xf32, #tpu.memory_space<vmem>>
        %dma_start3A_1047 = arith.constant 64 : i32
        %dma_start3A_1048 = tpu.memref_slice %arg11[%dma_start3A_1040, %dma_start3A_1041, %dma_start3A_1047] : memref<2x8x128xi32, #tpu.memory_space<vmem>> -> memref<1x1x32xi32, #tpu.memory_space<vmem>>
        %dma_start3A_1049 = tpu.memref_squeeze %dma_start3A_1048 : memref<1x1x32xi32, #tpu.memory_space<vmem>> -> memref<32xi32, #tpu.memory_space<vmem>>
        %dma_start3A_1050 = arith.constant 0 : i32
        %dma_start3A_1051 = arith.constant 0 : i32
        %dma_start3A_1052 = tpu.memref_slice %arg7[%dma_start3A_1050, %dma_start3A_1051] : memref<1000x128xf32, #tpu.memory_space<hbm>> -> memref<1000x128xf32, #tpu.memory_space<hbm>>
        tpu.enqueue_indirect_dma source(%dma_start3A_1052 : memref<1000x128xf32, #tpu.memory_space<hbm>>) target(%dma_start3A_1046 : memref<32x128xf32, #tpu.memory_space<vmem>>) offsets(%dma_start3A_1049 : memref<32xi32, #tpu.memory_space<vmem>>) semaphore(%arg16 : memref<!tpu.dma_semaphore, #tpu.memory_space<semaphore_mem>>)
        %dma_start3A_1053 = arith.constant 0 : i32
        %dma_start3A_1054 = arith.constant 4 : i32
        %dma_start3A_1055 = arith.constant 4 : i32
        %dma_start3A_1056 = arith.constant 32 : i32
        %dma_start3A_1057 = arith.constant 0 : i32
        %dma_start3A_1058 = tpu.memref_slice %arg13[%dma_start3A_1055, %dma_start3A_1056, %dma_start3A_1057] : memref<5x64x128xf32, #tpu.memory_space<vmem>> -> memref<1x32x128xf32, #tpu.memory_space<vmem>>
        %dma_start3A_1059 = tpu.memref_squeeze %dma_start3A_1058 : memref<1x32x128xf32, #tpu.memory_space<vmem>> -> memref<32x128xf32, #tpu.memory_space<vmem>>
        %dma_start3A_1060 = arith.constant 96 : i32
        %dma_start3A_1061 = tpu.memref_slice %arg11[%dma_start3A_1053, %dma_start3A_1054, %dma_start3A_1060] : memref<2x8x128xi32, #tpu.memory_space<vmem>> -> memref<1x1x32xi32, #tpu.memory_space<vmem>>
        %dma_start3A_1062 = tpu.memref_squeeze %dma_start3A_1061 : memref<1x1x32xi32, #tpu.memory_space<vmem>> -> memref<32xi32, #tpu.memory_space<vmem>>
        %dma_start3A_1063 = arith.constant 0 : i32
        %dma_start3A_1064 = arith.constant 0 : i32
        %dma_start3A_1065 = tpu.memref_slice %arg7[%dma_start3A_1063, %dma_start3A_1064] : memref<1000x128xf32, #tpu.memory_space<hbm>> -> memref<1000x128xf32, #tpu.memory_space<hbm>>
        tpu.enqueue_indirect_dma source(%dma_start3A_1065 : memref<1000x128xf32, #tpu.memory_space<hbm>>) target(%dma_start3A_1059 : memref<32x128xf32, #tpu.memory_space<vmem>>) offsets(%dma_start3A_1062 : memref<32xi32, #tpu.memory_space<vmem>>) semaphore(%arg16 : memref<!tpu.dma_semaphore, #tpu.memory_space<semaphore_mem>>)
      } else {
      }
      %dma_wait3A_280 = arith.constant 0 : i32
      %dma_wait3A_281 = arith.constant 0 : i32
      %dma_wait3A_282 = arith.constant 0 : i32
      %dma_wait3A_283 = arith.constant 0 : i32
      %dma_wait3A_284 = arith.constant 0 : i32
      %dma_wait3A_285 = tpu.memref_slice %arg12[%dma_wait3A_282, %dma_wait3A_283, %dma_wait3A_284] : memref<5x64x128xf32, #tpu.memory_space<vmem>> -> memref<1x32x128xf32, #tpu.memory_space<vmem>>
      %dma_wait3A_286 = tpu.memref_squeeze %dma_wait3A_285 : memref<1x32x128xf32, #tpu.memory_space<vmem>> -> memref<32x128xf32, #tpu.memory_space<vmem>>
      %dma_wait3A_287 = arith.constant 0 : i32
      %dma_wait3A_288 = tpu.memref_slice %arg11[%dma_wait3A_280, %dma_wait3A_281, %dma_wait3A_287] : memref<2x8x128xi32, #tpu.memory_space<vmem>> -> memref<1x1x32xi32, #tpu.memory_space<vmem>>
      %dma_wait3A_289 = tpu.memref_squeeze %dma_wait3A_288 : memref<1x1x32xi32, #tpu.memory_space<vmem>> -> memref<32xi32, #tpu.memory_space<vmem>>
      %dma_wait3A_290 = arith.constant 0 : i32
      %dma_wait3A_291 = arith.constant 0 : i32
      %dma_wait3A_292 = tpu.memref_slice %arg3[%dma_wait3A_290, %dma_wait3A_291] : memref<100000x128xf32, #tpu.memory_space<hbm>> -> memref<100000x128xf32, #tpu.memory_space<hbm>>
      tpu.wait_indirect_dma semaphore(%arg15 : memref<!tpu.dma_semaphore, #tpu.memory_space<semaphore_mem>>) src(%dma_wait3A_292 : memref<100000x128xf32, #tpu.memory_space<hbm>>) dst(%dma_wait3A_286 : memref<32x128xf32, #tpu.memory_space<vmem>>)
      %dma_wait3A_293 = arith.constant 0 : i32
      %dma_wait3A_294 = arith.constant 0 : i32
      %dma_wait3A_295 = arith.constant 0 : i32
      %dma_wait3A_296 = arith.constant 32 : i32
      %dma_wait3A_297 = arith.constant 0 : i32
      %dma_wait3A_298 = tpu.memref_slice %arg12[%dma_wait3A_295, %dma_wait3A_296, %dma_wait3A_297] : memref<5x64x128xf32, #tpu.memory_space<vmem>> -> memref<1x32x128xf32, #tpu.memory_space<vmem>>
      %dma_wait3A_299 = tpu.memref_squeeze %dma_wait3A_298 : memref<1x32x128xf32, #tpu.memory_space<vmem>> -> memref<32x128xf32, #tpu.memory_space<vmem>>
      %dma_wait3A_300 = arith.constant 32 : i32
      %dma_wait3A_301 = tpu.memref_slice %arg11[%dma_wait3A_293, %dma_wait3A_294, %dma_wait3A_300] : memref<2x8x128xi32, #tpu.memory_space<vmem>> -> memref<1x1x32xi32, #tpu.memory_space<vmem>>
      %dma_wait3A_302 = tpu.memref_squeeze %dma_wait3A_301 : memref<1x1x32xi32, #tpu.memory_space<vmem>> -> memref<32xi32, #tpu.memory_space<vmem>>
      %dma_wait3A_303 = arith.constant 0 : i32
      %dma_wait3A_304 = arith.constant 0 : i32
      %dma_wait3A_305 = tpu.memref_slice %arg3[%dma_wait3A_303, %dma_wait3A_304] : memref<100000x128xf32, #tpu.memory_space<hbm>> -> memref<100000x128xf32, #tpu.memory_space<hbm>>
      tpu.wait_indirect_dma semaphore(%arg15 : memref<!tpu.dma_semaphore, #tpu.memory_space<semaphore_mem>>) src(%dma_wait3A_305 : memref<100000x128xf32, #tpu.memory_space<hbm>>) dst(%dma_wait3A_299 : memref<32x128xf32, #tpu.memory_space<vmem>>)
      %dma_wait3A_306 = arith.constant 0 : i32
      %dma_wait3A_307 = arith.constant 1 : i32
      %dma_wait3A_308 = arith.constant 1 : i32
      %dma_wait3A_309 = arith.constant 0 : i32
      %dma_wait3A_310 = arith.constant 0 : i32
      %dma_wait3A_311 = tpu.memref_slice %arg12[%dma_wait3A_308, %dma_wait3A_309, %dma_wait3A_310] : memref<5x64x128xf32, #tpu.memory_space<vmem>> -> memref<1x32x128xf32, #tpu.memory_space<vmem>>
      %dma_wait3A_312 = tpu.memref_squeeze %dma_wait3A_311 : memref<1x32x128xf32, #tpu.memory_space<vmem>> -> memref<32x128xf32, #tpu.memory_space<vmem>>
      %dma_wait3A_313 = arith.constant 0 : i32
      %dma_wait3A_314 = tpu.memref_slice %arg11[%dma_wait3A_306, %dma_wait3A_307, %dma_wait3A_313] : memref<2x8x128xi32, #tpu.memory_space<vmem>> -> memref<1x1x32xi32, #tpu.memory_space<vmem>>
      %dma_wait3A_315 = tpu.memref_squeeze %dma_wait3A_314 : memref<1x1x32xi32, #tpu.memory_space<vmem>> -> memref<32xi32, #tpu.memory_space<vmem>>
      %dma_wait3A_316 = arith.constant 0 : i32
      %dma_wait3A_317 = arith.constant 0 : i32
      %dma_wait3A_318 = tpu.memref_slice %arg4[%dma_wait3A_316, %dma_wait3A_317] : memref<200x128xf32, #tpu.memory_space<hbm>> -> memref<200x128xf32, #tpu.memory_space<hbm>>
      tpu.wait_indirect_dma semaphore(%arg15 : memref<!tpu.dma_semaphore, #tpu.memory_space<semaphore_mem>>) src(%dma_wait3A_318 : memref<200x128xf32, #tpu.memory_space<hbm>>) dst(%dma_wait3A_312 : memref<32x128xf32, #tpu.memory_space<vmem>>)
      %dma_wait3A_319 = arith.constant 0 : i32
      %dma_wait3A_320 = arith.constant 1 : i32
      %dma_wait3A_321 = arith.constant 1 : i32
      %dma_wait3A_322 = arith.constant 32 : i32
      %dma_wait3A_323 = arith.constant 0 : i32
      %dma_wait3A_324 = tpu.memref_slice %arg12[%dma_wait3A_321, %dma_wait3A_322, %dma_wait3A_323] : memref<5x64x128xf32, #tpu.memory_space<vmem>> -> memref<1x32x128xf32, #tpu.memory_space<vmem>>
      %dma_wait3A_325 = tpu.memref_squeeze %dma_wait3A_324 : memref<1x32x128xf32, #tpu.memory_space<vmem>> -> memref<32x128xf32, #tpu.memory_space<vmem>>
      %dma_wait3A_326 = arith.constant 32 : i32
      %dma_wait3A_327 = tpu.memref_slice %arg11[%dma_wait3A_319, %dma_wait3A_320, %dma_wait3A_326] : memref<2x8x128xi32, #tpu.memory_space<vmem>> -> memref<1x1x32xi32, #tpu.memory_space<vmem>>
      %dma_wait3A_328 = tpu.memref_squeeze %dma_wait3A_327 : memref<1x1x32xi32, #tpu.memory_space<vmem>> -> memref<32xi32, #tpu.memory_space<vmem>>
      %dma_wait3A_329 = arith.constant 0 : i32
      %dma_wait3A_330 = arith.constant 0 : i32
      %dma_wait3A_331 = tpu.memref_slice %arg4[%dma_wait3A_329, %dma_wait3A_330] : memref<200x128xf32, #tpu.memory_space<hbm>> -> memref<200x128xf32, #tpu.memory_space<hbm>>
      tpu.wait_indirect_dma semaphore(%arg15 : memref<!tpu.dma_semaphore, #tpu.memory_space<semaphore_mem>>) src(%dma_wait3A_331 : memref<200x128xf32, #tpu.memory_space<hbm>>) dst(%dma_wait3A_325 : memref<32x128xf32, #tpu.memory_space<vmem>>)
      %dma_wait3A_332 = arith.constant 0 : i32
      %dma_wait3A_333 = arith.constant 2 : i32
      %dma_wait3A_334 = arith.constant 2 : i32
      %dma_wait3A_335 = arith.constant 0 : i32
      %dma_wait3A_336 = arith.constant 0 : i32
      %dma_wait3A_337 = tpu.memref_slice %arg12[%dma_wait3A_334, %dma_wait3A_335, %dma_wait3A_336] : memref<5x64x128xf32, #tpu.memory_space<vmem>> -> memref<1x32x128xf32, #tpu.memory_space<vmem>>
      %dma_wait3A_338 = tpu.memref_squeeze %dma_wait3A_337 : memref<1x32x128xf32, #tpu.memory_space<vmem>> -> memref<32x128xf32, #tpu.memory_space<vmem>>
      %dma_wait3A_339 = arith.constant 0 : i32
      %dma_wait3A_340 = tpu.memref_slice %arg11[%dma_wait3A_332, %dma_wait3A_333, %dma_wait3A_339] : memref<2x8x128xi32, #tpu.memory_space<vmem>> -> memref<1x1x32xi32, #tpu.memory_space<vmem>>
      %dma_wait3A_341 = tpu.memref_squeeze %dma_wait3A_340 : memref<1x1x32xi32, #tpu.memory_space<vmem>> -> memref<32xi32, #tpu.memory_space<vmem>>
      %dma_wait3A_342 = arith.constant 0 : i32
      %dma_wait3A_343 = arith.constant 0 : i32
      %dma_wait3A_344 = tpu.memref_slice %arg5[%dma_wait3A_342, %dma_wait3A_343] : memref<50x128xf32, #tpu.memory_space<hbm>> -> memref<50x128xf32, #tpu.memory_space<hbm>>
      tpu.wait_indirect_dma semaphore(%arg15 : memref<!tpu.dma_semaphore, #tpu.memory_space<semaphore_mem>>) src(%dma_wait3A_344 : memref<50x128xf32, #tpu.memory_space<hbm>>) dst(%dma_wait3A_338 : memref<32x128xf32, #tpu.memory_space<vmem>>)
      %dma_wait3A_345 = arith.constant 0 : i32
      %dma_wait3A_346 = arith.constant 2 : i32
      %dma_wait3A_347 = arith.constant 2 : i32
      %dma_wait3A_348 = arith.constant 32 : i32
      %dma_wait3A_349 = arith.constant 0 : i32
      %dma_wait3A_350 = tpu.memref_slice %arg12[%dma_wait3A_347, %dma_wait3A_348, %dma_wait3A_349] : memref<5x64x128xf32, #tpu.memory_space<vmem>> -> memref<1x32x128xf32, #tpu.memory_space<vmem>>
      %dma_wait3A_351 = tpu.memref_squeeze %dma_wait3A_350 : memref<1x32x128xf32, #tpu.memory_space<vmem>> -> memref<32x128xf32, #tpu.memory_space<vmem>>
      %dma_wait3A_352 = arith.constant 32 : i32
      %dma_wait3A_353 = tpu.memref_slice %arg11[%dma_wait3A_345, %dma_wait3A_346, %dma_wait3A_352] : memref<2x8x128xi32, #tpu.memory_space<vmem>> -> memref<1x1x32xi32, #tpu.memory_space<vmem>>
      %dma_wait3A_354 = tpu.memref_squeeze %dma_wait3A_353 : memref<1x1x32xi32, #tpu.memory_space<vmem>> -> memref<32xi32, #tpu.memory_space<vmem>>
      %dma_wait3A_355 = arith.constant 0 : i32
      %dma_wait3A_356 = arith.constant 0 : i32
      %dma_wait3A_357 = tpu.memref_slice %arg5[%dma_wait3A_355, %dma_wait3A_356] : memref<50x128xf32, #tpu.memory_space<hbm>> -> memref<50x128xf32, #tpu.memory_space<hbm>>
      tpu.wait_indirect_dma semaphore(%arg15 : memref<!tpu.dma_semaphore, #tpu.memory_space<semaphore_mem>>) src(%dma_wait3A_357 : memref<50x128xf32, #tpu.memory_space<hbm>>) dst(%dma_wait3A_351 : memref<32x128xf32, #tpu.memory_space<vmem>>)
      %dma_wait3A_358 = arith.constant 0 : i32
      %dma_wait3A_359 = arith.constant 3 : i32
      %dma_wait3A_360 = arith.constant 3 : i32
      %dma_wait3A_361 = arith.constant 0 : i32
      %dma_wait3A_362 = arith.constant 0 : i32
      %dma_wait3A_363 = tpu.memref_slice %arg12[%dma_wait3A_360, %dma_wait3A_361, %dma_wait3A_362] : memref<5x64x128xf32, #tpu.memory_space<vmem>> -> memref<1x32x128xf32, #tpu.memory_space<vmem>>
      %dma_wait3A_364 = tpu.memref_squeeze %dma_wait3A_363 : memref<1x32x128xf32, #tpu.memory_space<vmem>> -> memref<32x128xf32, #tpu.memory_space<vmem>>
      %dma_wait3A_365 = arith.constant 0 : i32
      %dma_wait3A_366 = tpu.memref_slice %arg11[%dma_wait3A_358, %dma_wait3A_359, %dma_wait3A_365] : memref<2x8x128xi32, #tpu.memory_space<vmem>> -> memref<1x1x32xi32, #tpu.memory_space<vmem>>
      %dma_wait3A_367 = tpu.memref_squeeze %dma_wait3A_366 : memref<1x1x32xi32, #tpu.memory_space<vmem>> -> memref<32xi32, #tpu.memory_space<vmem>>
      %dma_wait3A_368 = arith.constant 0 : i32
      %dma_wait3A_369 = arith.constant 0 : i32
      %dma_wait3A_370 = tpu.memref_slice %arg6[%dma_wait3A_368, %dma_wait3A_369] : memref<10002x128xf32, #tpu.memory_space<hbm>> -> memref<10002x128xf32, #tpu.memory_space<hbm>>
      tpu.wait_indirect_dma semaphore(%arg15 : memref<!tpu.dma_semaphore, #tpu.memory_space<semaphore_mem>>) src(%dma_wait3A_370 : memref<10002x128xf32, #tpu.memory_space<hbm>>) dst(%dma_wait3A_364 : memref<32x128xf32, #tpu.memory_space<vmem>>)
      %dma_wait3A_371 = arith.constant 0 : i32
      %dma_wait3A_372 = arith.constant 3 : i32
      %dma_wait3A_373 = arith.constant 3 : i32
      %dma_wait3A_374 = arith.constant 32 : i32
      %dma_wait3A_375 = arith.constant 0 : i32
      %dma_wait3A_376 = tpu.memref_slice %arg12[%dma_wait3A_373, %dma_wait3A_374, %dma_wait3A_375] : memref<5x64x128xf32, #tpu.memory_space<vmem>> -> memref<1x32x128xf32, #tpu.memory_space<vmem>>
      %dma_wait3A_377 = tpu.memref_squeeze %dma_wait3A_376 : memref<1x32x128xf32, #tpu.memory_space<vmem>> -> memref<32x128xf32, #tpu.memory_space<vmem>>
      %dma_wait3A_378 = arith.constant 32 : i32
      %dma_wait3A_379 = tpu.memref_slice %arg11[%dma_wait3A_371, %dma_wait3A_372, %dma_wait3A_378] : memref<2x8x128xi32, #tpu.memory_space<vmem>> -> memref<1x1x32xi32, #tpu.memory_space<vmem>>
      %dma_wait3A_380 = tpu.memref_squeeze %dma_wait3A_379 : memref<1x1x32xi32, #tpu.memory_space<vmem>> -> memref<32xi32, #tpu.memory_space<vmem>>
      %dma_wait3A_381 = arith.constant 0 : i32
      %dma_wait3A_382 = arith.constant 0 : i32
      %dma_wait3A_383 = tpu.memref_slice %arg6[%dma_wait3A_381, %dma_wait3A_382] : memref<10002x128xf32, #tpu.memory_space<hbm>> -> memref<10002x128xf32, #tpu.memory_space<hbm>>
      tpu.wait_indirect_dma semaphore(%arg15 : memref<!tpu.dma_semaphore, #tpu.memory_space<semaphore_mem>>) src(%dma_wait3A_383 : memref<10002x128xf32, #tpu.memory_space<hbm>>) dst(%dma_wait3A_377 : memref<32x128xf32, #tpu.memory_space<vmem>>)
      %dma_wait3A_384 = arith.constant 0 : i32
      %dma_wait3A_385 = arith.constant 4 : i32
      %dma_wait3A_386 = arith.constant 4 : i32
      %dma_wait3A_387 = arith.constant 0 : i32
      %dma_wait3A_388 = arith.constant 0 : i32
      %dma_wait3A_389 = tpu.memref_slice %arg12[%dma_wait3A_386, %dma_wait3A_387, %dma_wait3A_388] : memref<5x64x128xf32, #tpu.memory_space<vmem>> -> memref<1x32x128xf32, #tpu.memory_space<vmem>>
      %dma_wait3A_390 = tpu.memref_squeeze %dma_wait3A_389 : memref<1x32x128xf32, #tpu.memory_space<vmem>> -> memref<32x128xf32, #tpu.memory_space<vmem>>
      %dma_wait3A_391 = arith.constant 0 : i32
      %dma_wait3A_392 = tpu.memref_slice %arg11[%dma_wait3A_384, %dma_wait3A_385, %dma_wait3A_391] : memref<2x8x128xi32, #tpu.memory_space<vmem>> -> memref<1x1x32xi32, #tpu.memory_space<vmem>>
      %dma_wait3A_393 = tpu.memref_squeeze %dma_wait3A_392 : memref<1x1x32xi32, #tpu.memory_space<vmem>> -> memref<32xi32, #tpu.memory_space<vmem>>
      %dma_wait3A_394 = arith.constant 0 : i32
      %dma_wait3A_395 = arith.constant 0 : i32
      %dma_wait3A_396 = tpu.memref_slice %arg7[%dma_wait3A_394, %dma_wait3A_395] : memref<1000x128xf32, #tpu.memory_space<hbm>> -> memref<1000x128xf32, #tpu.memory_space<hbm>>
      tpu.wait_indirect_dma semaphore(%arg15 : memref<!tpu.dma_semaphore, #tpu.memory_space<semaphore_mem>>) src(%dma_wait3A_396 : memref<1000x128xf32, #tpu.memory_space<hbm>>) dst(%dma_wait3A_390 : memref<32x128xf32, #tpu.memory_space<vmem>>)
      %dma_wait3A_397 = arith.constant 0 : i32
      %dma_wait3A_398 = arith.constant 4 : i32
      %dma_wait3A_399 = arith.constant 4 : i32
      %dma_wait3A_400 = arith.constant 32 : i32
      %dma_wait3A_401 = arith.constant 0 : i32
      %dma_wait3A_402 = tpu.memref_slice %arg12[%dma_wait3A_399, %dma_wait3A_400, %dma_wait3A_401] : memref<5x64x128xf32, #tpu.memory_space<vmem>> -> memref<1x32x128xf32, #tpu.memory_space<vmem>>
      %dma_wait3A_403 = tpu.memref_squeeze %dma_wait3A_402 : memref<1x32x128xf32, #tpu.memory_space<vmem>> -> memref<32x128xf32, #tpu.memory_space<vmem>>
      %dma_wait3A_404 = arith.constant 32 : i32
      %dma_wait3A_405 = tpu.memref_slice %arg11[%dma_wait3A_397, %dma_wait3A_398, %dma_wait3A_404] : memref<2x8x128xi32, #tpu.memory_space<vmem>> -> memref<1x1x32xi32, #tpu.memory_space<vmem>>
      %dma_wait3A_406 = tpu.memref_squeeze %dma_wait3A_405 : memref<1x1x32xi32, #tpu.memory_space<vmem>> -> memref<32xi32, #tpu.memory_space<vmem>>
      %dma_wait3A_407 = arith.constant 0 : i32
      %dma_wait3A_408 = arith.constant 0 : i32
      %dma_wait3A_409 = tpu.memref_slice %arg7[%dma_wait3A_407, %dma_wait3A_408] : memref<1000x128xf32, #tpu.memory_space<hbm>> -> memref<1000x128xf32, #tpu.memory_space<hbm>>
      tpu.wait_indirect_dma semaphore(%arg15 : memref<!tpu.dma_semaphore, #tpu.memory_space<semaphore_mem>>) src(%dma_wait3A_409 : memref<1000x128xf32, #tpu.memory_space<hbm>>) dst(%dma_wait3A_403 : memref<32x128xf32, #tpu.memory_space<vmem>>)
      %scan3A_410 = arith.constant 0 : i32
      %scan3A_411 = arith.constant 0 : i32
      %scan3A_412 = arith.constant 64 : i32
      %scan3A_413 = arith.addi %scan3A_411, %scan3A_412 : i32
      %scan3A_414 = arith.constant 1 : i32
      scf.for %scan3A_932 = %scan3A_411 to %scan3A_413 step %scan3A_414  : i32 {
        %get3A_933 = arith.constant 0 : i32
        %get3A_934 = arith.index_cast %get3A_933 : i32 to index
        %get3A_935 = arith.index_cast %scan3A_932 : i32 to index
        %get3A_936 = arith.constant 0 : index
        %get3A_937 = tpu.vector_load %arg12[%get3A_934, %get3A_935, %get3A_936] {strides = array<i32>} : memref<5x64x128xf32, #tpu.memory_space<vmem>>, vector<16xf32>,
        %get3A_938 = arith.constant 1 : i32
        %get3A_939 = arith.index_cast %get3A_938 : i32 to index
        %get3A_940 = arith.index_cast %scan3A_932 : i32 to index
        %get3A_941 = arith.constant 0 : index
        %get3A_942 = tpu.vector_load %arg12[%get3A_939, %get3A_940, %get3A_941] {strides = array<i32>} : memref<5x64x128xf32, #tpu.memory_space<vmem>>, vector<16xf32>,
        %add3A_943 = arith.addf %get3A_937, %get3A_942 : vector<16xf32>
        %get3A_944 = arith.constant 2 : i32
        %get3A_945 = arith.index_cast %get3A_944 : i32 to index
        %get3A_946 = arith.index_cast %scan3A_932 : i32 to index
        %get3A_947 = arith.constant 0 : index
        %get3A_948 = tpu.vector_load %arg12[%get3A_945, %get3A_946, %get3A_947] {strides = array<i32>} : memref<5x64x128xf32, #tpu.memory_space<vmem>>, vector<16xf32>,
        %add3A_949 = arith.addf %add3A_943, %get3A_948 : vector<16xf32>
        %get3A_950 = arith.constant 3 : i32
        %get3A_951 = arith.index_cast %get3A_950 : i32 to index
        %get3A_952 = arith.index_cast %scan3A_932 : i32 to index
        %get3A_953 = arith.constant 0 : index
        %get3A_954 = tpu.vector_load %arg12[%get3A_951, %get3A_952, %get3A_953] {strides = array<i32>} : memref<5x64x128xf32, #tpu.memory_space<vmem>>, vector<16xf32>,
        %add3A_955 = arith.addf %add3A_949, %get3A_954 : vector<16xf32>
        %get3A_956 = arith.constant 4 : i32
        %get3A_957 = arith.index_cast %get3A_956 : i32 to index
        %get3A_958 = arith.index_cast %scan3A_932 : i32 to index
        %get3A_959 = arith.constant 0 : index
        %get3A_960 = tpu.vector_load %arg12[%get3A_957, %get3A_958, %get3A_959] {strides = array<i32>} : memref<5x64x128xf32, #tpu.memory_space<vmem>>, vector<16xf32>,
        %add3A_961 = arith.addf %add3A_955, %get3A_960 : vector<16xf32>
        %get3A_962 = arith.constant 0 : i32
        %get3A_963 = arith.index_cast %get3A_962 : i32 to index
        %get3A_964 = arith.index_cast %scan3A_932 : i32 to index
        %get3A_965 = arith.constant 16 : index
        %get3A_966 = tpu.vector_load %arg12[%get3A_963, %get3A_964, %get3A_965] {strides = array<i32>} : memref<5x64x128xf32, #tpu.memory_space<vmem>>, vector<16xf32>,
        %get3A_967 = arith.constant 1 : i32
        %get3A_968 = arith.index_cast %get3A_967 : i32 to index
        %get3A_969 = arith.index_cast %scan3A_932 : i32 to index
        %get3A_970 = arith.constant 16 : index
        %get3A_971 = tpu.vector_load %arg12[%get3A_968, %get3A_969, %get3A_970] {strides = array<i32>} : memref<5x64x128xf32, #tpu.memory_space<vmem>>, vector<16xf32>,
        %add3A_972 = arith.addf %get3A_966, %get3A_971 : vector<16xf32>
        %get3A_973 = arith.constant 2 : i32
        %get3A_974 = arith.index_cast %get3A_973 : i32 to index
        %get3A_975 = arith.index_cast %scan3A_932 : i32 to index
        %get3A_976 = arith.constant 16 : index
        %get3A_977 = tpu.vector_load %arg12[%get3A_974, %get3A_975, %get3A_976] {strides = array<i32>} : memref<5x64x128xf32, #tpu.memory_space<vmem>>, vector<16xf32>,
        %add3A_978 = arith.addf %add3A_972, %get3A_977 : vector<16xf32>
        %get3A_979 = arith.constant 3 : i32
        %get3A_980 = arith.index_cast %get3A_979 : i32 to index
        %get3A_981 = arith.index_cast %scan3A_932 : i32 to index
        %get3A_982 = arith.constant 16 : index
        %get3A_983 = tpu.vector_load %arg12[%get3A_980, %get3A_981, %get3A_982] {strides = array<i32>} : memref<5x64x128xf32, #tpu.memory_space<vmem>>, vector<16xf32>,
        %add3A_984 = arith.addf %add3A_978, %get3A_983 : vector<16xf32>
        %get3A_985 = arith.constant 4 : i32
        %get3A_986 = arith.index_cast %get3A_985 : i32 to index
        %get3A_987 = arith.index_cast %scan3A_932 : i32 to index
        %get3A_988 = arith.constant 16 : index
        %get3A_989 = tpu.vector_load %arg12[%get3A_986, %get3A_987, %get3A_988] {strides = array<i32>} : memref<5x64x128xf32, #tpu.memory_space<vmem>>, vector<16xf32>,
        %add3A_990 = arith.addf %add3A_984, %get3A_989 : vector<16xf32>
        %get3A_991 = arith.constant 0 : i32
        %get3A_992 = arith.index_cast %get3A_991 : i32 to index
        %get3A_993 = arith.index_cast %scan3A_932 : i32 to index
        %get3A_994 = arith.constant 32 : index
        %get3A_995 = tpu.vector_load %arg12[%get3A_992, %get3A_993, %get3A_994] {strides = array<i32>} : memref<5x64x128xf32, #tpu.memory_space<vmem>>, vector<16xf32>,
        %get3A_996 = arith.constant 1 : i32
        %get3A_997 = arith.index_cast %get3A_996 : i32 to index
        %get3A_998 = arith.index_cast %scan3A_932 : i32 to index
        %get3A_999 = arith.constant 32 : index
        %get3A_1000 = tpu.vector_load %arg12[%get3A_997, %get3A_998, %get3A_999] {strides = array<i32>} : memref<5x64x128xf32, #tpu.memory_space<vmem>>, vector<16xf32>,
        %add3A_1001 = arith.addf %get3A_995, %get3A_1000 : vector<16xf32>
        %get3A_1002 = arith.constant 2 : i32
        %get3A_1003 = arith.index_cast %get3A_1002 : i32 to index
        %get3A_1004 = arith.index_cast %scan3A_932 : i32 to index
        %get3A_1005 = arith.constant 32 : index
        %get3A_1006 = tpu.vector_load %arg12[%get3A_1003, %get3A_1004, %get3A_1005] {strides = array<i32>} : memref<5x64x128xf32, #tpu.memory_space<vmem>>, vector<16xf32>,
        %add3A_1007 = arith.addf %add3A_1001, %get3A_1006 : vector<16xf32>
        %get3A_1008 = arith.constant 3 : i32
        %get3A_1009 = arith.index_cast %get3A_1008 : i32 to index
        %get3A_1010 = arith.index_cast %scan3A_932 : i32 to index
        %get3A_1011 = arith.constant 32 : index
        %get3A_1012 = tpu.vector_load %arg12[%get3A_1009, %get3A_1010, %get3A_1011] {strides = array<i32>} : memref<5x64x128xf32, #tpu.memory_space<vmem>>, vector<16xf32>,
        %add3A_1013 = arith.addf %add3A_1007, %get3A_1012 : vector<16xf32>
        %get3A_1014 = arith.constant 4 : i32
        %get3A_1015 = arith.index_cast %get3A_1014 : i32 to index
        %get3A_1016 = arith.index_cast %scan3A_932 : i32 to index
        %get3A_1017 = arith.constant 32 : index
        %get3A_1018 = tpu.vector_load %arg12[%get3A_1015, %get3A_1016, %get3A_1017] {strides = array<i32>} : memref<5x64x128xf32, #tpu.memory_space<vmem>>, vector<16xf32>,
        %add3A_1019 = arith.addf %add3A_1013, %get3A_1018 : vector<16xf32>
        %get3A_1020 = arith.constant 0 : i32
        %get3A_1021 = arith.index_cast %get3A_1020 : i32 to index
        %get3A_1022 = arith.index_cast %scan3A_932 : i32 to index
        %get3A_1023 = arith.constant 48 : index
        %get3A_1024 = tpu.vector_load %arg12[%get3A_1021, %get3A_1022, %get3A_1023] {strides = array<i32>} : memref<5x64x128xf32, #tpu.memory_space<vmem>>, vector<16xf32>,
        %get3A_1025 = arith.constant 1 : i32
        %get3A_1026 = arith.index_cast %get3A_1025 : i32 to index
        %get3A_1027 = arith.index_cast %scan3A_932 : i32 to index
        %get3A_1028 = arith.constant 48 : index
        %get3A_1029 = tpu.vector_load %arg12[%get3A_1026, %get3A_1027, %get3A_1028] {strides = array<i32>} : memref<5x64x128xf32, #tpu.memory_space<vmem>>, vector<16xf32>,
        %add3A_1030 = arith.addf %get3A_1024, %get3A_1029 : vector<16xf32>
        %get3A_1031 = arith.constant 2 : i32
        %get3A_1032 = arith.index_cast %get3A_1031 : i32 to index
        %get3A_1033 = arith.index_cast %scan3A_932 : i32 to index
        %get3A_1034 = arith.constant 48 : index
        %get3A_1035 = tpu.vector_load %arg12[%get3A_1032, %get3A_1033, %get3A_1034] {strides = array<i32>} : memref<5x64x128xf32, #tpu.memory_space<vmem>>, vector<16xf32>,
        %add3A_1036 = arith.addf %add3A_1030, %get3A_1035 : vector<16xf32>
        %get3A_1037 = arith.constant 3 : i32
        %get3A_1038 = arith.index_cast %get3A_1037 : i32 to index
        %get3A_1039 = arith.index_cast %scan3A_932 : i32 to index
        %get3A_1040 = arith.constant 48 : index
        %get3A_1041 = tpu.vector_load %arg12[%get3A_1038, %get3A_1039, %get3A_1040] {strides = array<i32>} : memref<5x64x128xf32, #tpu.memory_space<vmem>>, vector<16xf32>,
        %add3A_1042 = arith.addf %add3A_1036, %get3A_1041 : vector<16xf32>
        %get3A_1043 = arith.constant 4 : i32
        %get3A_1044 = arith.index_cast %get3A_1043 : i32 to index
        %get3A_1045 = arith.index_cast %scan3A_932 : i32 to index
        %get3A_1046 = arith.constant 48 : index
        %get3A_1047 = tpu.vector_load %arg12[%get3A_1044, %get3A_1045, %get3A_1046] {strides = array<i32>} : memref<5x64x128xf32, #tpu.memory_space<vmem>>, vector<16xf32>,
        %add3A_1048 = arith.addf %add3A_1042, %get3A_1047 : vector<16xf32>
        %get3A_1049 = arith.constant 0 : i32
        %get3A_1050 = arith.index_cast %get3A_1049 : i32 to index
        %get3A_1051 = arith.index_cast %scan3A_932 : i32 to index
        %get3A_1052 = arith.constant 64 : index
        %get3A_1053 = tpu.vector_load %arg12[%get3A_1050, %get3A_1051, %get3A_1052] {strides = array<i32>} : memref<5x64x128xf32, #tpu.memory_space<vmem>>, vector<16xf32>,
        %get3A_1054 = arith.constant 1 : i32
        %get3A_1055 = arith.index_cast %get3A_1054 : i32 to index
        %get3A_1056 = arith.index_cast %scan3A_932 : i32 to index
        %get3A_1057 = arith.constant 64 : index
        %get3A_1058 = tpu.vector_load %arg12[%get3A_1055, %get3A_1056, %get3A_1057] {strides = array<i32>} : memref<5x64x128xf32, #tpu.memory_space<vmem>>, vector<16xf32>,
        %add3A_1059 = arith.addf %get3A_1053, %get3A_1058 : vector<16xf32>
        %get3A_1060 = arith.constant 2 : i32
        %get3A_1061 = arith.index_cast %get3A_1060 : i32 to index
        %get3A_1062 = arith.index_cast %scan3A_932 : i32 to index
        %get3A_1063 = arith.constant 64 : index
        %get3A_1064 = tpu.vector_load %arg12[%get3A_1061, %get3A_1062, %get3A_1063] {strides = array<i32>} : memref<5x64x128xf32, #tpu.memory_space<vmem>>, vector<16xf32>,
        %add3A_1065 = arith.addf %add3A_1059, %get3A_1064 : vector<16xf32>
        %get3A_1066 = arith.constant 3 : i32
        %get3A_1067 = arith.index_cast %get3A_1066 : i32 to index
        %get3A_1068 = arith.index_cast %scan3A_932 : i32 to index
        %get3A_1069 = arith.constant 64 : index
        %get3A_1070 = tpu.vector_load %arg12[%get3A_1067, %get3A_1068, %get3A_1069] {strides = array<i32>} : memref<5x64x128xf32, #tpu.memory_space<vmem>>, vector<16xf32>,
        %add3A_1071 = arith.addf %add3A_1065, %get3A_1070 : vector<16xf32>
        %get3A_1072 = arith.constant 4 : i32
        %get3A_1073 = arith.index_cast %get3A_1072 : i32 to index
        %get3A_1074 = arith.index_cast %scan3A_932 : i32 to index
        %get3A_1075 = arith.constant 64 : index
        %get3A_1076 = tpu.vector_load %arg12[%get3A_1073, %get3A_1074, %get3A_1075] {strides = array<i32>} : memref<5x64x128xf32, #tpu.memory_space<vmem>>, vector<16xf32>,
        %add3A_1077 = arith.addf %add3A_1071, %get3A_1076 : vector<16xf32>
        %get3A_1078 = arith.constant 0 : i32
        %get3A_1079 = arith.index_cast %get3A_1078 : i32 to index
        %get3A_1080 = arith.index_cast %scan3A_932 : i32 to index
        %get3A_1081 = arith.constant 80 : index
        %get3A_1082 = tpu.vector_load %arg12[%get3A_1079, %get3A_1080, %get3A_1081] {strides = array<i32>} : memref<5x64x128xf32, #tpu.memory_space<vmem>>, vector<16xf32>,
        %get3A_1083 = arith.constant 1 : i32
        %get3A_1084 = arith.index_cast %get3A_1083 : i32 to index
        %get3A_1085 = arith.index_cast %scan3A_932 : i32 to index
        %get3A_1086 = arith.constant 80 : index
        %get3A_1087 = tpu.vector_load %arg12[%get3A_1084, %get3A_1085, %get3A_1086] {strides = array<i32>} : memref<5x64x128xf32, #tpu.memory_space<vmem>>, vector<16xf32>,
        %add3A_1088 = arith.addf %get3A_1082, %get3A_1087 : vector<16xf32>
        %get3A_1089 = arith.constant 2 : i32
        %get3A_1090 = arith.index_cast %get3A_1089 : i32 to index
        %get3A_1091 = arith.index_cast %scan3A_932 : i32 to index
        %get3A_1092 = arith.constant 80 : index
        %get3A_1093 = tpu.vector_load %arg12[%get3A_1090, %get3A_1091, %get3A_1092] {strides = array<i32>} : memref<5x64x128xf32, #tpu.memory_space<vmem>>, vector<16xf32>,
        %add3A_1094 = arith.addf %add3A_1088, %get3A_1093 : vector<16xf32>
        %get3A_1095 = arith.constant 3 : i32
        %get3A_1096 = arith.index_cast %get3A_1095 : i32 to index
        %get3A_1097 = arith.index_cast %scan3A_932 : i32 to index
        %get3A_1098 = arith.constant 80 : index
        %get3A_1099 = tpu.vector_load %arg12[%get3A_1096, %get3A_1097, %get3A_1098] {strides = array<i32>} : memref<5x64x128xf32, #tpu.memory_space<vmem>>, vector<16xf32>,
        %add3A_1100 = arith.addf %add3A_1094, %get3A_1099 : vector<16xf32>
        %get3A_1101 = arith.constant 4 : i32
        %get3A_1102 = arith.index_cast %get3A_1101 : i32 to index
        %get3A_1103 = arith.index_cast %scan3A_932 : i32 to index
        %get3A_1104 = arith.constant 80 : index
        %get3A_1105 = tpu.vector_load %arg12[%get3A_1102, %get3A_1103, %get3A_1104] {strides = array<i32>} : memref<5x64x128xf32, #tpu.memory_space<vmem>>, vector<16xf32>,
        %add3A_1106 = arith.addf %add3A_1100, %get3A_1105 : vector<16xf32>
        %get3A_1107 = arith.constant 0 : i32
        %get3A_1108 = arith.index_cast %get3A_1107 : i32 to index
        %get3A_1109 = arith.index_cast %scan3A_932 : i32 to index
        %get3A_1110 = arith.constant 96 : index
        %get3A_1111 = tpu.vector_load %arg12[%get3A_1108, %get3A_1109, %get3A_1110] {strides = array<i32>} : memref<5x64x128xf32, #tpu.memory_space<vmem>>, vector<16xf32>,
        %get3A_1112 = arith.constant 1 : i32
        %get3A_1113 = arith.index_cast %get3A_1112 : i32 to index
        %get3A_1114 = arith.index_cast %scan3A_932 : i32 to index
        %get3A_1115 = arith.constant 96 : index
        %get3A_1116 = tpu.vector_load %arg12[%get3A_1113, %get3A_1114, %get3A_1115] {strides = array<i32>} : memref<5x64x128xf32, #tpu.memory_space<vmem>>, vector<16xf32>,
        %add3A_1117 = arith.addf %get3A_1111, %get3A_1116 : vector<16xf32>
        %get3A_1118 = arith.constant 2 : i32
        %get3A_1119 = arith.index_cast %get3A_1118 : i32 to index
        %get3A_1120 = arith.index_cast %scan3A_932 : i32 to index
        %get3A_1121 = arith.constant 96 : index
        %get3A_1122 = tpu.vector_load %arg12[%get3A_1119, %get3A_1120, %get3A_1121] {strides = array<i32>} : memref<5x64x128xf32, #tpu.memory_space<vmem>>, vector<16xf32>,
        %add3A_1123 = arith.addf %add3A_1117, %get3A_1122 : vector<16xf32>
        %get3A_1124 = arith.constant 3 : i32
        %get3A_1125 = arith.index_cast %get3A_1124 : i32 to index
        %get3A_1126 = arith.index_cast %scan3A_932 : i32 to index
        %get3A_1127 = arith.constant 96 : index
        %get3A_1128 = tpu.vector_load %arg12[%get3A_1125, %get3A_1126, %get3A_1127] {strides = array<i32>} : memref<5x64x128xf32, #tpu.memory_space<vmem>>, vector<16xf32>,
        %add3A_1129 = arith.addf %add3A_1123, %get3A_1128 : vector<16xf32>
        %get3A_1130 = arith.constant 4 : i32
        %get3A_1131 = arith.index_cast %get3A_1130 : i32 to index
        %get3A_1132 = arith.index_cast %scan3A_932 : i32 to index
        %get3A_1133 = arith.constant 96 : index
        %get3A_1134 = tpu.vector_load %arg12[%get3A_1131, %get3A_1132, %get3A_1133] {strides = array<i32>} : memref<5x64x128xf32, #tpu.memory_space<vmem>>, vector<16xf32>,
        %add3A_1135 = arith.addf %add3A_1129, %get3A_1134 : vector<16xf32>
        %get3A_1136 = arith.constant 0 : i32
        %get3A_1137 = arith.index_cast %get3A_1136 : i32 to index
        %get3A_1138 = arith.index_cast %scan3A_932 : i32 to index
        %get3A_1139 = arith.constant 112 : index
        %get3A_1140 = tpu.vector_load %arg12[%get3A_1137, %get3A_1138, %get3A_1139] {strides = array<i32>} : memref<5x64x128xf32, #tpu.memory_space<vmem>>, vector<16xf32>,
        %get3A_1141 = arith.constant 1 : i32
        %get3A_1142 = arith.index_cast %get3A_1141 : i32 to index
        %get3A_1143 = arith.index_cast %scan3A_932 : i32 to index
        %get3A_1144 = arith.constant 112 : index
        %get3A_1145 = tpu.vector_load %arg12[%get3A_1142, %get3A_1143, %get3A_1144] {strides = array<i32>} : memref<5x64x128xf32, #tpu.memory_space<vmem>>, vector<16xf32>,
        %add3A_1146 = arith.addf %get3A_1140, %get3A_1145 : vector<16xf32>
        %get3A_1147 = arith.constant 2 : i32
        %get3A_1148 = arith.index_cast %get3A_1147 : i32 to index
        %get3A_1149 = arith.index_cast %scan3A_932 : i32 to index
        %get3A_1150 = arith.constant 112 : index
        %get3A_1151 = tpu.vector_load %arg12[%get3A_1148, %get3A_1149, %get3A_1150] {strides = array<i32>} : memref<5x64x128xf32, #tpu.memory_space<vmem>>, vector<16xf32>,
        %add3A_1152 = arith.addf %add3A_1146, %get3A_1151 : vector<16xf32>
        %get3A_1153 = arith.constant 3 : i32
        %get3A_1154 = arith.index_cast %get3A_1153 : i32 to index
        %get3A_1155 = arith.index_cast %scan3A_932 : i32 to index
        %get3A_1156 = arith.constant 112 : index
        %get3A_1157 = tpu.vector_load %arg12[%get3A_1154, %get3A_1155, %get3A_1156] {strides = array<i32>} : memref<5x64x128xf32, #tpu.memory_space<vmem>>, vector<16xf32>,
        %add3A_1158 = arith.addf %add3A_1152, %get3A_1157 : vector<16xf32>
        %get3A_1159 = arith.constant 4 : i32
        %get3A_1160 = arith.index_cast %get3A_1159 : i32 to index
        %get3A_1161 = arith.index_cast %scan3A_932 : i32 to index
        %get3A_1162 = arith.constant 112 : index
        %get3A_1163 = tpu.vector_load %arg12[%get3A_1160, %get3A_1161, %get3A_1162] {strides = array<i32>} : memref<5x64x128xf32, #tpu.memory_space<vmem>>, vector<16xf32>,
        %add3A_1164 = arith.addf %add3A_1158, %get3A_1163 : vector<16xf32>
        %add3A_1165 = arith.addf %add3A_961, %add3A_990 : vector<16xf32>
        %add3A_1166 = arith.addf %add3A_1165, %add3A_1019 : vector<16xf32>
        %add3A_1167 = arith.addf %add3A_1166, %add3A_1048 : vector<16xf32>
        %add3A_1168 = arith.addf %add3A_1167, %add3A_1077 : vector<16xf32>
        %add3A_1169 = arith.addf %add3A_1168, %add3A_1106 : vector<16xf32>
        %add3A_1170 = arith.addf %add3A_1169, %add3A_1135 : vector<16xf32>
        %add3A_1171 = arith.addf %add3A_1170, %add3A_1164 : vector<16xf32>
        %reduce_sum3A = arith.constant true
        %reduce_sum3A_1172 = vector.broadcast %reduce_sum3A : i1 to vector<16xi1>
        %reduce_sum3A_1173 = tpu.scan <sum>, %add3A_1171 masked %reduce_sum3A_1172 : vector<16xf32>, vector<16xi1> -> vector<16xf32>
        %reduce_sum3A_1174 = vector.extract %reduce_sum3A_1173[15] : f32 from vector<16xf32>
        %mul3A_1175 = arith.constant 7.812500e-03 : f32
        %mul3A_1176 = arith.mulf %reduce_sum3A_1174, %mul3A_1175 : f32
        %broadcast_in_dim3A = vector.broadcast %mul3A_1176 : f32 to vector<16xf32>
        %sub3A = arith.subf %add3A_961, %broadcast_in_dim3A : vector<16xf32>
        %sub3A_1177 = arith.subf %add3A_990, %broadcast_in_dim3A : vector<16xf32>
        %sub3A_1178 = arith.subf %add3A_1019, %broadcast_in_dim3A : vector<16xf32>
        %sub3A_1179 = arith.subf %add3A_1048, %broadcast_in_dim3A : vector<16xf32>
        %sub3A_1180 = arith.subf %add3A_1077, %broadcast_in_dim3A : vector<16xf32>
        %sub3A_1181 = arith.subf %add3A_1106, %broadcast_in_dim3A : vector<16xf32>
        %sub3A_1182 = arith.subf %add3A_1135, %broadcast_in_dim3A : vector<16xf32>
        %sub3A_1183 = arith.subf %add3A_1164, %broadcast_in_dim3A : vector<16xf32>
        %mul3A_1184 = arith.mulf %sub3A, %sub3A : vector<16xf32>
        %mul3A_1185 = arith.mulf %sub3A_1177, %sub3A_1177 : vector<16xf32>
        %add3A_1186 = arith.addf %mul3A_1184, %mul3A_1185 : vector<16xf32>
        %mul3A_1187 = arith.mulf %sub3A_1178, %sub3A_1178 : vector<16xf32>
        %add3A_1188 = arith.addf %add3A_1186, %mul3A_1187 : vector<16xf32>
        %mul3A_1189 = arith.mulf %sub3A_1179, %sub3A_1179 : vector<16xf32>
        %add3A_1190 = arith.addf %add3A_1188, %mul3A_1189 : vector<16xf32>
        %mul3A_1191 = arith.mulf %sub3A_1180, %sub3A_1180 : vector<16xf32>
        %add3A_1192 = arith.addf %add3A_1190, %mul3A_1191 : vector<16xf32>
        %mul3A_1193 = arith.mulf %sub3A_1181, %sub3A_1181 : vector<16xf32>
        %add3A_1194 = arith.addf %add3A_1192, %mul3A_1193 : vector<16xf32>
        %mul3A_1195 = arith.mulf %sub3A_1182, %sub3A_1182 : vector<16xf32>
        %add3A_1196 = arith.addf %add3A_1194, %mul3A_1195 : vector<16xf32>
        %mul3A_1197 = arith.mulf %sub3A_1183, %sub3A_1183 : vector<16xf32>
        %add3A_1198 = arith.addf %add3A_1196, %mul3A_1197 : vector<16xf32>
        %reduce_sum3A_1199 = arith.constant true
        %reduce_sum3A_1200 = vector.broadcast %reduce_sum3A_1199 : i1 to vector<16xi1>
        %reduce_sum3A_1201 = tpu.scan <sum>, %add3A_1198 masked %reduce_sum3A_1200 : vector<16xf32>, vector<16xi1> -> vector<16xf32>
        %reduce_sum3A_1202 = vector.extract %reduce_sum3A_1201[15] : f32 from vector<16xf32>
        %mul3A_1203 = arith.constant 7.812500e-03 : f32
        %mul3A_1204 = arith.mulf %reduce_sum3A_1202, %mul3A_1203 : f32
        %add3A_1205 = arith.constant 9.99999996E-13 : f32
        %add3A_1206 = arith.addf %mul3A_1204, %add3A_1205 : f32
        %broadcast_in_dim3A_1207 = vector.broadcast %add3A_1206 : f32 to vector<16xf32>
        %bitcast_convert_type3A = tpu.bitcast %broadcast_in_dim3A_1207 : vector<16xf32> -> vector<16xi32>
        %shift_right_arithmetic3A = arith.constant 1 : i32
        %shift_right_arithmetic3A_1208 = vector.broadcast %shift_right_arithmetic3A : i32 to vector<16xi32>
        %shift_right_arithmetic3A_1209 = arith.shrsi %bitcast_convert_type3A, %shift_right_arithmetic3A_1208 : vector<16xi32>
        %sub3A_1210 = arith.constant 1597463007 : i32
        %sub3A_1211 = vector.broadcast %sub3A_1210 : i32 to vector<16xi32>
        %sub3A_1212 = arith.subi %sub3A_1211, %shift_right_arithmetic3A_1209 : vector<16xi32>
        %bitcast_convert_type3A_1213 = tpu.bitcast %sub3A_1212 : vector<16xi32> -> vector<16xf32>
        %mul3A_1214 = arith.constant 5.000000e-01 : f32
        %mul3A_1215 = vector.broadcast %mul3A_1214 : f32 to vector<16xf32>
        %mul3A_1216 = arith.mulf %mul3A_1215, %broadcast_in_dim3A_1207 : vector<16xf32>
        %mul3A_1217 = arith.mulf %mul3A_1216, %bitcast_convert_type3A_1213 : vector<16xf32>
        %mul3A_1218 = arith.mulf %mul3A_1217, %bitcast_convert_type3A_1213 : vector<16xf32>
        %sub3A_1219 = arith.constant 1.500000e+00 : f32
        %sub3A_1220 = vector.broadcast %sub3A_1219 : f32 to vector<16xf32>
        %sub3A_1221 = arith.subf %sub3A_1220, %mul3A_1218 : vector<16xf32>
        %mul3A_1222 = arith.mulf %bitcast_convert_type3A_1213, %sub3A_1221 : vector<16xf32>
        %mul3A_1223 = arith.constant 5.000000e-01 : f32
        %mul3A_1224 = vector.broadcast %mul3A_1223 : f32 to vector<16xf32>
        %mul3A_1225 = arith.mulf %mul3A_1224, %broadcast_in_dim3A_1207 : vector<16xf32>
        %mul3A_1226 = arith.mulf %mul3A_1225, %mul3A_1222 : vector<16xf32>
        %mul3A_1227 = arith.mulf %mul3A_1226, %mul3A_1222 : vector<16xf32>
        %sub3A_1228 = arith.constant 1.500000e+00 : f32
        %sub3A_1229 = vector.broadcast %sub3A_1228 : f32 to vector<16xf32>
        %sub3A_1230 = arith.subf %sub3A_1229, %mul3A_1227 : vector<16xf32>
        %mul3A_1231 = arith.mulf %mul3A_1222, %sub3A_1230 : vector<16xf32>
        %mul3A_1232 = arith.constant 5.000000e-01 : f32
        %mul3A_1233 = vector.broadcast %mul3A_1232 : f32 to vector<16xf32>
        %mul3A_1234 = arith.mulf %mul3A_1233, %broadcast_in_dim3A_1207 : vector<16xf32>
        %mul3A_1235 = arith.mulf %mul3A_1234, %mul3A_1231 : vector<16xf32>
        %mul3A_1236 = arith.mulf %mul3A_1235, %mul3A_1231 : vector<16xf32>
        %sub3A_1237 = arith.constant 1.500000e+00 : f32
        %sub3A_1238 = vector.broadcast %sub3A_1237 : f32 to vector<16xf32>
        %sub3A_1239 = arith.subf %sub3A_1238, %mul3A_1236 : vector<16xf32>
        %mul3A_1240 = arith.mulf %mul3A_1231, %sub3A_1239 : vector<16xf32>
        %mul3A_1241 = arith.mulf %sub3A, %mul3A_1240 : vector<16xf32>
        %mul3A_1242 = arith.mulf %mul3A_1241, %get3A_6 : vector<16xf32>
        %add3A_1243 = arith.addf %mul3A_1242, %get3A_38 : vector<16xf32>
        %swap3A = arith.constant 0 : i32
        %swap3A_1244 = arith.index_cast %swap3A : i32 to index
        %swap3A_1245 = arith.index_cast %scan3A_932 : i32 to index
        %swap3A_1246 = arith.constant 0 : index
        %swap3A_1247 = tpu.vector_load %arg12[%swap3A_1244, %swap3A_1245, %swap3A_1246] {strides = array<i32>} : memref<5x64x128xf32, #tpu.memory_space<vmem>>, vector<16xf32>,
        tpu.vector_store %arg12[%swap3A_1244, %swap3A_1245, %swap3A_1246], %add3A_1243 {strides = array<i32>} : memref<5x64x128xf32, #tpu.memory_space<vmem>>, vector<16xf32>,
        %mul3A_1248 = arith.mulf %sub3A_1177, %mul3A_1240 : vector<16xf32>
        %mul3A_1249 = arith.mulf %mul3A_1248, %get3A_10 : vector<16xf32>
        %add3A_1250 = arith.addf %mul3A_1249, %get3A_42 : vector<16xf32>
        %swap3A_1251 = arith.constant 0 : i32
        %swap3A_1252 = arith.index_cast %swap3A_1251 : i32 to index
        %swap3A_1253 = arith.index_cast %scan3A_932 : i32 to index
        %swap3A_1254 = arith.constant 16 : index
        %swap3A_1255 = tpu.vector_load %arg12[%swap3A_1252, %swap3A_1253, %swap3A_1254] {strides = array<i32>} : memref<5x64x128xf32, #tpu.memory_space<vmem>>, vector<16xf32>,
        tpu.vector_store %arg12[%swap3A_1252, %swap3A_1253, %swap3A_1254], %add3A_1250 {strides = array<i32>} : memref<5x64x128xf32, #tpu.memory_space<vmem>>, vector<16xf32>,
        %mul3A_1256 = arith.mulf %sub3A_1178, %mul3A_1240 : vector<16xf32>
        %mul3A_1257 = arith.mulf %mul3A_1256, %get3A_14 : vector<16xf32>
        %add3A_1258 = arith.addf %mul3A_1257, %get3A_46 : vector<16xf32>
        %swap3A_1259 = arith.constant 0 : i32
        %swap3A_1260 = arith.index_cast %swap3A_1259 : i32 to index
        %swap3A_1261 = arith.index_cast %scan3A_932 : i32 to index
        %swap3A_1262 = arith.constant 32 : index
        %swap3A_1263 = tpu.vector_load %arg12[%swap3A_1260, %swap3A_1261, %swap3A_1262] {strides = array<i32>} : memref<5x64x128xf32, #tpu.memory_space<vmem>>, vector<16xf32>,
        tpu.vector_store %arg12[%swap3A_1260, %swap3A_1261, %swap3A_1262], %add3A_1258 {strides = array<i32>} : memref<5x64x128xf32, #tpu.memory_space<vmem>>, vector<16xf32>,
        %mul3A_1264 = arith.mulf %sub3A_1179, %mul3A_1240 : vector<16xf32>
        %mul3A_1265 = arith.mulf %mul3A_1264, %get3A_18 : vector<16xf32>
        %add3A_1266 = arith.addf %mul3A_1265, %get3A_50 : vector<16xf32>
        %swap3A_1267 = arith.constant 0 : i32
        %swap3A_1268 = arith.index_cast %swap3A_1267 : i32 to index
        %swap3A_1269 = arith.index_cast %scan3A_932 : i32 to index
        %swap3A_1270 = arith.constant 48 : index
        %swap3A_1271 = tpu.vector_load %arg12[%swap3A_1268, %swap3A_1269, %swap3A_1270] {strides = array<i32>} : memref<5x64x128xf32, #tpu.memory_space<vmem>>, vector<16xf32>,
        tpu.vector_store %arg12[%swap3A_1268, %swap3A_1269, %swap3A_1270], %add3A_1266 {strides = array<i32>} : memref<5x64x128xf32, #tpu.memory_space<vmem>>, vector<16xf32>,
        %mul3A_1272 = arith.mulf %sub3A_1180, %mul3A_1240 : vector<16xf32>
        %mul3A_1273 = arith.mulf %mul3A_1272, %get3A_22 : vector<16xf32>
        %add3A_1274 = arith.addf %mul3A_1273, %get3A_54 : vector<16xf32>
        %swap3A_1275 = arith.constant 0 : i32
        %swap3A_1276 = arith.index_cast %swap3A_1275 : i32 to index
        %swap3A_1277 = arith.index_cast %scan3A_932 : i32 to index
        %swap3A_1278 = arith.constant 64 : index
        %swap3A_1279 = tpu.vector_load %arg12[%swap3A_1276, %swap3A_1277, %swap3A_1278] {strides = array<i32>} : memref<5x64x128xf32, #tpu.memory_space<vmem>>, vector<16xf32>,
        tpu.vector_store %arg12[%swap3A_1276, %swap3A_1277, %swap3A_1278], %add3A_1274 {strides = array<i32>} : memref<5x64x128xf32, #tpu.memory_space<vmem>>, vector<16xf32>,
        %mul3A_1280 = arith.mulf %sub3A_1181, %mul3A_1240 : vector<16xf32>
        %mul3A_1281 = arith.mulf %mul3A_1280, %get3A_26 : vector<16xf32>
        %add3A_1282 = arith.addf %mul3A_1281, %get3A_58 : vector<16xf32>
        %swap3A_1283 = arith.constant 0 : i32
        %swap3A_1284 = arith.index_cast %swap3A_1283 : i32 to index
        %swap3A_1285 = arith.index_cast %scan3A_932 : i32 to index
        %swap3A_1286 = arith.constant 80 : index
        %swap3A_1287 = tpu.vector_load %arg12[%swap3A_1284, %swap3A_1285, %swap3A_1286] {strides = array<i32>} : memref<5x64x128xf32, #tpu.memory_space<vmem>>, vector<16xf32>,
        tpu.vector_store %arg12[%swap3A_1284, %swap3A_1285, %swap3A_1286], %add3A_1282 {strides = array<i32>} : memref<5x64x128xf32, #tpu.memory_space<vmem>>, vector<16xf32>,
        %mul3A_1288 = arith.mulf %sub3A_1182, %mul3A_1240 : vector<16xf32>
        %mul3A_1289 = arith.mulf %mul3A_1288, %get3A_30 : vector<16xf32>
        %add3A_1290 = arith.addf %mul3A_1289, %get3A_62 : vector<16xf32>
        %swap3A_1291 = arith.constant 0 : i32
        %swap3A_1292 = arith.index_cast %swap3A_1291 : i32 to index
        %swap3A_1293 = arith.index_cast %scan3A_932 : i32 to index
        %swap3A_1294 = arith.constant 96 : index
        %swap3A_1295 = tpu.vector_load %arg12[%swap3A_1292, %swap3A_1293, %swap3A_1294] {strides = array<i32>} : memref<5x64x128xf32, #tpu.memory_space<vmem>>, vector<16xf32>,
        tpu.vector_store %arg12[%swap3A_1292, %swap3A_1293, %swap3A_1294], %add3A_1290 {strides = array<i32>} : memref<5x64x128xf32, #tpu.memory_space<vmem>>, vector<16xf32>,
        %mul3A_1296 = arith.mulf %sub3A_1183, %mul3A_1240 : vector<16xf32>
        %mul3A_1297 = arith.mulf %mul3A_1296, %get3A_34 : vector<16xf32>
        %add3A_1298 = arith.addf %mul3A_1297, %get3A_66 : vector<16xf32>
        %swap3A_1299 = arith.constant 0 : i32
        %swap3A_1300 = arith.index_cast %swap3A_1299 : i32 to index
        %swap3A_1301 = arith.index_cast %scan3A_932 : i32 to index
        %swap3A_1302 = arith.constant 112 : index
        %swap3A_1303 = tpu.vector_load %arg12[%swap3A_1300, %swap3A_1301, %swap3A_1302] {strides = array<i32>} : memref<5x64x128xf32, #tpu.memory_space<vmem>>, vector<16xf32>,
        tpu.vector_store %arg12[%swap3A_1300, %swap3A_1301, %swap3A_1302], %add3A_1298 {strides = array<i32>} : memref<5x64x128xf32, #tpu.memory_space<vmem>>, vector<16xf32>,
      }
      %scan3A_415 = arith.constant 64 : i32
      %mul3A_416 = arith.constant 64 : i32
      %mul3A_417 = arith.muli %add3A_272, %mul3A_416 : i32
      %add3A_418 = arith.addi %mul3A_2, %mul3A_417 : i32
      %dma_start3A_419 = arith.constant 0 : i32
      %dma_start3A_420 = arith.constant 0 : i32
      %dma_start3A_421 = arith.constant 0 : i32
      %dma_start3A_422 = tpu.memref_slice %arg12[%dma_start3A_419, %dma_start3A_420, %dma_start3A_421] : memref<5x64x128xf32, #tpu.memory_space<vmem>> -> memref<1x64x128xf32, #tpu.memory_space<vmem>>
      %dma_start3A_423 = tpu.memref_squeeze %dma_start3A_422 : memref<1x64x128xf32, #tpu.memory_space<vmem>> -> memref<64x128xf32, #tpu.memory_space<vmem>>
      %dma_start3A_424 = arith.constant 0 : i32
      %dma_start3A_425 = tpu.memref_slice %arg10[%add3A_418, %dma_start3A_424] : memref<204800x128xf32, #tpu.memory_space<hbm>> -> memref<64x128xf32, #tpu.memory_space<hbm>>
      %dma_start3A_426 = arith.constant 0 : i32
      %dma_start3A_427 = tpu.memref_slice %arg10[%add3A_418, %dma_start3A_426] : memref<204800x128xf32, #tpu.memory_space<hbm>> -> memref<64x128xf32, #tpu.memory_space<hbm>>
      %dma_start3A_428 = arith.constant 0 : i32
      %dma_start3A_429 = arith.constant 0 : i32
      %dma_start3A_430 = tpu.memref_slice %arg12[%dma_start3A_419, %dma_start3A_428, %dma_start3A_429] : memref<5x64x128xf32, #tpu.memory_space<vmem>> -> memref<1x64x128xf32, #tpu.memory_space<vmem>>
      %dma_start3A_431 = tpu.memref_squeeze %dma_start3A_430 : memref<1x64x128xf32, #tpu.memory_space<vmem>> -> memref<64x128xf32, #tpu.memory_space<vmem>>
      tpu.enqueue_dma source(%dma_start3A_431 : memref<64x128xf32, #tpu.memory_space<vmem>>) target(%dma_start3A_427 : memref<64x128xf32, #tpu.memory_space<hbm>>) target_semaphore(%arg17 : memref<!tpu.dma_semaphore, #tpu.memory_space<semaphore_mem>>)
      %mul3A_432 = arith.constant 2 : i32
      %mul3A_433 = arith.muli %mul3A_432, %add3A_264 : i32
      %add3A_434 = arith.constant 1 : i32
      %add3A_435 = arith.addi %mul3A_433, %add3A_434 : i32
      %add3A_436 = arith.constant 1 : i32
      %add3A_437 = arith.addi %add3A_435, %add3A_436 : i32
      %lt3A_438 = arith.constant 100 : i32
      %lt3A_439 = arith.cmpi slt, %add3A_437, %lt3A_438 : i32
      %convert_element_type3A_440 = arith.extui %lt3A_439 : i1 to i32
      %cond3A_441 = arith.constant 0 : i32
      %cond3A_442 = arith.cmpi ne, %convert_element_type3A_440, %cond3A_441 : i32
      scf.if %cond3A_442 {
        %ge3A = arith.constant 1 : i32
        %ge3A_932 = arith.cmpi sge, %add3A_435, %ge3A : i32
        %convert_element_type3A_933 = arith.extui %ge3A_932 : i1 to i32
        %cond3A_934 = arith.constant 0 : i32
        %cond3A_935 = arith.cmpi ne, %convert_element_type3A_933, %cond3A_934 : i32
        scf.if %cond3A_935 {
          %sub3A = arith.constant 1 : i32
          %sub3A_1084 = arith.subi %add3A_435, %sub3A : i32
          %mul3A_1085 = arith.constant 64 : i32
          %mul3A_1086 = arith.muli %sub3A_1084, %mul3A_1085 : i32
          %add3A_1087 = arith.addi %mul3A_2, %mul3A_1086 : i32
          %dma_wait3A_1088 = arith.constant 0 : i32
          %dma_wait3A_1089 = arith.constant 0 : i32
          %dma_wait3A_1090 = arith.constant 0 : i32
          %dma_wait3A_1091 = tpu.memref_slice %arg12[%dma_wait3A_1088, %dma_wait3A_1089, %dma_wait3A_1090] : memref<5x64x128xf32, #tpu.memory_space<vmem>> -> memref<1x64x128xf32, #tpu.memory_space<vmem>>
          %dma_wait3A_1092 = tpu.memref_squeeze %dma_wait3A_1091 : memref<1x64x128xf32, #tpu.memory_space<vmem>> -> memref<64x128xf32, #tpu.memory_space<vmem>>
          %dma_wait3A_1093 = arith.constant 0 : i32
          %dma_wait3A_1094 = tpu.memref_slice %arg10[%add3A_1087, %dma_wait3A_1093] : memref<204800x128xf32, #tpu.memory_space<hbm>> -> memref<64x128xf32, #tpu.memory_space<hbm>>
          %dma_wait3A_1095 = arith.constant 0 : i32
          %dma_wait3A_1096 = tpu.memref_slice %arg10[%add3A_1087, %dma_wait3A_1095] : memref<204800x128xf32, #tpu.memory_space<hbm>> -> memref<64x128xf32, #tpu.memory_space<hbm>>
          %dma_wait3A_1097 = arith.constant 0 : i32
          %dma_wait3A_1098 = arith.constant 0 : i32
          %dma_wait3A_1099 = tpu.memref_slice %arg12[%dma_wait3A_1088, %dma_wait3A_1097, %dma_wait3A_1098] : memref<5x64x128xf32, #tpu.memory_space<vmem>> -> memref<1x64x128xf32, #tpu.memory_space<vmem>>
          %dma_wait3A_1100 = tpu.memref_squeeze %dma_wait3A_1099 : memref<1x64x128xf32, #tpu.memory_space<vmem>> -> memref<64x128xf32, #tpu.memory_space<vmem>>
          tpu.wait_dma2 semaphore(%arg17 : memref<!tpu.dma_semaphore, #tpu.memory_space<semaphore_mem>>) src(%dma_wait3A_1100 : memref<64x128xf32, #tpu.memory_space<vmem>>) dst(%dma_wait3A_1096 : memref<64x128xf32, #tpu.memory_space<hbm>>)
        } else {
        }
        %add3A_936 = arith.constant 1 : i32
        %add3A_937 = arith.addi %add3A_264, %add3A_936 : i32
        %mul3A_938 = arith.constant 128 : i32
        %mul3A_939 = arith.muli %add3A_937, %mul3A_938 : i32
        %add3A_940 = arith.addi %mul3A_2, %mul3A_939 : i32
        %dma_wait3A_941 = arith.constant 1 : i32
        %dma_wait3A_942 = arith.constant 0 : i32
        %dma_wait3A_943 = arith.constant 0 : i32
        %dma_wait3A_944 = tpu.memref_slice %arg11[%dma_wait3A_941, %dma_wait3A_942, %dma_wait3A_943] : memref<2x8x128xi32, #tpu.memory_space<vmem>> -> memref<1x5x128xi32, #tpu.memory_space<vmem>>
        %dma_wait3A_945 = tpu.memref_squeeze %dma_wait3A_944 : memref<1x5x128xi32, #tpu.memory_space<vmem>> -> memref<5x128xi32, #tpu.memory_space<vmem>>
        %dma_wait3A_946 = arith.constant 0 : i32
        %dma_wait3A_947 = tpu.memref_slice %arg2[%dma_wait3A_946, %add3A_940] : memref<5x204800xi32, #tpu.memory_space<hbm>> -> memref<5x128xi32, #tpu.memory_space<hbm>>
        %dma_wait3A_948 = arith.constant 0 : i32
        %dma_wait3A_949 = arith.constant 0 : i32
        %dma_wait3A_950 = tpu.memref_slice %arg11[%dma_wait3A_941, %dma_wait3A_948, %dma_wait3A_949] : memref<2x8x128xi32, #tpu.memory_space<vmem>> -> memref<1x5x128xi32, #tpu.memory_space<vmem>>
        %dma_wait3A_951 = tpu.memref_squeeze %dma_wait3A_950 : memref<1x5x128xi32, #tpu.memory_space<vmem>> -> memref<5x128xi32, #tpu.memory_space<vmem>>
        %dma_wait3A_952 = arith.constant 0 : i32
        %dma_wait3A_953 = tpu.memref_slice %arg2[%dma_wait3A_952, %add3A_940] : memref<5x204800xi32, #tpu.memory_space<hbm>> -> memref<5x128xi32, #tpu.memory_space<hbm>>
        tpu.wait_dma2 semaphore(%arg19 : memref<!tpu.dma_semaphore, #tpu.memory_space<semaphore_mem>>) src(%dma_wait3A_953 : memref<5x128xi32, #tpu.memory_space<hbm>>) dst(%dma_wait3A_951 : memref<5x128xi32, #tpu.memory_space<vmem>>)
        %dma_start3A_954 = arith.constant 1 : i32
        %dma_start3A_955 = arith.constant 0 : i32
        %dma_start3A_956 = arith.constant 0 : i32
        %dma_start3A_957 = arith.constant 0 : i32
        %dma_start3A_958 = arith.constant 0 : i32
        %dma_start3A_959 = tpu.memref_slice %arg12[%dma_start3A_956, %dma_start3A_957, %dma_start3A_958] : memref<5x64x128xf32, #tpu.memory_space<vmem>> -> memref<1x32x128xf32, #tpu.memory_space<vmem>>
        %dma_start3A_960 = tpu.memref_squeeze %dma_start3A_959 : memref<1x32x128xf32, #tpu.memory_space<vmem>> -> memref<32x128xf32, #tpu.memory_space<vmem>>
        %dma_start3A_961 = arith.constant 0 : i32
        %dma_start3A_962 = tpu.memref_slice %arg11[%dma_start3A_954, %dma_start3A_955, %dma_start3A_961] : memref<2x8x128xi32, #tpu.memory_space<vmem>> -> memref<1x1x32xi32, #tpu.memory_space<vmem>>
        %dma_start3A_963 = tpu.memref_squeeze %dma_start3A_962 : memref<1x1x32xi32, #tpu.memory_space<vmem>> -> memref<32xi32, #tpu.memory_space<vmem>>
        %dma_start3A_964 = arith.constant 0 : i32
        %dma_start3A_965 = arith.constant 0 : i32
        %dma_start3A_966 = tpu.memref_slice %arg3[%dma_start3A_964, %dma_start3A_965] : memref<100000x128xf32, #tpu.memory_space<hbm>> -> memref<100000x128xf32, #tpu.memory_space<hbm>>
        tpu.enqueue_indirect_dma source(%dma_start3A_966 : memref<100000x128xf32, #tpu.memory_space<hbm>>) target(%dma_start3A_960 : memref<32x128xf32, #tpu.memory_space<vmem>>) offsets(%dma_start3A_963 : memref<32xi32, #tpu.memory_space<vmem>>) semaphore(%arg15 : memref<!tpu.dma_semaphore, #tpu.memory_space<semaphore_mem>>)
        %dma_start3A_967 = arith.constant 1 : i32
        %dma_start3A_968 = arith.constant 0 : i32
        %dma_start3A_969 = arith.constant 0 : i32
        %dma_start3A_970 = arith.constant 32 : i32
        %dma_start3A_971 = arith.constant 0 : i32
        %dma_start3A_972 = tpu.memref_slice %arg12[%dma_start3A_969, %dma_start3A_970, %dma_start3A_971] : memref<5x64x128xf32, #tpu.memory_space<vmem>> -> memref<1x32x128xf32, #tpu.memory_space<vmem>>
        %dma_start3A_973 = tpu.memref_squeeze %dma_start3A_972 : memref<1x32x128xf32, #tpu.memory_space<vmem>> -> memref<32x128xf32, #tpu.memory_space<vmem>>
        %dma_start3A_974 = arith.constant 32 : i32
        %dma_start3A_975 = tpu.memref_slice %arg11[%dma_start3A_967, %dma_start3A_968, %dma_start3A_974] : memref<2x8x128xi32, #tpu.memory_space<vmem>> -> memref<1x1x32xi32, #tpu.memory_space<vmem>>
        %dma_start3A_976 = tpu.memref_squeeze %dma_start3A_975 : memref<1x1x32xi32, #tpu.memory_space<vmem>> -> memref<32xi32, #tpu.memory_space<vmem>>
        %dma_start3A_977 = arith.constant 0 : i32
        %dma_start3A_978 = arith.constant 0 : i32
        %dma_start3A_979 = tpu.memref_slice %arg3[%dma_start3A_977, %dma_start3A_978] : memref<100000x128xf32, #tpu.memory_space<hbm>> -> memref<100000x128xf32, #tpu.memory_space<hbm>>
        tpu.enqueue_indirect_dma source(%dma_start3A_979 : memref<100000x128xf32, #tpu.memory_space<hbm>>) target(%dma_start3A_973 : memref<32x128xf32, #tpu.memory_space<vmem>>) offsets(%dma_start3A_976 : memref<32xi32, #tpu.memory_space<vmem>>) semaphore(%arg15 : memref<!tpu.dma_semaphore, #tpu.memory_space<semaphore_mem>>)
        %dma_start3A_980 = arith.constant 1 : i32
        %dma_start3A_981 = arith.constant 1 : i32
        %dma_start3A_982 = arith.constant 1 : i32
        %dma_start3A_983 = arith.constant 0 : i32
        %dma_start3A_984 = arith.constant 0 : i32
        %dma_start3A_985 = tpu.memref_slice %arg12[%dma_start3A_982, %dma_start3A_983, %dma_start3A_984] : memref<5x64x128xf32, #tpu.memory_space<vmem>> -> memref<1x32x128xf32, #tpu.memory_space<vmem>>
        %dma_start3A_986 = tpu.memref_squeeze %dma_start3A_985 : memref<1x32x128xf32, #tpu.memory_space<vmem>> -> memref<32x128xf32, #tpu.memory_space<vmem>>
        %dma_start3A_987 = arith.constant 0 : i32
        %dma_start3A_988 = tpu.memref_slice %arg11[%dma_start3A_980, %dma_start3A_981, %dma_start3A_987] : memref<2x8x128xi32, #tpu.memory_space<vmem>> -> memref<1x1x32xi32, #tpu.memory_space<vmem>>
        %dma_start3A_989 = tpu.memref_squeeze %dma_start3A_988 : memref<1x1x32xi32, #tpu.memory_space<vmem>> -> memref<32xi32, #tpu.memory_space<vmem>>
        %dma_start3A_990 = arith.constant 0 : i32
        %dma_start3A_991 = arith.constant 0 : i32
        %dma_start3A_992 = tpu.memref_slice %arg4[%dma_start3A_990, %dma_start3A_991] : memref<200x128xf32, #tpu.memory_space<hbm>> -> memref<200x128xf32, #tpu.memory_space<hbm>>
        tpu.enqueue_indirect_dma source(%dma_start3A_992 : memref<200x128xf32, #tpu.memory_space<hbm>>) target(%dma_start3A_986 : memref<32x128xf32, #tpu.memory_space<vmem>>) offsets(%dma_start3A_989 : memref<32xi32, #tpu.memory_space<vmem>>) semaphore(%arg15 : memref<!tpu.dma_semaphore, #tpu.memory_space<semaphore_mem>>)
        %dma_start3A_993 = arith.constant 1 : i32
        %dma_start3A_994 = arith.constant 1 : i32
        %dma_start3A_995 = arith.constant 1 : i32
        %dma_start3A_996 = arith.constant 32 : i32
        %dma_start3A_997 = arith.constant 0 : i32
        %dma_start3A_998 = tpu.memref_slice %arg12[%dma_start3A_995, %dma_start3A_996, %dma_start3A_997] : memref<5x64x128xf32, #tpu.memory_space<vmem>> -> memref<1x32x128xf32, #tpu.memory_space<vmem>>
        %dma_start3A_999 = tpu.memref_squeeze %dma_start3A_998 : memref<1x32x128xf32, #tpu.memory_space<vmem>> -> memref<32x128xf32, #tpu.memory_space<vmem>>
        %dma_start3A_1000 = arith.constant 32 : i32
        %dma_start3A_1001 = tpu.memref_slice %arg11[%dma_start3A_993, %dma_start3A_994, %dma_start3A_1000] : memref<2x8x128xi32, #tpu.memory_space<vmem>> -> memref<1x1x32xi32, #tpu.memory_space<vmem>>
        %dma_start3A_1002 = tpu.memref_squeeze %dma_start3A_1001 : memref<1x1x32xi32, #tpu.memory_space<vmem>> -> memref<32xi32, #tpu.memory_space<vmem>>
        %dma_start3A_1003 = arith.constant 0 : i32
        %dma_start3A_1004 = arith.constant 0 : i32
        %dma_start3A_1005 = tpu.memref_slice %arg4[%dma_start3A_1003, %dma_start3A_1004] : memref<200x128xf32, #tpu.memory_space<hbm>> -> memref<200x128xf32, #tpu.memory_space<hbm>>
        tpu.enqueue_indirect_dma source(%dma_start3A_1005 : memref<200x128xf32, #tpu.memory_space<hbm>>) target(%dma_start3A_999 : memref<32x128xf32, #tpu.memory_space<vmem>>) offsets(%dma_start3A_1002 : memref<32xi32, #tpu.memory_space<vmem>>) semaphore(%arg15 : memref<!tpu.dma_semaphore, #tpu.memory_space<semaphore_mem>>)
        %dma_start3A_1006 = arith.constant 1 : i32
        %dma_start3A_1007 = arith.constant 2 : i32
        %dma_start3A_1008 = arith.constant 2 : i32
        %dma_start3A_1009 = arith.constant 0 : i32
        %dma_start3A_1010 = arith.constant 0 : i32
        %dma_start3A_1011 = tpu.memref_slice %arg12[%dma_start3A_1008, %dma_start3A_1009, %dma_start3A_1010] : memref<5x64x128xf32, #tpu.memory_space<vmem>> -> memref<1x32x128xf32, #tpu.memory_space<vmem>>
        %dma_start3A_1012 = tpu.memref_squeeze %dma_start3A_1011 : memref<1x32x128xf32, #tpu.memory_space<vmem>> -> memref<32x128xf32, #tpu.memory_space<vmem>>
        %dma_start3A_1013 = arith.constant 0 : i32
        %dma_start3A_1014 = tpu.memref_slice %arg11[%dma_start3A_1006, %dma_start3A_1007, %dma_start3A_1013] : memref<2x8x128xi32, #tpu.memory_space<vmem>> -> memref<1x1x32xi32, #tpu.memory_space<vmem>>
        %dma_start3A_1015 = tpu.memref_squeeze %dma_start3A_1014 : memref<1x1x32xi32, #tpu.memory_space<vmem>> -> memref<32xi32, #tpu.memory_space<vmem>>
        %dma_start3A_1016 = arith.constant 0 : i32
        %dma_start3A_1017 = arith.constant 0 : i32
        %dma_start3A_1018 = tpu.memref_slice %arg5[%dma_start3A_1016, %dma_start3A_1017] : memref<50x128xf32, #tpu.memory_space<hbm>> -> memref<50x128xf32, #tpu.memory_space<hbm>>
        tpu.enqueue_indirect_dma source(%dma_start3A_1018 : memref<50x128xf32, #tpu.memory_space<hbm>>) target(%dma_start3A_1012 : memref<32x128xf32, #tpu.memory_space<vmem>>) offsets(%dma_start3A_1015 : memref<32xi32, #tpu.memory_space<vmem>>) semaphore(%arg15 : memref<!tpu.dma_semaphore, #tpu.memory_space<semaphore_mem>>)
        %dma_start3A_1019 = arith.constant 1 : i32
        %dma_start3A_1020 = arith.constant 2 : i32
        %dma_start3A_1021 = arith.constant 2 : i32
        %dma_start3A_1022 = arith.constant 32 : i32
        %dma_start3A_1023 = arith.constant 0 : i32
        %dma_start3A_1024 = tpu.memref_slice %arg12[%dma_start3A_1021, %dma_start3A_1022, %dma_start3A_1023] : memref<5x64x128xf32, #tpu.memory_space<vmem>> -> memref<1x32x128xf32, #tpu.memory_space<vmem>>
        %dma_start3A_1025 = tpu.memref_squeeze %dma_start3A_1024 : memref<1x32x128xf32, #tpu.memory_space<vmem>> -> memref<32x128xf32, #tpu.memory_space<vmem>>
        %dma_start3A_1026 = arith.constant 32 : i32
        %dma_start3A_1027 = tpu.memref_slice %arg11[%dma_start3A_1019, %dma_start3A_1020, %dma_start3A_1026] : memref<2x8x128xi32, #tpu.memory_space<vmem>> -> memref<1x1x32xi32, #tpu.memory_space<vmem>>
        %dma_start3A_1028 = tpu.memref_squeeze %dma_start3A_1027 : memref<1x1x32xi32, #tpu.memory_space<vmem>> -> memref<32xi32, #tpu.memory_space<vmem>>
        %dma_start3A_1029 = arith.constant 0 : i32
        %dma_start3A_1030 = arith.constant 0 : i32
        %dma_start3A_1031 = tpu.memref_slice %arg5[%dma_start3A_1029, %dma_start3A_1030] : memref<50x128xf32, #tpu.memory_space<hbm>> -> memref<50x128xf32, #tpu.memory_space<hbm>>
        tpu.enqueue_indirect_dma source(%dma_start3A_1031 : memref<50x128xf32, #tpu.memory_space<hbm>>) target(%dma_start3A_1025 : memref<32x128xf32, #tpu.memory_space<vmem>>) offsets(%dma_start3A_1028 : memref<32xi32, #tpu.memory_space<vmem>>) semaphore(%arg15 : memref<!tpu.dma_semaphore, #tpu.memory_space<semaphore_mem>>)
        %dma_start3A_1032 = arith.constant 1 : i32
        %dma_start3A_1033 = arith.constant 3 : i32
        %dma_start3A_1034 = arith.constant 3 : i32
        %dma_start3A_1035 = arith.constant 0 : i32
        %dma_start3A_1036 = arith.constant 0 : i32
        %dma_start3A_1037 = tpu.memref_slice %arg12[%dma_start3A_1034, %dma_start3A_1035, %dma_start3A_1036] : memref<5x64x128xf32, #tpu.memory_space<vmem>> -> memref<1x32x128xf32, #tpu.memory_space<vmem>>
        %dma_start3A_1038 = tpu.memref_squeeze %dma_start3A_1037 : memref<1x32x128xf32, #tpu.memory_space<vmem>> -> memref<32x128xf32, #tpu.memory_space<vmem>>
        %dma_start3A_1039 = arith.constant 0 : i32
        %dma_start3A_1040 = tpu.memref_slice %arg11[%dma_start3A_1032, %dma_start3A_1033, %dma_start3A_1039] : memref<2x8x128xi32, #tpu.memory_space<vmem>> -> memref<1x1x32xi32, #tpu.memory_space<vmem>>
        %dma_start3A_1041 = tpu.memref_squeeze %dma_start3A_1040 : memref<1x1x32xi32, #tpu.memory_space<vmem>> -> memref<32xi32, #tpu.memory_space<vmem>>
        %dma_start3A_1042 = arith.constant 0 : i32
        %dma_start3A_1043 = arith.constant 0 : i32
        %dma_start3A_1044 = tpu.memref_slice %arg6[%dma_start3A_1042, %dma_start3A_1043] : memref<10002x128xf32, #tpu.memory_space<hbm>> -> memref<10002x128xf32, #tpu.memory_space<hbm>>
        tpu.enqueue_indirect_dma source(%dma_start3A_1044 : memref<10002x128xf32, #tpu.memory_space<hbm>>) target(%dma_start3A_1038 : memref<32x128xf32, #tpu.memory_space<vmem>>) offsets(%dma_start3A_1041 : memref<32xi32, #tpu.memory_space<vmem>>) semaphore(%arg15 : memref<!tpu.dma_semaphore, #tpu.memory_space<semaphore_mem>>)
        %dma_start3A_1045 = arith.constant 1 : i32
        %dma_start3A_1046 = arith.constant 3 : i32
        %dma_start3A_1047 = arith.constant 3 : i32
        %dma_start3A_1048 = arith.constant 32 : i32
        %dma_start3A_1049 = arith.constant 0 : i32
        %dma_start3A_1050 = tpu.memref_slice %arg12[%dma_start3A_1047, %dma_start3A_1048, %dma_start3A_1049] : memref<5x64x128xf32, #tpu.memory_space<vmem>> -> memref<1x32x128xf32, #tpu.memory_space<vmem>>
        %dma_start3A_1051 = tpu.memref_squeeze %dma_start3A_1050 : memref<1x32x128xf32, #tpu.memory_space<vmem>> -> memref<32x128xf32, #tpu.memory_space<vmem>>
        %dma_start3A_1052 = arith.constant 32 : i32
        %dma_start3A_1053 = tpu.memref_slice %arg11[%dma_start3A_1045, %dma_start3A_1046, %dma_start3A_1052] : memref<2x8x128xi32, #tpu.memory_space<vmem>> -> memref<1x1x32xi32, #tpu.memory_space<vmem>>
        %dma_start3A_1054 = tpu.memref_squeeze %dma_start3A_1053 : memref<1x1x32xi32, #tpu.memory_space<vmem>> -> memref<32xi32, #tpu.memory_space<vmem>>
        %dma_start3A_1055 = arith.constant 0 : i32
        %dma_start3A_1056 = arith.constant 0 : i32
        %dma_start3A_1057 = tpu.memref_slice %arg6[%dma_start3A_1055, %dma_start3A_1056] : memref<10002x128xf32, #tpu.memory_space<hbm>> -> memref<10002x128xf32, #tpu.memory_space<hbm>>
        tpu.enqueue_indirect_dma source(%dma_start3A_1057 : memref<10002x128xf32, #tpu.memory_space<hbm>>) target(%dma_start3A_1051 : memref<32x128xf32, #tpu.memory_space<vmem>>) offsets(%dma_start3A_1054 : memref<32xi32, #tpu.memory_space<vmem>>) semaphore(%arg15 : memref<!tpu.dma_semaphore, #tpu.memory_space<semaphore_mem>>)
        %dma_start3A_1058 = arith.constant 1 : i32
        %dma_start3A_1059 = arith.constant 4 : i32
        %dma_start3A_1060 = arith.constant 4 : i32
        %dma_start3A_1061 = arith.constant 0 : i32
        %dma_start3A_1062 = arith.constant 0 : i32
        %dma_start3A_1063 = tpu.memref_slice %arg12[%dma_start3A_1060, %dma_start3A_1061, %dma_start3A_1062] : memref<5x64x128xf32, #tpu.memory_space<vmem>> -> memref<1x32x128xf32, #tpu.memory_space<vmem>>
        %dma_start3A_1064 = tpu.memref_squeeze %dma_start3A_1063 : memref<1x32x128xf32, #tpu.memory_space<vmem>> -> memref<32x128xf32, #tpu.memory_space<vmem>>
        %dma_start3A_1065 = arith.constant 0 : i32
        %dma_start3A_1066 = tpu.memref_slice %arg11[%dma_start3A_1058, %dma_start3A_1059, %dma_start3A_1065] : memref<2x8x128xi32, #tpu.memory_space<vmem>> -> memref<1x1x32xi32, #tpu.memory_space<vmem>>
        %dma_start3A_1067 = tpu.memref_squeeze %dma_start3A_1066 : memref<1x1x32xi32, #tpu.memory_space<vmem>> -> memref<32xi32, #tpu.memory_space<vmem>>
        %dma_start3A_1068 = arith.constant 0 : i32
        %dma_start3A_1069 = arith.constant 0 : i32
        %dma_start3A_1070 = tpu.memref_slice %arg7[%dma_start3A_1068, %dma_start3A_1069] : memref<1000x128xf32, #tpu.memory_space<hbm>> -> memref<1000x128xf32, #tpu.memory_space<hbm>>
        tpu.enqueue_indirect_dma source(%dma_start3A_1070 : memref<1000x128xf32, #tpu.memory_space<hbm>>) target(%dma_start3A_1064 : memref<32x128xf32, #tpu.memory_space<vmem>>) offsets(%dma_start3A_1067 : memref<32xi32, #tpu.memory_space<vmem>>) semaphore(%arg15 : memref<!tpu.dma_semaphore, #tpu.memory_space<semaphore_mem>>)
        %dma_start3A_1071 = arith.constant 1 : i32
        %dma_start3A_1072 = arith.constant 4 : i32
        %dma_start3A_1073 = arith.constant 4 : i32
        %dma_start3A_1074 = arith.constant 32 : i32
        %dma_start3A_1075 = arith.constant 0 : i32
        %dma_start3A_1076 = tpu.memref_slice %arg12[%dma_start3A_1073, %dma_start3A_1074, %dma_start3A_1075] : memref<5x64x128xf32, #tpu.memory_space<vmem>> -> memref<1x32x128xf32, #tpu.memory_space<vmem>>
        %dma_start3A_1077 = tpu.memref_squeeze %dma_start3A_1076 : memref<1x32x128xf32, #tpu.memory_space<vmem>> -> memref<32x128xf32, #tpu.memory_space<vmem>>
        %dma_start3A_1078 = arith.constant 32 : i32
        %dma_start3A_1079 = tpu.memref_slice %arg11[%dma_start3A_1071, %dma_start3A_1072, %dma_start3A_1078] : memref<2x8x128xi32, #tpu.memory_space<vmem>> -> memref<1x1x32xi32, #tpu.memory_space<vmem>>
        %dma_start3A_1080 = tpu.memref_squeeze %dma_start3A_1079 : memref<1x1x32xi32, #tpu.memory_space<vmem>> -> memref<32xi32, #tpu.memory_space<vmem>>
        %dma_start3A_1081 = arith.constant 0 : i32
        %dma_start3A_1082 = arith.constant 0 : i32
        %dma_start3A_1083 = tpu.memref_slice %arg7[%dma_start3A_1081, %dma_start3A_1082] : memref<1000x128xf32, #tpu.memory_space<hbm>> -> memref<1000x128xf32, #tpu.memory_space<hbm>>
        tpu.enqueue_indirect_dma source(%dma_start3A_1083 : memref<1000x128xf32, #tpu.memory_space<hbm>>) target(%dma_start3A_1077 : memref<32x128xf32, #tpu.memory_space<vmem>>) offsets(%dma_start3A_1080 : memref<32xi32, #tpu.memory_space<vmem>>) semaphore(%arg15 : memref<!tpu.dma_semaphore, #tpu.memory_space<semaphore_mem>>)
      } else {
      }
      %dma_wait3A_443 = arith.constant 0 : i32
      %dma_wait3A_444 = arith.constant 0 : i32
      %dma_wait3A_445 = arith.constant 0 : i32
      %dma_wait3A_446 = arith.constant 0 : i32
      %dma_wait3A_447 = arith.constant 0 : i32
      %dma_wait3A_448 = tpu.memref_slice %arg13[%dma_wait3A_445, %dma_wait3A_446, %dma_wait3A_447] : memref<5x64x128xf32, #tpu.memory_space<vmem>> -> memref<1x32x128xf32, #tpu.memory_space<vmem>>
      %dma_wait3A_449 = tpu.memref_squeeze %dma_wait3A_448 : memref<1x32x128xf32, #tpu.memory_space<vmem>> -> memref<32x128xf32, #tpu.memory_space<vmem>>
      %dma_wait3A_450 = arith.constant 64 : i32
      %dma_wait3A_451 = tpu.memref_slice %arg11[%dma_wait3A_443, %dma_wait3A_444, %dma_wait3A_450] : memref<2x8x128xi32, #tpu.memory_space<vmem>> -> memref<1x1x32xi32, #tpu.memory_space<vmem>>
      %dma_wait3A_452 = tpu.memref_squeeze %dma_wait3A_451 : memref<1x1x32xi32, #tpu.memory_space<vmem>> -> memref<32xi32, #tpu.memory_space<vmem>>
      %dma_wait3A_453 = arith.constant 0 : i32
      %dma_wait3A_454 = arith.constant 0 : i32
      %dma_wait3A_455 = tpu.memref_slice %arg3[%dma_wait3A_453, %dma_wait3A_454] : memref<100000x128xf32, #tpu.memory_space<hbm>> -> memref<100000x128xf32, #tpu.memory_space<hbm>>
      tpu.wait_indirect_dma semaphore(%arg16 : memref<!tpu.dma_semaphore, #tpu.memory_space<semaphore_mem>>) src(%dma_wait3A_455 : memref<100000x128xf32, #tpu.memory_space<hbm>>) dst(%dma_wait3A_449 : memref<32x128xf32, #tpu.memory_space<vmem>>)
      %dma_wait3A_456 = arith.constant 0 : i32
      %dma_wait3A_457 = arith.constant 0 : i32
      %dma_wait3A_458 = arith.constant 0 : i32
      %dma_wait3A_459 = arith.constant 32 : i32
      %dma_wait3A_460 = arith.constant 0 : i32
      %dma_wait3A_461 = tpu.memref_slice %arg13[%dma_wait3A_458, %dma_wait3A_459, %dma_wait3A_460] : memref<5x64x128xf32, #tpu.memory_space<vmem>> -> memref<1x32x128xf32, #tpu.memory_space<vmem>>
      %dma_wait3A_462 = tpu.memref_squeeze %dma_wait3A_461 : memref<1x32x128xf32, #tpu.memory_space<vmem>> -> memref<32x128xf32, #tpu.memory_space<vmem>>
      %dma_wait3A_463 = arith.constant 96 : i32
      %dma_wait3A_464 = tpu.memref_slice %arg11[%dma_wait3A_456, %dma_wait3A_457, %dma_wait3A_463] : memref<2x8x128xi32, #tpu.memory_space<vmem>> -> memref<1x1x32xi32, #tpu.memory_space<vmem>>
      %dma_wait3A_465 = tpu.memref_squeeze %dma_wait3A_464 : memref<1x1x32xi32, #tpu.memory_space<vmem>> -> memref<32xi32, #tpu.memory_space<vmem>>
      %dma_wait3A_466 = arith.constant 0 : i32
      %dma_wait3A_467 = arith.constant 0 : i32
      %dma_wait3A_468 = tpu.memref_slice %arg3[%dma_wait3A_466, %dma_wait3A_467] : memref<100000x128xf32, #tpu.memory_space<hbm>> -> memref<100000x128xf32, #tpu.memory_space<hbm>>
      tpu.wait_indirect_dma semaphore(%arg16 : memref<!tpu.dma_semaphore, #tpu.memory_space<semaphore_mem>>) src(%dma_wait3A_468 : memref<100000x128xf32, #tpu.memory_space<hbm>>) dst(%dma_wait3A_462 : memref<32x128xf32, #tpu.memory_space<vmem>>)
      %dma_wait3A_469 = arith.constant 0 : i32
      %dma_wait3A_470 = arith.constant 1 : i32
      %dma_wait3A_471 = arith.constant 1 : i32
      %dma_wait3A_472 = arith.constant 0 : i32
      %dma_wait3A_473 = arith.constant 0 : i32
      %dma_wait3A_474 = tpu.memref_slice %arg13[%dma_wait3A_471, %dma_wait3A_472, %dma_wait3A_473] : memref<5x64x128xf32, #tpu.memory_space<vmem>> -> memref<1x32x128xf32, #tpu.memory_space<vmem>>
      %dma_wait3A_475 = tpu.memref_squeeze %dma_wait3A_474 : memref<1x32x128xf32, #tpu.memory_space<vmem>> -> memref<32x128xf32, #tpu.memory_space<vmem>>
      %dma_wait3A_476 = arith.constant 64 : i32
      %dma_wait3A_477 = tpu.memref_slice %arg11[%dma_wait3A_469, %dma_wait3A_470, %dma_wait3A_476] : memref<2x8x128xi32, #tpu.memory_space<vmem>> -> memref<1x1x32xi32, #tpu.memory_space<vmem>>
      %dma_wait3A_478 = tpu.memref_squeeze %dma_wait3A_477 : memref<1x1x32xi32, #tpu.memory_space<vmem>> -> memref<32xi32, #tpu.memory_space<vmem>>
      %dma_wait3A_479 = arith.constant 0 : i32
      %dma_wait3A_480 = arith.constant 0 : i32
      %dma_wait3A_481 = tpu.memref_slice %arg4[%dma_wait3A_479, %dma_wait3A_480] : memref<200x128xf32, #tpu.memory_space<hbm>> -> memref<200x128xf32, #tpu.memory_space<hbm>>
      tpu.wait_indirect_dma semaphore(%arg16 : memref<!tpu.dma_semaphore, #tpu.memory_space<semaphore_mem>>) src(%dma_wait3A_481 : memref<200x128xf32, #tpu.memory_space<hbm>>) dst(%dma_wait3A_475 : memref<32x128xf32, #tpu.memory_space<vmem>>)
      %dma_wait3A_482 = arith.constant 0 : i32
      %dma_wait3A_483 = arith.constant 1 : i32
      %dma_wait3A_484 = arith.constant 1 : i32
      %dma_wait3A_485 = arith.constant 32 : i32
      %dma_wait3A_486 = arith.constant 0 : i32
      %dma_wait3A_487 = tpu.memref_slice %arg13[%dma_wait3A_484, %dma_wait3A_485, %dma_wait3A_486] : memref<5x64x128xf32, #tpu.memory_space<vmem>> -> memref<1x32x128xf32, #tpu.memory_space<vmem>>
      %dma_wait3A_488 = tpu.memref_squeeze %dma_wait3A_487 : memref<1x32x128xf32, #tpu.memory_space<vmem>> -> memref<32x128xf32, #tpu.memory_space<vmem>>
      %dma_wait3A_489 = arith.constant 96 : i32
      %dma_wait3A_490 = tpu.memref_slice %arg11[%dma_wait3A_482, %dma_wait3A_483, %dma_wait3A_489] : memref<2x8x128xi32, #tpu.memory_space<vmem>> -> memref<1x1x32xi32, #tpu.memory_space<vmem>>
      %dma_wait3A_491 = tpu.memref_squeeze %dma_wait3A_490 : memref<1x1x32xi32, #tpu.memory_space<vmem>> -> memref<32xi32, #tpu.memory_space<vmem>>
      %dma_wait3A_492 = arith.constant 0 : i32
      %dma_wait3A_493 = arith.constant 0 : i32
      %dma_wait3A_494 = tpu.memref_slice %arg4[%dma_wait3A_492, %dma_wait3A_493] : memref<200x128xf32, #tpu.memory_space<hbm>> -> memref<200x128xf32, #tpu.memory_space<hbm>>
      tpu.wait_indirect_dma semaphore(%arg16 : memref<!tpu.dma_semaphore, #tpu.memory_space<semaphore_mem>>) src(%dma_wait3A_494 : memref<200x128xf32, #tpu.memory_space<hbm>>) dst(%dma_wait3A_488 : memref<32x128xf32, #tpu.memory_space<vmem>>)
      %dma_wait3A_495 = arith.constant 0 : i32
      %dma_wait3A_496 = arith.constant 2 : i32
      %dma_wait3A_497 = arith.constant 2 : i32
      %dma_wait3A_498 = arith.constant 0 : i32
      %dma_wait3A_499 = arith.constant 0 : i32
      %dma_wait3A_500 = tpu.memref_slice %arg13[%dma_wait3A_497, %dma_wait3A_498, %dma_wait3A_499] : memref<5x64x128xf32, #tpu.memory_space<vmem>> -> memref<1x32x128xf32, #tpu.memory_space<vmem>>
      %dma_wait3A_501 = tpu.memref_squeeze %dma_wait3A_500 : memref<1x32x128xf32, #tpu.memory_space<vmem>> -> memref<32x128xf32, #tpu.memory_space<vmem>>
      %dma_wait3A_502 = arith.constant 64 : i32
      %dma_wait3A_503 = tpu.memref_slice %arg11[%dma_wait3A_495, %dma_wait3A_496, %dma_wait3A_502] : memref<2x8x128xi32, #tpu.memory_space<vmem>> -> memref<1x1x32xi32, #tpu.memory_space<vmem>>
      %dma_wait3A_504 = tpu.memref_squeeze %dma_wait3A_503 : memref<1x1x32xi32, #tpu.memory_space<vmem>> -> memref<32xi32, #tpu.memory_space<vmem>>
      %dma_wait3A_505 = arith.constant 0 : i32
      %dma_wait3A_506 = arith.constant 0 : i32
      %dma_wait3A_507 = tpu.memref_slice %arg5[%dma_wait3A_505, %dma_wait3A_506] : memref<50x128xf32, #tpu.memory_space<hbm>> -> memref<50x128xf32, #tpu.memory_space<hbm>>
      tpu.wait_indirect_dma semaphore(%arg16 : memref<!tpu.dma_semaphore, #tpu.memory_space<semaphore_mem>>) src(%dma_wait3A_507 : memref<50x128xf32, #tpu.memory_space<hbm>>) dst(%dma_wait3A_501 : memref<32x128xf32, #tpu.memory_space<vmem>>)
      %dma_wait3A_508 = arith.constant 0 : i32
      %dma_wait3A_509 = arith.constant 2 : i32
      %dma_wait3A_510 = arith.constant 2 : i32
      %dma_wait3A_511 = arith.constant 32 : i32
      %dma_wait3A_512 = arith.constant 0 : i32
      %dma_wait3A_513 = tpu.memref_slice %arg13[%dma_wait3A_510, %dma_wait3A_511, %dma_wait3A_512] : memref<5x64x128xf32, #tpu.memory_space<vmem>> -> memref<1x32x128xf32, #tpu.memory_space<vmem>>
      %dma_wait3A_514 = tpu.memref_squeeze %dma_wait3A_513 : memref<1x32x128xf32, #tpu.memory_space<vmem>> -> memref<32x128xf32, #tpu.memory_space<vmem>>
      %dma_wait3A_515 = arith.constant 96 : i32
      %dma_wait3A_516 = tpu.memref_slice %arg11[%dma_wait3A_508, %dma_wait3A_509, %dma_wait3A_515] : memref<2x8x128xi32, #tpu.memory_space<vmem>> -> memref<1x1x32xi32, #tpu.memory_space<vmem>>
      %dma_wait3A_517 = tpu.memref_squeeze %dma_wait3A_516 : memref<1x1x32xi32, #tpu.memory_space<vmem>> -> memref<32xi32, #tpu.memory_space<vmem>>
      %dma_wait3A_518 = arith.constant 0 : i32
      %dma_wait3A_519 = arith.constant 0 : i32
      %dma_wait3A_520 = tpu.memref_slice %arg5[%dma_wait3A_518, %dma_wait3A_519] : memref<50x128xf32, #tpu.memory_space<hbm>> -> memref<50x128xf32, #tpu.memory_space<hbm>>
      tpu.wait_indirect_dma semaphore(%arg16 : memref<!tpu.dma_semaphore, #tpu.memory_space<semaphore_mem>>) src(%dma_wait3A_520 : memref<50x128xf32, #tpu.memory_space<hbm>>) dst(%dma_wait3A_514 : memref<32x128xf32, #tpu.memory_space<vmem>>)
      %dma_wait3A_521 = arith.constant 0 : i32
      %dma_wait3A_522 = arith.constant 3 : i32
      %dma_wait3A_523 = arith.constant 3 : i32
      %dma_wait3A_524 = arith.constant 0 : i32
      %dma_wait3A_525 = arith.constant 0 : i32
      %dma_wait3A_526 = tpu.memref_slice %arg13[%dma_wait3A_523, %dma_wait3A_524, %dma_wait3A_525] : memref<5x64x128xf32, #tpu.memory_space<vmem>> -> memref<1x32x128xf32, #tpu.memory_space<vmem>>
      %dma_wait3A_527 = tpu.memref_squeeze %dma_wait3A_526 : memref<1x32x128xf32, #tpu.memory_space<vmem>> -> memref<32x128xf32, #tpu.memory_space<vmem>>
      %dma_wait3A_528 = arith.constant 64 : i32
      %dma_wait3A_529 = tpu.memref_slice %arg11[%dma_wait3A_521, %dma_wait3A_522, %dma_wait3A_528] : memref<2x8x128xi32, #tpu.memory_space<vmem>> -> memref<1x1x32xi32, #tpu.memory_space<vmem>>
      %dma_wait3A_530 = tpu.memref_squeeze %dma_wait3A_529 : memref<1x1x32xi32, #tpu.memory_space<vmem>> -> memref<32xi32, #tpu.memory_space<vmem>>
      %dma_wait3A_531 = arith.constant 0 : i32
      %dma_wait3A_532 = arith.constant 0 : i32
      %dma_wait3A_533 = tpu.memref_slice %arg6[%dma_wait3A_531, %dma_wait3A_532] : memref<10002x128xf32, #tpu.memory_space<hbm>> -> memref<10002x128xf32, #tpu.memory_space<hbm>>
      tpu.wait_indirect_dma semaphore(%arg16 : memref<!tpu.dma_semaphore, #tpu.memory_space<semaphore_mem>>) src(%dma_wait3A_533 : memref<10002x128xf32, #tpu.memory_space<hbm>>) dst(%dma_wait3A_527 : memref<32x128xf32, #tpu.memory_space<vmem>>)
      %dma_wait3A_534 = arith.constant 0 : i32
      %dma_wait3A_535 = arith.constant 3 : i32
      %dma_wait3A_536 = arith.constant 3 : i32
      %dma_wait3A_537 = arith.constant 32 : i32
      %dma_wait3A_538 = arith.constant 0 : i32
      %dma_wait3A_539 = tpu.memref_slice %arg13[%dma_wait3A_536, %dma_wait3A_537, %dma_wait3A_538] : memref<5x64x128xf32, #tpu.memory_space<vmem>> -> memref<1x32x128xf32, #tpu.memory_space<vmem>>
      %dma_wait3A_540 = tpu.memref_squeeze %dma_wait3A_539 : memref<1x32x128xf32, #tpu.memory_space<vmem>> -> memref<32x128xf32, #tpu.memory_space<vmem>>
      %dma_wait3A_541 = arith.constant 96 : i32
      %dma_wait3A_542 = tpu.memref_slice %arg11[%dma_wait3A_534, %dma_wait3A_535, %dma_wait3A_541] : memref<2x8x128xi32, #tpu.memory_space<vmem>> -> memref<1x1x32xi32, #tpu.memory_space<vmem>>
      %dma_wait3A_543 = tpu.memref_squeeze %dma_wait3A_542 : memref<1x1x32xi32, #tpu.memory_space<vmem>> -> memref<32xi32, #tpu.memory_space<vmem>>
      %dma_wait3A_544 = arith.constant 0 : i32
      %dma_wait3A_545 = arith.constant 0 : i32
      %dma_wait3A_546 = tpu.memref_slice %arg6[%dma_wait3A_544, %dma_wait3A_545] : memref<10002x128xf32, #tpu.memory_space<hbm>> -> memref<10002x128xf32, #tpu.memory_space<hbm>>
      tpu.wait_indirect_dma semaphore(%arg16 : memref<!tpu.dma_semaphore, #tpu.memory_space<semaphore_mem>>) src(%dma_wait3A_546 : memref<10002x128xf32, #tpu.memory_space<hbm>>) dst(%dma_wait3A_540 : memref<32x128xf32, #tpu.memory_space<vmem>>)
      %dma_wait3A_547 = arith.constant 0 : i32
      %dma_wait3A_548 = arith.constant 4 : i32
      %dma_wait3A_549 = arith.constant 4 : i32
      %dma_wait3A_550 = arith.constant 0 : i32
      %dma_wait3A_551 = arith.constant 0 : i32
      %dma_wait3A_552 = tpu.memref_slice %arg13[%dma_wait3A_549, %dma_wait3A_550, %dma_wait3A_551] : memref<5x64x128xf32, #tpu.memory_space<vmem>> -> memref<1x32x128xf32, #tpu.memory_space<vmem>>
      %dma_wait3A_553 = tpu.memref_squeeze %dma_wait3A_552 : memref<1x32x128xf32, #tpu.memory_space<vmem>> -> memref<32x128xf32, #tpu.memory_space<vmem>>
      %dma_wait3A_554 = arith.constant 64 : i32
      %dma_wait3A_555 = tpu.memref_slice %arg11[%dma_wait3A_547, %dma_wait3A_548, %dma_wait3A_554] : memref<2x8x128xi32, #tpu.memory_space<vmem>> -> memref<1x1x32xi32, #tpu.memory_space<vmem>>
      %dma_wait3A_556 = tpu.memref_squeeze %dma_wait3A_555 : memref<1x1x32xi32, #tpu.memory_space<vmem>> -> memref<32xi32, #tpu.memory_space<vmem>>
      %dma_wait3A_557 = arith.constant 0 : i32
      %dma_wait3A_558 = arith.constant 0 : i32
      %dma_wait3A_559 = tpu.memref_slice %arg7[%dma_wait3A_557, %dma_wait3A_558] : memref<1000x128xf32, #tpu.memory_space<hbm>> -> memref<1000x128xf32, #tpu.memory_space<hbm>>
      tpu.wait_indirect_dma semaphore(%arg16 : memref<!tpu.dma_semaphore, #tpu.memory_space<semaphore_mem>>) src(%dma_wait3A_559 : memref<1000x128xf32, #tpu.memory_space<hbm>>) dst(%dma_wait3A_553 : memref<32x128xf32, #tpu.memory_space<vmem>>)
      %dma_wait3A_560 = arith.constant 0 : i32
      %dma_wait3A_561 = arith.constant 4 : i32
      %dma_wait3A_562 = arith.constant 4 : i32
      %dma_wait3A_563 = arith.constant 32 : i32
      %dma_wait3A_564 = arith.constant 0 : i32
      %dma_wait3A_565 = tpu.memref_slice %arg13[%dma_wait3A_562, %dma_wait3A_563, %dma_wait3A_564] : memref<5x64x128xf32, #tpu.memory_space<vmem>> -> memref<1x32x128xf32, #tpu.memory_space<vmem>>
      %dma_wait3A_566 = tpu.memref_squeeze %dma_wait3A_565 : memref<1x32x128xf32, #tpu.memory_space<vmem>> -> memref<32x128xf32, #tpu.memory_space<vmem>>
      %dma_wait3A_567 = arith.constant 96 : i32
      %dma_wait3A_568 = tpu.memref_slice %arg11[%dma_wait3A_560, %dma_wait3A_561, %dma_wait3A_567] : memref<2x8x128xi32, #tpu.memory_space<vmem>> -> memref<1x1x32xi32, #tpu.memory_space<vmem>>
      %dma_wait3A_569 = tpu.memref_squeeze %dma_wait3A_568 : memref<1x1x32xi32, #tpu.memory_space<vmem>> -> memref<32xi32, #tpu.memory_space<vmem>>
      %dma_wait3A_570 = arith.constant 0 : i32
      %dma_wait3A_571 = arith.constant 0 : i32
      %dma_wait3A_572 = tpu.memref_slice %arg7[%dma_wait3A_570, %dma_wait3A_571] : memref<1000x128xf32, #tpu.memory_space<hbm>> -> memref<1000x128xf32, #tpu.memory_space<hbm>>
      tpu.wait_indirect_dma semaphore(%arg16 : memref<!tpu.dma_semaphore, #tpu.memory_space<semaphore_mem>>) src(%dma_wait3A_572 : memref<1000x128xf32, #tpu.memory_space<hbm>>) dst(%dma_wait3A_566 : memref<32x128xf32, #tpu.memory_space<vmem>>)
      %scan3A_573 = arith.constant 0 : i32
      %scan3A_574 = arith.constant 0 : i32
      %scan3A_575 = arith.constant 64 : i32
      %scan3A_576 = arith.addi %scan3A_574, %scan3A_575 : i32
      %scan3A_577 = arith.constant 1 : i32
      scf.for %scan3A_932 = %scan3A_574 to %scan3A_576 step %scan3A_577  : i32 {
        %get3A_933 = arith.constant 0 : i32
        %get3A_934 = arith.index_cast %get3A_933 : i32 to index
        %get3A_935 = arith.index_cast %scan3A_932 : i32 to index
        %get3A_936 = arith.constant 0 : index
        %get3A_937 = tpu.vector_load %arg13[%get3A_934, %get3A_935, %get3A_936] {strides = array<i32>} : memref<5x64x128xf32, #tpu.memory_space<vmem>>, vector<16xf32>,
        %get3A_938 = arith.constant 1 : i32
        %get3A_939 = arith.index_cast %get3A_938 : i32 to index
        %get3A_940 = arith.index_cast %scan3A_932 : i32 to index
        %get3A_941 = arith.constant 0 : index
        %get3A_942 = tpu.vector_load %arg13[%get3A_939, %get3A_940, %get3A_941] {strides = array<i32>} : memref<5x64x128xf32, #tpu.memory_space<vmem>>, vector<16xf32>,
        %add3A_943 = arith.addf %get3A_937, %get3A_942 : vector<16xf32>
        %get3A_944 = arith.constant 2 : i32
        %get3A_945 = arith.index_cast %get3A_944 : i32 to index
        %get3A_946 = arith.index_cast %scan3A_932 : i32 to index
        %get3A_947 = arith.constant 0 : index
        %get3A_948 = tpu.vector_load %arg13[%get3A_945, %get3A_946, %get3A_947] {strides = array<i32>} : memref<5x64x128xf32, #tpu.memory_space<vmem>>, vector<16xf32>,
        %add3A_949 = arith.addf %add3A_943, %get3A_948 : vector<16xf32>
        %get3A_950 = arith.constant 3 : i32
        %get3A_951 = arith.index_cast %get3A_950 : i32 to index
        %get3A_952 = arith.index_cast %scan3A_932 : i32 to index
        %get3A_953 = arith.constant 0 : index
        %get3A_954 = tpu.vector_load %arg13[%get3A_951, %get3A_952, %get3A_953] {strides = array<i32>} : memref<5x64x128xf32, #tpu.memory_space<vmem>>, vector<16xf32>,
        %add3A_955 = arith.addf %add3A_949, %get3A_954 : vector<16xf32>
        %get3A_956 = arith.constant 4 : i32
        %get3A_957 = arith.index_cast %get3A_956 : i32 to index
        %get3A_958 = arith.index_cast %scan3A_932 : i32 to index
        %get3A_959 = arith.constant 0 : index
        %get3A_960 = tpu.vector_load %arg13[%get3A_957, %get3A_958, %get3A_959] {strides = array<i32>} : memref<5x64x128xf32, #tpu.memory_space<vmem>>, vector<16xf32>,
        %add3A_961 = arith.addf %add3A_955, %get3A_960 : vector<16xf32>
        %get3A_962 = arith.constant 0 : i32
        %get3A_963 = arith.index_cast %get3A_962 : i32 to index
        %get3A_964 = arith.index_cast %scan3A_932 : i32 to index
        %get3A_965 = arith.constant 16 : index
        %get3A_966 = tpu.vector_load %arg13[%get3A_963, %get3A_964, %get3A_965] {strides = array<i32>} : memref<5x64x128xf32, #tpu.memory_space<vmem>>, vector<16xf32>,
        %get3A_967 = arith.constant 1 : i32
        %get3A_968 = arith.index_cast %get3A_967 : i32 to index
        %get3A_969 = arith.index_cast %scan3A_932 : i32 to index
        %get3A_970 = arith.constant 16 : index
        %get3A_971 = tpu.vector_load %arg13[%get3A_968, %get3A_969, %get3A_970] {strides = array<i32>} : memref<5x64x128xf32, #tpu.memory_space<vmem>>, vector<16xf32>,
        %add3A_972 = arith.addf %get3A_966, %get3A_971 : vector<16xf32>
        %get3A_973 = arith.constant 2 : i32
        %get3A_974 = arith.index_cast %get3A_973 : i32 to index
        %get3A_975 = arith.index_cast %scan3A_932 : i32 to index
        %get3A_976 = arith.constant 16 : index
        %get3A_977 = tpu.vector_load %arg13[%get3A_974, %get3A_975, %get3A_976] {strides = array<i32>} : memref<5x64x128xf32, #tpu.memory_space<vmem>>, vector<16xf32>,
        %add3A_978 = arith.addf %add3A_972, %get3A_977 : vector<16xf32>
        %get3A_979 = arith.constant 3 : i32
        %get3A_980 = arith.index_cast %get3A_979 : i32 to index
        %get3A_981 = arith.index_cast %scan3A_932 : i32 to index
        %get3A_982 = arith.constant 16 : index
        %get3A_983 = tpu.vector_load %arg13[%get3A_980, %get3A_981, %get3A_982] {strides = array<i32>} : memref<5x64x128xf32, #tpu.memory_space<vmem>>, vector<16xf32>,
        %add3A_984 = arith.addf %add3A_978, %get3A_983 : vector<16xf32>
        %get3A_985 = arith.constant 4 : i32
        %get3A_986 = arith.index_cast %get3A_985 : i32 to index
        %get3A_987 = arith.index_cast %scan3A_932 : i32 to index
        %get3A_988 = arith.constant 16 : index
        %get3A_989 = tpu.vector_load %arg13[%get3A_986, %get3A_987, %get3A_988] {strides = array<i32>} : memref<5x64x128xf32, #tpu.memory_space<vmem>>, vector<16xf32>,
        %add3A_990 = arith.addf %add3A_984, %get3A_989 : vector<16xf32>
        %get3A_991 = arith.constant 0 : i32
        %get3A_992 = arith.index_cast %get3A_991 : i32 to index
        %get3A_993 = arith.index_cast %scan3A_932 : i32 to index
        %get3A_994 = arith.constant 32 : index
        %get3A_995 = tpu.vector_load %arg13[%get3A_992, %get3A_993, %get3A_994] {strides = array<i32>} : memref<5x64x128xf32, #tpu.memory_space<vmem>>, vector<16xf32>,
        %get3A_996 = arith.constant 1 : i32
        %get3A_997 = arith.index_cast %get3A_996 : i32 to index
        %get3A_998 = arith.index_cast %scan3A_932 : i32 to index
        %get3A_999 = arith.constant 32 : index
        %get3A_1000 = tpu.vector_load %arg13[%get3A_997, %get3A_998, %get3A_999] {strides = array<i32>} : memref<5x64x128xf32, #tpu.memory_space<vmem>>, vector<16xf32>,
        %add3A_1001 = arith.addf %get3A_995, %get3A_1000 : vector<16xf32>
        %get3A_1002 = arith.constant 2 : i32
        %get3A_1003 = arith.index_cast %get3A_1002 : i32 to index
        %get3A_1004 = arith.index_cast %scan3A_932 : i32 to index
        %get3A_1005 = arith.constant 32 : index
        %get3A_1006 = tpu.vector_load %arg13[%get3A_1003, %get3A_1004, %get3A_1005] {strides = array<i32>} : memref<5x64x128xf32, #tpu.memory_space<vmem>>, vector<16xf32>,
        %add3A_1007 = arith.addf %add3A_1001, %get3A_1006 : vector<16xf32>
        %get3A_1008 = arith.constant 3 : i32
        %get3A_1009 = arith.index_cast %get3A_1008 : i32 to index
        %get3A_1010 = arith.index_cast %scan3A_932 : i32 to index
        %get3A_1011 = arith.constant 32 : index
        %get3A_1012 = tpu.vector_load %arg13[%get3A_1009, %get3A_1010, %get3A_1011] {strides = array<i32>} : memref<5x64x128xf32, #tpu.memory_space<vmem>>, vector<16xf32>,
        %add3A_1013 = arith.addf %add3A_1007, %get3A_1012 : vector<16xf32>
        %get3A_1014 = arith.constant 4 : i32
        %get3A_1015 = arith.index_cast %get3A_1014 : i32 to index
        %get3A_1016 = arith.index_cast %scan3A_932 : i32 to index
        %get3A_1017 = arith.constant 32 : index
        %get3A_1018 = tpu.vector_load %arg13[%get3A_1015, %get3A_1016, %get3A_1017] {strides = array<i32>} : memref<5x64x128xf32, #tpu.memory_space<vmem>>, vector<16xf32>,
        %add3A_1019 = arith.addf %add3A_1013, %get3A_1018 : vector<16xf32>
        %get3A_1020 = arith.constant 0 : i32
        %get3A_1021 = arith.index_cast %get3A_1020 : i32 to index
        %get3A_1022 = arith.index_cast %scan3A_932 : i32 to index
        %get3A_1023 = arith.constant 48 : index
        %get3A_1024 = tpu.vector_load %arg13[%get3A_1021, %get3A_1022, %get3A_1023] {strides = array<i32>} : memref<5x64x128xf32, #tpu.memory_space<vmem>>, vector<16xf32>,
        %get3A_1025 = arith.constant 1 : i32
        %get3A_1026 = arith.index_cast %get3A_1025 : i32 to index
        %get3A_1027 = arith.index_cast %scan3A_932 : i32 to index
        %get3A_1028 = arith.constant 48 : index
        %get3A_1029 = tpu.vector_load %arg13[%get3A_1026, %get3A_1027, %get3A_1028] {strides = array<i32>} : memref<5x64x128xf32, #tpu.memory_space<vmem>>, vector<16xf32>,
        %add3A_1030 = arith.addf %get3A_1024, %get3A_1029 : vector<16xf32>
        %get3A_1031 = arith.constant 2 : i32
        %get3A_1032 = arith.index_cast %get3A_1031 : i32 to index
        %get3A_1033 = arith.index_cast %scan3A_932 : i32 to index
        %get3A_1034 = arith.constant 48 : index
        %get3A_1035 = tpu.vector_load %arg13[%get3A_1032, %get3A_1033, %get3A_1034] {strides = array<i32>} : memref<5x64x128xf32, #tpu.memory_space<vmem>>, vector<16xf32>,
        %add3A_1036 = arith.addf %add3A_1030, %get3A_1035 : vector<16xf32>
        %get3A_1037 = arith.constant 3 : i32
        %get3A_1038 = arith.index_cast %get3A_1037 : i32 to index
        %get3A_1039 = arith.index_cast %scan3A_932 : i32 to index
        %get3A_1040 = arith.constant 48 : index
        %get3A_1041 = tpu.vector_load %arg13[%get3A_1038, %get3A_1039, %get3A_1040] {strides = array<i32>} : memref<5x64x128xf32, #tpu.memory_space<vmem>>, vector<16xf32>,
        %add3A_1042 = arith.addf %add3A_1036, %get3A_1041 : vector<16xf32>
        %get3A_1043 = arith.constant 4 : i32
        %get3A_1044 = arith.index_cast %get3A_1043 : i32 to index
        %get3A_1045 = arith.index_cast %scan3A_932 : i32 to index
        %get3A_1046 = arith.constant 48 : index
        %get3A_1047 = tpu.vector_load %arg13[%get3A_1044, %get3A_1045, %get3A_1046] {strides = array<i32>} : memref<5x64x128xf32, #tpu.memory_space<vmem>>, vector<16xf32>,
        %add3A_1048 = arith.addf %add3A_1042, %get3A_1047 : vector<16xf32>
        %get3A_1049 = arith.constant 0 : i32
        %get3A_1050 = arith.index_cast %get3A_1049 : i32 to index
        %get3A_1051 = arith.index_cast %scan3A_932 : i32 to index
        %get3A_1052 = arith.constant 64 : index
        %get3A_1053 = tpu.vector_load %arg13[%get3A_1050, %get3A_1051, %get3A_1052] {strides = array<i32>} : memref<5x64x128xf32, #tpu.memory_space<vmem>>, vector<16xf32>,
        %get3A_1054 = arith.constant 1 : i32
        %get3A_1055 = arith.index_cast %get3A_1054 : i32 to index
        %get3A_1056 = arith.index_cast %scan3A_932 : i32 to index
        %get3A_1057 = arith.constant 64 : index
        %get3A_1058 = tpu.vector_load %arg13[%get3A_1055, %get3A_1056, %get3A_1057] {strides = array<i32>} : memref<5x64x128xf32, #tpu.memory_space<vmem>>, vector<16xf32>,
        %add3A_1059 = arith.addf %get3A_1053, %get3A_1058 : vector<16xf32>
        %get3A_1060 = arith.constant 2 : i32
        %get3A_1061 = arith.index_cast %get3A_1060 : i32 to index
        %get3A_1062 = arith.index_cast %scan3A_932 : i32 to index
        %get3A_1063 = arith.constant 64 : index
        %get3A_1064 = tpu.vector_load %arg13[%get3A_1061, %get3A_1062, %get3A_1063] {strides = array<i32>} : memref<5x64x128xf32, #tpu.memory_space<vmem>>, vector<16xf32>,
        %add3A_1065 = arith.addf %add3A_1059, %get3A_1064 : vector<16xf32>
        %get3A_1066 = arith.constant 3 : i32
        %get3A_1067 = arith.index_cast %get3A_1066 : i32 to index
        %get3A_1068 = arith.index_cast %scan3A_932 : i32 to index
        %get3A_1069 = arith.constant 64 : index
        %get3A_1070 = tpu.vector_load %arg13[%get3A_1067, %get3A_1068, %get3A_1069] {strides = array<i32>} : memref<5x64x128xf32, #tpu.memory_space<vmem>>, vector<16xf32>,
        %add3A_1071 = arith.addf %add3A_1065, %get3A_1070 : vector<16xf32>
        %get3A_1072 = arith.constant 4 : i32
        %get3A_1073 = arith.index_cast %get3A_1072 : i32 to index
        %get3A_1074 = arith.index_cast %scan3A_932 : i32 to index
        %get3A_1075 = arith.constant 64 : index
        %get3A_1076 = tpu.vector_load %arg13[%get3A_1073, %get3A_1074, %get3A_1075] {strides = array<i32>} : memref<5x64x128xf32, #tpu.memory_space<vmem>>, vector<16xf32>,
        %add3A_1077 = arith.addf %add3A_1071, %get3A_1076 : vector<16xf32>
        %get3A_1078 = arith.constant 0 : i32
        %get3A_1079 = arith.index_cast %get3A_1078 : i32 to index
        %get3A_1080 = arith.index_cast %scan3A_932 : i32 to index
        %get3A_1081 = arith.constant 80 : index
        %get3A_1082 = tpu.vector_load %arg13[%get3A_1079, %get3A_1080, %get3A_1081] {strides = array<i32>} : memref<5x64x128xf32, #tpu.memory_space<vmem>>, vector<16xf32>,
        %get3A_1083 = arith.constant 1 : i32
        %get3A_1084 = arith.index_cast %get3A_1083 : i32 to index
        %get3A_1085 = arith.index_cast %scan3A_932 : i32 to index
        %get3A_1086 = arith.constant 80 : index
        %get3A_1087 = tpu.vector_load %arg13[%get3A_1084, %get3A_1085, %get3A_1086] {strides = array<i32>} : memref<5x64x128xf32, #tpu.memory_space<vmem>>, vector<16xf32>,
        %add3A_1088 = arith.addf %get3A_1082, %get3A_1087 : vector<16xf32>
        %get3A_1089 = arith.constant 2 : i32
        %get3A_1090 = arith.index_cast %get3A_1089 : i32 to index
        %get3A_1091 = arith.index_cast %scan3A_932 : i32 to index
        %get3A_1092 = arith.constant 80 : index
        %get3A_1093 = tpu.vector_load %arg13[%get3A_1090, %get3A_1091, %get3A_1092] {strides = array<i32>} : memref<5x64x128xf32, #tpu.memory_space<vmem>>, vector<16xf32>,
        %add3A_1094 = arith.addf %add3A_1088, %get3A_1093 : vector<16xf32>
        %get3A_1095 = arith.constant 3 : i32
        %get3A_1096 = arith.index_cast %get3A_1095 : i32 to index
        %get3A_1097 = arith.index_cast %scan3A_932 : i32 to index
        %get3A_1098 = arith.constant 80 : index
        %get3A_1099 = tpu.vector_load %arg13[%get3A_1096, %get3A_1097, %get3A_1098] {strides = array<i32>} : memref<5x64x128xf32, #tpu.memory_space<vmem>>, vector<16xf32>,
        %add3A_1100 = arith.addf %add3A_1094, %get3A_1099 : vector<16xf32>
        %get3A_1101 = arith.constant 4 : i32
        %get3A_1102 = arith.index_cast %get3A_1101 : i32 to index
        %get3A_1103 = arith.index_cast %scan3A_932 : i32 to index
        %get3A_1104 = arith.constant 80 : index
        %get3A_1105 = tpu.vector_load %arg13[%get3A_1102, %get3A_1103, %get3A_1104] {strides = array<i32>} : memref<5x64x128xf32, #tpu.memory_space<vmem>>, vector<16xf32>,
        %add3A_1106 = arith.addf %add3A_1100, %get3A_1105 : vector<16xf32>
        %get3A_1107 = arith.constant 0 : i32
        %get3A_1108 = arith.index_cast %get3A_1107 : i32 to index
        %get3A_1109 = arith.index_cast %scan3A_932 : i32 to index
        %get3A_1110 = arith.constant 96 : index
        %get3A_1111 = tpu.vector_load %arg13[%get3A_1108, %get3A_1109, %get3A_1110] {strides = array<i32>} : memref<5x64x128xf32, #tpu.memory_space<vmem>>, vector<16xf32>,
        %get3A_1112 = arith.constant 1 : i32
        %get3A_1113 = arith.index_cast %get3A_1112 : i32 to index
        %get3A_1114 = arith.index_cast %scan3A_932 : i32 to index
        %get3A_1115 = arith.constant 96 : index
        %get3A_1116 = tpu.vector_load %arg13[%get3A_1113, %get3A_1114, %get3A_1115] {strides = array<i32>} : memref<5x64x128xf32, #tpu.memory_space<vmem>>, vector<16xf32>,
        %add3A_1117 = arith.addf %get3A_1111, %get3A_1116 : vector<16xf32>
        %get3A_1118 = arith.constant 2 : i32
        %get3A_1119 = arith.index_cast %get3A_1118 : i32 to index
        %get3A_1120 = arith.index_cast %scan3A_932 : i32 to index
        %get3A_1121 = arith.constant 96 : index
        %get3A_1122 = tpu.vector_load %arg13[%get3A_1119, %get3A_1120, %get3A_1121] {strides = array<i32>} : memref<5x64x128xf32, #tpu.memory_space<vmem>>, vector<16xf32>,
        %add3A_1123 = arith.addf %add3A_1117, %get3A_1122 : vector<16xf32>
        %get3A_1124 = arith.constant 3 : i32
        %get3A_1125 = arith.index_cast %get3A_1124 : i32 to index
        %get3A_1126 = arith.index_cast %scan3A_932 : i32 to index
        %get3A_1127 = arith.constant 96 : index
        %get3A_1128 = tpu.vector_load %arg13[%get3A_1125, %get3A_1126, %get3A_1127] {strides = array<i32>} : memref<5x64x128xf32, #tpu.memory_space<vmem>>, vector<16xf32>,
        %add3A_1129 = arith.addf %add3A_1123, %get3A_1128 : vector<16xf32>
        %get3A_1130 = arith.constant 4 : i32
        %get3A_1131 = arith.index_cast %get3A_1130 : i32 to index
        %get3A_1132 = arith.index_cast %scan3A_932 : i32 to index
        %get3A_1133 = arith.constant 96 : index
        %get3A_1134 = tpu.vector_load %arg13[%get3A_1131, %get3A_1132, %get3A_1133] {strides = array<i32>} : memref<5x64x128xf32, #tpu.memory_space<vmem>>, vector<16xf32>,
        %add3A_1135 = arith.addf %add3A_1129, %get3A_1134 : vector<16xf32>
        %get3A_1136 = arith.constant 0 : i32
        %get3A_1137 = arith.index_cast %get3A_1136 : i32 to index
        %get3A_1138 = arith.index_cast %scan3A_932 : i32 to index
        %get3A_1139 = arith.constant 112 : index
        %get3A_1140 = tpu.vector_load %arg13[%get3A_1137, %get3A_1138, %get3A_1139] {strides = array<i32>} : memref<5x64x128xf32, #tpu.memory_space<vmem>>, vector<16xf32>,
        %get3A_1141 = arith.constant 1 : i32
        %get3A_1142 = arith.index_cast %get3A_1141 : i32 to index
        %get3A_1143 = arith.index_cast %scan3A_932 : i32 to index
        %get3A_1144 = arith.constant 112 : index
        %get3A_1145 = tpu.vector_load %arg13[%get3A_1142, %get3A_1143, %get3A_1144] {strides = array<i32>} : memref<5x64x128xf32, #tpu.memory_space<vmem>>, vector<16xf32>,
        %add3A_1146 = arith.addf %get3A_1140, %get3A_1145 : vector<16xf32>
        %get3A_1147 = arith.constant 2 : i32
        %get3A_1148 = arith.index_cast %get3A_1147 : i32 to index
        %get3A_1149 = arith.index_cast %scan3A_932 : i32 to index
        %get3A_1150 = arith.constant 112 : index
        %get3A_1151 = tpu.vector_load %arg13[%get3A_1148, %get3A_1149, %get3A_1150] {strides = array<i32>} : memref<5x64x128xf32, #tpu.memory_space<vmem>>, vector<16xf32>,
        %add3A_1152 = arith.addf %add3A_1146, %get3A_1151 : vector<16xf32>
        %get3A_1153 = arith.constant 3 : i32
        %get3A_1154 = arith.index_cast %get3A_1153 : i32 to index
        %get3A_1155 = arith.index_cast %scan3A_932 : i32 to index
        %get3A_1156 = arith.constant 112 : index
        %get3A_1157 = tpu.vector_load %arg13[%get3A_1154, %get3A_1155, %get3A_1156] {strides = array<i32>} : memref<5x64x128xf32, #tpu.memory_space<vmem>>, vector<16xf32>,
        %add3A_1158 = arith.addf %add3A_1152, %get3A_1157 : vector<16xf32>
        %get3A_1159 = arith.constant 4 : i32
        %get3A_1160 = arith.index_cast %get3A_1159 : i32 to index
        %get3A_1161 = arith.index_cast %scan3A_932 : i32 to index
        %get3A_1162 = arith.constant 112 : index
        %get3A_1163 = tpu.vector_load %arg13[%get3A_1160, %get3A_1161, %get3A_1162] {strides = array<i32>} : memref<5x64x128xf32, #tpu.memory_space<vmem>>, vector<16xf32>,
        %add3A_1164 = arith.addf %add3A_1158, %get3A_1163 : vector<16xf32>
        %add3A_1165 = arith.addf %add3A_961, %add3A_990 : vector<16xf32>
        %add3A_1166 = arith.addf %add3A_1165, %add3A_1019 : vector<16xf32>
        %add3A_1167 = arith.addf %add3A_1166, %add3A_1048 : vector<16xf32>
        %add3A_1168 = arith.addf %add3A_1167, %add3A_1077 : vector<16xf32>
        %add3A_1169 = arith.addf %add3A_1168, %add3A_1106 : vector<16xf32>
        %add3A_1170 = arith.addf %add3A_1169, %add3A_1135 : vector<16xf32>
        %add3A_1171 = arith.addf %add3A_1170, %add3A_1164 : vector<16xf32>
        %reduce_sum3A = arith.constant true
        %reduce_sum3A_1172 = vector.broadcast %reduce_sum3A : i1 to vector<16xi1>
        %reduce_sum3A_1173 = tpu.scan <sum>, %add3A_1171 masked %reduce_sum3A_1172 : vector<16xf32>, vector<16xi1> -> vector<16xf32>
        %reduce_sum3A_1174 = vector.extract %reduce_sum3A_1173[15] : f32 from vector<16xf32>
        %mul3A_1175 = arith.constant 7.812500e-03 : f32
        %mul3A_1176 = arith.mulf %reduce_sum3A_1174, %mul3A_1175 : f32
        %broadcast_in_dim3A = vector.broadcast %mul3A_1176 : f32 to vector<16xf32>
        %sub3A = arith.subf %add3A_961, %broadcast_in_dim3A : vector<16xf32>
        %sub3A_1177 = arith.subf %add3A_990, %broadcast_in_dim3A : vector<16xf32>
        %sub3A_1178 = arith.subf %add3A_1019, %broadcast_in_dim3A : vector<16xf32>
        %sub3A_1179 = arith.subf %add3A_1048, %broadcast_in_dim3A : vector<16xf32>
        %sub3A_1180 = arith.subf %add3A_1077, %broadcast_in_dim3A : vector<16xf32>
        %sub3A_1181 = arith.subf %add3A_1106, %broadcast_in_dim3A : vector<16xf32>
        %sub3A_1182 = arith.subf %add3A_1135, %broadcast_in_dim3A : vector<16xf32>
        %sub3A_1183 = arith.subf %add3A_1164, %broadcast_in_dim3A : vector<16xf32>
        %mul3A_1184 = arith.mulf %sub3A, %sub3A : vector<16xf32>
        %mul3A_1185 = arith.mulf %sub3A_1177, %sub3A_1177 : vector<16xf32>
        %add3A_1186 = arith.addf %mul3A_1184, %mul3A_1185 : vector<16xf32>
        %mul3A_1187 = arith.mulf %sub3A_1178, %sub3A_1178 : vector<16xf32>
        %add3A_1188 = arith.addf %add3A_1186, %mul3A_1187 : vector<16xf32>
        %mul3A_1189 = arith.mulf %sub3A_1179, %sub3A_1179 : vector<16xf32>
        %add3A_1190 = arith.addf %add3A_1188, %mul3A_1189 : vector<16xf32>
        %mul3A_1191 = arith.mulf %sub3A_1180, %sub3A_1180 : vector<16xf32>
        %add3A_1192 = arith.addf %add3A_1190, %mul3A_1191 : vector<16xf32>
        %mul3A_1193 = arith.mulf %sub3A_1181, %sub3A_1181 : vector<16xf32>
        %add3A_1194 = arith.addf %add3A_1192, %mul3A_1193 : vector<16xf32>
        %mul3A_1195 = arith.mulf %sub3A_1182, %sub3A_1182 : vector<16xf32>
        %add3A_1196 = arith.addf %add3A_1194, %mul3A_1195 : vector<16xf32>
        %mul3A_1197 = arith.mulf %sub3A_1183, %sub3A_1183 : vector<16xf32>
        %add3A_1198 = arith.addf %add3A_1196, %mul3A_1197 : vector<16xf32>
        %reduce_sum3A_1199 = arith.constant true
        %reduce_sum3A_1200 = vector.broadcast %reduce_sum3A_1199 : i1 to vector<16xi1>
        %reduce_sum3A_1201 = tpu.scan <sum>, %add3A_1198 masked %reduce_sum3A_1200 : vector<16xf32>, vector<16xi1> -> vector<16xf32>
        %reduce_sum3A_1202 = vector.extract %reduce_sum3A_1201[15] : f32 from vector<16xf32>
        %mul3A_1203 = arith.constant 7.812500e-03 : f32
        %mul3A_1204 = arith.mulf %reduce_sum3A_1202, %mul3A_1203 : f32
        %add3A_1205 = arith.constant 9.99999996E-13 : f32
        %add3A_1206 = arith.addf %mul3A_1204, %add3A_1205 : f32
        %broadcast_in_dim3A_1207 = vector.broadcast %add3A_1206 : f32 to vector<16xf32>
        %bitcast_convert_type3A = tpu.bitcast %broadcast_in_dim3A_1207 : vector<16xf32> -> vector<16xi32>
        %shift_right_arithmetic3A = arith.constant 1 : i32
        %shift_right_arithmetic3A_1208 = vector.broadcast %shift_right_arithmetic3A : i32 to vector<16xi32>
        %shift_right_arithmetic3A_1209 = arith.shrsi %bitcast_convert_type3A, %shift_right_arithmetic3A_1208 : vector<16xi32>
        %sub3A_1210 = arith.constant 1597463007 : i32
        %sub3A_1211 = vector.broadcast %sub3A_1210 : i32 to vector<16xi32>
        %sub3A_1212 = arith.subi %sub3A_1211, %shift_right_arithmetic3A_1209 : vector<16xi32>
        %bitcast_convert_type3A_1213 = tpu.bitcast %sub3A_1212 : vector<16xi32> -> vector<16xf32>
        %mul3A_1214 = arith.constant 5.000000e-01 : f32
        %mul3A_1215 = vector.broadcast %mul3A_1214 : f32 to vector<16xf32>
        %mul3A_1216 = arith.mulf %mul3A_1215, %broadcast_in_dim3A_1207 : vector<16xf32>
        %mul3A_1217 = arith.mulf %mul3A_1216, %bitcast_convert_type3A_1213 : vector<16xf32>
        %mul3A_1218 = arith.mulf %mul3A_1217, %bitcast_convert_type3A_1213 : vector<16xf32>
        %sub3A_1219 = arith.constant 1.500000e+00 : f32
        %sub3A_1220 = vector.broadcast %sub3A_1219 : f32 to vector<16xf32>
        %sub3A_1221 = arith.subf %sub3A_1220, %mul3A_1218 : vector<16xf32>
        %mul3A_1222 = arith.mulf %bitcast_convert_type3A_1213, %sub3A_1221 : vector<16xf32>
        %mul3A_1223 = arith.constant 5.000000e-01 : f32
        %mul3A_1224 = vector.broadcast %mul3A_1223 : f32 to vector<16xf32>
        %mul3A_1225 = arith.mulf %mul3A_1224, %broadcast_in_dim3A_1207 : vector<16xf32>
        %mul3A_1226 = arith.mulf %mul3A_1225, %mul3A_1222 : vector<16xf32>
        %mul3A_1227 = arith.mulf %mul3A_1226, %mul3A_1222 : vector<16xf32>
        %sub3A_1228 = arith.constant 1.500000e+00 : f32
        %sub3A_1229 = vector.broadcast %sub3A_1228 : f32 to vector<16xf32>
        %sub3A_1230 = arith.subf %sub3A_1229, %mul3A_1227 : vector<16xf32>
        %mul3A_1231 = arith.mulf %mul3A_1222, %sub3A_1230 : vector<16xf32>
        %mul3A_1232 = arith.constant 5.000000e-01 : f32
        %mul3A_1233 = vector.broadcast %mul3A_1232 : f32 to vector<16xf32>
        %mul3A_1234 = arith.mulf %mul3A_1233, %broadcast_in_dim3A_1207 : vector<16xf32>
        %mul3A_1235 = arith.mulf %mul3A_1234, %mul3A_1231 : vector<16xf32>
        %mul3A_1236 = arith.mulf %mul3A_1235, %mul3A_1231 : vector<16xf32>
        %sub3A_1237 = arith.constant 1.500000e+00 : f32
        %sub3A_1238 = vector.broadcast %sub3A_1237 : f32 to vector<16xf32>
        %sub3A_1239 = arith.subf %sub3A_1238, %mul3A_1236 : vector<16xf32>
        %mul3A_1240 = arith.mulf %mul3A_1231, %sub3A_1239 : vector<16xf32>
        %mul3A_1241 = arith.mulf %sub3A, %mul3A_1240 : vector<16xf32>
        %mul3A_1242 = arith.mulf %mul3A_1241, %get3A_6 : vector<16xf32>
        %add3A_1243 = arith.addf %mul3A_1242, %get3A_38 : vector<16xf32>
        %swap3A = arith.constant 0 : i32
        %swap3A_1244 = arith.index_cast %swap3A : i32 to index
        %swap3A_1245 = arith.index_cast %scan3A_932 : i32 to index
        %swap3A_1246 = arith.constant 0 : index
        %swap3A_1247 = tpu.vector_load %arg13[%swap3A_1244, %swap3A_1245, %swap3A_1246] {strides = array<i32>} : memref<5x64x128xf32, #tpu.memory_space<vmem>>, vector<16xf32>,
        tpu.vector_store %arg13[%swap3A_1244, %swap3A_1245, %swap3A_1246], %add3A_1243 {strides = array<i32>} : memref<5x64x128xf32, #tpu.memory_space<vmem>>, vector<16xf32>,
        %mul3A_1248 = arith.mulf %sub3A_1177, %mul3A_1240 : vector<16xf32>
        %mul3A_1249 = arith.mulf %mul3A_1248, %get3A_10 : vector<16xf32>
        %add3A_1250 = arith.addf %mul3A_1249, %get3A_42 : vector<16xf32>
        %swap3A_1251 = arith.constant 0 : i32
        %swap3A_1252 = arith.index_cast %swap3A_1251 : i32 to index
        %swap3A_1253 = arith.index_cast %scan3A_932 : i32 to index
        %swap3A_1254 = arith.constant 16 : index
        %swap3A_1255 = tpu.vector_load %arg13[%swap3A_1252, %swap3A_1253, %swap3A_1254] {strides = array<i32>} : memref<5x64x128xf32, #tpu.memory_space<vmem>>, vector<16xf32>,
        tpu.vector_store %arg13[%swap3A_1252, %swap3A_1253, %swap3A_1254], %add3A_1250 {strides = array<i32>} : memref<5x64x128xf32, #tpu.memory_space<vmem>>, vector<16xf32>,
        %mul3A_1256 = arith.mulf %sub3A_1178, %mul3A_1240 : vector<16xf32>
        %mul3A_1257 = arith.mulf %mul3A_1256, %get3A_14 : vector<16xf32>
        %add3A_1258 = arith.addf %mul3A_1257, %get3A_46 : vector<16xf32>
        %swap3A_1259 = arith.constant 0 : i32
        %swap3A_1260 = arith.index_cast %swap3A_1259 : i32 to index
        %swap3A_1261 = arith.index_cast %scan3A_932 : i32 to index
        %swap3A_1262 = arith.constant 32 : index
        %swap3A_1263 = tpu.vector_load %arg13[%swap3A_1260, %swap3A_1261, %swap3A_1262] {strides = array<i32>} : memref<5x64x128xf32, #tpu.memory_space<vmem>>, vector<16xf32>,
        tpu.vector_store %arg13[%swap3A_1260, %swap3A_1261, %swap3A_1262], %add3A_1258 {strides = array<i32>} : memref<5x64x128xf32, #tpu.memory_space<vmem>>, vector<16xf32>,
        %mul3A_1264 = arith.mulf %sub3A_1179, %mul3A_1240 : vector<16xf32>
        %mul3A_1265 = arith.mulf %mul3A_1264, %get3A_18 : vector<16xf32>
        %add3A_1266 = arith.addf %mul3A_1265, %get3A_50 : vector<16xf32>
        %swap3A_1267 = arith.constant 0 : i32
        %swap3A_1268 = arith.index_cast %swap3A_1267 : i32 to index
        %swap3A_1269 = arith.index_cast %scan3A_932 : i32 to index
        %swap3A_1270 = arith.constant 48 : index
        %swap3A_1271 = tpu.vector_load %arg13[%swap3A_1268, %swap3A_1269, %swap3A_1270] {strides = array<i32>} : memref<5x64x128xf32, #tpu.memory_space<vmem>>, vector<16xf32>,
        tpu.vector_store %arg13[%swap3A_1268, %swap3A_1269, %swap3A_1270], %add3A_1266 {strides = array<i32>} : memref<5x64x128xf32, #tpu.memory_space<vmem>>, vector<16xf32>,
        %mul3A_1272 = arith.mulf %sub3A_1180, %mul3A_1240 : vector<16xf32>
        %mul3A_1273 = arith.mulf %mul3A_1272, %get3A_22 : vector<16xf32>
        %add3A_1274 = arith.addf %mul3A_1273, %get3A_54 : vector<16xf32>
        %swap3A_1275 = arith.constant 0 : i32
        %swap3A_1276 = arith.index_cast %swap3A_1275 : i32 to index
        %swap3A_1277 = arith.index_cast %scan3A_932 : i32 to index
        %swap3A_1278 = arith.constant 64 : index
        %swap3A_1279 = tpu.vector_load %arg13[%swap3A_1276, %swap3A_1277, %swap3A_1278] {strides = array<i32>} : memref<5x64x128xf32, #tpu.memory_space<vmem>>, vector<16xf32>,
        tpu.vector_store %arg13[%swap3A_1276, %swap3A_1277, %swap3A_1278], %add3A_1274 {strides = array<i32>} : memref<5x64x128xf32, #tpu.memory_space<vmem>>, vector<16xf32>,
        %mul3A_1280 = arith.mulf %sub3A_1181, %mul3A_1240 : vector<16xf32>
        %mul3A_1281 = arith.mulf %mul3A_1280, %get3A_26 : vector<16xf32>
        %add3A_1282 = arith.addf %mul3A_1281, %get3A_58 : vector<16xf32>
        %swap3A_1283 = arith.constant 0 : i32
        %swap3A_1284 = arith.index_cast %swap3A_1283 : i32 to index
        %swap3A_1285 = arith.index_cast %scan3A_932 : i32 to index
        %swap3A_1286 = arith.constant 80 : index
        %swap3A_1287 = tpu.vector_load %arg13[%swap3A_1284, %swap3A_1285, %swap3A_1286] {strides = array<i32>} : memref<5x64x128xf32, #tpu.memory_space<vmem>>, vector<16xf32>,
        tpu.vector_store %arg13[%swap3A_1284, %swap3A_1285, %swap3A_1286], %add3A_1282 {strides = array<i32>} : memref<5x64x128xf32, #tpu.memory_space<vmem>>, vector<16xf32>,
        %mul3A_1288 = arith.mulf %sub3A_1182, %mul3A_1240 : vector<16xf32>
        %mul3A_1289 = arith.mulf %mul3A_1288, %get3A_30 : vector<16xf32>
        %add3A_1290 = arith.addf %mul3A_1289, %get3A_62 : vector<16xf32>
        %swap3A_1291 = arith.constant 0 : i32
        %swap3A_1292 = arith.index_cast %swap3A_1291 : i32 to index
        %swap3A_1293 = arith.index_cast %scan3A_932 : i32 to index
        %swap3A_1294 = arith.constant 96 : index
        %swap3A_1295 = tpu.vector_load %arg13[%swap3A_1292, %swap3A_1293, %swap3A_1294] {strides = array<i32>} : memref<5x64x128xf32, #tpu.memory_space<vmem>>, vector<16xf32>,
        tpu.vector_store %arg13[%swap3A_1292, %swap3A_1293, %swap3A_1294], %add3A_1290 {strides = array<i32>} : memref<5x64x128xf32, #tpu.memory_space<vmem>>, vector<16xf32>,
        %mul3A_1296 = arith.mulf %sub3A_1183, %mul3A_1240 : vector<16xf32>
        %mul3A_1297 = arith.mulf %mul3A_1296, %get3A_34 : vector<16xf32>
        %add3A_1298 = arith.addf %mul3A_1297, %get3A_66 : vector<16xf32>
        %swap3A_1299 = arith.constant 0 : i32
        %swap3A_1300 = arith.index_cast %swap3A_1299 : i32 to index
        %swap3A_1301 = arith.index_cast %scan3A_932 : i32 to index
        %swap3A_1302 = arith.constant 112 : index
        %swap3A_1303 = tpu.vector_load %arg13[%swap3A_1300, %swap3A_1301, %swap3A_1302] {strides = array<i32>} : memref<5x64x128xf32, #tpu.memory_space<vmem>>, vector<16xf32>,
        tpu.vector_store %arg13[%swap3A_1300, %swap3A_1301, %swap3A_1302], %add3A_1298 {strides = array<i32>} : memref<5x64x128xf32, #tpu.memory_space<vmem>>, vector<16xf32>,
      }
      %scan3A_578 = arith.constant 64 : i32
      %mul3A_579 = arith.constant 64 : i32
      %mul3A_580 = arith.muli %add3A_435, %mul3A_579 : i32
      %add3A_581 = arith.addi %mul3A_2, %mul3A_580 : i32
      %dma_start3A_582 = arith.constant 0 : i32
      %dma_start3A_583 = arith.constant 0 : i32
      %dma_start3A_584 = arith.constant 0 : i32
      %dma_start3A_585 = tpu.memref_slice %arg13[%dma_start3A_582, %dma_start3A_583, %dma_start3A_584] : memref<5x64x128xf32, #tpu.memory_space<vmem>> -> memref<1x64x128xf32, #tpu.memory_space<vmem>>
      %dma_start3A_586 = tpu.memref_squeeze %dma_start3A_585 : memref<1x64x128xf32, #tpu.memory_space<vmem>> -> memref<64x128xf32, #tpu.memory_space<vmem>>
      %dma_start3A_587 = arith.constant 0 : i32
      %dma_start3A_588 = tpu.memref_slice %arg10[%add3A_581, %dma_start3A_587] : memref<204800x128xf32, #tpu.memory_space<hbm>> -> memref<64x128xf32, #tpu.memory_space<hbm>>
      %dma_start3A_589 = arith.constant 0 : i32
      %dma_start3A_590 = tpu.memref_slice %arg10[%add3A_581, %dma_start3A_589] : memref<204800x128xf32, #tpu.memory_space<hbm>> -> memref<64x128xf32, #tpu.memory_space<hbm>>
      %dma_start3A_591 = arith.constant 0 : i32
      %dma_start3A_592 = arith.constant 0 : i32
      %dma_start3A_593 = tpu.memref_slice %arg13[%dma_start3A_582, %dma_start3A_591, %dma_start3A_592] : memref<5x64x128xf32, #tpu.memory_space<vmem>> -> memref<1x64x128xf32, #tpu.memory_space<vmem>>
      %dma_start3A_594 = tpu.memref_squeeze %dma_start3A_593 : memref<1x64x128xf32, #tpu.memory_space<vmem>> -> memref<64x128xf32, #tpu.memory_space<vmem>>
      tpu.enqueue_dma source(%dma_start3A_594 : memref<64x128xf32, #tpu.memory_space<vmem>>) target(%dma_start3A_590 : memref<64x128xf32, #tpu.memory_space<hbm>>) target_semaphore(%arg18 : memref<!tpu.dma_semaphore, #tpu.memory_space<semaphore_mem>>)
      %mul3A_595 = arith.constant 2 : i32
      %mul3A_596 = arith.muli %mul3A_595, %scan3A_260 : i32
      %add3A_597 = arith.constant 1 : i32
      %add3A_598 = arith.addi %mul3A_596, %add3A_597 : i32
      %add3A_599 = arith.constant 1 : i32
      %add3A_600 = arith.addi %add3A_598, %add3A_599 : i32
      %lt3A_601 = arith.constant 50 : i32
      %lt3A_602 = arith.cmpi slt, %add3A_600, %lt3A_601 : i32
      %convert_element_type3A_603 = arith.extui %lt3A_602 : i1 to i32
      %cond3A_604 = arith.constant 0 : i32
      %cond3A_605 = arith.cmpi ne, %convert_element_type3A_603, %cond3A_604 : i32
      scf.if %cond3A_605 {
        %add3A_932 = arith.constant 1 : i32
        %add3A_933 = arith.addi %add3A_598, %add3A_932 : i32
        %mul3A_934 = arith.constant 128 : i32
        %mul3A_935 = arith.muli %add3A_933, %mul3A_934 : i32
        %add3A_936 = arith.addi %mul3A_2, %mul3A_935 : i32
        %dma_start3A_937 = arith.constant 0 : i32
        %dma_start3A_938 = arith.constant 0 : i32
        %dma_start3A_939 = arith.constant 0 : i32
        %dma_start3A_940 = tpu.memref_slice %arg11[%dma_start3A_937, %dma_start3A_938, %dma_start3A_939] : memref<2x8x128xi32, #tpu.memory_space<vmem>> -> memref<1x5x128xi32, #tpu.memory_space<vmem>>
        %dma_start3A_941 = tpu.memref_squeeze %dma_start3A_940 : memref<1x5x128xi32, #tpu.memory_space<vmem>> -> memref<5x128xi32, #tpu.memory_space<vmem>>
        %dma_start3A_942 = arith.constant 0 : i32
        %dma_start3A_943 = tpu.memref_slice %arg2[%dma_start3A_942, %add3A_936] : memref<5x204800xi32, #tpu.memory_space<hbm>> -> memref<5x128xi32, #tpu.memory_space<hbm>>
        %dma_start3A_944 = arith.constant 0 : i32
        %dma_start3A_945 = arith.constant 0 : i32
        %dma_start3A_946 = tpu.memref_slice %arg11[%dma_start3A_937, %dma_start3A_944, %dma_start3A_945] : memref<2x8x128xi32, #tpu.memory_space<vmem>> -> memref<1x5x128xi32, #tpu.memory_space<vmem>>
        %dma_start3A_947 = tpu.memref_squeeze %dma_start3A_946 : memref<1x5x128xi32, #tpu.memory_space<vmem>> -> memref<5x128xi32, #tpu.memory_space<vmem>>
        %dma_start3A_948 = arith.constant 0 : i32
        %dma_start3A_949 = tpu.memref_slice %arg2[%dma_start3A_948, %add3A_936] : memref<5x204800xi32, #tpu.memory_space<hbm>> -> memref<5x128xi32, #tpu.memory_space<hbm>>
        tpu.enqueue_dma source(%dma_start3A_949 : memref<5x128xi32, #tpu.memory_space<hbm>>) target(%dma_start3A_947 : memref<5x128xi32, #tpu.memory_space<vmem>>) target_semaphore(%arg19 : memref<!tpu.dma_semaphore, #tpu.memory_space<semaphore_mem>>)
      } else {
      }
      %mul3A_606 = arith.constant 2 : i32
      %mul3A_607 = arith.muli %mul3A_606, %add3A_598 : i32
      %add3A_608 = arith.constant 0 : i32
      %add3A_609 = arith.addi %mul3A_607, %add3A_608 : i32
      %add3A_610 = arith.constant 1 : i32
      %add3A_611 = arith.addi %add3A_609, %add3A_610 : i32
      %lt3A_612 = arith.constant 100 : i32
      %lt3A_613 = arith.cmpi slt, %add3A_611, %lt3A_612 : i32
      %convert_element_type3A_614 = arith.extui %lt3A_613 : i1 to i32
      %cond3A_615 = arith.constant 0 : i32
      %cond3A_616 = arith.cmpi ne, %convert_element_type3A_614, %cond3A_615 : i32
      scf.if %cond3A_616 {
        %ge3A = arith.constant 1 : i32
        %ge3A_932 = arith.cmpi sge, %add3A_609, %ge3A : i32
        %convert_element_type3A_933 = arith.extui %ge3A_932 : i1 to i32
        %cond3A_934 = arith.constant 0 : i32
        %cond3A_935 = arith.cmpi ne, %convert_element_type3A_933, %cond3A_934 : i32
        scf.if %cond3A_935 {
          %sub3A = arith.constant 1 : i32
          %sub3A_1066 = arith.subi %add3A_609, %sub3A : i32
          %mul3A_1067 = arith.constant 64 : i32
          %mul3A_1068 = arith.muli %sub3A_1066, %mul3A_1067 : i32
          %add3A_1069 = arith.addi %mul3A_2, %mul3A_1068 : i32
          %dma_wait3A_1070 = arith.constant 0 : i32
          %dma_wait3A_1071 = arith.constant 0 : i32
          %dma_wait3A_1072 = arith.constant 0 : i32
          %dma_wait3A_1073 = tpu.memref_slice %arg13[%dma_wait3A_1070, %dma_wait3A_1071, %dma_wait3A_1072] : memref<5x64x128xf32, #tpu.memory_space<vmem>> -> memref<1x64x128xf32, #tpu.memory_space<vmem>>
          %dma_wait3A_1074 = tpu.memref_squeeze %dma_wait3A_1073 : memref<1x64x128xf32, #tpu.memory_space<vmem>> -> memref<64x128xf32, #tpu.memory_space<vmem>>
          %dma_wait3A_1075 = arith.constant 0 : i32
          %dma_wait3A_1076 = tpu.memref_slice %arg10[%add3A_1069, %dma_wait3A_1075] : memref<204800x128xf32, #tpu.memory_space<hbm>> -> memref<64x128xf32, #tpu.memory_space<hbm>>
          %dma_wait3A_1077 = arith.constant 0 : i32
          %dma_wait3A_1078 = tpu.memref_slice %arg10[%add3A_1069, %dma_wait3A_1077] : memref<204800x128xf32, #tpu.memory_space<hbm>> -> memref<64x128xf32, #tpu.memory_space<hbm>>
          %dma_wait3A_1079 = arith.constant 0 : i32
          %dma_wait3A_1080 = arith.constant 0 : i32
          %dma_wait3A_1081 = tpu.memref_slice %arg13[%dma_wait3A_1070, %dma_wait3A_1079, %dma_wait3A_1080] : memref<5x64x128xf32, #tpu.memory_space<vmem>> -> memref<1x64x128xf32, #tpu.memory_space<vmem>>
          %dma_wait3A_1082 = tpu.memref_squeeze %dma_wait3A_1081 : memref<1x64x128xf32, #tpu.memory_space<vmem>> -> memref<64x128xf32, #tpu.memory_space<vmem>>
          tpu.wait_dma2 semaphore(%arg18 : memref<!tpu.dma_semaphore, #tpu.memory_space<semaphore_mem>>) src(%dma_wait3A_1082 : memref<64x128xf32, #tpu.memory_space<vmem>>) dst(%dma_wait3A_1078 : memref<64x128xf32, #tpu.memory_space<hbm>>)
        } else {
        }
        %dma_start3A_936 = arith.constant 1 : i32
        %dma_start3A_937 = arith.constant 0 : i32
        %dma_start3A_938 = arith.constant 0 : i32
        %dma_start3A_939 = arith.constant 0 : i32
        %dma_start3A_940 = arith.constant 0 : i32
        %dma_start3A_941 = tpu.memref_slice %arg13[%dma_start3A_938, %dma_start3A_939, %dma_start3A_940] : memref<5x64x128xf32, #tpu.memory_space<vmem>> -> memref<1x32x128xf32, #tpu.memory_space<vmem>>
        %dma_start3A_942 = tpu.memref_squeeze %dma_start3A_941 : memref<1x32x128xf32, #tpu.memory_space<vmem>> -> memref<32x128xf32, #tpu.memory_space<vmem>>
        %dma_start3A_943 = arith.constant 64 : i32
        %dma_start3A_944 = tpu.memref_slice %arg11[%dma_start3A_936, %dma_start3A_937, %dma_start3A_943] : memref<2x8x128xi32, #tpu.memory_space<vmem>> -> memref<1x1x32xi32, #tpu.memory_space<vmem>>
        %dma_start3A_945 = tpu.memref_squeeze %dma_start3A_944 : memref<1x1x32xi32, #tpu.memory_space<vmem>> -> memref<32xi32, #tpu.memory_space<vmem>>
        %dma_start3A_946 = arith.constant 0 : i32
        %dma_start3A_947 = arith.constant 0 : i32
        %dma_start3A_948 = tpu.memref_slice %arg3[%dma_start3A_946, %dma_start3A_947] : memref<100000x128xf32, #tpu.memory_space<hbm>> -> memref<100000x128xf32, #tpu.memory_space<hbm>>
        tpu.enqueue_indirect_dma source(%dma_start3A_948 : memref<100000x128xf32, #tpu.memory_space<hbm>>) target(%dma_start3A_942 : memref<32x128xf32, #tpu.memory_space<vmem>>) offsets(%dma_start3A_945 : memref<32xi32, #tpu.memory_space<vmem>>) semaphore(%arg16 : memref<!tpu.dma_semaphore, #tpu.memory_space<semaphore_mem>>)
        %dma_start3A_949 = arith.constant 1 : i32
        %dma_start3A_950 = arith.constant 0 : i32
        %dma_start3A_951 = arith.constant 0 : i32
        %dma_start3A_952 = arith.constant 32 : i32
        %dma_start3A_953 = arith.constant 0 : i32
        %dma_start3A_954 = tpu.memref_slice %arg13[%dma_start3A_951, %dma_start3A_952, %dma_start3A_953] : memref<5x64x128xf32, #tpu.memory_space<vmem>> -> memref<1x32x128xf32, #tpu.memory_space<vmem>>
        %dma_start3A_955 = tpu.memref_squeeze %dma_start3A_954 : memref<1x32x128xf32, #tpu.memory_space<vmem>> -> memref<32x128xf32, #tpu.memory_space<vmem>>
        %dma_start3A_956 = arith.constant 96 : i32
        %dma_start3A_957 = tpu.memref_slice %arg11[%dma_start3A_949, %dma_start3A_950, %dma_start3A_956] : memref<2x8x128xi32, #tpu.memory_space<vmem>> -> memref<1x1x32xi32, #tpu.memory_space<vmem>>
        %dma_start3A_958 = tpu.memref_squeeze %dma_start3A_957 : memref<1x1x32xi32, #tpu.memory_space<vmem>> -> memref<32xi32, #tpu.memory_space<vmem>>
        %dma_start3A_959 = arith.constant 0 : i32
        %dma_start3A_960 = arith.constant 0 : i32
        %dma_start3A_961 = tpu.memref_slice %arg3[%dma_start3A_959, %dma_start3A_960] : memref<100000x128xf32, #tpu.memory_space<hbm>> -> memref<100000x128xf32, #tpu.memory_space<hbm>>
        tpu.enqueue_indirect_dma source(%dma_start3A_961 : memref<100000x128xf32, #tpu.memory_space<hbm>>) target(%dma_start3A_955 : memref<32x128xf32, #tpu.memory_space<vmem>>) offsets(%dma_start3A_958 : memref<32xi32, #tpu.memory_space<vmem>>) semaphore(%arg16 : memref<!tpu.dma_semaphore, #tpu.memory_space<semaphore_mem>>)
        %dma_start3A_962 = arith.constant 1 : i32
        %dma_start3A_963 = arith.constant 1 : i32
        %dma_start3A_964 = arith.constant 1 : i32
        %dma_start3A_965 = arith.constant 0 : i32
        %dma_start3A_966 = arith.constant 0 : i32
        %dma_start3A_967 = tpu.memref_slice %arg13[%dma_start3A_964, %dma_start3A_965, %dma_start3A_966] : memref<5x64x128xf32, #tpu.memory_space<vmem>> -> memref<1x32x128xf32, #tpu.memory_space<vmem>>
        %dma_start3A_968 = tpu.memref_squeeze %dma_start3A_967 : memref<1x32x128xf32, #tpu.memory_space<vmem>> -> memref<32x128xf32, #tpu.memory_space<vmem>>
        %dma_start3A_969 = arith.constant 64 : i32
        %dma_start3A_970 = tpu.memref_slice %arg11[%dma_start3A_962, %dma_start3A_963, %dma_start3A_969] : memref<2x8x128xi32, #tpu.memory_space<vmem>> -> memref<1x1x32xi32, #tpu.memory_space<vmem>>
        %dma_start3A_971 = tpu.memref_squeeze %dma_start3A_970 : memref<1x1x32xi32, #tpu.memory_space<vmem>> -> memref<32xi32, #tpu.memory_space<vmem>>
        %dma_start3A_972 = arith.constant 0 : i32
        %dma_start3A_973 = arith.constant 0 : i32
        %dma_start3A_974 = tpu.memref_slice %arg4[%dma_start3A_972, %dma_start3A_973] : memref<200x128xf32, #tpu.memory_space<hbm>> -> memref<200x128xf32, #tpu.memory_space<hbm>>
        tpu.enqueue_indirect_dma source(%dma_start3A_974 : memref<200x128xf32, #tpu.memory_space<hbm>>) target(%dma_start3A_968 : memref<32x128xf32, #tpu.memory_space<vmem>>) offsets(%dma_start3A_971 : memref<32xi32, #tpu.memory_space<vmem>>) semaphore(%arg16 : memref<!tpu.dma_semaphore, #tpu.memory_space<semaphore_mem>>)
        %dma_start3A_975 = arith.constant 1 : i32
        %dma_start3A_976 = arith.constant 1 : i32
        %dma_start3A_977 = arith.constant 1 : i32
        %dma_start3A_978 = arith.constant 32 : i32
        %dma_start3A_979 = arith.constant 0 : i32
        %dma_start3A_980 = tpu.memref_slice %arg13[%dma_start3A_977, %dma_start3A_978, %dma_start3A_979] : memref<5x64x128xf32, #tpu.memory_space<vmem>> -> memref<1x32x128xf32, #tpu.memory_space<vmem>>
        %dma_start3A_981 = tpu.memref_squeeze %dma_start3A_980 : memref<1x32x128xf32, #tpu.memory_space<vmem>> -> memref<32x128xf32, #tpu.memory_space<vmem>>
        %dma_start3A_982 = arith.constant 96 : i32
        %dma_start3A_983 = tpu.memref_slice %arg11[%dma_start3A_975, %dma_start3A_976, %dma_start3A_982] : memref<2x8x128xi32, #tpu.memory_space<vmem>> -> memref<1x1x32xi32, #tpu.memory_space<vmem>>
        %dma_start3A_984 = tpu.memref_squeeze %dma_start3A_983 : memref<1x1x32xi32, #tpu.memory_space<vmem>> -> memref<32xi32, #tpu.memory_space<vmem>>
        %dma_start3A_985 = arith.constant 0 : i32
        %dma_start3A_986 = arith.constant 0 : i32
        %dma_start3A_987 = tpu.memref_slice %arg4[%dma_start3A_985, %dma_start3A_986] : memref<200x128xf32, #tpu.memory_space<hbm>> -> memref<200x128xf32, #tpu.memory_space<hbm>>
        tpu.enqueue_indirect_dma source(%dma_start3A_987 : memref<200x128xf32, #tpu.memory_space<hbm>>) target(%dma_start3A_981 : memref<32x128xf32, #tpu.memory_space<vmem>>) offsets(%dma_start3A_984 : memref<32xi32, #tpu.memory_space<vmem>>) semaphore(%arg16 : memref<!tpu.dma_semaphore, #tpu.memory_space<semaphore_mem>>)
        %dma_start3A_988 = arith.constant 1 : i32
        %dma_start3A_989 = arith.constant 2 : i32
        %dma_start3A_990 = arith.constant 2 : i32
        %dma_start3A_991 = arith.constant 0 : i32
        %dma_start3A_992 = arith.constant 0 : i32
        %dma_start3A_993 = tpu.memref_slice %arg13[%dma_start3A_990, %dma_start3A_991, %dma_start3A_992] : memref<5x64x128xf32, #tpu.memory_space<vmem>> -> memref<1x32x128xf32, #tpu.memory_space<vmem>>
        %dma_start3A_994 = tpu.memref_squeeze %dma_start3A_993 : memref<1x32x128xf32, #tpu.memory_space<vmem>> -> memref<32x128xf32, #tpu.memory_space<vmem>>
        %dma_start3A_995 = arith.constant 64 : i32
        %dma_start3A_996 = tpu.memref_slice %arg11[%dma_start3A_988, %dma_start3A_989, %dma_start3A_995] : memref<2x8x128xi32, #tpu.memory_space<vmem>> -> memref<1x1x32xi32, #tpu.memory_space<vmem>>
        %dma_start3A_997 = tpu.memref_squeeze %dma_start3A_996 : memref<1x1x32xi32, #tpu.memory_space<vmem>> -> memref<32xi32, #tpu.memory_space<vmem>>
        %dma_start3A_998 = arith.constant 0 : i32
        %dma_start3A_999 = arith.constant 0 : i32
        %dma_start3A_1000 = tpu.memref_slice %arg5[%dma_start3A_998, %dma_start3A_999] : memref<50x128xf32, #tpu.memory_space<hbm>> -> memref<50x128xf32, #tpu.memory_space<hbm>>
        tpu.enqueue_indirect_dma source(%dma_start3A_1000 : memref<50x128xf32, #tpu.memory_space<hbm>>) target(%dma_start3A_994 : memref<32x128xf32, #tpu.memory_space<vmem>>) offsets(%dma_start3A_997 : memref<32xi32, #tpu.memory_space<vmem>>) semaphore(%arg16 : memref<!tpu.dma_semaphore, #tpu.memory_space<semaphore_mem>>)
        %dma_start3A_1001 = arith.constant 1 : i32
        %dma_start3A_1002 = arith.constant 2 : i32
        %dma_start3A_1003 = arith.constant 2 : i32
        %dma_start3A_1004 = arith.constant 32 : i32
        %dma_start3A_1005 = arith.constant 0 : i32
        %dma_start3A_1006 = tpu.memref_slice %arg13[%dma_start3A_1003, %dma_start3A_1004, %dma_start3A_1005] : memref<5x64x128xf32, #tpu.memory_space<vmem>> -> memref<1x32x128xf32, #tpu.memory_space<vmem>>
        %dma_start3A_1007 = tpu.memref_squeeze %dma_start3A_1006 : memref<1x32x128xf32, #tpu.memory_space<vmem>> -> memref<32x128xf32, #tpu.memory_space<vmem>>
        %dma_start3A_1008 = arith.constant 96 : i32
        %dma_start3A_1009 = tpu.memref_slice %arg11[%dma_start3A_1001, %dma_start3A_1002, %dma_start3A_1008] : memref<2x8x128xi32, #tpu.memory_space<vmem>> -> memref<1x1x32xi32, #tpu.memory_space<vmem>>
        %dma_start3A_1010 = tpu.memref_squeeze %dma_start3A_1009 : memref<1x1x32xi32, #tpu.memory_space<vmem>> -> memref<32xi32, #tpu.memory_space<vmem>>
        %dma_start3A_1011 = arith.constant 0 : i32
        %dma_start3A_1012 = arith.constant 0 : i32
        %dma_start3A_1013 = tpu.memref_slice %arg5[%dma_start3A_1011, %dma_start3A_1012] : memref<50x128xf32, #tpu.memory_space<hbm>> -> memref<50x128xf32, #tpu.memory_space<hbm>>
        tpu.enqueue_indirect_dma source(%dma_start3A_1013 : memref<50x128xf32, #tpu.memory_space<hbm>>) target(%dma_start3A_1007 : memref<32x128xf32, #tpu.memory_space<vmem>>) offsets(%dma_start3A_1010 : memref<32xi32, #tpu.memory_space<vmem>>) semaphore(%arg16 : memref<!tpu.dma_semaphore, #tpu.memory_space<semaphore_mem>>)
        %dma_start3A_1014 = arith.constant 1 : i32
        %dma_start3A_1015 = arith.constant 3 : i32
        %dma_start3A_1016 = arith.constant 3 : i32
        %dma_start3A_1017 = arith.constant 0 : i32
        %dma_start3A_1018 = arith.constant 0 : i32
        %dma_start3A_1019 = tpu.memref_slice %arg13[%dma_start3A_1016, %dma_start3A_1017, %dma_start3A_1018] : memref<5x64x128xf32, #tpu.memory_space<vmem>> -> memref<1x32x128xf32, #tpu.memory_space<vmem>>
        %dma_start3A_1020 = tpu.memref_squeeze %dma_start3A_1019 : memref<1x32x128xf32, #tpu.memory_space<vmem>> -> memref<32x128xf32, #tpu.memory_space<vmem>>
        %dma_start3A_1021 = arith.constant 64 : i32
        %dma_start3A_1022 = tpu.memref_slice %arg11[%dma_start3A_1014, %dma_start3A_1015, %dma_start3A_1021] : memref<2x8x128xi32, #tpu.memory_space<vmem>> -> memref<1x1x32xi32, #tpu.memory_space<vmem>>
        %dma_start3A_1023 = tpu.memref_squeeze %dma_start3A_1022 : memref<1x1x32xi32, #tpu.memory_space<vmem>> -> memref<32xi32, #tpu.memory_space<vmem>>
        %dma_start3A_1024 = arith.constant 0 : i32
        %dma_start3A_1025 = arith.constant 0 : i32
        %dma_start3A_1026 = tpu.memref_slice %arg6[%dma_start3A_1024, %dma_start3A_1025] : memref<10002x128xf32, #tpu.memory_space<hbm>> -> memref<10002x128xf32, #tpu.memory_space<hbm>>
        tpu.enqueue_indirect_dma source(%dma_start3A_1026 : memref<10002x128xf32, #tpu.memory_space<hbm>>) target(%dma_start3A_1020 : memref<32x128xf32, #tpu.memory_space<vmem>>) offsets(%dma_start3A_1023 : memref<32xi32, #tpu.memory_space<vmem>>) semaphore(%arg16 : memref<!tpu.dma_semaphore, #tpu.memory_space<semaphore_mem>>)
        %dma_start3A_1027 = arith.constant 1 : i32
        %dma_start3A_1028 = arith.constant 3 : i32
        %dma_start3A_1029 = arith.constant 3 : i32
        %dma_start3A_1030 = arith.constant 32 : i32
        %dma_start3A_1031 = arith.constant 0 : i32
        %dma_start3A_1032 = tpu.memref_slice %arg13[%dma_start3A_1029, %dma_start3A_1030, %dma_start3A_1031] : memref<5x64x128xf32, #tpu.memory_space<vmem>> -> memref<1x32x128xf32, #tpu.memory_space<vmem>>
        %dma_start3A_1033 = tpu.memref_squeeze %dma_start3A_1032 : memref<1x32x128xf32, #tpu.memory_space<vmem>> -> memref<32x128xf32, #tpu.memory_space<vmem>>
        %dma_start3A_1034 = arith.constant 96 : i32
        %dma_start3A_1035 = tpu.memref_slice %arg11[%dma_start3A_1027, %dma_start3A_1028, %dma_start3A_1034] : memref<2x8x128xi32, #tpu.memory_space<vmem>> -> memref<1x1x32xi32, #tpu.memory_space<vmem>>
        %dma_start3A_1036 = tpu.memref_squeeze %dma_start3A_1035 : memref<1x1x32xi32, #tpu.memory_space<vmem>> -> memref<32xi32, #tpu.memory_space<vmem>>
        %dma_start3A_1037 = arith.constant 0 : i32
        %dma_start3A_1038 = arith.constant 0 : i32
        %dma_start3A_1039 = tpu.memref_slice %arg6[%dma_start3A_1037, %dma_start3A_1038] : memref<10002x128xf32, #tpu.memory_space<hbm>> -> memref<10002x128xf32, #tpu.memory_space<hbm>>
        tpu.enqueue_indirect_dma source(%dma_start3A_1039 : memref<10002x128xf32, #tpu.memory_space<hbm>>) target(%dma_start3A_1033 : memref<32x128xf32, #tpu.memory_space<vmem>>) offsets(%dma_start3A_1036 : memref<32xi32, #tpu.memory_space<vmem>>) semaphore(%arg16 : memref<!tpu.dma_semaphore, #tpu.memory_space<semaphore_mem>>)
        %dma_start3A_1040 = arith.constant 1 : i32
        %dma_start3A_1041 = arith.constant 4 : i32
        %dma_start3A_1042 = arith.constant 4 : i32
        %dma_start3A_1043 = arith.constant 0 : i32
        %dma_start3A_1044 = arith.constant 0 : i32
        %dma_start3A_1045 = tpu.memref_slice %arg13[%dma_start3A_1042, %dma_start3A_1043, %dma_start3A_1044] : memref<5x64x128xf32, #tpu.memory_space<vmem>> -> memref<1x32x128xf32, #tpu.memory_space<vmem>>
        %dma_start3A_1046 = tpu.memref_squeeze %dma_start3A_1045 : memref<1x32x128xf32, #tpu.memory_space<vmem>> -> memref<32x128xf32, #tpu.memory_space<vmem>>
        %dma_start3A_1047 = arith.constant 64 : i32
        %dma_start3A_1048 = tpu.memref_slice %arg11[%dma_start3A_1040, %dma_start3A_1041, %dma_start3A_1047] : memref<2x8x128xi32, #tpu.memory_space<vmem>> -> memref<1x1x32xi32, #tpu.memory_space<vmem>>
        %dma_start3A_1049 = tpu.memref_squeeze %dma_start3A_1048 : memref<1x1x32xi32, #tpu.memory_space<vmem>> -> memref<32xi32, #tpu.memory_space<vmem>>
        %dma_start3A_1050 = arith.constant 0 : i32
        %dma_start3A_1051 = arith.constant 0 : i32
        %dma_start3A_1052 = tpu.memref_slice %arg7[%dma_start3A_1050, %dma_start3A_1051] : memref<1000x128xf32, #tpu.memory_space<hbm>> -> memref<1000x128xf32, #tpu.memory_space<hbm>>
        tpu.enqueue_indirect_dma source(%dma_start3A_1052 : memref<1000x128xf32, #tpu.memory_space<hbm>>) target(%dma_start3A_1046 : memref<32x128xf32, #tpu.memory_space<vmem>>) offsets(%dma_start3A_1049 : memref<32xi32, #tpu.memory_space<vmem>>) semaphore(%arg16 : memref<!tpu.dma_semaphore, #tpu.memory_space<semaphore_mem>>)
        %dma_start3A_1053 = arith.constant 1 : i32
        %dma_start3A_1054 = arith.constant 4 : i32
        %dma_start3A_1055 = arith.constant 4 : i32
        %dma_start3A_1056 = arith.constant 32 : i32
        %dma_start3A_1057 = arith.constant 0 : i32
        %dma_start3A_1058 = tpu.memref_slice %arg13[%dma_start3A_1055, %dma_start3A_1056, %dma_start3A_1057] : memref<5x64x128xf32, #tpu.memory_space<vmem>> -> memref<1x32x128xf32, #tpu.memory_space<vmem>>
        %dma_start3A_1059 = tpu.memref_squeeze %dma_start3A_1058 : memref<1x32x128xf32, #tpu.memory_space<vmem>> -> memref<32x128xf32, #tpu.memory_space<vmem>>
        %dma_start3A_1060 = arith.constant 96 : i32
        %dma_start3A_1061 = tpu.memref_slice %arg11[%dma_start3A_1053, %dma_start3A_1054, %dma_start3A_1060] : memref<2x8x128xi32, #tpu.memory_space<vmem>> -> memref<1x1x32xi32, #tpu.memory_space<vmem>>
        %dma_start3A_1062 = tpu.memref_squeeze %dma_start3A_1061 : memref<1x1x32xi32, #tpu.memory_space<vmem>> -> memref<32xi32, #tpu.memory_space<vmem>>
        %dma_start3A_1063 = arith.constant 0 : i32
        %dma_start3A_1064 = arith.constant 0 : i32
        %dma_start3A_1065 = tpu.memref_slice %arg7[%dma_start3A_1063, %dma_start3A_1064] : memref<1000x128xf32, #tpu.memory_space<hbm>> -> memref<1000x128xf32, #tpu.memory_space<hbm>>
        tpu.enqueue_indirect_dma source(%dma_start3A_1065 : memref<1000x128xf32, #tpu.memory_space<hbm>>) target(%dma_start3A_1059 : memref<32x128xf32, #tpu.memory_space<vmem>>) offsets(%dma_start3A_1062 : memref<32xi32, #tpu.memory_space<vmem>>) semaphore(%arg16 : memref<!tpu.dma_semaphore, #tpu.memory_space<semaphore_mem>>)
      } else {
      }
      %dma_wait3A_617 = arith.constant 1 : i32
      %dma_wait3A_618 = arith.constant 0 : i32
      %dma_wait3A_619 = arith.constant 0 : i32
      %dma_wait3A_620 = arith.constant 0 : i32
      %dma_wait3A_621 = arith.constant 0 : i32
      %dma_wait3A_622 = tpu.memref_slice %arg12[%dma_wait3A_619, %dma_wait3A_620, %dma_wait3A_621] : memref<5x64x128xf32, #tpu.memory_space<vmem>> -> memref<1x32x128xf32, #tpu.memory_space<vmem>>
      %dma_wait3A_623 = tpu.memref_squeeze %dma_wait3A_622 : memref<1x32x128xf32, #tpu.memory_space<vmem>> -> memref<32x128xf32, #tpu.memory_space<vmem>>
      %dma_wait3A_624 = arith.constant 0 : i32
      %dma_wait3A_625 = tpu.memref_slice %arg11[%dma_wait3A_617, %dma_wait3A_618, %dma_wait3A_624] : memref<2x8x128xi32, #tpu.memory_space<vmem>> -> memref<1x1x32xi32, #tpu.memory_space<vmem>>
      %dma_wait3A_626 = tpu.memref_squeeze %dma_wait3A_625 : memref<1x1x32xi32, #tpu.memory_space<vmem>> -> memref<32xi32, #tpu.memory_space<vmem>>
      %dma_wait3A_627 = arith.constant 0 : i32
      %dma_wait3A_628 = arith.constant 0 : i32
      %dma_wait3A_629 = tpu.memref_slice %arg3[%dma_wait3A_627, %dma_wait3A_628] : memref<100000x128xf32, #tpu.memory_space<hbm>> -> memref<100000x128xf32, #tpu.memory_space<hbm>>
      tpu.wait_indirect_dma semaphore(%arg15 : memref<!tpu.dma_semaphore, #tpu.memory_space<semaphore_mem>>) src(%dma_wait3A_629 : memref<100000x128xf32, #tpu.memory_space<hbm>>) dst(%dma_wait3A_623 : memref<32x128xf32, #tpu.memory_space<vmem>>)
      %dma_wait3A_630 = arith.constant 1 : i32
      %dma_wait3A_631 = arith.constant 0 : i32
      %dma_wait3A_632 = arith.constant 0 : i32
      %dma_wait3A_633 = arith.constant 32 : i32
      %dma_wait3A_634 = arith.constant 0 : i32
      %dma_wait3A_635 = tpu.memref_slice %arg12[%dma_wait3A_632, %dma_wait3A_633, %dma_wait3A_634] : memref<5x64x128xf32, #tpu.memory_space<vmem>> -> memref<1x32x128xf32, #tpu.memory_space<vmem>>
      %dma_wait3A_636 = tpu.memref_squeeze %dma_wait3A_635 : memref<1x32x128xf32, #tpu.memory_space<vmem>> -> memref<32x128xf32, #tpu.memory_space<vmem>>
      %dma_wait3A_637 = arith.constant 32 : i32
      %dma_wait3A_638 = tpu.memref_slice %arg11[%dma_wait3A_630, %dma_wait3A_631, %dma_wait3A_637] : memref<2x8x128xi32, #tpu.memory_space<vmem>> -> memref<1x1x32xi32, #tpu.memory_space<vmem>>
      %dma_wait3A_639 = tpu.memref_squeeze %dma_wait3A_638 : memref<1x1x32xi32, #tpu.memory_space<vmem>> -> memref<32xi32, #tpu.memory_space<vmem>>
      %dma_wait3A_640 = arith.constant 0 : i32
      %dma_wait3A_641 = arith.constant 0 : i32
      %dma_wait3A_642 = tpu.memref_slice %arg3[%dma_wait3A_640, %dma_wait3A_641] : memref<100000x128xf32, #tpu.memory_space<hbm>> -> memref<100000x128xf32, #tpu.memory_space<hbm>>
      tpu.wait_indirect_dma semaphore(%arg15 : memref<!tpu.dma_semaphore, #tpu.memory_space<semaphore_mem>>) src(%dma_wait3A_642 : memref<100000x128xf32, #tpu.memory_space<hbm>>) dst(%dma_wait3A_636 : memref<32x128xf32, #tpu.memory_space<vmem>>)
      %dma_wait3A_643 = arith.constant 1 : i32
      %dma_wait3A_644 = arith.constant 1 : i32
      %dma_wait3A_645 = arith.constant 1 : i32
      %dma_wait3A_646 = arith.constant 0 : i32
      %dma_wait3A_647 = arith.constant 0 : i32
      %dma_wait3A_648 = tpu.memref_slice %arg12[%dma_wait3A_645, %dma_wait3A_646, %dma_wait3A_647] : memref<5x64x128xf32, #tpu.memory_space<vmem>> -> memref<1x32x128xf32, #tpu.memory_space<vmem>>
      %dma_wait3A_649 = tpu.memref_squeeze %dma_wait3A_648 : memref<1x32x128xf32, #tpu.memory_space<vmem>> -> memref<32x128xf32, #tpu.memory_space<vmem>>
      %dma_wait3A_650 = arith.constant 0 : i32
      %dma_wait3A_651 = tpu.memref_slice %arg11[%dma_wait3A_643, %dma_wait3A_644, %dma_wait3A_650] : memref<2x8x128xi32, #tpu.memory_space<vmem>> -> memref<1x1x32xi32, #tpu.memory_space<vmem>>
      %dma_wait3A_652 = tpu.memref_squeeze %dma_wait3A_651 : memref<1x1x32xi32, #tpu.memory_space<vmem>> -> memref<32xi32, #tpu.memory_space<vmem>>
      %dma_wait3A_653 = arith.constant 0 : i32
      %dma_wait3A_654 = arith.constant 0 : i32
      %dma_wait3A_655 = tpu.memref_slice %arg4[%dma_wait3A_653, %dma_wait3A_654] : memref<200x128xf32, #tpu.memory_space<hbm>> -> memref<200x128xf32, #tpu.memory_space<hbm>>
      tpu.wait_indirect_dma semaphore(%arg15 : memref<!tpu.dma_semaphore, #tpu.memory_space<semaphore_mem>>) src(%dma_wait3A_655 : memref<200x128xf32, #tpu.memory_space<hbm>>) dst(%dma_wait3A_649 : memref<32x128xf32, #tpu.memory_space<vmem>>)
      %dma_wait3A_656 = arith.constant 1 : i32
      %dma_wait3A_657 = arith.constant 1 : i32
      %dma_wait3A_658 = arith.constant 1 : i32
      %dma_wait3A_659 = arith.constant 32 : i32
      %dma_wait3A_660 = arith.constant 0 : i32
      %dma_wait3A_661 = tpu.memref_slice %arg12[%dma_wait3A_658, %dma_wait3A_659, %dma_wait3A_660] : memref<5x64x128xf32, #tpu.memory_space<vmem>> -> memref<1x32x128xf32, #tpu.memory_space<vmem>>
      %dma_wait3A_662 = tpu.memref_squeeze %dma_wait3A_661 : memref<1x32x128xf32, #tpu.memory_space<vmem>> -> memref<32x128xf32, #tpu.memory_space<vmem>>
      %dma_wait3A_663 = arith.constant 32 : i32
      %dma_wait3A_664 = tpu.memref_slice %arg11[%dma_wait3A_656, %dma_wait3A_657, %dma_wait3A_663] : memref<2x8x128xi32, #tpu.memory_space<vmem>> -> memref<1x1x32xi32, #tpu.memory_space<vmem>>
      %dma_wait3A_665 = tpu.memref_squeeze %dma_wait3A_664 : memref<1x1x32xi32, #tpu.memory_space<vmem>> -> memref<32xi32, #tpu.memory_space<vmem>>
      %dma_wait3A_666 = arith.constant 0 : i32
      %dma_wait3A_667 = arith.constant 0 : i32
      %dma_wait3A_668 = tpu.memref_slice %arg4[%dma_wait3A_666, %dma_wait3A_667] : memref<200x128xf32, #tpu.memory_space<hbm>> -> memref<200x128xf32, #tpu.memory_space<hbm>>
      tpu.wait_indirect_dma semaphore(%arg15 : memref<!tpu.dma_semaphore, #tpu.memory_space<semaphore_mem>>) src(%dma_wait3A_668 : memref<200x128xf32, #tpu.memory_space<hbm>>) dst(%dma_wait3A_662 : memref<32x128xf32, #tpu.memory_space<vmem>>)
      %dma_wait3A_669 = arith.constant 1 : i32
      %dma_wait3A_670 = arith.constant 2 : i32
      %dma_wait3A_671 = arith.constant 2 : i32
      %dma_wait3A_672 = arith.constant 0 : i32
      %dma_wait3A_673 = arith.constant 0 : i32
      %dma_wait3A_674 = tpu.memref_slice %arg12[%dma_wait3A_671, %dma_wait3A_672, %dma_wait3A_673] : memref<5x64x128xf32, #tpu.memory_space<vmem>> -> memref<1x32x128xf32, #tpu.memory_space<vmem>>
      %dma_wait3A_675 = tpu.memref_squeeze %dma_wait3A_674 : memref<1x32x128xf32, #tpu.memory_space<vmem>> -> memref<32x128xf32, #tpu.memory_space<vmem>>
      %dma_wait3A_676 = arith.constant 0 : i32
      %dma_wait3A_677 = tpu.memref_slice %arg11[%dma_wait3A_669, %dma_wait3A_670, %dma_wait3A_676] : memref<2x8x128xi32, #tpu.memory_space<vmem>> -> memref<1x1x32xi32, #tpu.memory_space<vmem>>
      %dma_wait3A_678 = tpu.memref_squeeze %dma_wait3A_677 : memref<1x1x32xi32, #tpu.memory_space<vmem>> -> memref<32xi32, #tpu.memory_space<vmem>>
      %dma_wait3A_679 = arith.constant 0 : i32
      %dma_wait3A_680 = arith.constant 0 : i32
      %dma_wait3A_681 = tpu.memref_slice %arg5[%dma_wait3A_679, %dma_wait3A_680] : memref<50x128xf32, #tpu.memory_space<hbm>> -> memref<50x128xf32, #tpu.memory_space<hbm>>
      tpu.wait_indirect_dma semaphore(%arg15 : memref<!tpu.dma_semaphore, #tpu.memory_space<semaphore_mem>>) src(%dma_wait3A_681 : memref<50x128xf32, #tpu.memory_space<hbm>>) dst(%dma_wait3A_675 : memref<32x128xf32, #tpu.memory_space<vmem>>)
      %dma_wait3A_682 = arith.constant 1 : i32
      %dma_wait3A_683 = arith.constant 2 : i32
      %dma_wait3A_684 = arith.constant 2 : i32
      %dma_wait3A_685 = arith.constant 32 : i32
      %dma_wait3A_686 = arith.constant 0 : i32
      %dma_wait3A_687 = tpu.memref_slice %arg12[%dma_wait3A_684, %dma_wait3A_685, %dma_wait3A_686] : memref<5x64x128xf32, #tpu.memory_space<vmem>> -> memref<1x32x128xf32, #tpu.memory_space<vmem>>
      %dma_wait3A_688 = tpu.memref_squeeze %dma_wait3A_687 : memref<1x32x128xf32, #tpu.memory_space<vmem>> -> memref<32x128xf32, #tpu.memory_space<vmem>>
      %dma_wait3A_689 = arith.constant 32 : i32
      %dma_wait3A_690 = tpu.memref_slice %arg11[%dma_wait3A_682, %dma_wait3A_683, %dma_wait3A_689] : memref<2x8x128xi32, #tpu.memory_space<vmem>> -> memref<1x1x32xi32, #tpu.memory_space<vmem>>
      %dma_wait3A_691 = tpu.memref_squeeze %dma_wait3A_690 : memref<1x1x32xi32, #tpu.memory_space<vmem>> -> memref<32xi32, #tpu.memory_space<vmem>>
      %dma_wait3A_692 = arith.constant 0 : i32
      %dma_wait3A_693 = arith.constant 0 : i32
      %dma_wait3A_694 = tpu.memref_slice %arg5[%dma_wait3A_692, %dma_wait3A_693] : memref<50x128xf32, #tpu.memory_space<hbm>> -> memref<50x128xf32, #tpu.memory_space<hbm>>
      tpu.wait_indirect_dma semaphore(%arg15 : memref<!tpu.dma_semaphore, #tpu.memory_space<semaphore_mem>>) src(%dma_wait3A_694 : memref<50x128xf32, #tpu.memory_space<hbm>>) dst(%dma_wait3A_688 : memref<32x128xf32, #tpu.memory_space<vmem>>)
      %dma_wait3A_695 = arith.constant 1 : i32
      %dma_wait3A_696 = arith.constant 3 : i32
      %dma_wait3A_697 = arith.constant 3 : i32
      %dma_wait3A_698 = arith.constant 0 : i32
      %dma_wait3A_699 = arith.constant 0 : i32
      %dma_wait3A_700 = tpu.memref_slice %arg12[%dma_wait3A_697, %dma_wait3A_698, %dma_wait3A_699] : memref<5x64x128xf32, #tpu.memory_space<vmem>> -> memref<1x32x128xf32, #tpu.memory_space<vmem>>
      %dma_wait3A_701 = tpu.memref_squeeze %dma_wait3A_700 : memref<1x32x128xf32, #tpu.memory_space<vmem>> -> memref<32x128xf32, #tpu.memory_space<vmem>>
      %dma_wait3A_702 = arith.constant 0 : i32
      %dma_wait3A_703 = tpu.memref_slice %arg11[%dma_wait3A_695, %dma_wait3A_696, %dma_wait3A_702] : memref<2x8x128xi32, #tpu.memory_space<vmem>> -> memref<1x1x32xi32, #tpu.memory_space<vmem>>
      %dma_wait3A_704 = tpu.memref_squeeze %dma_wait3A_703 : memref<1x1x32xi32, #tpu.memory_space<vmem>> -> memref<32xi32, #tpu.memory_space<vmem>>
      %dma_wait3A_705 = arith.constant 0 : i32
      %dma_wait3A_706 = arith.constant 0 : i32
      %dma_wait3A_707 = tpu.memref_slice %arg6[%dma_wait3A_705, %dma_wait3A_706] : memref<10002x128xf32, #tpu.memory_space<hbm>> -> memref<10002x128xf32, #tpu.memory_space<hbm>>
      tpu.wait_indirect_dma semaphore(%arg15 : memref<!tpu.dma_semaphore, #tpu.memory_space<semaphore_mem>>) src(%dma_wait3A_707 : memref<10002x128xf32, #tpu.memory_space<hbm>>) dst(%dma_wait3A_701 : memref<32x128xf32, #tpu.memory_space<vmem>>)
      %dma_wait3A_708 = arith.constant 1 : i32
      %dma_wait3A_709 = arith.constant 3 : i32
      %dma_wait3A_710 = arith.constant 3 : i32
      %dma_wait3A_711 = arith.constant 32 : i32
      %dma_wait3A_712 = arith.constant 0 : i32
      %dma_wait3A_713 = tpu.memref_slice %arg12[%dma_wait3A_710, %dma_wait3A_711, %dma_wait3A_712] : memref<5x64x128xf32, #tpu.memory_space<vmem>> -> memref<1x32x128xf32, #tpu.memory_space<vmem>>
      %dma_wait3A_714 = tpu.memref_squeeze %dma_wait3A_713 : memref<1x32x128xf32, #tpu.memory_space<vmem>> -> memref<32x128xf32, #tpu.memory_space<vmem>>
      %dma_wait3A_715 = arith.constant 32 : i32
      %dma_wait3A_716 = tpu.memref_slice %arg11[%dma_wait3A_708, %dma_wait3A_709, %dma_wait3A_715] : memref<2x8x128xi32, #tpu.memory_space<vmem>> -> memref<1x1x32xi32, #tpu.memory_space<vmem>>
      %dma_wait3A_717 = tpu.memref_squeeze %dma_wait3A_716 : memref<1x1x32xi32, #tpu.memory_space<vmem>> -> memref<32xi32, #tpu.memory_space<vmem>>
      %dma_wait3A_718 = arith.constant 0 : i32
      %dma_wait3A_719 = arith.constant 0 : i32
      %dma_wait3A_720 = tpu.memref_slice %arg6[%dma_wait3A_718, %dma_wait3A_719] : memref<10002x128xf32, #tpu.memory_space<hbm>> -> memref<10002x128xf32, #tpu.memory_space<hbm>>
      tpu.wait_indirect_dma semaphore(%arg15 : memref<!tpu.dma_semaphore, #tpu.memory_space<semaphore_mem>>) src(%dma_wait3A_720 : memref<10002x128xf32, #tpu.memory_space<hbm>>) dst(%dma_wait3A_714 : memref<32x128xf32, #tpu.memory_space<vmem>>)
      %dma_wait3A_721 = arith.constant 1 : i32
      %dma_wait3A_722 = arith.constant 4 : i32
      %dma_wait3A_723 = arith.constant 4 : i32
      %dma_wait3A_724 = arith.constant 0 : i32
      %dma_wait3A_725 = arith.constant 0 : i32
      %dma_wait3A_726 = tpu.memref_slice %arg12[%dma_wait3A_723, %dma_wait3A_724, %dma_wait3A_725] : memref<5x64x128xf32, #tpu.memory_space<vmem>> -> memref<1x32x128xf32, #tpu.memory_space<vmem>>
      %dma_wait3A_727 = tpu.memref_squeeze %dma_wait3A_726 : memref<1x32x128xf32, #tpu.memory_space<vmem>> -> memref<32x128xf32, #tpu.memory_space<vmem>>
      %dma_wait3A_728 = arith.constant 0 : i32
      %dma_wait3A_729 = tpu.memref_slice %arg11[%dma_wait3A_721, %dma_wait3A_722, %dma_wait3A_728] : memref<2x8x128xi32, #tpu.memory_space<vmem>> -> memref<1x1x32xi32, #tpu.memory_space<vmem>>
      %dma_wait3A_730 = tpu.memref_squeeze %dma_wait3A_729 : memref<1x1x32xi32, #tpu.memory_space<vmem>> -> memref<32xi32, #tpu.memory_space<vmem>>
      %dma_wait3A_731 = arith.constant 0 : i32
      %dma_wait3A_732 = arith.constant 0 : i32
      %dma_wait3A_733 = tpu.memref_slice %arg7[%dma_wait3A_731, %dma_wait3A_732] : memref<1000x128xf32, #tpu.memory_space<hbm>> -> memref<1000x128xf32, #tpu.memory_space<hbm>>
      tpu.wait_indirect_dma semaphore(%arg15 : memref<!tpu.dma_semaphore, #tpu.memory_space<semaphore_mem>>) src(%dma_wait3A_733 : memref<1000x128xf32, #tpu.memory_space<hbm>>) dst(%dma_wait3A_727 : memref<32x128xf32, #tpu.memory_space<vmem>>)
      %dma_wait3A_734 = arith.constant 1 : i32
      %dma_wait3A_735 = arith.constant 4 : i32
      %dma_wait3A_736 = arith.constant 4 : i32
      %dma_wait3A_737 = arith.constant 32 : i32
      %dma_wait3A_738 = arith.constant 0 : i32
      %dma_wait3A_739 = tpu.memref_slice %arg12[%dma_wait3A_736, %dma_wait3A_737, %dma_wait3A_738] : memref<5x64x128xf32, #tpu.memory_space<vmem>> -> memref<1x32x128xf32, #tpu.memory_space<vmem>>
      %dma_wait3A_740 = tpu.memref_squeeze %dma_wait3A_739 : memref<1x32x128xf32, #tpu.memory_space<vmem>> -> memref<32x128xf32, #tpu.memory_space<vmem>>
      %dma_wait3A_741 = arith.constant 32 : i32
      %dma_wait3A_742 = tpu.memref_slice %arg11[%dma_wait3A_734, %dma_wait3A_735, %dma_wait3A_741] : memref<2x8x128xi32, #tpu.memory_space<vmem>> -> memref<1x1x32xi32, #tpu.memory_space<vmem>>
      %dma_wait3A_743 = tpu.memref_squeeze %dma_wait3A_742 : memref<1x1x32xi32, #tpu.memory_space<vmem>> -> memref<32xi32, #tpu.memory_space<vmem>>
      %dma_wait3A_744 = arith.constant 0 : i32
      %dma_wait3A_745 = arith.constant 0 : i32
      %dma_wait3A_746 = tpu.memref_slice %arg7[%dma_wait3A_744, %dma_wait3A_745] : memref<1000x128xf32, #tpu.memory_space<hbm>> -> memref<1000x128xf32, #tpu.memory_space<hbm>>
      tpu.wait_indirect_dma semaphore(%arg15 : memref<!tpu.dma_semaphore, #tpu.memory_space<semaphore_mem>>) src(%dma_wait3A_746 : memref<1000x128xf32, #tpu.memory_space<hbm>>) dst(%dma_wait3A_740 : memref<32x128xf32, #tpu.memory_space<vmem>>)
      %scan3A_747 = arith.constant 0 : i32
      %scan3A_748 = arith.constant 0 : i32
      %scan3A_749 = arith.constant 64 : i32
      %scan3A_750 = arith.addi %scan3A_748, %scan3A_749 : i32
      %scan3A_751 = arith.constant 1 : i32
      scf.for %scan3A_932 = %scan3A_748 to %scan3A_750 step %scan3A_751  : i32 {
        %get3A_933 = arith.constant 0 : i32
        %get3A_934 = arith.index_cast %get3A_933 : i32 to index
        %get3A_935 = arith.index_cast %scan3A_932 : i32 to index
        %get3A_936 = arith.constant 0 : index
        %get3A_937 = tpu.vector_load %arg12[%get3A_934, %get3A_935, %get3A_936] {strides = array<i32>} : memref<5x64x128xf32, #tpu.memory_space<vmem>>, vector<16xf32>,
        %get3A_938 = arith.constant 1 : i32
        %get3A_939 = arith.index_cast %get3A_938 : i32 to index
        %get3A_940 = arith.index_cast %scan3A_932 : i32 to index
        %get3A_941 = arith.constant 0 : index
        %get3A_942 = tpu.vector_load %arg12[%get3A_939, %get3A_940, %get3A_941] {strides = array<i32>} : memref<5x64x128xf32, #tpu.memory_space<vmem>>, vector<16xf32>,
        %add3A_943 = arith.addf %get3A_937, %get3A_942 : vector<16xf32>
        %get3A_944 = arith.constant 2 : i32
        %get3A_945 = arith.index_cast %get3A_944 : i32 to index
        %get3A_946 = arith.index_cast %scan3A_932 : i32 to index
        %get3A_947 = arith.constant 0 : index
        %get3A_948 = tpu.vector_load %arg12[%get3A_945, %get3A_946, %get3A_947] {strides = array<i32>} : memref<5x64x128xf32, #tpu.memory_space<vmem>>, vector<16xf32>,
        %add3A_949 = arith.addf %add3A_943, %get3A_948 : vector<16xf32>
        %get3A_950 = arith.constant 3 : i32
        %get3A_951 = arith.index_cast %get3A_950 : i32 to index
        %get3A_952 = arith.index_cast %scan3A_932 : i32 to index
        %get3A_953 = arith.constant 0 : index
        %get3A_954 = tpu.vector_load %arg12[%get3A_951, %get3A_952, %get3A_953] {strides = array<i32>} : memref<5x64x128xf32, #tpu.memory_space<vmem>>, vector<16xf32>,
        %add3A_955 = arith.addf %add3A_949, %get3A_954 : vector<16xf32>
        %get3A_956 = arith.constant 4 : i32
        %get3A_957 = arith.index_cast %get3A_956 : i32 to index
        %get3A_958 = arith.index_cast %scan3A_932 : i32 to index
        %get3A_959 = arith.constant 0 : index
        %get3A_960 = tpu.vector_load %arg12[%get3A_957, %get3A_958, %get3A_959] {strides = array<i32>} : memref<5x64x128xf32, #tpu.memory_space<vmem>>, vector<16xf32>,
        %add3A_961 = arith.addf %add3A_955, %get3A_960 : vector<16xf32>
        %get3A_962 = arith.constant 0 : i32
        %get3A_963 = arith.index_cast %get3A_962 : i32 to index
        %get3A_964 = arith.index_cast %scan3A_932 : i32 to index
        %get3A_965 = arith.constant 16 : index
        %get3A_966 = tpu.vector_load %arg12[%get3A_963, %get3A_964, %get3A_965] {strides = array<i32>} : memref<5x64x128xf32, #tpu.memory_space<vmem>>, vector<16xf32>,
        %get3A_967 = arith.constant 1 : i32
        %get3A_968 = arith.index_cast %get3A_967 : i32 to index
        %get3A_969 = arith.index_cast %scan3A_932 : i32 to index
        %get3A_970 = arith.constant 16 : index
        %get3A_971 = tpu.vector_load %arg12[%get3A_968, %get3A_969, %get3A_970] {strides = array<i32>} : memref<5x64x128xf32, #tpu.memory_space<vmem>>, vector<16xf32>,
        %add3A_972 = arith.addf %get3A_966, %get3A_971 : vector<16xf32>
        %get3A_973 = arith.constant 2 : i32
        %get3A_974 = arith.index_cast %get3A_973 : i32 to index
        %get3A_975 = arith.index_cast %scan3A_932 : i32 to index
        %get3A_976 = arith.constant 16 : index
        %get3A_977 = tpu.vector_load %arg12[%get3A_974, %get3A_975, %get3A_976] {strides = array<i32>} : memref<5x64x128xf32, #tpu.memory_space<vmem>>, vector<16xf32>,
        %add3A_978 = arith.addf %add3A_972, %get3A_977 : vector<16xf32>
        %get3A_979 = arith.constant 3 : i32
        %get3A_980 = arith.index_cast %get3A_979 : i32 to index
        %get3A_981 = arith.index_cast %scan3A_932 : i32 to index
        %get3A_982 = arith.constant 16 : index
        %get3A_983 = tpu.vector_load %arg12[%get3A_980, %get3A_981, %get3A_982] {strides = array<i32>} : memref<5x64x128xf32, #tpu.memory_space<vmem>>, vector<16xf32>,
        %add3A_984 = arith.addf %add3A_978, %get3A_983 : vector<16xf32>
        %get3A_985 = arith.constant 4 : i32
        %get3A_986 = arith.index_cast %get3A_985 : i32 to index
        %get3A_987 = arith.index_cast %scan3A_932 : i32 to index
        %get3A_988 = arith.constant 16 : index
        %get3A_989 = tpu.vector_load %arg12[%get3A_986, %get3A_987, %get3A_988] {strides = array<i32>} : memref<5x64x128xf32, #tpu.memory_space<vmem>>, vector<16xf32>,
        %add3A_990 = arith.addf %add3A_984, %get3A_989 : vector<16xf32>
        %get3A_991 = arith.constant 0 : i32
        %get3A_992 = arith.index_cast %get3A_991 : i32 to index
        %get3A_993 = arith.index_cast %scan3A_932 : i32 to index
        %get3A_994 = arith.constant 32 : index
        %get3A_995 = tpu.vector_load %arg12[%get3A_992, %get3A_993, %get3A_994] {strides = array<i32>} : memref<5x64x128xf32, #tpu.memory_space<vmem>>, vector<16xf32>,
        %get3A_996 = arith.constant 1 : i32
        %get3A_997 = arith.index_cast %get3A_996 : i32 to index
        %get3A_998 = arith.index_cast %scan3A_932 : i32 to index
        %get3A_999 = arith.constant 32 : index
        %get3A_1000 = tpu.vector_load %arg12[%get3A_997, %get3A_998, %get3A_999] {strides = array<i32>} : memref<5x64x128xf32, #tpu.memory_space<vmem>>, vector<16xf32>,
        %add3A_1001 = arith.addf %get3A_995, %get3A_1000 : vector<16xf32>
        %get3A_1002 = arith.constant 2 : i32
        %get3A_1003 = arith.index_cast %get3A_1002 : i32 to index
        %get3A_1004 = arith.index_cast %scan3A_932 : i32 to index
        %get3A_1005 = arith.constant 32 : index
        %get3A_1006 = tpu.vector_load %arg12[%get3A_1003, %get3A_1004, %get3A_1005] {strides = array<i32>} : memref<5x64x128xf32, #tpu.memory_space<vmem>>, vector<16xf32>,
        %add3A_1007 = arith.addf %add3A_1001, %get3A_1006 : vector<16xf32>
        %get3A_1008 = arith.constant 3 : i32
        %get3A_1009 = arith.index_cast %get3A_1008 : i32 to index
        %get3A_1010 = arith.index_cast %scan3A_932 : i32 to index
        %get3A_1011 = arith.constant 32 : index
        %get3A_1012 = tpu.vector_load %arg12[%get3A_1009, %get3A_1010, %get3A_1011] {strides = array<i32>} : memref<5x64x128xf32, #tpu.memory_space<vmem>>, vector<16xf32>,
        %add3A_1013 = arith.addf %add3A_1007, %get3A_1012 : vector<16xf32>
        %get3A_1014 = arith.constant 4 : i32
        %get3A_1015 = arith.index_cast %get3A_1014 : i32 to index
        %get3A_1016 = arith.index_cast %scan3A_932 : i32 to index
        %get3A_1017 = arith.constant 32 : index
        %get3A_1018 = tpu.vector_load %arg12[%get3A_1015, %get3A_1016, %get3A_1017] {strides = array<i32>} : memref<5x64x128xf32, #tpu.memory_space<vmem>>, vector<16xf32>,
        %add3A_1019 = arith.addf %add3A_1013, %get3A_1018 : vector<16xf32>
        %get3A_1020 = arith.constant 0 : i32
        %get3A_1021 = arith.index_cast %get3A_1020 : i32 to index
        %get3A_1022 = arith.index_cast %scan3A_932 : i32 to index
        %get3A_1023 = arith.constant 48 : index
        %get3A_1024 = tpu.vector_load %arg12[%get3A_1021, %get3A_1022, %get3A_1023] {strides = array<i32>} : memref<5x64x128xf32, #tpu.memory_space<vmem>>, vector<16xf32>,
        %get3A_1025 = arith.constant 1 : i32
        %get3A_1026 = arith.index_cast %get3A_1025 : i32 to index
        %get3A_1027 = arith.index_cast %scan3A_932 : i32 to index
        %get3A_1028 = arith.constant 48 : index
        %get3A_1029 = tpu.vector_load %arg12[%get3A_1026, %get3A_1027, %get3A_1028] {strides = array<i32>} : memref<5x64x128xf32, #tpu.memory_space<vmem>>, vector<16xf32>,
        %add3A_1030 = arith.addf %get3A_1024, %get3A_1029 : vector<16xf32>
        %get3A_1031 = arith.constant 2 : i32
        %get3A_1032 = arith.index_cast %get3A_1031 : i32 to index
        %get3A_1033 = arith.index_cast %scan3A_932 : i32 to index
        %get3A_1034 = arith.constant 48 : index
        %get3A_1035 = tpu.vector_load %arg12[%get3A_1032, %get3A_1033, %get3A_1034] {strides = array<i32>} : memref<5x64x128xf32, #tpu.memory_space<vmem>>, vector<16xf32>,
        %add3A_1036 = arith.addf %add3A_1030, %get3A_1035 : vector<16xf32>
        %get3A_1037 = arith.constant 3 : i32
        %get3A_1038 = arith.index_cast %get3A_1037 : i32 to index
        %get3A_1039 = arith.index_cast %scan3A_932 : i32 to index
        %get3A_1040 = arith.constant 48 : index
        %get3A_1041 = tpu.vector_load %arg12[%get3A_1038, %get3A_1039, %get3A_1040] {strides = array<i32>} : memref<5x64x128xf32, #tpu.memory_space<vmem>>, vector<16xf32>,
        %add3A_1042 = arith.addf %add3A_1036, %get3A_1041 : vector<16xf32>
        %get3A_1043 = arith.constant 4 : i32
        %get3A_1044 = arith.index_cast %get3A_1043 : i32 to index
        %get3A_1045 = arith.index_cast %scan3A_932 : i32 to index
        %get3A_1046 = arith.constant 48 : index
        %get3A_1047 = tpu.vector_load %arg12[%get3A_1044, %get3A_1045, %get3A_1046] {strides = array<i32>} : memref<5x64x128xf32, #tpu.memory_space<vmem>>, vector<16xf32>,
        %add3A_1048 = arith.addf %add3A_1042, %get3A_1047 : vector<16xf32>
        %get3A_1049 = arith.constant 0 : i32
        %get3A_1050 = arith.index_cast %get3A_1049 : i32 to index
        %get3A_1051 = arith.index_cast %scan3A_932 : i32 to index
        %get3A_1052 = arith.constant 64 : index
        %get3A_1053 = tpu.vector_load %arg12[%get3A_1050, %get3A_1051, %get3A_1052] {strides = array<i32>} : memref<5x64x128xf32, #tpu.memory_space<vmem>>, vector<16xf32>,
        %get3A_1054 = arith.constant 1 : i32
        %get3A_1055 = arith.index_cast %get3A_1054 : i32 to index
        %get3A_1056 = arith.index_cast %scan3A_932 : i32 to index
        %get3A_1057 = arith.constant 64 : index
        %get3A_1058 = tpu.vector_load %arg12[%get3A_1055, %get3A_1056, %get3A_1057] {strides = array<i32>} : memref<5x64x128xf32, #tpu.memory_space<vmem>>, vector<16xf32>,
        %add3A_1059 = arith.addf %get3A_1053, %get3A_1058 : vector<16xf32>
        %get3A_1060 = arith.constant 2 : i32
        %get3A_1061 = arith.index_cast %get3A_1060 : i32 to index
        %get3A_1062 = arith.index_cast %scan3A_932 : i32 to index
        %get3A_1063 = arith.constant 64 : index
        %get3A_1064 = tpu.vector_load %arg12[%get3A_1061, %get3A_1062, %get3A_1063] {strides = array<i32>} : memref<5x64x128xf32, #tpu.memory_space<vmem>>, vector<16xf32>,
        %add3A_1065 = arith.addf %add3A_1059, %get3A_1064 : vector<16xf32>
        %get3A_1066 = arith.constant 3 : i32
        %get3A_1067 = arith.index_cast %get3A_1066 : i32 to index
        %get3A_1068 = arith.index_cast %scan3A_932 : i32 to index
        %get3A_1069 = arith.constant 64 : index
        %get3A_1070 = tpu.vector_load %arg12[%get3A_1067, %get3A_1068, %get3A_1069] {strides = array<i32>} : memref<5x64x128xf32, #tpu.memory_space<vmem>>, vector<16xf32>,
        %add3A_1071 = arith.addf %add3A_1065, %get3A_1070 : vector<16xf32>
        %get3A_1072 = arith.constant 4 : i32
        %get3A_1073 = arith.index_cast %get3A_1072 : i32 to index
        %get3A_1074 = arith.index_cast %scan3A_932 : i32 to index
        %get3A_1075 = arith.constant 64 : index
        %get3A_1076 = tpu.vector_load %arg12[%get3A_1073, %get3A_1074, %get3A_1075] {strides = array<i32>} : memref<5x64x128xf32, #tpu.memory_space<vmem>>, vector<16xf32>,
        %add3A_1077 = arith.addf %add3A_1071, %get3A_1076 : vector<16xf32>
        %get3A_1078 = arith.constant 0 : i32
        %get3A_1079 = arith.index_cast %get3A_1078 : i32 to index
        %get3A_1080 = arith.index_cast %scan3A_932 : i32 to index
        %get3A_1081 = arith.constant 80 : index
        %get3A_1082 = tpu.vector_load %arg12[%get3A_1079, %get3A_1080, %get3A_1081] {strides = array<i32>} : memref<5x64x128xf32, #tpu.memory_space<vmem>>, vector<16xf32>,
        %get3A_1083 = arith.constant 1 : i32
        %get3A_1084 = arith.index_cast %get3A_1083 : i32 to index
        %get3A_1085 = arith.index_cast %scan3A_932 : i32 to index
        %get3A_1086 = arith.constant 80 : index
        %get3A_1087 = tpu.vector_load %arg12[%get3A_1084, %get3A_1085, %get3A_1086] {strides = array<i32>} : memref<5x64x128xf32, #tpu.memory_space<vmem>>, vector<16xf32>,
        %add3A_1088 = arith.addf %get3A_1082, %get3A_1087 : vector<16xf32>
        %get3A_1089 = arith.constant 2 : i32
        %get3A_1090 = arith.index_cast %get3A_1089 : i32 to index
        %get3A_1091 = arith.index_cast %scan3A_932 : i32 to index
        %get3A_1092 = arith.constant 80 : index
        %get3A_1093 = tpu.vector_load %arg12[%get3A_1090, %get3A_1091, %get3A_1092] {strides = array<i32>} : memref<5x64x128xf32, #tpu.memory_space<vmem>>, vector<16xf32>,
        %add3A_1094 = arith.addf %add3A_1088, %get3A_1093 : vector<16xf32>
        %get3A_1095 = arith.constant 3 : i32
        %get3A_1096 = arith.index_cast %get3A_1095 : i32 to index
        %get3A_1097 = arith.index_cast %scan3A_932 : i32 to index
        %get3A_1098 = arith.constant 80 : index
        %get3A_1099 = tpu.vector_load %arg12[%get3A_1096, %get3A_1097, %get3A_1098] {strides = array<i32>} : memref<5x64x128xf32, #tpu.memory_space<vmem>>, vector<16xf32>,
        %add3A_1100 = arith.addf %add3A_1094, %get3A_1099 : vector<16xf32>
        %get3A_1101 = arith.constant 4 : i32
        %get3A_1102 = arith.index_cast %get3A_1101 : i32 to index
        %get3A_1103 = arith.index_cast %scan3A_932 : i32 to index
        %get3A_1104 = arith.constant 80 : index
        %get3A_1105 = tpu.vector_load %arg12[%get3A_1102, %get3A_1103, %get3A_1104] {strides = array<i32>} : memref<5x64x128xf32, #tpu.memory_space<vmem>>, vector<16xf32>,
        %add3A_1106 = arith.addf %add3A_1100, %get3A_1105 : vector<16xf32>
        %get3A_1107 = arith.constant 0 : i32
        %get3A_1108 = arith.index_cast %get3A_1107 : i32 to index
        %get3A_1109 = arith.index_cast %scan3A_932 : i32 to index
        %get3A_1110 = arith.constant 96 : index
        %get3A_1111 = tpu.vector_load %arg12[%get3A_1108, %get3A_1109, %get3A_1110] {strides = array<i32>} : memref<5x64x128xf32, #tpu.memory_space<vmem>>, vector<16xf32>,
        %get3A_1112 = arith.constant 1 : i32
        %get3A_1113 = arith.index_cast %get3A_1112 : i32 to index
        %get3A_1114 = arith.index_cast %scan3A_932 : i32 to index
        %get3A_1115 = arith.constant 96 : index
        %get3A_1116 = tpu.vector_load %arg12[%get3A_1113, %get3A_1114, %get3A_1115] {strides = array<i32>} : memref<5x64x128xf32, #tpu.memory_space<vmem>>, vector<16xf32>,
        %add3A_1117 = arith.addf %get3A_1111, %get3A_1116 : vector<16xf32>
        %get3A_1118 = arith.constant 2 : i32
        %get3A_1119 = arith.index_cast %get3A_1118 : i32 to index
        %get3A_1120 = arith.index_cast %scan3A_932 : i32 to index
        %get3A_1121 = arith.constant 96 : index
        %get3A_1122 = tpu.vector_load %arg12[%get3A_1119, %get3A_1120, %get3A_1121] {strides = array<i32>} : memref<5x64x128xf32, #tpu.memory_space<vmem>>, vector<16xf32>,
        %add3A_1123 = arith.addf %add3A_1117, %get3A_1122 : vector<16xf32>
        %get3A_1124 = arith.constant 3 : i32
        %get3A_1125 = arith.index_cast %get3A_1124 : i32 to index
        %get3A_1126 = arith.index_cast %scan3A_932 : i32 to index
        %get3A_1127 = arith.constant 96 : index
        %get3A_1128 = tpu.vector_load %arg12[%get3A_1125, %get3A_1126, %get3A_1127] {strides = array<i32>} : memref<5x64x128xf32, #tpu.memory_space<vmem>>, vector<16xf32>,
        %add3A_1129 = arith.addf %add3A_1123, %get3A_1128 : vector<16xf32>
        %get3A_1130 = arith.constant 4 : i32
        %get3A_1131 = arith.index_cast %get3A_1130 : i32 to index
        %get3A_1132 = arith.index_cast %scan3A_932 : i32 to index
        %get3A_1133 = arith.constant 96 : index
        %get3A_1134 = tpu.vector_load %arg12[%get3A_1131, %get3A_1132, %get3A_1133] {strides = array<i32>} : memref<5x64x128xf32, #tpu.memory_space<vmem>>, vector<16xf32>,
        %add3A_1135 = arith.addf %add3A_1129, %get3A_1134 : vector<16xf32>
        %get3A_1136 = arith.constant 0 : i32
        %get3A_1137 = arith.index_cast %get3A_1136 : i32 to index
        %get3A_1138 = arith.index_cast %scan3A_932 : i32 to index
        %get3A_1139 = arith.constant 112 : index
        %get3A_1140 = tpu.vector_load %arg12[%get3A_1137, %get3A_1138, %get3A_1139] {strides = array<i32>} : memref<5x64x128xf32, #tpu.memory_space<vmem>>, vector<16xf32>,
        %get3A_1141 = arith.constant 1 : i32
        %get3A_1142 = arith.index_cast %get3A_1141 : i32 to index
        %get3A_1143 = arith.index_cast %scan3A_932 : i32 to index
        %get3A_1144 = arith.constant 112 : index
        %get3A_1145 = tpu.vector_load %arg12[%get3A_1142, %get3A_1143, %get3A_1144] {strides = array<i32>} : memref<5x64x128xf32, #tpu.memory_space<vmem>>, vector<16xf32>,
        %add3A_1146 = arith.addf %get3A_1140, %get3A_1145 : vector<16xf32>
        %get3A_1147 = arith.constant 2 : i32
        %get3A_1148 = arith.index_cast %get3A_1147 : i32 to index
        %get3A_1149 = arith.index_cast %scan3A_932 : i32 to index
        %get3A_1150 = arith.constant 112 : index
        %get3A_1151 = tpu.vector_load %arg12[%get3A_1148, %get3A_1149, %get3A_1150] {strides = array<i32>} : memref<5x64x128xf32, #tpu.memory_space<vmem>>, vector<16xf32>,
        %add3A_1152 = arith.addf %add3A_1146, %get3A_1151 : vector<16xf32>
        %get3A_1153 = arith.constant 3 : i32
        %get3A_1154 = arith.index_cast %get3A_1153 : i32 to index
        %get3A_1155 = arith.index_cast %scan3A_932 : i32 to index
        %get3A_1156 = arith.constant 112 : index
        %get3A_1157 = tpu.vector_load %arg12[%get3A_1154, %get3A_1155, %get3A_1156] {strides = array<i32>} : memref<5x64x128xf32, #tpu.memory_space<vmem>>, vector<16xf32>,
        %add3A_1158 = arith.addf %add3A_1152, %get3A_1157 : vector<16xf32>
        %get3A_1159 = arith.constant 4 : i32
        %get3A_1160 = arith.index_cast %get3A_1159 : i32 to index
        %get3A_1161 = arith.index_cast %scan3A_932 : i32 to index
        %get3A_1162 = arith.constant 112 : index
        %get3A_1163 = tpu.vector_load %arg12[%get3A_1160, %get3A_1161, %get3A_1162] {strides = array<i32>} : memref<5x64x128xf32, #tpu.memory_space<vmem>>, vector<16xf32>,
        %add3A_1164 = arith.addf %add3A_1158, %get3A_1163 : vector<16xf32>
        %add3A_1165 = arith.addf %add3A_961, %add3A_990 : vector<16xf32>
        %add3A_1166 = arith.addf %add3A_1165, %add3A_1019 : vector<16xf32>
        %add3A_1167 = arith.addf %add3A_1166, %add3A_1048 : vector<16xf32>
        %add3A_1168 = arith.addf %add3A_1167, %add3A_1077 : vector<16xf32>
        %add3A_1169 = arith.addf %add3A_1168, %add3A_1106 : vector<16xf32>
        %add3A_1170 = arith.addf %add3A_1169, %add3A_1135 : vector<16xf32>
        %add3A_1171 = arith.addf %add3A_1170, %add3A_1164 : vector<16xf32>
        %reduce_sum3A = arith.constant true
        %reduce_sum3A_1172 = vector.broadcast %reduce_sum3A : i1 to vector<16xi1>
        %reduce_sum3A_1173 = tpu.scan <sum>, %add3A_1171 masked %reduce_sum3A_1172 : vector<16xf32>, vector<16xi1> -> vector<16xf32>
        %reduce_sum3A_1174 = vector.extract %reduce_sum3A_1173[15] : f32 from vector<16xf32>
        %mul3A_1175 = arith.constant 7.812500e-03 : f32
        %mul3A_1176 = arith.mulf %reduce_sum3A_1174, %mul3A_1175 : f32
        %broadcast_in_dim3A = vector.broadcast %mul3A_1176 : f32 to vector<16xf32>
        %sub3A = arith.subf %add3A_961, %broadcast_in_dim3A : vector<16xf32>
        %sub3A_1177 = arith.subf %add3A_990, %broadcast_in_dim3A : vector<16xf32>
        %sub3A_1178 = arith.subf %add3A_1019, %broadcast_in_dim3A : vector<16xf32>
        %sub3A_1179 = arith.subf %add3A_1048, %broadcast_in_dim3A : vector<16xf32>
        %sub3A_1180 = arith.subf %add3A_1077, %broadcast_in_dim3A : vector<16xf32>
        %sub3A_1181 = arith.subf %add3A_1106, %broadcast_in_dim3A : vector<16xf32>
        %sub3A_1182 = arith.subf %add3A_1135, %broadcast_in_dim3A : vector<16xf32>
        %sub3A_1183 = arith.subf %add3A_1164, %broadcast_in_dim3A : vector<16xf32>
        %mul3A_1184 = arith.mulf %sub3A, %sub3A : vector<16xf32>
        %mul3A_1185 = arith.mulf %sub3A_1177, %sub3A_1177 : vector<16xf32>
        %add3A_1186 = arith.addf %mul3A_1184, %mul3A_1185 : vector<16xf32>
        %mul3A_1187 = arith.mulf %sub3A_1178, %sub3A_1178 : vector<16xf32>
        %add3A_1188 = arith.addf %add3A_1186, %mul3A_1187 : vector<16xf32>
        %mul3A_1189 = arith.mulf %sub3A_1179, %sub3A_1179 : vector<16xf32>
        %add3A_1190 = arith.addf %add3A_1188, %mul3A_1189 : vector<16xf32>
        %mul3A_1191 = arith.mulf %sub3A_1180, %sub3A_1180 : vector<16xf32>
        %add3A_1192 = arith.addf %add3A_1190, %mul3A_1191 : vector<16xf32>
        %mul3A_1193 = arith.mulf %sub3A_1181, %sub3A_1181 : vector<16xf32>
        %add3A_1194 = arith.addf %add3A_1192, %mul3A_1193 : vector<16xf32>
        %mul3A_1195 = arith.mulf %sub3A_1182, %sub3A_1182 : vector<16xf32>
        %add3A_1196 = arith.addf %add3A_1194, %mul3A_1195 : vector<16xf32>
        %mul3A_1197 = arith.mulf %sub3A_1183, %sub3A_1183 : vector<16xf32>
        %add3A_1198 = arith.addf %add3A_1196, %mul3A_1197 : vector<16xf32>
        %reduce_sum3A_1199 = arith.constant true
        %reduce_sum3A_1200 = vector.broadcast %reduce_sum3A_1199 : i1 to vector<16xi1>
        %reduce_sum3A_1201 = tpu.scan <sum>, %add3A_1198 masked %reduce_sum3A_1200 : vector<16xf32>, vector<16xi1> -> vector<16xf32>
        %reduce_sum3A_1202 = vector.extract %reduce_sum3A_1201[15] : f32 from vector<16xf32>
        %mul3A_1203 = arith.constant 7.812500e-03 : f32
        %mul3A_1204 = arith.mulf %reduce_sum3A_1202, %mul3A_1203 : f32
        %add3A_1205 = arith.constant 9.99999996E-13 : f32
        %add3A_1206 = arith.addf %mul3A_1204, %add3A_1205 : f32
        %broadcast_in_dim3A_1207 = vector.broadcast %add3A_1206 : f32 to vector<16xf32>
        %bitcast_convert_type3A = tpu.bitcast %broadcast_in_dim3A_1207 : vector<16xf32> -> vector<16xi32>
        %shift_right_arithmetic3A = arith.constant 1 : i32
        %shift_right_arithmetic3A_1208 = vector.broadcast %shift_right_arithmetic3A : i32 to vector<16xi32>
        %shift_right_arithmetic3A_1209 = arith.shrsi %bitcast_convert_type3A, %shift_right_arithmetic3A_1208 : vector<16xi32>
        %sub3A_1210 = arith.constant 1597463007 : i32
        %sub3A_1211 = vector.broadcast %sub3A_1210 : i32 to vector<16xi32>
        %sub3A_1212 = arith.subi %sub3A_1211, %shift_right_arithmetic3A_1209 : vector<16xi32>
        %bitcast_convert_type3A_1213 = tpu.bitcast %sub3A_1212 : vector<16xi32> -> vector<16xf32>
        %mul3A_1214 = arith.constant 5.000000e-01 : f32
        %mul3A_1215 = vector.broadcast %mul3A_1214 : f32 to vector<16xf32>
        %mul3A_1216 = arith.mulf %mul3A_1215, %broadcast_in_dim3A_1207 : vector<16xf32>
        %mul3A_1217 = arith.mulf %mul3A_1216, %bitcast_convert_type3A_1213 : vector<16xf32>
        %mul3A_1218 = arith.mulf %mul3A_1217, %bitcast_convert_type3A_1213 : vector<16xf32>
        %sub3A_1219 = arith.constant 1.500000e+00 : f32
        %sub3A_1220 = vector.broadcast %sub3A_1219 : f32 to vector<16xf32>
        %sub3A_1221 = arith.subf %sub3A_1220, %mul3A_1218 : vector<16xf32>
        %mul3A_1222 = arith.mulf %bitcast_convert_type3A_1213, %sub3A_1221 : vector<16xf32>
        %mul3A_1223 = arith.constant 5.000000e-01 : f32
        %mul3A_1224 = vector.broadcast %mul3A_1223 : f32 to vector<16xf32>
        %mul3A_1225 = arith.mulf %mul3A_1224, %broadcast_in_dim3A_1207 : vector<16xf32>
        %mul3A_1226 = arith.mulf %mul3A_1225, %mul3A_1222 : vector<16xf32>
        %mul3A_1227 = arith.mulf %mul3A_1226, %mul3A_1222 : vector<16xf32>
        %sub3A_1228 = arith.constant 1.500000e+00 : f32
        %sub3A_1229 = vector.broadcast %sub3A_1228 : f32 to vector<16xf32>
        %sub3A_1230 = arith.subf %sub3A_1229, %mul3A_1227 : vector<16xf32>
        %mul3A_1231 = arith.mulf %mul3A_1222, %sub3A_1230 : vector<16xf32>
        %mul3A_1232 = arith.constant 5.000000e-01 : f32
        %mul3A_1233 = vector.broadcast %mul3A_1232 : f32 to vector<16xf32>
        %mul3A_1234 = arith.mulf %mul3A_1233, %broadcast_in_dim3A_1207 : vector<16xf32>
        %mul3A_1235 = arith.mulf %mul3A_1234, %mul3A_1231 : vector<16xf32>
        %mul3A_1236 = arith.mulf %mul3A_1235, %mul3A_1231 : vector<16xf32>
        %sub3A_1237 = arith.constant 1.500000e+00 : f32
        %sub3A_1238 = vector.broadcast %sub3A_1237 : f32 to vector<16xf32>
        %sub3A_1239 = arith.subf %sub3A_1238, %mul3A_1236 : vector<16xf32>
        %mul3A_1240 = arith.mulf %mul3A_1231, %sub3A_1239 : vector<16xf32>
        %mul3A_1241 = arith.mulf %sub3A, %mul3A_1240 : vector<16xf32>
        %mul3A_1242 = arith.mulf %mul3A_1241, %get3A_6 : vector<16xf32>
        %add3A_1243 = arith.addf %mul3A_1242, %get3A_38 : vector<16xf32>
        %swap3A = arith.constant 0 : i32
        %swap3A_1244 = arith.index_cast %swap3A : i32 to index
        %swap3A_1245 = arith.index_cast %scan3A_932 : i32 to index
        %swap3A_1246 = arith.constant 0 : index
        %swap3A_1247 = tpu.vector_load %arg12[%swap3A_1244, %swap3A_1245, %swap3A_1246] {strides = array<i32>} : memref<5x64x128xf32, #tpu.memory_space<vmem>>, vector<16xf32>,
        tpu.vector_store %arg12[%swap3A_1244, %swap3A_1245, %swap3A_1246], %add3A_1243 {strides = array<i32>} : memref<5x64x128xf32, #tpu.memory_space<vmem>>, vector<16xf32>,
        %mul3A_1248 = arith.mulf %sub3A_1177, %mul3A_1240 : vector<16xf32>
        %mul3A_1249 = arith.mulf %mul3A_1248, %get3A_10 : vector<16xf32>
        %add3A_1250 = arith.addf %mul3A_1249, %get3A_42 : vector<16xf32>
        %swap3A_1251 = arith.constant 0 : i32
        %swap3A_1252 = arith.index_cast %swap3A_1251 : i32 to index
        %swap3A_1253 = arith.index_cast %scan3A_932 : i32 to index
        %swap3A_1254 = arith.constant 16 : index
        %swap3A_1255 = tpu.vector_load %arg12[%swap3A_1252, %swap3A_1253, %swap3A_1254] {strides = array<i32>} : memref<5x64x128xf32, #tpu.memory_space<vmem>>, vector<16xf32>,
        tpu.vector_store %arg12[%swap3A_1252, %swap3A_1253, %swap3A_1254], %add3A_1250 {strides = array<i32>} : memref<5x64x128xf32, #tpu.memory_space<vmem>>, vector<16xf32>,
        %mul3A_1256 = arith.mulf %sub3A_1178, %mul3A_1240 : vector<16xf32>
        %mul3A_1257 = arith.mulf %mul3A_1256, %get3A_14 : vector<16xf32>
        %add3A_1258 = arith.addf %mul3A_1257, %get3A_46 : vector<16xf32>
        %swap3A_1259 = arith.constant 0 : i32
        %swap3A_1260 = arith.index_cast %swap3A_1259 : i32 to index
        %swap3A_1261 = arith.index_cast %scan3A_932 : i32 to index
        %swap3A_1262 = arith.constant 32 : index
        %swap3A_1263 = tpu.vector_load %arg12[%swap3A_1260, %swap3A_1261, %swap3A_1262] {strides = array<i32>} : memref<5x64x128xf32, #tpu.memory_space<vmem>>, vector<16xf32>,
        tpu.vector_store %arg12[%swap3A_1260, %swap3A_1261, %swap3A_1262], %add3A_1258 {strides = array<i32>} : memref<5x64x128xf32, #tpu.memory_space<vmem>>, vector<16xf32>,
        %mul3A_1264 = arith.mulf %sub3A_1179, %mul3A_1240 : vector<16xf32>
        %mul3A_1265 = arith.mulf %mul3A_1264, %get3A_18 : vector<16xf32>
        %add3A_1266 = arith.addf %mul3A_1265, %get3A_50 : vector<16xf32>
        %swap3A_1267 = arith.constant 0 : i32
        %swap3A_1268 = arith.index_cast %swap3A_1267 : i32 to index
        %swap3A_1269 = arith.index_cast %scan3A_932 : i32 to index
        %swap3A_1270 = arith.constant 48 : index
        %swap3A_1271 = tpu.vector_load %arg12[%swap3A_1268, %swap3A_1269, %swap3A_1270] {strides = array<i32>} : memref<5x64x128xf32, #tpu.memory_space<vmem>>, vector<16xf32>,
        tpu.vector_store %arg12[%swap3A_1268, %swap3A_1269, %swap3A_1270], %add3A_1266 {strides = array<i32>} : memref<5x64x128xf32, #tpu.memory_space<vmem>>, vector<16xf32>,
        %mul3A_1272 = arith.mulf %sub3A_1180, %mul3A_1240 : vector<16xf32>
        %mul3A_1273 = arith.mulf %mul3A_1272, %get3A_22 : vector<16xf32>
        %add3A_1274 = arith.addf %mul3A_1273, %get3A_54 : vector<16xf32>
        %swap3A_1275 = arith.constant 0 : i32
        %swap3A_1276 = arith.index_cast %swap3A_1275 : i32 to index
        %swap3A_1277 = arith.index_cast %scan3A_932 : i32 to index
        %swap3A_1278 = arith.constant 64 : index
        %swap3A_1279 = tpu.vector_load %arg12[%swap3A_1276, %swap3A_1277, %swap3A_1278] {strides = array<i32>} : memref<5x64x128xf32, #tpu.memory_space<vmem>>, vector<16xf32>,
        tpu.vector_store %arg12[%swap3A_1276, %swap3A_1277, %swap3A_1278], %add3A_1274 {strides = array<i32>} : memref<5x64x128xf32, #tpu.memory_space<vmem>>, vector<16xf32>,
        %mul3A_1280 = arith.mulf %sub3A_1181, %mul3A_1240 : vector<16xf32>
        %mul3A_1281 = arith.mulf %mul3A_1280, %get3A_26 : vector<16xf32>
        %add3A_1282 = arith.addf %mul3A_1281, %get3A_58 : vector<16xf32>
        %swap3A_1283 = arith.constant 0 : i32
        %swap3A_1284 = arith.index_cast %swap3A_1283 : i32 to index
        %swap3A_1285 = arith.index_cast %scan3A_932 : i32 to index
        %swap3A_1286 = arith.constant 80 : index
        %swap3A_1287 = tpu.vector_load %arg12[%swap3A_1284, %swap3A_1285, %swap3A_1286] {strides = array<i32>} : memref<5x64x128xf32, #tpu.memory_space<vmem>>, vector<16xf32>,
        tpu.vector_store %arg12[%swap3A_1284, %swap3A_1285, %swap3A_1286], %add3A_1282 {strides = array<i32>} : memref<5x64x128xf32, #tpu.memory_space<vmem>>, vector<16xf32>,
        %mul3A_1288 = arith.mulf %sub3A_1182, %mul3A_1240 : vector<16xf32>
        %mul3A_1289 = arith.mulf %mul3A_1288, %get3A_30 : vector<16xf32>
        %add3A_1290 = arith.addf %mul3A_1289, %get3A_62 : vector<16xf32>
        %swap3A_1291 = arith.constant 0 : i32
        %swap3A_1292 = arith.index_cast %swap3A_1291 : i32 to index
        %swap3A_1293 = arith.index_cast %scan3A_932 : i32 to index
        %swap3A_1294 = arith.constant 96 : index
        %swap3A_1295 = tpu.vector_load %arg12[%swap3A_1292, %swap3A_1293, %swap3A_1294] {strides = array<i32>} : memref<5x64x128xf32, #tpu.memory_space<vmem>>, vector<16xf32>,
        tpu.vector_store %arg12[%swap3A_1292, %swap3A_1293, %swap3A_1294], %add3A_1290 {strides = array<i32>} : memref<5x64x128xf32, #tpu.memory_space<vmem>>, vector<16xf32>,
        %mul3A_1296 = arith.mulf %sub3A_1183, %mul3A_1240 : vector<16xf32>
        %mul3A_1297 = arith.mulf %mul3A_1296, %get3A_34 : vector<16xf32>
        %add3A_1298 = arith.addf %mul3A_1297, %get3A_66 : vector<16xf32>
        %swap3A_1299 = arith.constant 0 : i32
        %swap3A_1300 = arith.index_cast %swap3A_1299 : i32 to index
        %swap3A_1301 = arith.index_cast %scan3A_932 : i32 to index
        %swap3A_1302 = arith.constant 112 : index
        %swap3A_1303 = tpu.vector_load %arg12[%swap3A_1300, %swap3A_1301, %swap3A_1302] {strides = array<i32>} : memref<5x64x128xf32, #tpu.memory_space<vmem>>, vector<16xf32>,
        tpu.vector_store %arg12[%swap3A_1300, %swap3A_1301, %swap3A_1302], %add3A_1298 {strides = array<i32>} : memref<5x64x128xf32, #tpu.memory_space<vmem>>, vector<16xf32>,
      }
      %scan3A_752 = arith.constant 64 : i32
      %mul3A_753 = arith.constant 64 : i32
      %mul3A_754 = arith.muli %add3A_609, %mul3A_753 : i32
      %add3A_755 = arith.addi %mul3A_2, %mul3A_754 : i32
      %dma_start3A_756 = arith.constant 0 : i32
      %dma_start3A_757 = arith.constant 0 : i32
      %dma_start3A_758 = arith.constant 0 : i32
      %dma_start3A_759 = tpu.memref_slice %arg12[%dma_start3A_756, %dma_start3A_757, %dma_start3A_758] : memref<5x64x128xf32, #tpu.memory_space<vmem>> -> memref<1x64x128xf32, #tpu.memory_space<vmem>>
      %dma_start3A_760 = tpu.memref_squeeze %dma_start3A_759 : memref<1x64x128xf32, #tpu.memory_space<vmem>> -> memref<64x128xf32, #tpu.memory_space<vmem>>
      %dma_start3A_761 = arith.constant 0 : i32
      %dma_start3A_762 = tpu.memref_slice %arg10[%add3A_755, %dma_start3A_761] : memref<204800x128xf32, #tpu.memory_space<hbm>> -> memref<64x128xf32, #tpu.memory_space<hbm>>
      %dma_start3A_763 = arith.constant 0 : i32
      %dma_start3A_764 = tpu.memref_slice %arg10[%add3A_755, %dma_start3A_763] : memref<204800x128xf32, #tpu.memory_space<hbm>> -> memref<64x128xf32, #tpu.memory_space<hbm>>
      %dma_start3A_765 = arith.constant 0 : i32
      %dma_start3A_766 = arith.constant 0 : i32
      %dma_start3A_767 = tpu.memref_slice %arg12[%dma_start3A_756, %dma_start3A_765, %dma_start3A_766] : memref<5x64x128xf32, #tpu.memory_space<vmem>> -> memref<1x64x128xf32, #tpu.memory_space<vmem>>
      %dma_start3A_768 = tpu.memref_squeeze %dma_start3A_767 : memref<1x64x128xf32, #tpu.memory_space<vmem>> -> memref<64x128xf32, #tpu.memory_space<vmem>>
      tpu.enqueue_dma source(%dma_start3A_768 : memref<64x128xf32, #tpu.memory_space<vmem>>) target(%dma_start3A_764 : memref<64x128xf32, #tpu.memory_space<hbm>>) target_semaphore(%arg17 : memref<!tpu.dma_semaphore, #tpu.memory_space<semaphore_mem>>)
      %mul3A_769 = arith.constant 2 : i32
      %mul3A_770 = arith.muli %mul3A_769, %add3A_598 : i32
      %add3A_771 = arith.constant 1 : i32
      %add3A_772 = arith.addi %mul3A_770, %add3A_771 : i32
      %add3A_773 = arith.constant 1 : i32
      %add3A_774 = arith.addi %add3A_772, %add3A_773 : i32
      %lt3A_775 = arith.constant 100 : i32
      %lt3A_776 = arith.cmpi slt, %add3A_774, %lt3A_775 : i32
      %convert_element_type3A_777 = arith.extui %lt3A_776 : i1 to i32
      %cond3A_778 = arith.constant 0 : i32
      %cond3A_779 = arith.cmpi ne, %convert_element_type3A_777, %cond3A_778 : i32
      scf.if %cond3A_779 {
        %ge3A = arith.constant 1 : i32
        %ge3A_932 = arith.cmpi sge, %add3A_772, %ge3A : i32
        %convert_element_type3A_933 = arith.extui %ge3A_932 : i1 to i32
        %cond3A_934 = arith.constant 0 : i32
        %cond3A_935 = arith.cmpi ne, %convert_element_type3A_933, %cond3A_934 : i32
        scf.if %cond3A_935 {
          %sub3A = arith.constant 1 : i32
          %sub3A_1084 = arith.subi %add3A_772, %sub3A : i32
          %mul3A_1085 = arith.constant 64 : i32
          %mul3A_1086 = arith.muli %sub3A_1084, %mul3A_1085 : i32
          %add3A_1087 = arith.addi %mul3A_2, %mul3A_1086 : i32
          %dma_wait3A_1088 = arith.constant 0 : i32
          %dma_wait3A_1089 = arith.constant 0 : i32
          %dma_wait3A_1090 = arith.constant 0 : i32
          %dma_wait3A_1091 = tpu.memref_slice %arg12[%dma_wait3A_1088, %dma_wait3A_1089, %dma_wait3A_1090] : memref<5x64x128xf32, #tpu.memory_space<vmem>> -> memref<1x64x128xf32, #tpu.memory_space<vmem>>
          %dma_wait3A_1092 = tpu.memref_squeeze %dma_wait3A_1091 : memref<1x64x128xf32, #tpu.memory_space<vmem>> -> memref<64x128xf32, #tpu.memory_space<vmem>>
          %dma_wait3A_1093 = arith.constant 0 : i32
          %dma_wait3A_1094 = tpu.memref_slice %arg10[%add3A_1087, %dma_wait3A_1093] : memref<204800x128xf32, #tpu.memory_space<hbm>> -> memref<64x128xf32, #tpu.memory_space<hbm>>
          %dma_wait3A_1095 = arith.constant 0 : i32
          %dma_wait3A_1096 = tpu.memref_slice %arg10[%add3A_1087, %dma_wait3A_1095] : memref<204800x128xf32, #tpu.memory_space<hbm>> -> memref<64x128xf32, #tpu.memory_space<hbm>>
          %dma_wait3A_1097 = arith.constant 0 : i32
          %dma_wait3A_1098 = arith.constant 0 : i32
          %dma_wait3A_1099 = tpu.memref_slice %arg12[%dma_wait3A_1088, %dma_wait3A_1097, %dma_wait3A_1098] : memref<5x64x128xf32, #tpu.memory_space<vmem>> -> memref<1x64x128xf32, #tpu.memory_space<vmem>>
          %dma_wait3A_1100 = tpu.memref_squeeze %dma_wait3A_1099 : memref<1x64x128xf32, #tpu.memory_space<vmem>> -> memref<64x128xf32, #tpu.memory_space<vmem>>
          tpu.wait_dma2 semaphore(%arg17 : memref<!tpu.dma_semaphore, #tpu.memory_space<semaphore_mem>>) src(%dma_wait3A_1100 : memref<64x128xf32, #tpu.memory_space<vmem>>) dst(%dma_wait3A_1096 : memref<64x128xf32, #tpu.memory_space<hbm>>)
        } else {
        }
        %add3A_936 = arith.constant 1 : i32
        %add3A_937 = arith.addi %add3A_598, %add3A_936 : i32
        %mul3A_938 = arith.constant 128 : i32
        %mul3A_939 = arith.muli %add3A_937, %mul3A_938 : i32
        %add3A_940 = arith.addi %mul3A_2, %mul3A_939 : i32
        %dma_wait3A_941 = arith.constant 0 : i32
        %dma_wait3A_942 = arith.constant 0 : i32
        %dma_wait3A_943 = arith.constant 0 : i32
        %dma_wait3A_944 = tpu.memref_slice %arg11[%dma_wait3A_941, %dma_wait3A_942, %dma_wait3A_943] : memref<2x8x128xi32, #tpu.memory_space<vmem>> -> memref<1x5x128xi32, #tpu.memory_space<vmem>>
        %dma_wait3A_945 = tpu.memref_squeeze %dma_wait3A_944 : memref<1x5x128xi32, #tpu.memory_space<vmem>> -> memref<5x128xi32, #tpu.memory_space<vmem>>
        %dma_wait3A_946 = arith.constant 0 : i32
        %dma_wait3A_947 = tpu.memref_slice %arg2[%dma_wait3A_946, %add3A_940] : memref<5x204800xi32, #tpu.memory_space<hbm>> -> memref<5x128xi32, #tpu.memory_space<hbm>>
        %dma_wait3A_948 = arith.constant 0 : i32
        %dma_wait3A_949 = arith.constant 0 : i32
        %dma_wait3A_950 = tpu.memref_slice %arg11[%dma_wait3A_941, %dma_wait3A_948, %dma_wait3A_949] : memref<2x8x128xi32, #tpu.memory_space<vmem>> -> memref<1x5x128xi32, #tpu.memory_space<vmem>>
        %dma_wait3A_951 = tpu.memref_squeeze %dma_wait3A_950 : memref<1x5x128xi32, #tpu.memory_space<vmem>> -> memref<5x128xi32, #tpu.memory_space<vmem>>
        %dma_wait3A_952 = arith.constant 0 : i32
        %dma_wait3A_953 = tpu.memref_slice %arg2[%dma_wait3A_952, %add3A_940] : memref<5x204800xi32, #tpu.memory_space<hbm>> -> memref<5x128xi32, #tpu.memory_space<hbm>>
        tpu.wait_dma2 semaphore(%arg19 : memref<!tpu.dma_semaphore, #tpu.memory_space<semaphore_mem>>) src(%dma_wait3A_953 : memref<5x128xi32, #tpu.memory_space<hbm>>) dst(%dma_wait3A_951 : memref<5x128xi32, #tpu.memory_space<vmem>>)
        %dma_start3A_954 = arith.constant 0 : i32
        %dma_start3A_955 = arith.constant 0 : i32
        %dma_start3A_956 = arith.constant 0 : i32
        %dma_start3A_957 = arith.constant 0 : i32
        %dma_start3A_958 = arith.constant 0 : i32
        %dma_start3A_959 = tpu.memref_slice %arg12[%dma_start3A_956, %dma_start3A_957, %dma_start3A_958] : memref<5x64x128xf32, #tpu.memory_space<vmem>> -> memref<1x32x128xf32, #tpu.memory_space<vmem>>
        %dma_start3A_960 = tpu.memref_squeeze %dma_start3A_959 : memref<1x32x128xf32, #tpu.memory_space<vmem>> -> memref<32x128xf32, #tpu.memory_space<vmem>>
        %dma_start3A_961 = arith.constant 0 : i32
        %dma_start3A_962 = tpu.memref_slice %arg11[%dma_start3A_954, %dma_start3A_955, %dma_start3A_961] : memref<2x8x128xi32, #tpu.memory_space<vmem>> -> memref<1x1x32xi32, #tpu.memory_space<vmem>>
        %dma_start3A_963 = tpu.memref_squeeze %dma_start3A_962 : memref<1x1x32xi32, #tpu.memory_space<vmem>> -> memref<32xi32, #tpu.memory_space<vmem>>
        %dma_start3A_964 = arith.constant 0 : i32
        %dma_start3A_965 = arith.constant 0 : i32
        %dma_start3A_966 = tpu.memref_slice %arg3[%dma_start3A_964, %dma_start3A_965] : memref<100000x128xf32, #tpu.memory_space<hbm>> -> memref<100000x128xf32, #tpu.memory_space<hbm>>
        tpu.enqueue_indirect_dma source(%dma_start3A_966 : memref<100000x128xf32, #tpu.memory_space<hbm>>) target(%dma_start3A_960 : memref<32x128xf32, #tpu.memory_space<vmem>>) offsets(%dma_start3A_963 : memref<32xi32, #tpu.memory_space<vmem>>) semaphore(%arg15 : memref<!tpu.dma_semaphore, #tpu.memory_space<semaphore_mem>>)
        %dma_start3A_967 = arith.constant 0 : i32
        %dma_start3A_968 = arith.constant 0 : i32
        %dma_start3A_969 = arith.constant 0 : i32
        %dma_start3A_970 = arith.constant 32 : i32
        %dma_start3A_971 = arith.constant 0 : i32
        %dma_start3A_972 = tpu.memref_slice %arg12[%dma_start3A_969, %dma_start3A_970, %dma_start3A_971] : memref<5x64x128xf32, #tpu.memory_space<vmem>> -> memref<1x32x128xf32, #tpu.memory_space<vmem>>
        %dma_start3A_973 = tpu.memref_squeeze %dma_start3A_972 : memref<1x32x128xf32, #tpu.memory_space<vmem>> -> memref<32x128xf32, #tpu.memory_space<vmem>>
        %dma_start3A_974 = arith.constant 32 : i32
        %dma_start3A_975 = tpu.memref_slice %arg11[%dma_start3A_967, %dma_start3A_968, %dma_start3A_974] : memref<2x8x128xi32, #tpu.memory_space<vmem>> -> memref<1x1x32xi32, #tpu.memory_space<vmem>>
        %dma_start3A_976 = tpu.memref_squeeze %dma_start3A_975 : memref<1x1x32xi32, #tpu.memory_space<vmem>> -> memref<32xi32, #tpu.memory_space<vmem>>
        %dma_start3A_977 = arith.constant 0 : i32
        %dma_start3A_978 = arith.constant 0 : i32
        %dma_start3A_979 = tpu.memref_slice %arg3[%dma_start3A_977, %dma_start3A_978] : memref<100000x128xf32, #tpu.memory_space<hbm>> -> memref<100000x128xf32, #tpu.memory_space<hbm>>
        tpu.enqueue_indirect_dma source(%dma_start3A_979 : memref<100000x128xf32, #tpu.memory_space<hbm>>) target(%dma_start3A_973 : memref<32x128xf32, #tpu.memory_space<vmem>>) offsets(%dma_start3A_976 : memref<32xi32, #tpu.memory_space<vmem>>) semaphore(%arg15 : memref<!tpu.dma_semaphore, #tpu.memory_space<semaphore_mem>>)
        %dma_start3A_980 = arith.constant 0 : i32
        %dma_start3A_981 = arith.constant 1 : i32
        %dma_start3A_982 = arith.constant 1 : i32
        %dma_start3A_983 = arith.constant 0 : i32
        %dma_start3A_984 = arith.constant 0 : i32
        %dma_start3A_985 = tpu.memref_slice %arg12[%dma_start3A_982, %dma_start3A_983, %dma_start3A_984] : memref<5x64x128xf32, #tpu.memory_space<vmem>> -> memref<1x32x128xf32, #tpu.memory_space<vmem>>
        %dma_start3A_986 = tpu.memref_squeeze %dma_start3A_985 : memref<1x32x128xf32, #tpu.memory_space<vmem>> -> memref<32x128xf32, #tpu.memory_space<vmem>>
        %dma_start3A_987 = arith.constant 0 : i32
        %dma_start3A_988 = tpu.memref_slice %arg11[%dma_start3A_980, %dma_start3A_981, %dma_start3A_987] : memref<2x8x128xi32, #tpu.memory_space<vmem>> -> memref<1x1x32xi32, #tpu.memory_space<vmem>>
        %dma_start3A_989 = tpu.memref_squeeze %dma_start3A_988 : memref<1x1x32xi32, #tpu.memory_space<vmem>> -> memref<32xi32, #tpu.memory_space<vmem>>
        %dma_start3A_990 = arith.constant 0 : i32
        %dma_start3A_991 = arith.constant 0 : i32
        %dma_start3A_992 = tpu.memref_slice %arg4[%dma_start3A_990, %dma_start3A_991] : memref<200x128xf32, #tpu.memory_space<hbm>> -> memref<200x128xf32, #tpu.memory_space<hbm>>
        tpu.enqueue_indirect_dma source(%dma_start3A_992 : memref<200x128xf32, #tpu.memory_space<hbm>>) target(%dma_start3A_986 : memref<32x128xf32, #tpu.memory_space<vmem>>) offsets(%dma_start3A_989 : memref<32xi32, #tpu.memory_space<vmem>>) semaphore(%arg15 : memref<!tpu.dma_semaphore, #tpu.memory_space<semaphore_mem>>)
        %dma_start3A_993 = arith.constant 0 : i32
        %dma_start3A_994 = arith.constant 1 : i32
        %dma_start3A_995 = arith.constant 1 : i32
        %dma_start3A_996 = arith.constant 32 : i32
        %dma_start3A_997 = arith.constant 0 : i32
        %dma_start3A_998 = tpu.memref_slice %arg12[%dma_start3A_995, %dma_start3A_996, %dma_start3A_997] : memref<5x64x128xf32, #tpu.memory_space<vmem>> -> memref<1x32x128xf32, #tpu.memory_space<vmem>>
        %dma_start3A_999 = tpu.memref_squeeze %dma_start3A_998 : memref<1x32x128xf32, #tpu.memory_space<vmem>> -> memref<32x128xf32, #tpu.memory_space<vmem>>
        %dma_start3A_1000 = arith.constant 32 : i32
        %dma_start3A_1001 = tpu.memref_slice %arg11[%dma_start3A_993, %dma_start3A_994, %dma_start3A_1000] : memref<2x8x128xi32, #tpu.memory_space<vmem>> -> memref<1x1x32xi32, #tpu.memory_space<vmem>>
        %dma_start3A_1002 = tpu.memref_squeeze %dma_start3A_1001 : memref<1x1x32xi32, #tpu.memory_space<vmem>> -> memref<32xi32, #tpu.memory_space<vmem>>
        %dma_start3A_1003 = arith.constant 0 : i32
        %dma_start3A_1004 = arith.constant 0 : i32
        %dma_start3A_1005 = tpu.memref_slice %arg4[%dma_start3A_1003, %dma_start3A_1004] : memref<200x128xf32, #tpu.memory_space<hbm>> -> memref<200x128xf32, #tpu.memory_space<hbm>>
        tpu.enqueue_indirect_dma source(%dma_start3A_1005 : memref<200x128xf32, #tpu.memory_space<hbm>>) target(%dma_start3A_999 : memref<32x128xf32, #tpu.memory_space<vmem>>) offsets(%dma_start3A_1002 : memref<32xi32, #tpu.memory_space<vmem>>) semaphore(%arg15 : memref<!tpu.dma_semaphore, #tpu.memory_space<semaphore_mem>>)
        %dma_start3A_1006 = arith.constant 0 : i32
        %dma_start3A_1007 = arith.constant 2 : i32
        %dma_start3A_1008 = arith.constant 2 : i32
        %dma_start3A_1009 = arith.constant 0 : i32
        %dma_start3A_1010 = arith.constant 0 : i32
        %dma_start3A_1011 = tpu.memref_slice %arg12[%dma_start3A_1008, %dma_start3A_1009, %dma_start3A_1010] : memref<5x64x128xf32, #tpu.memory_space<vmem>> -> memref<1x32x128xf32, #tpu.memory_space<vmem>>
        %dma_start3A_1012 = tpu.memref_squeeze %dma_start3A_1011 : memref<1x32x128xf32, #tpu.memory_space<vmem>> -> memref<32x128xf32, #tpu.memory_space<vmem>>
        %dma_start3A_1013 = arith.constant 0 : i32
        %dma_start3A_1014 = tpu.memref_slice %arg11[%dma_start3A_1006, %dma_start3A_1007, %dma_start3A_1013] : memref<2x8x128xi32, #tpu.memory_space<vmem>> -> memref<1x1x32xi32, #tpu.memory_space<vmem>>
        %dma_start3A_1015 = tpu.memref_squeeze %dma_start3A_1014 : memref<1x1x32xi32, #tpu.memory_space<vmem>> -> memref<32xi32, #tpu.memory_space<vmem>>
        %dma_start3A_1016 = arith.constant 0 : i32
        %dma_start3A_1017 = arith.constant 0 : i32
        %dma_start3A_1018 = tpu.memref_slice %arg5[%dma_start3A_1016, %dma_start3A_1017] : memref<50x128xf32, #tpu.memory_space<hbm>> -> memref<50x128xf32, #tpu.memory_space<hbm>>
        tpu.enqueue_indirect_dma source(%dma_start3A_1018 : memref<50x128xf32, #tpu.memory_space<hbm>>) target(%dma_start3A_1012 : memref<32x128xf32, #tpu.memory_space<vmem>>) offsets(%dma_start3A_1015 : memref<32xi32, #tpu.memory_space<vmem>>) semaphore(%arg15 : memref<!tpu.dma_semaphore, #tpu.memory_space<semaphore_mem>>)
        %dma_start3A_1019 = arith.constant 0 : i32
        %dma_start3A_1020 = arith.constant 2 : i32
        %dma_start3A_1021 = arith.constant 2 : i32
        %dma_start3A_1022 = arith.constant 32 : i32
        %dma_start3A_1023 = arith.constant 0 : i32
        %dma_start3A_1024 = tpu.memref_slice %arg12[%dma_start3A_1021, %dma_start3A_1022, %dma_start3A_1023] : memref<5x64x128xf32, #tpu.memory_space<vmem>> -> memref<1x32x128xf32, #tpu.memory_space<vmem>>
        %dma_start3A_1025 = tpu.memref_squeeze %dma_start3A_1024 : memref<1x32x128xf32, #tpu.memory_space<vmem>> -> memref<32x128xf32, #tpu.memory_space<vmem>>
        %dma_start3A_1026 = arith.constant 32 : i32
        %dma_start3A_1027 = tpu.memref_slice %arg11[%dma_start3A_1019, %dma_start3A_1020, %dma_start3A_1026] : memref<2x8x128xi32, #tpu.memory_space<vmem>> -> memref<1x1x32xi32, #tpu.memory_space<vmem>>
        %dma_start3A_1028 = tpu.memref_squeeze %dma_start3A_1027 : memref<1x1x32xi32, #tpu.memory_space<vmem>> -> memref<32xi32, #tpu.memory_space<vmem>>
        %dma_start3A_1029 = arith.constant 0 : i32
        %dma_start3A_1030 = arith.constant 0 : i32
        %dma_start3A_1031 = tpu.memref_slice %arg5[%dma_start3A_1029, %dma_start3A_1030] : memref<50x128xf32, #tpu.memory_space<hbm>> -> memref<50x128xf32, #tpu.memory_space<hbm>>
        tpu.enqueue_indirect_dma source(%dma_start3A_1031 : memref<50x128xf32, #tpu.memory_space<hbm>>) target(%dma_start3A_1025 : memref<32x128xf32, #tpu.memory_space<vmem>>) offsets(%dma_start3A_1028 : memref<32xi32, #tpu.memory_space<vmem>>) semaphore(%arg15 : memref<!tpu.dma_semaphore, #tpu.memory_space<semaphore_mem>>)
        %dma_start3A_1032 = arith.constant 0 : i32
        %dma_start3A_1033 = arith.constant 3 : i32
        %dma_start3A_1034 = arith.constant 3 : i32
        %dma_start3A_1035 = arith.constant 0 : i32
        %dma_start3A_1036 = arith.constant 0 : i32
        %dma_start3A_1037 = tpu.memref_slice %arg12[%dma_start3A_1034, %dma_start3A_1035, %dma_start3A_1036] : memref<5x64x128xf32, #tpu.memory_space<vmem>> -> memref<1x32x128xf32, #tpu.memory_space<vmem>>
        %dma_start3A_1038 = tpu.memref_squeeze %dma_start3A_1037 : memref<1x32x128xf32, #tpu.memory_space<vmem>> -> memref<32x128xf32, #tpu.memory_space<vmem>>
        %dma_start3A_1039 = arith.constant 0 : i32
        %dma_start3A_1040 = tpu.memref_slice %arg11[%dma_start3A_1032, %dma_start3A_1033, %dma_start3A_1039] : memref<2x8x128xi32, #tpu.memory_space<vmem>> -> memref<1x1x32xi32, #tpu.memory_space<vmem>>
        %dma_start3A_1041 = tpu.memref_squeeze %dma_start3A_1040 : memref<1x1x32xi32, #tpu.memory_space<vmem>> -> memref<32xi32, #tpu.memory_space<vmem>>
        %dma_start3A_1042 = arith.constant 0 : i32
        %dma_start3A_1043 = arith.constant 0 : i32
        %dma_start3A_1044 = tpu.memref_slice %arg6[%dma_start3A_1042, %dma_start3A_1043] : memref<10002x128xf32, #tpu.memory_space<hbm>> -> memref<10002x128xf32, #tpu.memory_space<hbm>>
        tpu.enqueue_indirect_dma source(%dma_start3A_1044 : memref<10002x128xf32, #tpu.memory_space<hbm>>) target(%dma_start3A_1038 : memref<32x128xf32, #tpu.memory_space<vmem>>) offsets(%dma_start3A_1041 : memref<32xi32, #tpu.memory_space<vmem>>) semaphore(%arg15 : memref<!tpu.dma_semaphore, #tpu.memory_space<semaphore_mem>>)
        %dma_start3A_1045 = arith.constant 0 : i32
        %dma_start3A_1046 = arith.constant 3 : i32
        %dma_start3A_1047 = arith.constant 3 : i32
        %dma_start3A_1048 = arith.constant 32 : i32
        %dma_start3A_1049 = arith.constant 0 : i32
        %dma_start3A_1050 = tpu.memref_slice %arg12[%dma_start3A_1047, %dma_start3A_1048, %dma_start3A_1049] : memref<5x64x128xf32, #tpu.memory_space<vmem>> -> memref<1x32x128xf32, #tpu.memory_space<vmem>>
        %dma_start3A_1051 = tpu.memref_squeeze %dma_start3A_1050 : memref<1x32x128xf32, #tpu.memory_space<vmem>> -> memref<32x128xf32, #tpu.memory_space<vmem>>
        %dma_start3A_1052 = arith.constant 32 : i32
        %dma_start3A_1053 = tpu.memref_slice %arg11[%dma_start3A_1045, %dma_start3A_1046, %dma_start3A_1052] : memref<2x8x128xi32, #tpu.memory_space<vmem>> -> memref<1x1x32xi32, #tpu.memory_space<vmem>>
        %dma_start3A_1054 = tpu.memref_squeeze %dma_start3A_1053 : memref<1x1x32xi32, #tpu.memory_space<vmem>> -> memref<32xi32, #tpu.memory_space<vmem>>
        %dma_start3A_1055 = arith.constant 0 : i32
        %dma_start3A_1056 = arith.constant 0 : i32
        %dma_start3A_1057 = tpu.memref_slice %arg6[%dma_start3A_1055, %dma_start3A_1056] : memref<10002x128xf32, #tpu.memory_space<hbm>> -> memref<10002x128xf32, #tpu.memory_space<hbm>>
        tpu.enqueue_indirect_dma source(%dma_start3A_1057 : memref<10002x128xf32, #tpu.memory_space<hbm>>) target(%dma_start3A_1051 : memref<32x128xf32, #tpu.memory_space<vmem>>) offsets(%dma_start3A_1054 : memref<32xi32, #tpu.memory_space<vmem>>) semaphore(%arg15 : memref<!tpu.dma_semaphore, #tpu.memory_space<semaphore_mem>>)
        %dma_start3A_1058 = arith.constant 0 : i32
        %dma_start3A_1059 = arith.constant 4 : i32
        %dma_start3A_1060 = arith.constant 4 : i32
        %dma_start3A_1061 = arith.constant 0 : i32
        %dma_start3A_1062 = arith.constant 0 : i32
        %dma_start3A_1063 = tpu.memref_slice %arg12[%dma_start3A_1060, %dma_start3A_1061, %dma_start3A_1062] : memref<5x64x128xf32, #tpu.memory_space<vmem>> -> memref<1x32x128xf32, #tpu.memory_space<vmem>>
        %dma_start3A_1064 = tpu.memref_squeeze %dma_start3A_1063 : memref<1x32x128xf32, #tpu.memory_space<vmem>> -> memref<32x128xf32, #tpu.memory_space<vmem>>
        %dma_start3A_1065 = arith.constant 0 : i32
        %dma_start3A_1066 = tpu.memref_slice %arg11[%dma_start3A_1058, %dma_start3A_1059, %dma_start3A_1065] : memref<2x8x128xi32, #tpu.memory_space<vmem>> -> memref<1x1x32xi32, #tpu.memory_space<vmem>>
        %dma_start3A_1067 = tpu.memref_squeeze %dma_start3A_1066 : memref<1x1x32xi32, #tpu.memory_space<vmem>> -> memref<32xi32, #tpu.memory_space<vmem>>
        %dma_start3A_1068 = arith.constant 0 : i32
        %dma_start3A_1069 = arith.constant 0 : i32
        %dma_start3A_1070 = tpu.memref_slice %arg7[%dma_start3A_1068, %dma_start3A_1069] : memref<1000x128xf32, #tpu.memory_space<hbm>> -> memref<1000x128xf32, #tpu.memory_space<hbm>>
        tpu.enqueue_indirect_dma source(%dma_start3A_1070 : memref<1000x128xf32, #tpu.memory_space<hbm>>) target(%dma_start3A_1064 : memref<32x128xf32, #tpu.memory_space<vmem>>) offsets(%dma_start3A_1067 : memref<32xi32, #tpu.memory_space<vmem>>) semaphore(%arg15 : memref<!tpu.dma_semaphore, #tpu.memory_space<semaphore_mem>>)
        %dma_start3A_1071 = arith.constant 0 : i32
        %dma_start3A_1072 = arith.constant 4 : i32
        %dma_start3A_1073 = arith.constant 4 : i32
        %dma_start3A_1074 = arith.constant 32 : i32
        %dma_start3A_1075 = arith.constant 0 : i32
        %dma_start3A_1076 = tpu.memref_slice %arg12[%dma_start3A_1073, %dma_start3A_1074, %dma_start3A_1075] : memref<5x64x128xf32, #tpu.memory_space<vmem>> -> memref<1x32x128xf32, #tpu.memory_space<vmem>>
        %dma_start3A_1077 = tpu.memref_squeeze %dma_start3A_1076 : memref<1x32x128xf32, #tpu.memory_space<vmem>> -> memref<32x128xf32, #tpu.memory_space<vmem>>
        %dma_start3A_1078 = arith.constant 32 : i32
        %dma_start3A_1079 = tpu.memref_slice %arg11[%dma_start3A_1071, %dma_start3A_1072, %dma_start3A_1078] : memref<2x8x128xi32, #tpu.memory_space<vmem>> -> memref<1x1x32xi32, #tpu.memory_space<vmem>>
        %dma_start3A_1080 = tpu.memref_squeeze %dma_start3A_1079 : memref<1x1x32xi32, #tpu.memory_space<vmem>> -> memref<32xi32, #tpu.memory_space<vmem>>
        %dma_start3A_1081 = arith.constant 0 : i32
        %dma_start3A_1082 = arith.constant 0 : i32
        %dma_start3A_1083 = tpu.memref_slice %arg7[%dma_start3A_1081, %dma_start3A_1082] : memref<1000x128xf32, #tpu.memory_space<hbm>> -> memref<1000x128xf32, #tpu.memory_space<hbm>>
        tpu.enqueue_indirect_dma source(%dma_start3A_1083 : memref<1000x128xf32, #tpu.memory_space<hbm>>) target(%dma_start3A_1077 : memref<32x128xf32, #tpu.memory_space<vmem>>) offsets(%dma_start3A_1080 : memref<32xi32, #tpu.memory_space<vmem>>) semaphore(%arg15 : memref<!tpu.dma_semaphore, #tpu.memory_space<semaphore_mem>>)
      } else {
      }
      %dma_wait3A_780 = arith.constant 1 : i32
      %dma_wait3A_781 = arith.constant 0 : i32
      %dma_wait3A_782 = arith.constant 0 : i32
      %dma_wait3A_783 = arith.constant 0 : i32
      %dma_wait3A_784 = arith.constant 0 : i32
      %dma_wait3A_785 = tpu.memref_slice %arg13[%dma_wait3A_782, %dma_wait3A_783, %dma_wait3A_784] : memref<5x64x128xf32, #tpu.memory_space<vmem>> -> memref<1x32x128xf32, #tpu.memory_space<vmem>>
      %dma_wait3A_786 = tpu.memref_squeeze %dma_wait3A_785 : memref<1x32x128xf32, #tpu.memory_space<vmem>> -> memref<32x128xf32, #tpu.memory_space<vmem>>
      %dma_wait3A_787 = arith.constant 64 : i32
      %dma_wait3A_788 = tpu.memref_slice %arg11[%dma_wait3A_780, %dma_wait3A_781, %dma_wait3A_787] : memref<2x8x128xi32, #tpu.memory_space<vmem>> -> memref<1x1x32xi32, #tpu.memory_space<vmem>>
      %dma_wait3A_789 = tpu.memref_squeeze %dma_wait3A_788 : memref<1x1x32xi32, #tpu.memory_space<vmem>> -> memref<32xi32, #tpu.memory_space<vmem>>
      %dma_wait3A_790 = arith.constant 0 : i32
      %dma_wait3A_791 = arith.constant 0 : i32
      %dma_wait3A_792 = tpu.memref_slice %arg3[%dma_wait3A_790, %dma_wait3A_791] : memref<100000x128xf32, #tpu.memory_space<hbm>> -> memref<100000x128xf32, #tpu.memory_space<hbm>>
      tpu.wait_indirect_dma semaphore(%arg16 : memref<!tpu.dma_semaphore, #tpu.memory_space<semaphore_mem>>) src(%dma_wait3A_792 : memref<100000x128xf32, #tpu.memory_space<hbm>>) dst(%dma_wait3A_786 : memref<32x128xf32, #tpu.memory_space<vmem>>)
      %dma_wait3A_793 = arith.constant 1 : i32
      %dma_wait3A_794 = arith.constant 0 : i32
      %dma_wait3A_795 = arith.constant 0 : i32
      %dma_wait3A_796 = arith.constant 32 : i32
      %dma_wait3A_797 = arith.constant 0 : i32
      %dma_wait3A_798 = tpu.memref_slice %arg13[%dma_wait3A_795, %dma_wait3A_796, %dma_wait3A_797] : memref<5x64x128xf32, #tpu.memory_space<vmem>> -> memref<1x32x128xf32, #tpu.memory_space<vmem>>
      %dma_wait3A_799 = tpu.memref_squeeze %dma_wait3A_798 : memref<1x32x128xf32, #tpu.memory_space<vmem>> -> memref<32x128xf32, #tpu.memory_space<vmem>>
      %dma_wait3A_800 = arith.constant 96 : i32
      %dma_wait3A_801 = tpu.memref_slice %arg11[%dma_wait3A_793, %dma_wait3A_794, %dma_wait3A_800] : memref<2x8x128xi32, #tpu.memory_space<vmem>> -> memref<1x1x32xi32, #tpu.memory_space<vmem>>
      %dma_wait3A_802 = tpu.memref_squeeze %dma_wait3A_801 : memref<1x1x32xi32, #tpu.memory_space<vmem>> -> memref<32xi32, #tpu.memory_space<vmem>>
      %dma_wait3A_803 = arith.constant 0 : i32
      %dma_wait3A_804 = arith.constant 0 : i32
      %dma_wait3A_805 = tpu.memref_slice %arg3[%dma_wait3A_803, %dma_wait3A_804] : memref<100000x128xf32, #tpu.memory_space<hbm>> -> memref<100000x128xf32, #tpu.memory_space<hbm>>
      tpu.wait_indirect_dma semaphore(%arg16 : memref<!tpu.dma_semaphore, #tpu.memory_space<semaphore_mem>>) src(%dma_wait3A_805 : memref<100000x128xf32, #tpu.memory_space<hbm>>) dst(%dma_wait3A_799 : memref<32x128xf32, #tpu.memory_space<vmem>>)
      %dma_wait3A_806 = arith.constant 1 : i32
      %dma_wait3A_807 = arith.constant 1 : i32
      %dma_wait3A_808 = arith.constant 1 : i32
      %dma_wait3A_809 = arith.constant 0 : i32
      %dma_wait3A_810 = arith.constant 0 : i32
      %dma_wait3A_811 = tpu.memref_slice %arg13[%dma_wait3A_808, %dma_wait3A_809, %dma_wait3A_810] : memref<5x64x128xf32, #tpu.memory_space<vmem>> -> memref<1x32x128xf32, #tpu.memory_space<vmem>>
      %dma_wait3A_812 = tpu.memref_squeeze %dma_wait3A_811 : memref<1x32x128xf32, #tpu.memory_space<vmem>> -> memref<32x128xf32, #tpu.memory_space<vmem>>
      %dma_wait3A_813 = arith.constant 64 : i32
      %dma_wait3A_814 = tpu.memref_slice %arg11[%dma_wait3A_806, %dma_wait3A_807, %dma_wait3A_813] : memref<2x8x128xi32, #tpu.memory_space<vmem>> -> memref<1x1x32xi32, #tpu.memory_space<vmem>>
      %dma_wait3A_815 = tpu.memref_squeeze %dma_wait3A_814 : memref<1x1x32xi32, #tpu.memory_space<vmem>> -> memref<32xi32, #tpu.memory_space<vmem>>
      %dma_wait3A_816 = arith.constant 0 : i32
      %dma_wait3A_817 = arith.constant 0 : i32
      %dma_wait3A_818 = tpu.memref_slice %arg4[%dma_wait3A_816, %dma_wait3A_817] : memref<200x128xf32, #tpu.memory_space<hbm>> -> memref<200x128xf32, #tpu.memory_space<hbm>>
      tpu.wait_indirect_dma semaphore(%arg16 : memref<!tpu.dma_semaphore, #tpu.memory_space<semaphore_mem>>) src(%dma_wait3A_818 : memref<200x128xf32, #tpu.memory_space<hbm>>) dst(%dma_wait3A_812 : memref<32x128xf32, #tpu.memory_space<vmem>>)
      %dma_wait3A_819 = arith.constant 1 : i32
      %dma_wait3A_820 = arith.constant 1 : i32
      %dma_wait3A_821 = arith.constant 1 : i32
      %dma_wait3A_822 = arith.constant 32 : i32
      %dma_wait3A_823 = arith.constant 0 : i32
      %dma_wait3A_824 = tpu.memref_slice %arg13[%dma_wait3A_821, %dma_wait3A_822, %dma_wait3A_823] : memref<5x64x128xf32, #tpu.memory_space<vmem>> -> memref<1x32x128xf32, #tpu.memory_space<vmem>>
      %dma_wait3A_825 = tpu.memref_squeeze %dma_wait3A_824 : memref<1x32x128xf32, #tpu.memory_space<vmem>> -> memref<32x128xf32, #tpu.memory_space<vmem>>
      %dma_wait3A_826 = arith.constant 96 : i32
      %dma_wait3A_827 = tpu.memref_slice %arg11[%dma_wait3A_819, %dma_wait3A_820, %dma_wait3A_826] : memref<2x8x128xi32, #tpu.memory_space<vmem>> -> memref<1x1x32xi32, #tpu.memory_space<vmem>>
      %dma_wait3A_828 = tpu.memref_squeeze %dma_wait3A_827 : memref<1x1x32xi32, #tpu.memory_space<vmem>> -> memref<32xi32, #tpu.memory_space<vmem>>
      %dma_wait3A_829 = arith.constant 0 : i32
      %dma_wait3A_830 = arith.constant 0 : i32
      %dma_wait3A_831 = tpu.memref_slice %arg4[%dma_wait3A_829, %dma_wait3A_830] : memref<200x128xf32, #tpu.memory_space<hbm>> -> memref<200x128xf32, #tpu.memory_space<hbm>>
      tpu.wait_indirect_dma semaphore(%arg16 : memref<!tpu.dma_semaphore, #tpu.memory_space<semaphore_mem>>) src(%dma_wait3A_831 : memref<200x128xf32, #tpu.memory_space<hbm>>) dst(%dma_wait3A_825 : memref<32x128xf32, #tpu.memory_space<vmem>>)
      %dma_wait3A_832 = arith.constant 1 : i32
      %dma_wait3A_833 = arith.constant 2 : i32
      %dma_wait3A_834 = arith.constant 2 : i32
      %dma_wait3A_835 = arith.constant 0 : i32
      %dma_wait3A_836 = arith.constant 0 : i32
      %dma_wait3A_837 = tpu.memref_slice %arg13[%dma_wait3A_834, %dma_wait3A_835, %dma_wait3A_836] : memref<5x64x128xf32, #tpu.memory_space<vmem>> -> memref<1x32x128xf32, #tpu.memory_space<vmem>>
      %dma_wait3A_838 = tpu.memref_squeeze %dma_wait3A_837 : memref<1x32x128xf32, #tpu.memory_space<vmem>> -> memref<32x128xf32, #tpu.memory_space<vmem>>
      %dma_wait3A_839 = arith.constant 64 : i32
      %dma_wait3A_840 = tpu.memref_slice %arg11[%dma_wait3A_832, %dma_wait3A_833, %dma_wait3A_839] : memref<2x8x128xi32, #tpu.memory_space<vmem>> -> memref<1x1x32xi32, #tpu.memory_space<vmem>>
      %dma_wait3A_841 = tpu.memref_squeeze %dma_wait3A_840 : memref<1x1x32xi32, #tpu.memory_space<vmem>> -> memref<32xi32, #tpu.memory_space<vmem>>
      %dma_wait3A_842 = arith.constant 0 : i32
      %dma_wait3A_843 = arith.constant 0 : i32
      %dma_wait3A_844 = tpu.memref_slice %arg5[%dma_wait3A_842, %dma_wait3A_843] : memref<50x128xf32, #tpu.memory_space<hbm>> -> memref<50x128xf32, #tpu.memory_space<hbm>>
      tpu.wait_indirect_dma semaphore(%arg16 : memref<!tpu.dma_semaphore, #tpu.memory_space<semaphore_mem>>) src(%dma_wait3A_844 : memref<50x128xf32, #tpu.memory_space<hbm>>) dst(%dma_wait3A_838 : memref<32x128xf32, #tpu.memory_space<vmem>>)
      %dma_wait3A_845 = arith.constant 1 : i32
      %dma_wait3A_846 = arith.constant 2 : i32
      %dma_wait3A_847 = arith.constant 2 : i32
      %dma_wait3A_848 = arith.constant 32 : i32
      %dma_wait3A_849 = arith.constant 0 : i32
      %dma_wait3A_850 = tpu.memref_slice %arg13[%dma_wait3A_847, %dma_wait3A_848, %dma_wait3A_849] : memref<5x64x128xf32, #tpu.memory_space<vmem>> -> memref<1x32x128xf32, #tpu.memory_space<vmem>>
      %dma_wait3A_851 = tpu.memref_squeeze %dma_wait3A_850 : memref<1x32x128xf32, #tpu.memory_space<vmem>> -> memref<32x128xf32, #tpu.memory_space<vmem>>
      %dma_wait3A_852 = arith.constant 96 : i32
      %dma_wait3A_853 = tpu.memref_slice %arg11[%dma_wait3A_845, %dma_wait3A_846, %dma_wait3A_852] : memref<2x8x128xi32, #tpu.memory_space<vmem>> -> memref<1x1x32xi32, #tpu.memory_space<vmem>>
      %dma_wait3A_854 = tpu.memref_squeeze %dma_wait3A_853 : memref<1x1x32xi32, #tpu.memory_space<vmem>> -> memref<32xi32, #tpu.memory_space<vmem>>
      %dma_wait3A_855 = arith.constant 0 : i32
      %dma_wait3A_856 = arith.constant 0 : i32
      %dma_wait3A_857 = tpu.memref_slice %arg5[%dma_wait3A_855, %dma_wait3A_856] : memref<50x128xf32, #tpu.memory_space<hbm>> -> memref<50x128xf32, #tpu.memory_space<hbm>>
      tpu.wait_indirect_dma semaphore(%arg16 : memref<!tpu.dma_semaphore, #tpu.memory_space<semaphore_mem>>) src(%dma_wait3A_857 : memref<50x128xf32, #tpu.memory_space<hbm>>) dst(%dma_wait3A_851 : memref<32x128xf32, #tpu.memory_space<vmem>>)
      %dma_wait3A_858 = arith.constant 1 : i32
      %dma_wait3A_859 = arith.constant 3 : i32
      %dma_wait3A_860 = arith.constant 3 : i32
      %dma_wait3A_861 = arith.constant 0 : i32
      %dma_wait3A_862 = arith.constant 0 : i32
      %dma_wait3A_863 = tpu.memref_slice %arg13[%dma_wait3A_860, %dma_wait3A_861, %dma_wait3A_862] : memref<5x64x128xf32, #tpu.memory_space<vmem>> -> memref<1x32x128xf32, #tpu.memory_space<vmem>>
      %dma_wait3A_864 = tpu.memref_squeeze %dma_wait3A_863 : memref<1x32x128xf32, #tpu.memory_space<vmem>> -> memref<32x128xf32, #tpu.memory_space<vmem>>
      %dma_wait3A_865 = arith.constant 64 : i32
      %dma_wait3A_866 = tpu.memref_slice %arg11[%dma_wait3A_858, %dma_wait3A_859, %dma_wait3A_865] : memref<2x8x128xi32, #tpu.memory_space<vmem>> -> memref<1x1x32xi32, #tpu.memory_space<vmem>>
      %dma_wait3A_867 = tpu.memref_squeeze %dma_wait3A_866 : memref<1x1x32xi32, #tpu.memory_space<vmem>> -> memref<32xi32, #tpu.memory_space<vmem>>
      %dma_wait3A_868 = arith.constant 0 : i32
      %dma_wait3A_869 = arith.constant 0 : i32
      %dma_wait3A_870 = tpu.memref_slice %arg6[%dma_wait3A_868, %dma_wait3A_869] : memref<10002x128xf32, #tpu.memory_space<hbm>> -> memref<10002x128xf32, #tpu.memory_space<hbm>>
      tpu.wait_indirect_dma semaphore(%arg16 : memref<!tpu.dma_semaphore, #tpu.memory_space<semaphore_mem>>) src(%dma_wait3A_870 : memref<10002x128xf32, #tpu.memory_space<hbm>>) dst(%dma_wait3A_864 : memref<32x128xf32, #tpu.memory_space<vmem>>)
      %dma_wait3A_871 = arith.constant 1 : i32
      %dma_wait3A_872 = arith.constant 3 : i32
      %dma_wait3A_873 = arith.constant 3 : i32
      %dma_wait3A_874 = arith.constant 32 : i32
      %dma_wait3A_875 = arith.constant 0 : i32
      %dma_wait3A_876 = tpu.memref_slice %arg13[%dma_wait3A_873, %dma_wait3A_874, %dma_wait3A_875] : memref<5x64x128xf32, #tpu.memory_space<vmem>> -> memref<1x32x128xf32, #tpu.memory_space<vmem>>
      %dma_wait3A_877 = tpu.memref_squeeze %dma_wait3A_876 : memref<1x32x128xf32, #tpu.memory_space<vmem>> -> memref<32x128xf32, #tpu.memory_space<vmem>>
      %dma_wait3A_878 = arith.constant 96 : i32
      %dma_wait3A_879 = tpu.memref_slice %arg11[%dma_wait3A_871, %dma_wait3A_872, %dma_wait3A_878] : memref<2x8x128xi32, #tpu.memory_space<vmem>> -> memref<1x1x32xi32, #tpu.memory_space<vmem>>
      %dma_wait3A_880 = tpu.memref_squeeze %dma_wait3A_879 : memref<1x1x32xi32, #tpu.memory_space<vmem>> -> memref<32xi32, #tpu.memory_space<vmem>>
      %dma_wait3A_881 = arith.constant 0 : i32
      %dma_wait3A_882 = arith.constant 0 : i32
      %dma_wait3A_883 = tpu.memref_slice %arg6[%dma_wait3A_881, %dma_wait3A_882] : memref<10002x128xf32, #tpu.memory_space<hbm>> -> memref<10002x128xf32, #tpu.memory_space<hbm>>
      tpu.wait_indirect_dma semaphore(%arg16 : memref<!tpu.dma_semaphore, #tpu.memory_space<semaphore_mem>>) src(%dma_wait3A_883 : memref<10002x128xf32, #tpu.memory_space<hbm>>) dst(%dma_wait3A_877 : memref<32x128xf32, #tpu.memory_space<vmem>>)
      %dma_wait3A_884 = arith.constant 1 : i32
      %dma_wait3A_885 = arith.constant 4 : i32
      %dma_wait3A_886 = arith.constant 4 : i32
      %dma_wait3A_887 = arith.constant 0 : i32
      %dma_wait3A_888 = arith.constant 0 : i32
      %dma_wait3A_889 = tpu.memref_slice %arg13[%dma_wait3A_886, %dma_wait3A_887, %dma_wait3A_888] : memref<5x64x128xf32, #tpu.memory_space<vmem>> -> memref<1x32x128xf32, #tpu.memory_space<vmem>>
      %dma_wait3A_890 = tpu.memref_squeeze %dma_wait3A_889 : memref<1x32x128xf32, #tpu.memory_space<vmem>> -> memref<32x128xf32, #tpu.memory_space<vmem>>
      %dma_wait3A_891 = arith.constant 64 : i32
      %dma_wait3A_892 = tpu.memref_slice %arg11[%dma_wait3A_884, %dma_wait3A_885, %dma_wait3A_891] : memref<2x8x128xi32, #tpu.memory_space<vmem>> -> memref<1x1x32xi32, #tpu.memory_space<vmem>>
      %dma_wait3A_893 = tpu.memref_squeeze %dma_wait3A_892 : memref<1x1x32xi32, #tpu.memory_space<vmem>> -> memref<32xi32, #tpu.memory_space<vmem>>
      %dma_wait3A_894 = arith.constant 0 : i32
      %dma_wait3A_895 = arith.constant 0 : i32
      %dma_wait3A_896 = tpu.memref_slice %arg7[%dma_wait3A_894, %dma_wait3A_895] : memref<1000x128xf32, #tpu.memory_space<hbm>> -> memref<1000x128xf32, #tpu.memory_space<hbm>>
      tpu.wait_indirect_dma semaphore(%arg16 : memref<!tpu.dma_semaphore, #tpu.memory_space<semaphore_mem>>) src(%dma_wait3A_896 : memref<1000x128xf32, #tpu.memory_space<hbm>>) dst(%dma_wait3A_890 : memref<32x128xf32, #tpu.memory_space<vmem>>)
      %dma_wait3A_897 = arith.constant 1 : i32
      %dma_wait3A_898 = arith.constant 4 : i32
      %dma_wait3A_899 = arith.constant 4 : i32
      %dma_wait3A_900 = arith.constant 32 : i32
      %dma_wait3A_901 = arith.constant 0 : i32
      %dma_wait3A_902 = tpu.memref_slice %arg13[%dma_wait3A_899, %dma_wait3A_900, %dma_wait3A_901] : memref<5x64x128xf32, #tpu.memory_space<vmem>> -> memref<1x32x128xf32, #tpu.memory_space<vmem>>
      %dma_wait3A_903 = tpu.memref_squeeze %dma_wait3A_902 : memref<1x32x128xf32, #tpu.memory_space<vmem>> -> memref<32x128xf32, #tpu.memory_space<vmem>>
      %dma_wait3A_904 = arith.constant 96 : i32
      %dma_wait3A_905 = tpu.memref_slice %arg11[%dma_wait3A_897, %dma_wait3A_898, %dma_wait3A_904] : memref<2x8x128xi32, #tpu.memory_space<vmem>> -> memref<1x1x32xi32, #tpu.memory_space<vmem>>
      %dma_wait3A_906 = tpu.memref_squeeze %dma_wait3A_905 : memref<1x1x32xi32, #tpu.memory_space<vmem>> -> memref<32xi32, #tpu.memory_space<vmem>>
      %dma_wait3A_907 = arith.constant 0 : i32
      %dma_wait3A_908 = arith.constant 0 : i32
      %dma_wait3A_909 = tpu.memref_slice %arg7[%dma_wait3A_907, %dma_wait3A_908] : memref<1000x128xf32, #tpu.memory_space<hbm>> -> memref<1000x128xf32, #tpu.memory_space<hbm>>
      tpu.wait_indirect_dma semaphore(%arg16 : memref<!tpu.dma_semaphore, #tpu.memory_space<semaphore_mem>>) src(%dma_wait3A_909 : memref<1000x128xf32, #tpu.memory_space<hbm>>) dst(%dma_wait3A_903 : memref<32x128xf32, #tpu.memory_space<vmem>>)
      %scan3A_910 = arith.constant 0 : i32
      %scan3A_911 = arith.constant 0 : i32
      %scan3A_912 = arith.constant 64 : i32
      %scan3A_913 = arith.addi %scan3A_911, %scan3A_912 : i32
      %scan3A_914 = arith.constant 1 : i32
      scf.for %scan3A_932 = %scan3A_911 to %scan3A_913 step %scan3A_914  : i32 {
        %get3A_933 = arith.constant 0 : i32
        %get3A_934 = arith.index_cast %get3A_933 : i32 to index
        %get3A_935 = arith.index_cast %scan3A_932 : i32 to index
        %get3A_936 = arith.constant 0 : index
        %get3A_937 = tpu.vector_load %arg13[%get3A_934, %get3A_935, %get3A_936] {strides = array<i32>} : memref<5x64x128xf32, #tpu.memory_space<vmem>>, vector<16xf32>,
        %get3A_938 = arith.constant 1 : i32
        %get3A_939 = arith.index_cast %get3A_938 : i32 to index
        %get3A_940 = arith.index_cast %scan3A_932 : i32 to index
        %get3A_941 = arith.constant 0 : index
        %get3A_942 = tpu.vector_load %arg13[%get3A_939, %get3A_940, %get3A_941] {strides = array<i32>} : memref<5x64x128xf32, #tpu.memory_space<vmem>>, vector<16xf32>,
        %add3A_943 = arith.addf %get3A_937, %get3A_942 : vector<16xf32>
        %get3A_944 = arith.constant 2 : i32
        %get3A_945 = arith.index_cast %get3A_944 : i32 to index
        %get3A_946 = arith.index_cast %scan3A_932 : i32 to index
        %get3A_947 = arith.constant 0 : index
        %get3A_948 = tpu.vector_load %arg13[%get3A_945, %get3A_946, %get3A_947] {strides = array<i32>} : memref<5x64x128xf32, #tpu.memory_space<vmem>>, vector<16xf32>,
        %add3A_949 = arith.addf %add3A_943, %get3A_948 : vector<16xf32>
        %get3A_950 = arith.constant 3 : i32
        %get3A_951 = arith.index_cast %get3A_950 : i32 to index
        %get3A_952 = arith.index_cast %scan3A_932 : i32 to index
        %get3A_953 = arith.constant 0 : index
        %get3A_954 = tpu.vector_load %arg13[%get3A_951, %get3A_952, %get3A_953] {strides = array<i32>} : memref<5x64x128xf32, #tpu.memory_space<vmem>>, vector<16xf32>,
        %add3A_955 = arith.addf %add3A_949, %get3A_954 : vector<16xf32>
        %get3A_956 = arith.constant 4 : i32
        %get3A_957 = arith.index_cast %get3A_956 : i32 to index
        %get3A_958 = arith.index_cast %scan3A_932 : i32 to index
        %get3A_959 = arith.constant 0 : index
        %get3A_960 = tpu.vector_load %arg13[%get3A_957, %get3A_958, %get3A_959] {strides = array<i32>} : memref<5x64x128xf32, #tpu.memory_space<vmem>>, vector<16xf32>,
        %add3A_961 = arith.addf %add3A_955, %get3A_960 : vector<16xf32>
        %get3A_962 = arith.constant 0 : i32
        %get3A_963 = arith.index_cast %get3A_962 : i32 to index
        %get3A_964 = arith.index_cast %scan3A_932 : i32 to index
        %get3A_965 = arith.constant 16 : index
        %get3A_966 = tpu.vector_load %arg13[%get3A_963, %get3A_964, %get3A_965] {strides = array<i32>} : memref<5x64x128xf32, #tpu.memory_space<vmem>>, vector<16xf32>,
        %get3A_967 = arith.constant 1 : i32
        %get3A_968 = arith.index_cast %get3A_967 : i32 to index
        %get3A_969 = arith.index_cast %scan3A_932 : i32 to index
        %get3A_970 = arith.constant 16 : index
        %get3A_971 = tpu.vector_load %arg13[%get3A_968, %get3A_969, %get3A_970] {strides = array<i32>} : memref<5x64x128xf32, #tpu.memory_space<vmem>>, vector<16xf32>,
        %add3A_972 = arith.addf %get3A_966, %get3A_971 : vector<16xf32>
        %get3A_973 = arith.constant 2 : i32
        %get3A_974 = arith.index_cast %get3A_973 : i32 to index
        %get3A_975 = arith.index_cast %scan3A_932 : i32 to index
        %get3A_976 = arith.constant 16 : index
        %get3A_977 = tpu.vector_load %arg13[%get3A_974, %get3A_975, %get3A_976] {strides = array<i32>} : memref<5x64x128xf32, #tpu.memory_space<vmem>>, vector<16xf32>,
        %add3A_978 = arith.addf %add3A_972, %get3A_977 : vector<16xf32>
        %get3A_979 = arith.constant 3 : i32
        %get3A_980 = arith.index_cast %get3A_979 : i32 to index
        %get3A_981 = arith.index_cast %scan3A_932 : i32 to index
        %get3A_982 = arith.constant 16 : index
        %get3A_983 = tpu.vector_load %arg13[%get3A_980, %get3A_981, %get3A_982] {strides = array<i32>} : memref<5x64x128xf32, #tpu.memory_space<vmem>>, vector<16xf32>,
        %add3A_984 = arith.addf %add3A_978, %get3A_983 : vector<16xf32>
        %get3A_985 = arith.constant 4 : i32
        %get3A_986 = arith.index_cast %get3A_985 : i32 to index
        %get3A_987 = arith.index_cast %scan3A_932 : i32 to index
        %get3A_988 = arith.constant 16 : index
        %get3A_989 = tpu.vector_load %arg13[%get3A_986, %get3A_987, %get3A_988] {strides = array<i32>} : memref<5x64x128xf32, #tpu.memory_space<vmem>>, vector<16xf32>,
        %add3A_990 = arith.addf %add3A_984, %get3A_989 : vector<16xf32>
        %get3A_991 = arith.constant 0 : i32
        %get3A_992 = arith.index_cast %get3A_991 : i32 to index
        %get3A_993 = arith.index_cast %scan3A_932 : i32 to index
        %get3A_994 = arith.constant 32 : index
        %get3A_995 = tpu.vector_load %arg13[%get3A_992, %get3A_993, %get3A_994] {strides = array<i32>} : memref<5x64x128xf32, #tpu.memory_space<vmem>>, vector<16xf32>,
        %get3A_996 = arith.constant 1 : i32
        %get3A_997 = arith.index_cast %get3A_996 : i32 to index
        %get3A_998 = arith.index_cast %scan3A_932 : i32 to index
        %get3A_999 = arith.constant 32 : index
        %get3A_1000 = tpu.vector_load %arg13[%get3A_997, %get3A_998, %get3A_999] {strides = array<i32>} : memref<5x64x128xf32, #tpu.memory_space<vmem>>, vector<16xf32>,
        %add3A_1001 = arith.addf %get3A_995, %get3A_1000 : vector<16xf32>
        %get3A_1002 = arith.constant 2 : i32
        %get3A_1003 = arith.index_cast %get3A_1002 : i32 to index
        %get3A_1004 = arith.index_cast %scan3A_932 : i32 to index
        %get3A_1005 = arith.constant 32 : index
        %get3A_1006 = tpu.vector_load %arg13[%get3A_1003, %get3A_1004, %get3A_1005] {strides = array<i32>} : memref<5x64x128xf32, #tpu.memory_space<vmem>>, vector<16xf32>,
        %add3A_1007 = arith.addf %add3A_1001, %get3A_1006 : vector<16xf32>
        %get3A_1008 = arith.constant 3 : i32
        %get3A_1009 = arith.index_cast %get3A_1008 : i32 to index
        %get3A_1010 = arith.index_cast %scan3A_932 : i32 to index
        %get3A_1011 = arith.constant 32 : index
        %get3A_1012 = tpu.vector_load %arg13[%get3A_1009, %get3A_1010, %get3A_1011] {strides = array<i32>} : memref<5x64x128xf32, #tpu.memory_space<vmem>>, vector<16xf32>,
        %add3A_1013 = arith.addf %add3A_1007, %get3A_1012 : vector<16xf32>
        %get3A_1014 = arith.constant 4 : i32
        %get3A_1015 = arith.index_cast %get3A_1014 : i32 to index
        %get3A_1016 = arith.index_cast %scan3A_932 : i32 to index
        %get3A_1017 = arith.constant 32 : index
        %get3A_1018 = tpu.vector_load %arg13[%get3A_1015, %get3A_1016, %get3A_1017] {strides = array<i32>} : memref<5x64x128xf32, #tpu.memory_space<vmem>>, vector<16xf32>,
        %add3A_1019 = arith.addf %add3A_1013, %get3A_1018 : vector<16xf32>
        %get3A_1020 = arith.constant 0 : i32
        %get3A_1021 = arith.index_cast %get3A_1020 : i32 to index
        %get3A_1022 = arith.index_cast %scan3A_932 : i32 to index
        %get3A_1023 = arith.constant 48 : index
        %get3A_1024 = tpu.vector_load %arg13[%get3A_1021, %get3A_1022, %get3A_1023] {strides = array<i32>} : memref<5x64x128xf32, #tpu.memory_space<vmem>>, vector<16xf32>,
        %get3A_1025 = arith.constant 1 : i32
        %get3A_1026 = arith.index_cast %get3A_1025 : i32 to index
        %get3A_1027 = arith.index_cast %scan3A_932 : i32 to index
        %get3A_1028 = arith.constant 48 : index
        %get3A_1029 = tpu.vector_load %arg13[%get3A_1026, %get3A_1027, %get3A_1028] {strides = array<i32>} : memref<5x64x128xf32, #tpu.memory_space<vmem>>, vector<16xf32>,
        %add3A_1030 = arith.addf %get3A_1024, %get3A_1029 : vector<16xf32>
        %get3A_1031 = arith.constant 2 : i32
        %get3A_1032 = arith.index_cast %get3A_1031 : i32 to index
        %get3A_1033 = arith.index_cast %scan3A_932 : i32 to index
        %get3A_1034 = arith.constant 48 : index
        %get3A_1035 = tpu.vector_load %arg13[%get3A_1032, %get3A_1033, %get3A_1034] {strides = array<i32>} : memref<5x64x128xf32, #tpu.memory_space<vmem>>, vector<16xf32>,
        %add3A_1036 = arith.addf %add3A_1030, %get3A_1035 : vector<16xf32>
        %get3A_1037 = arith.constant 3 : i32
        %get3A_1038 = arith.index_cast %get3A_1037 : i32 to index
        %get3A_1039 = arith.index_cast %scan3A_932 : i32 to index
        %get3A_1040 = arith.constant 48 : index
        %get3A_1041 = tpu.vector_load %arg13[%get3A_1038, %get3A_1039, %get3A_1040] {strides = array<i32>} : memref<5x64x128xf32, #tpu.memory_space<vmem>>, vector<16xf32>,
        %add3A_1042 = arith.addf %add3A_1036, %get3A_1041 : vector<16xf32>
        %get3A_1043 = arith.constant 4 : i32
        %get3A_1044 = arith.index_cast %get3A_1043 : i32 to index
        %get3A_1045 = arith.index_cast %scan3A_932 : i32 to index
        %get3A_1046 = arith.constant 48 : index
        %get3A_1047 = tpu.vector_load %arg13[%get3A_1044, %get3A_1045, %get3A_1046] {strides = array<i32>} : memref<5x64x128xf32, #tpu.memory_space<vmem>>, vector<16xf32>,
        %add3A_1048 = arith.addf %add3A_1042, %get3A_1047 : vector<16xf32>
        %get3A_1049 = arith.constant 0 : i32
        %get3A_1050 = arith.index_cast %get3A_1049 : i32 to index
        %get3A_1051 = arith.index_cast %scan3A_932 : i32 to index
        %get3A_1052 = arith.constant 64 : index
        %get3A_1053 = tpu.vector_load %arg13[%get3A_1050, %get3A_1051, %get3A_1052] {strides = array<i32>} : memref<5x64x128xf32, #tpu.memory_space<vmem>>, vector<16xf32>,
        %get3A_1054 = arith.constant 1 : i32
        %get3A_1055 = arith.index_cast %get3A_1054 : i32 to index
        %get3A_1056 = arith.index_cast %scan3A_932 : i32 to index
        %get3A_1057 = arith.constant 64 : index
        %get3A_1058 = tpu.vector_load %arg13[%get3A_1055, %get3A_1056, %get3A_1057] {strides = array<i32>} : memref<5x64x128xf32, #tpu.memory_space<vmem>>, vector<16xf32>,
        %add3A_1059 = arith.addf %get3A_1053, %get3A_1058 : vector<16xf32>
        %get3A_1060 = arith.constant 2 : i32
        %get3A_1061 = arith.index_cast %get3A_1060 : i32 to index
        %get3A_1062 = arith.index_cast %scan3A_932 : i32 to index
        %get3A_1063 = arith.constant 64 : index
        %get3A_1064 = tpu.vector_load %arg13[%get3A_1061, %get3A_1062, %get3A_1063] {strides = array<i32>} : memref<5x64x128xf32, #tpu.memory_space<vmem>>, vector<16xf32>,
        %add3A_1065 = arith.addf %add3A_1059, %get3A_1064 : vector<16xf32>
        %get3A_1066 = arith.constant 3 : i32
        %get3A_1067 = arith.index_cast %get3A_1066 : i32 to index
        %get3A_1068 = arith.index_cast %scan3A_932 : i32 to index
        %get3A_1069 = arith.constant 64 : index
        %get3A_1070 = tpu.vector_load %arg13[%get3A_1067, %get3A_1068, %get3A_1069] {strides = array<i32>} : memref<5x64x128xf32, #tpu.memory_space<vmem>>, vector<16xf32>,
        %add3A_1071 = arith.addf %add3A_1065, %get3A_1070 : vector<16xf32>
        %get3A_1072 = arith.constant 4 : i32
        %get3A_1073 = arith.index_cast %get3A_1072 : i32 to index
        %get3A_1074 = arith.index_cast %scan3A_932 : i32 to index
        %get3A_1075 = arith.constant 64 : index
        %get3A_1076 = tpu.vector_load %arg13[%get3A_1073, %get3A_1074, %get3A_1075] {strides = array<i32>} : memref<5x64x128xf32, #tpu.memory_space<vmem>>, vector<16xf32>,
        %add3A_1077 = arith.addf %add3A_1071, %get3A_1076 : vector<16xf32>
        %get3A_1078 = arith.constant 0 : i32
        %get3A_1079 = arith.index_cast %get3A_1078 : i32 to index
        %get3A_1080 = arith.index_cast %scan3A_932 : i32 to index
        %get3A_1081 = arith.constant 80 : index
        %get3A_1082 = tpu.vector_load %arg13[%get3A_1079, %get3A_1080, %get3A_1081] {strides = array<i32>} : memref<5x64x128xf32, #tpu.memory_space<vmem>>, vector<16xf32>,
        %get3A_1083 = arith.constant 1 : i32
        %get3A_1084 = arith.index_cast %get3A_1083 : i32 to index
        %get3A_1085 = arith.index_cast %scan3A_932 : i32 to index
        %get3A_1086 = arith.constant 80 : index
        %get3A_1087 = tpu.vector_load %arg13[%get3A_1084, %get3A_1085, %get3A_1086] {strides = array<i32>} : memref<5x64x128xf32, #tpu.memory_space<vmem>>, vector<16xf32>,
        %add3A_1088 = arith.addf %get3A_1082, %get3A_1087 : vector<16xf32>
        %get3A_1089 = arith.constant 2 : i32
        %get3A_1090 = arith.index_cast %get3A_1089 : i32 to index
        %get3A_1091 = arith.index_cast %scan3A_932 : i32 to index
        %get3A_1092 = arith.constant 80 : index
        %get3A_1093 = tpu.vector_load %arg13[%get3A_1090, %get3A_1091, %get3A_1092] {strides = array<i32>} : memref<5x64x128xf32, #tpu.memory_space<vmem>>, vector<16xf32>,
        %add3A_1094 = arith.addf %add3A_1088, %get3A_1093 : vector<16xf32>
        %get3A_1095 = arith.constant 3 : i32
        %get3A_1096 = arith.index_cast %get3A_1095 : i32 to index
        %get3A_1097 = arith.index_cast %scan3A_932 : i32 to index
        %get3A_1098 = arith.constant 80 : index
        %get3A_1099 = tpu.vector_load %arg13[%get3A_1096, %get3A_1097, %get3A_1098] {strides = array<i32>} : memref<5x64x128xf32, #tpu.memory_space<vmem>>, vector<16xf32>,
        %add3A_1100 = arith.addf %add3A_1094, %get3A_1099 : vector<16xf32>
        %get3A_1101 = arith.constant 4 : i32
        %get3A_1102 = arith.index_cast %get3A_1101 : i32 to index
        %get3A_1103 = arith.index_cast %scan3A_932 : i32 to index
        %get3A_1104 = arith.constant 80 : index
        %get3A_1105 = tpu.vector_load %arg13[%get3A_1102, %get3A_1103, %get3A_1104] {strides = array<i32>} : memref<5x64x128xf32, #tpu.memory_space<vmem>>, vector<16xf32>,
        %add3A_1106 = arith.addf %add3A_1100, %get3A_1105 : vector<16xf32>
        %get3A_1107 = arith.constant 0 : i32
        %get3A_1108 = arith.index_cast %get3A_1107 : i32 to index
        %get3A_1109 = arith.index_cast %scan3A_932 : i32 to index
        %get3A_1110 = arith.constant 96 : index
        %get3A_1111 = tpu.vector_load %arg13[%get3A_1108, %get3A_1109, %get3A_1110] {strides = array<i32>} : memref<5x64x128xf32, #tpu.memory_space<vmem>>, vector<16xf32>,
        %get3A_1112 = arith.constant 1 : i32
        %get3A_1113 = arith.index_cast %get3A_1112 : i32 to index
        %get3A_1114 = arith.index_cast %scan3A_932 : i32 to index
        %get3A_1115 = arith.constant 96 : index
        %get3A_1116 = tpu.vector_load %arg13[%get3A_1113, %get3A_1114, %get3A_1115] {strides = array<i32>} : memref<5x64x128xf32, #tpu.memory_space<vmem>>, vector<16xf32>,
        %add3A_1117 = arith.addf %get3A_1111, %get3A_1116 : vector<16xf32>
        %get3A_1118 = arith.constant 2 : i32
        %get3A_1119 = arith.index_cast %get3A_1118 : i32 to index
        %get3A_1120 = arith.index_cast %scan3A_932 : i32 to index
        %get3A_1121 = arith.constant 96 : index
        %get3A_1122 = tpu.vector_load %arg13[%get3A_1119, %get3A_1120, %get3A_1121] {strides = array<i32>} : memref<5x64x128xf32, #tpu.memory_space<vmem>>, vector<16xf32>,
        %add3A_1123 = arith.addf %add3A_1117, %get3A_1122 : vector<16xf32>
        %get3A_1124 = arith.constant 3 : i32
        %get3A_1125 = arith.index_cast %get3A_1124 : i32 to index
        %get3A_1126 = arith.index_cast %scan3A_932 : i32 to index
        %get3A_1127 = arith.constant 96 : index
        %get3A_1128 = tpu.vector_load %arg13[%get3A_1125, %get3A_1126, %get3A_1127] {strides = array<i32>} : memref<5x64x128xf32, #tpu.memory_space<vmem>>, vector<16xf32>,
        %add3A_1129 = arith.addf %add3A_1123, %get3A_1128 : vector<16xf32>
        %get3A_1130 = arith.constant 4 : i32
        %get3A_1131 = arith.index_cast %get3A_1130 : i32 to index
        %get3A_1132 = arith.index_cast %scan3A_932 : i32 to index
        %get3A_1133 = arith.constant 96 : index
        %get3A_1134 = tpu.vector_load %arg13[%get3A_1131, %get3A_1132, %get3A_1133] {strides = array<i32>} : memref<5x64x128xf32, #tpu.memory_space<vmem>>, vector<16xf32>,
        %add3A_1135 = arith.addf %add3A_1129, %get3A_1134 : vector<16xf32>
        %get3A_1136 = arith.constant 0 : i32
        %get3A_1137 = arith.index_cast %get3A_1136 : i32 to index
        %get3A_1138 = arith.index_cast %scan3A_932 : i32 to index
        %get3A_1139 = arith.constant 112 : index
        %get3A_1140 = tpu.vector_load %arg13[%get3A_1137, %get3A_1138, %get3A_1139] {strides = array<i32>} : memref<5x64x128xf32, #tpu.memory_space<vmem>>, vector<16xf32>,
        %get3A_1141 = arith.constant 1 : i32
        %get3A_1142 = arith.index_cast %get3A_1141 : i32 to index
        %get3A_1143 = arith.index_cast %scan3A_932 : i32 to index
        %get3A_1144 = arith.constant 112 : index
        %get3A_1145 = tpu.vector_load %arg13[%get3A_1142, %get3A_1143, %get3A_1144] {strides = array<i32>} : memref<5x64x128xf32, #tpu.memory_space<vmem>>, vector<16xf32>,
        %add3A_1146 = arith.addf %get3A_1140, %get3A_1145 : vector<16xf32>
        %get3A_1147 = arith.constant 2 : i32
        %get3A_1148 = arith.index_cast %get3A_1147 : i32 to index
        %get3A_1149 = arith.index_cast %scan3A_932 : i32 to index
        %get3A_1150 = arith.constant 112 : index
        %get3A_1151 = tpu.vector_load %arg13[%get3A_1148, %get3A_1149, %get3A_1150] {strides = array<i32>} : memref<5x64x128xf32, #tpu.memory_space<vmem>>, vector<16xf32>,
        %add3A_1152 = arith.addf %add3A_1146, %get3A_1151 : vector<16xf32>
        %get3A_1153 = arith.constant 3 : i32
        %get3A_1154 = arith.index_cast %get3A_1153 : i32 to index
        %get3A_1155 = arith.index_cast %scan3A_932 : i32 to index
        %get3A_1156 = arith.constant 112 : index
        %get3A_1157 = tpu.vector_load %arg13[%get3A_1154, %get3A_1155, %get3A_1156] {strides = array<i32>} : memref<5x64x128xf32, #tpu.memory_space<vmem>>, vector<16xf32>,
        %add3A_1158 = arith.addf %add3A_1152, %get3A_1157 : vector<16xf32>
        %get3A_1159 = arith.constant 4 : i32
        %get3A_1160 = arith.index_cast %get3A_1159 : i32 to index
        %get3A_1161 = arith.index_cast %scan3A_932 : i32 to index
        %get3A_1162 = arith.constant 112 : index
        %get3A_1163 = tpu.vector_load %arg13[%get3A_1160, %get3A_1161, %get3A_1162] {strides = array<i32>} : memref<5x64x128xf32, #tpu.memory_space<vmem>>, vector<16xf32>,
        %add3A_1164 = arith.addf %add3A_1158, %get3A_1163 : vector<16xf32>
        %add3A_1165 = arith.addf %add3A_961, %add3A_990 : vector<16xf32>
        %add3A_1166 = arith.addf %add3A_1165, %add3A_1019 : vector<16xf32>
        %add3A_1167 = arith.addf %add3A_1166, %add3A_1048 : vector<16xf32>
        %add3A_1168 = arith.addf %add3A_1167, %add3A_1077 : vector<16xf32>
        %add3A_1169 = arith.addf %add3A_1168, %add3A_1106 : vector<16xf32>
        %add3A_1170 = arith.addf %add3A_1169, %add3A_1135 : vector<16xf32>
        %add3A_1171 = arith.addf %add3A_1170, %add3A_1164 : vector<16xf32>
        %reduce_sum3A = arith.constant true
        %reduce_sum3A_1172 = vector.broadcast %reduce_sum3A : i1 to vector<16xi1>
        %reduce_sum3A_1173 = tpu.scan <sum>, %add3A_1171 masked %reduce_sum3A_1172 : vector<16xf32>, vector<16xi1> -> vector<16xf32>
        %reduce_sum3A_1174 = vector.extract %reduce_sum3A_1173[15] : f32 from vector<16xf32>
        %mul3A_1175 = arith.constant 7.812500e-03 : f32
        %mul3A_1176 = arith.mulf %reduce_sum3A_1174, %mul3A_1175 : f32
        %broadcast_in_dim3A = vector.broadcast %mul3A_1176 : f32 to vector<16xf32>
        %sub3A = arith.subf %add3A_961, %broadcast_in_dim3A : vector<16xf32>
        %sub3A_1177 = arith.subf %add3A_990, %broadcast_in_dim3A : vector<16xf32>
        %sub3A_1178 = arith.subf %add3A_1019, %broadcast_in_dim3A : vector<16xf32>
        %sub3A_1179 = arith.subf %add3A_1048, %broadcast_in_dim3A : vector<16xf32>
        %sub3A_1180 = arith.subf %add3A_1077, %broadcast_in_dim3A : vector<16xf32>
        %sub3A_1181 = arith.subf %add3A_1106, %broadcast_in_dim3A : vector<16xf32>
        %sub3A_1182 = arith.subf %add3A_1135, %broadcast_in_dim3A : vector<16xf32>
        %sub3A_1183 = arith.subf %add3A_1164, %broadcast_in_dim3A : vector<16xf32>
        %mul3A_1184 = arith.mulf %sub3A, %sub3A : vector<16xf32>
        %mul3A_1185 = arith.mulf %sub3A_1177, %sub3A_1177 : vector<16xf32>
        %add3A_1186 = arith.addf %mul3A_1184, %mul3A_1185 : vector<16xf32>
        %mul3A_1187 = arith.mulf %sub3A_1178, %sub3A_1178 : vector<16xf32>
        %add3A_1188 = arith.addf %add3A_1186, %mul3A_1187 : vector<16xf32>
        %mul3A_1189 = arith.mulf %sub3A_1179, %sub3A_1179 : vector<16xf32>
        %add3A_1190 = arith.addf %add3A_1188, %mul3A_1189 : vector<16xf32>
        %mul3A_1191 = arith.mulf %sub3A_1180, %sub3A_1180 : vector<16xf32>
        %add3A_1192 = arith.addf %add3A_1190, %mul3A_1191 : vector<16xf32>
        %mul3A_1193 = arith.mulf %sub3A_1181, %sub3A_1181 : vector<16xf32>
        %add3A_1194 = arith.addf %add3A_1192, %mul3A_1193 : vector<16xf32>
        %mul3A_1195 = arith.mulf %sub3A_1182, %sub3A_1182 : vector<16xf32>
        %add3A_1196 = arith.addf %add3A_1194, %mul3A_1195 : vector<16xf32>
        %mul3A_1197 = arith.mulf %sub3A_1183, %sub3A_1183 : vector<16xf32>
        %add3A_1198 = arith.addf %add3A_1196, %mul3A_1197 : vector<16xf32>
        %reduce_sum3A_1199 = arith.constant true
        %reduce_sum3A_1200 = vector.broadcast %reduce_sum3A_1199 : i1 to vector<16xi1>
        %reduce_sum3A_1201 = tpu.scan <sum>, %add3A_1198 masked %reduce_sum3A_1200 : vector<16xf32>, vector<16xi1> -> vector<16xf32>
        %reduce_sum3A_1202 = vector.extract %reduce_sum3A_1201[15] : f32 from vector<16xf32>
        %mul3A_1203 = arith.constant 7.812500e-03 : f32
        %mul3A_1204 = arith.mulf %reduce_sum3A_1202, %mul3A_1203 : f32
        %add3A_1205 = arith.constant 9.99999996E-13 : f32
        %add3A_1206 = arith.addf %mul3A_1204, %add3A_1205 : f32
        %broadcast_in_dim3A_1207 = vector.broadcast %add3A_1206 : f32 to vector<16xf32>
        %bitcast_convert_type3A = tpu.bitcast %broadcast_in_dim3A_1207 : vector<16xf32> -> vector<16xi32>
        %shift_right_arithmetic3A = arith.constant 1 : i32
        %shift_right_arithmetic3A_1208 = vector.broadcast %shift_right_arithmetic3A : i32 to vector<16xi32>
        %shift_right_arithmetic3A_1209 = arith.shrsi %bitcast_convert_type3A, %shift_right_arithmetic3A_1208 : vector<16xi32>
        %sub3A_1210 = arith.constant 1597463007 : i32
        %sub3A_1211 = vector.broadcast %sub3A_1210 : i32 to vector<16xi32>
        %sub3A_1212 = arith.subi %sub3A_1211, %shift_right_arithmetic3A_1209 : vector<16xi32>
        %bitcast_convert_type3A_1213 = tpu.bitcast %sub3A_1212 : vector<16xi32> -> vector<16xf32>
        %mul3A_1214 = arith.constant 5.000000e-01 : f32
        %mul3A_1215 = vector.broadcast %mul3A_1214 : f32 to vector<16xf32>
        %mul3A_1216 = arith.mulf %mul3A_1215, %broadcast_in_dim3A_1207 : vector<16xf32>
        %mul3A_1217 = arith.mulf %mul3A_1216, %bitcast_convert_type3A_1213 : vector<16xf32>
        %mul3A_1218 = arith.mulf %mul3A_1217, %bitcast_convert_type3A_1213 : vector<16xf32>
        %sub3A_1219 = arith.constant 1.500000e+00 : f32
        %sub3A_1220 = vector.broadcast %sub3A_1219 : f32 to vector<16xf32>
        %sub3A_1221 = arith.subf %sub3A_1220, %mul3A_1218 : vector<16xf32>
        %mul3A_1222 = arith.mulf %bitcast_convert_type3A_1213, %sub3A_1221 : vector<16xf32>
        %mul3A_1223 = arith.constant 5.000000e-01 : f32
        %mul3A_1224 = vector.broadcast %mul3A_1223 : f32 to vector<16xf32>
        %mul3A_1225 = arith.mulf %mul3A_1224, %broadcast_in_dim3A_1207 : vector<16xf32>
        %mul3A_1226 = arith.mulf %mul3A_1225, %mul3A_1222 : vector<16xf32>
        %mul3A_1227 = arith.mulf %mul3A_1226, %mul3A_1222 : vector<16xf32>
        %sub3A_1228 = arith.constant 1.500000e+00 : f32
        %sub3A_1229 = vector.broadcast %sub3A_1228 : f32 to vector<16xf32>
        %sub3A_1230 = arith.subf %sub3A_1229, %mul3A_1227 : vector<16xf32>
        %mul3A_1231 = arith.mulf %mul3A_1222, %sub3A_1230 : vector<16xf32>
        %mul3A_1232 = arith.constant 5.000000e-01 : f32
        %mul3A_1233 = vector.broadcast %mul3A_1232 : f32 to vector<16xf32>
        %mul3A_1234 = arith.mulf %mul3A_1233, %broadcast_in_dim3A_1207 : vector<16xf32>
        %mul3A_1235 = arith.mulf %mul3A_1234, %mul3A_1231 : vector<16xf32>
        %mul3A_1236 = arith.mulf %mul3A_1235, %mul3A_1231 : vector<16xf32>
        %sub3A_1237 = arith.constant 1.500000e+00 : f32
        %sub3A_1238 = vector.broadcast %sub3A_1237 : f32 to vector<16xf32>
        %sub3A_1239 = arith.subf %sub3A_1238, %mul3A_1236 : vector<16xf32>
        %mul3A_1240 = arith.mulf %mul3A_1231, %sub3A_1239 : vector<16xf32>
        %mul3A_1241 = arith.mulf %sub3A, %mul3A_1240 : vector<16xf32>
        %mul3A_1242 = arith.mulf %mul3A_1241, %get3A_6 : vector<16xf32>
        %add3A_1243 = arith.addf %mul3A_1242, %get3A_38 : vector<16xf32>
        %swap3A = arith.constant 0 : i32
        %swap3A_1244 = arith.index_cast %swap3A : i32 to index
        %swap3A_1245 = arith.index_cast %scan3A_932 : i32 to index
        %swap3A_1246 = arith.constant 0 : index
        %swap3A_1247 = tpu.vector_load %arg13[%swap3A_1244, %swap3A_1245, %swap3A_1246] {strides = array<i32>} : memref<5x64x128xf32, #tpu.memory_space<vmem>>, vector<16xf32>,
        tpu.vector_store %arg13[%swap3A_1244, %swap3A_1245, %swap3A_1246], %add3A_1243 {strides = array<i32>} : memref<5x64x128xf32, #tpu.memory_space<vmem>>, vector<16xf32>,
        %mul3A_1248 = arith.mulf %sub3A_1177, %mul3A_1240 : vector<16xf32>
        %mul3A_1249 = arith.mulf %mul3A_1248, %get3A_10 : vector<16xf32>
        %add3A_1250 = arith.addf %mul3A_1249, %get3A_42 : vector<16xf32>
        %swap3A_1251 = arith.constant 0 : i32
        %swap3A_1252 = arith.index_cast %swap3A_1251 : i32 to index
        %swap3A_1253 = arith.index_cast %scan3A_932 : i32 to index
        %swap3A_1254 = arith.constant 16 : index
        %swap3A_1255 = tpu.vector_load %arg13[%swap3A_1252, %swap3A_1253, %swap3A_1254] {strides = array<i32>} : memref<5x64x128xf32, #tpu.memory_space<vmem>>, vector<16xf32>,
        tpu.vector_store %arg13[%swap3A_1252, %swap3A_1253, %swap3A_1254], %add3A_1250 {strides = array<i32>} : memref<5x64x128xf32, #tpu.memory_space<vmem>>, vector<16xf32>,
        %mul3A_1256 = arith.mulf %sub3A_1178, %mul3A_1240 : vector<16xf32>
        %mul3A_1257 = arith.mulf %mul3A_1256, %get3A_14 : vector<16xf32>
        %add3A_1258 = arith.addf %mul3A_1257, %get3A_46 : vector<16xf32>
        %swap3A_1259 = arith.constant 0 : i32
        %swap3A_1260 = arith.index_cast %swap3A_1259 : i32 to index
        %swap3A_1261 = arith.index_cast %scan3A_932 : i32 to index
        %swap3A_1262 = arith.constant 32 : index
        %swap3A_1263 = tpu.vector_load %arg13[%swap3A_1260, %swap3A_1261, %swap3A_1262] {strides = array<i32>} : memref<5x64x128xf32, #tpu.memory_space<vmem>>, vector<16xf32>,
        tpu.vector_store %arg13[%swap3A_1260, %swap3A_1261, %swap3A_1262], %add3A_1258 {strides = array<i32>} : memref<5x64x128xf32, #tpu.memory_space<vmem>>, vector<16xf32>,
        %mul3A_1264 = arith.mulf %sub3A_1179, %mul3A_1240 : vector<16xf32>
        %mul3A_1265 = arith.mulf %mul3A_1264, %get3A_18 : vector<16xf32>
        %add3A_1266 = arith.addf %mul3A_1265, %get3A_50 : vector<16xf32>
        %swap3A_1267 = arith.constant 0 : i32
        %swap3A_1268 = arith.index_cast %swap3A_1267 : i32 to index
        %swap3A_1269 = arith.index_cast %scan3A_932 : i32 to index
        %swap3A_1270 = arith.constant 48 : index
        %swap3A_1271 = tpu.vector_load %arg13[%swap3A_1268, %swap3A_1269, %swap3A_1270] {strides = array<i32>} : memref<5x64x128xf32, #tpu.memory_space<vmem>>, vector<16xf32>,
        tpu.vector_store %arg13[%swap3A_1268, %swap3A_1269, %swap3A_1270], %add3A_1266 {strides = array<i32>} : memref<5x64x128xf32, #tpu.memory_space<vmem>>, vector<16xf32>,
        %mul3A_1272 = arith.mulf %sub3A_1180, %mul3A_1240 : vector<16xf32>
        %mul3A_1273 = arith.mulf %mul3A_1272, %get3A_22 : vector<16xf32>
        %add3A_1274 = arith.addf %mul3A_1273, %get3A_54 : vector<16xf32>
        %swap3A_1275 = arith.constant 0 : i32
        %swap3A_1276 = arith.index_cast %swap3A_1275 : i32 to index
        %swap3A_1277 = arith.index_cast %scan3A_932 : i32 to index
        %swap3A_1278 = arith.constant 64 : index
        %swap3A_1279 = tpu.vector_load %arg13[%swap3A_1276, %swap3A_1277, %swap3A_1278] {strides = array<i32>} : memref<5x64x128xf32, #tpu.memory_space<vmem>>, vector<16xf32>,
        tpu.vector_store %arg13[%swap3A_1276, %swap3A_1277, %swap3A_1278], %add3A_1274 {strides = array<i32>} : memref<5x64x128xf32, #tpu.memory_space<vmem>>, vector<16xf32>,
        %mul3A_1280 = arith.mulf %sub3A_1181, %mul3A_1240 : vector<16xf32>
        %mul3A_1281 = arith.mulf %mul3A_1280, %get3A_26 : vector<16xf32>
        %add3A_1282 = arith.addf %mul3A_1281, %get3A_58 : vector<16xf32>
        %swap3A_1283 = arith.constant 0 : i32
        %swap3A_1284 = arith.index_cast %swap3A_1283 : i32 to index
        %swap3A_1285 = arith.index_cast %scan3A_932 : i32 to index
        %swap3A_1286 = arith.constant 80 : index
        %swap3A_1287 = tpu.vector_load %arg13[%swap3A_1284, %swap3A_1285, %swap3A_1286] {strides = array<i32>} : memref<5x64x128xf32, #tpu.memory_space<vmem>>, vector<16xf32>,
        tpu.vector_store %arg13[%swap3A_1284, %swap3A_1285, %swap3A_1286], %add3A_1282 {strides = array<i32>} : memref<5x64x128xf32, #tpu.memory_space<vmem>>, vector<16xf32>,
        %mul3A_1288 = arith.mulf %sub3A_1182, %mul3A_1240 : vector<16xf32>
        %mul3A_1289 = arith.mulf %mul3A_1288, %get3A_30 : vector<16xf32>
        %add3A_1290 = arith.addf %mul3A_1289, %get3A_62 : vector<16xf32>
        %swap3A_1291 = arith.constant 0 : i32
        %swap3A_1292 = arith.index_cast %swap3A_1291 : i32 to index
        %swap3A_1293 = arith.index_cast %scan3A_932 : i32 to index
        %swap3A_1294 = arith.constant 96 : index
        %swap3A_1295 = tpu.vector_load %arg13[%swap3A_1292, %swap3A_1293, %swap3A_1294] {strides = array<i32>} : memref<5x64x128xf32, #tpu.memory_space<vmem>>, vector<16xf32>,
        tpu.vector_store %arg13[%swap3A_1292, %swap3A_1293, %swap3A_1294], %add3A_1290 {strides = array<i32>} : memref<5x64x128xf32, #tpu.memory_space<vmem>>, vector<16xf32>,
        %mul3A_1296 = arith.mulf %sub3A_1183, %mul3A_1240 : vector<16xf32>
        %mul3A_1297 = arith.mulf %mul3A_1296, %get3A_34 : vector<16xf32>
        %add3A_1298 = arith.addf %mul3A_1297, %get3A_66 : vector<16xf32>
        %swap3A_1299 = arith.constant 0 : i32
        %swap3A_1300 = arith.index_cast %swap3A_1299 : i32 to index
        %swap3A_1301 = arith.index_cast %scan3A_932 : i32 to index
        %swap3A_1302 = arith.constant 112 : index
        %swap3A_1303 = tpu.vector_load %arg13[%swap3A_1300, %swap3A_1301, %swap3A_1302] {strides = array<i32>} : memref<5x64x128xf32, #tpu.memory_space<vmem>>, vector<16xf32>,
        tpu.vector_store %arg13[%swap3A_1300, %swap3A_1301, %swap3A_1302], %add3A_1298 {strides = array<i32>} : memref<5x64x128xf32, #tpu.memory_space<vmem>>, vector<16xf32>,
      }
      %scan3A_915 = arith.constant 64 : i32
      %mul3A_916 = arith.constant 64 : i32
      %mul3A_917 = arith.muli %add3A_772, %mul3A_916 : i32
      %add3A_918 = arith.addi %mul3A_2, %mul3A_917 : i32
      %dma_start3A_919 = arith.constant 0 : i32
      %dma_start3A_920 = arith.constant 0 : i32
      %dma_start3A_921 = arith.constant 0 : i32
      %dma_start3A_922 = tpu.memref_slice %arg13[%dma_start3A_919, %dma_start3A_920, %dma_start3A_921] : memref<5x64x128xf32, #tpu.memory_space<vmem>> -> memref<1x64x128xf32, #tpu.memory_space<vmem>>
      %dma_start3A_923 = tpu.memref_squeeze %dma_start3A_922 : memref<1x64x128xf32, #tpu.memory_space<vmem>> -> memref<64x128xf32, #tpu.memory_space<vmem>>
      %dma_start3A_924 = arith.constant 0 : i32
      %dma_start3A_925 = tpu.memref_slice %arg10[%add3A_918, %dma_start3A_924] : memref<204800x128xf32, #tpu.memory_space<hbm>> -> memref<64x128xf32, #tpu.memory_space<hbm>>
      %dma_start3A_926 = arith.constant 0 : i32
      %dma_start3A_927 = tpu.memref_slice %arg10[%add3A_918, %dma_start3A_926] : memref<204800x128xf32, #tpu.memory_space<hbm>> -> memref<64x128xf32, #tpu.memory_space<hbm>>
      %dma_start3A_928 = arith.constant 0 : i32
      %dma_start3A_929 = arith.constant 0 : i32
      %dma_start3A_930 = tpu.memref_slice %arg13[%dma_start3A_919, %dma_start3A_928, %dma_start3A_929] : memref<5x64x128xf32, #tpu.memory_space<vmem>> -> memref<1x64x128xf32, #tpu.memory_space<vmem>>
      %dma_start3A_931 = tpu.memref_squeeze %dma_start3A_930 : memref<1x64x128xf32, #tpu.memory_space<vmem>> -> memref<64x128xf32, #tpu.memory_space<vmem>>
      tpu.enqueue_dma source(%dma_start3A_931 : memref<64x128xf32, #tpu.memory_space<vmem>>) target(%dma_start3A_927 : memref<64x128xf32, #tpu.memory_space<hbm>>) target_semaphore(%arg18 : memref<!tpu.dma_semaphore, #tpu.memory_space<semaphore_mem>>)
    }
    %scan3A_229 = arith.constant 25 : i32
    %add3A_230 = arith.constant 6272 : i32
    %add3A_231 = arith.addi %mul3A_2, %add3A_230 : i32
    %dma_wait3A_232 = arith.constant 0 : i32
    %dma_wait3A_233 = arith.constant 0 : i32
    %dma_wait3A_234 = arith.constant 0 : i32
    %dma_wait3A_235 = tpu.memref_slice %arg12[%dma_wait3A_232, %dma_wait3A_233, %dma_wait3A_234] : memref<5x64x128xf32, #tpu.memory_space<vmem>> -> memref<1x64x128xf32, #tpu.memory_space<vmem>>
    %dma_wait3A_236 = tpu.memref_squeeze %dma_wait3A_235 : memref<1x64x128xf32, #tpu.memory_space<vmem>> -> memref<64x128xf32, #tpu.memory_space<vmem>>
    %dma_wait3A_237 = arith.constant 0 : i32
    %dma_wait3A_238 = tpu.memref_slice %arg10[%add3A_231, %dma_wait3A_237] : memref<204800x128xf32, #tpu.memory_space<hbm>> -> memref<64x128xf32, #tpu.memory_space<hbm>>
    %dma_wait3A_239 = arith.constant 0 : i32
    %dma_wait3A_240 = tpu.memref_slice %arg10[%add3A_231, %dma_wait3A_239] : memref<204800x128xf32, #tpu.memory_space<hbm>> -> memref<64x128xf32, #tpu.memory_space<hbm>>
    %dma_wait3A_241 = arith.constant 0 : i32
    %dma_wait3A_242 = arith.constant 0 : i32
    %dma_wait3A_243 = tpu.memref_slice %arg12[%dma_wait3A_232, %dma_wait3A_241, %dma_wait3A_242] : memref<5x64x128xf32, #tpu.memory_space<vmem>> -> memref<1x64x128xf32, #tpu.memory_space<vmem>>
    %dma_wait3A_244 = tpu.memref_squeeze %dma_wait3A_243 : memref<1x64x128xf32, #tpu.memory_space<vmem>> -> memref<64x128xf32, #tpu.memory_space<vmem>>
    tpu.wait_dma2 semaphore(%arg17 : memref<!tpu.dma_semaphore, #tpu.memory_space<semaphore_mem>>) src(%dma_wait3A_244 : memref<64x128xf32, #tpu.memory_space<vmem>>) dst(%dma_wait3A_240 : memref<64x128xf32, #tpu.memory_space<hbm>>)
    %add3A_245 = arith.constant 6336 : i32
    %add3A_246 = arith.addi %mul3A_2, %add3A_245 : i32
    %dma_wait3A_247 = arith.constant 0 : i32
    %dma_wait3A_248 = arith.constant 0 : i32
    %dma_wait3A_249 = arith.constant 0 : i32
    %dma_wait3A_250 = tpu.memref_slice %arg13[%dma_wait3A_247, %dma_wait3A_248, %dma_wait3A_249] : memref<5x64x128xf32, #tpu.memory_space<vmem>> -> memref<1x64x128xf32, #tpu.memory_space<vmem>>
    %dma_wait3A_251 = tpu.memref_squeeze %dma_wait3A_250 : memref<1x64x128xf32, #tpu.memory_space<vmem>> -> memref<64x128xf32, #tpu.memory_space<vmem>>
    %dma_wait3A_252 = arith.constant 0 : i32
    %dma_wait3A_253 = tpu.memref_slice %arg10[%add3A_246, %dma_wait3A_252] : memref<204800x128xf32, #tpu.memory_space<hbm>> -> memref<64x128xf32, #tpu.memory_space<hbm>>
    %dma_wait3A_254 = arith.constant 0 : i32
    %dma_wait3A_255 = tpu.memref_slice %arg10[%add3A_246, %dma_wait3A_254] : memref<204800x128xf32, #tpu.memory_space<hbm>> -> memref<64x128xf32, #tpu.memory_space<hbm>>
    %dma_wait3A_256 = arith.constant 0 : i32
    %dma_wait3A_257 = arith.constant 0 : i32
    %dma_wait3A_258 = tpu.memref_slice %arg13[%dma_wait3A_247, %dma_wait3A_256, %dma_wait3A_257] : memref<5x64x128xf32, #tpu.memory_space<vmem>> -> memref<1x64x128xf32, #tpu.memory_space<vmem>>
    %dma_wait3A_259 = tpu.memref_squeeze %dma_wait3A_258 : memref<1x64x128xf32, #tpu.memory_space<vmem>> -> memref<64x128xf32, #tpu.memory_space<vmem>>
    tpu.wait_dma2 semaphore(%arg18 : memref<!tpu.dma_semaphore, #tpu.memory_space<semaphore_mem>>) src(%dma_wait3A_259 : memref<64x128xf32, #tpu.memory_space<vmem>>) dst(%dma_wait3A_255 : memref<64x128xf32, #tpu.memory_space<hbm>>)
    return
  }
}

</mosaic_0001>

<sc_bundles>
// kernel: _poiembed_sc.3.cloned.1.call-start
scs
__scs_entry_jumppad:
0x0: {  	(pc) =	sbr.rel $0x88, $3  }
0x1: {  	(tag) =	ssettag $0x0;
	lr =	simm.s32 $0x1  }
0x2: {  	[smem:$0x3F99] =	sst lr;
	_ =	strace $0xD0000000  }
0x3: {  	_ = 	snop  }
0x4: {  	_ = 	snop  }
0x5: {  	_ = 	snop  }
0x6: {  	_ = 	snop  }
0x7: {  	_ = 	snop  }
__scs_overlays_trampoline_lowered:
0x8: {  	[smem:$0x3FA8] =	sst s0  }
0x9: {  	[smem:$0x3FA9] =	sst s1  }
0xa: {  	[smem:$0x3FAA] =	sst s2  }
0xb: {  	[smem:$0x3FAB] =	sst s3  }
0xc: {  	[smem:$0x3FAC] =	sst s4  }
0xd: {  	[smem:$0x3FAD] =	sst s5  }
0xe: {  	[smem:$0x3FAE] =	sst s6  }
0xf: {  	[smem:$0x3FAF] =	sst s7  }
0x10: {  	[smem:$0x3FB0] =	sst s8  }
0x11: {  	[smem:$0x3FB1] =	sst s9;
	s0 =	simm.s32 @!p0 $0x0  }
0x12: {  	s1 =	sld [smem:$0x3F97];
	s0 =	simm.s32 @p0 $0x1  }
0x13: {  	[smem:$0x3FB2] =	sst s0;
	s0 =	simm.s32 @!p1 $0x0  }
0x14: {  	s2 =	sld [smem:$0x3F96];
	s0 =	simm.s32 @p1 $0x1  }
0x15: {  	[smem:$0x3FB3] =	sst s0;
	s0 =	simm.s32 @!p2 $0x0  }
0x16: {  	s3 =	sld [smem:$0x3FDB];
	s0 =	simm.s32 @p2 $0x1  }
0x17: {  	s4 =	simm.s32 $0x1BF5;
	[smem:$0x3FB5] =	sst s0  }
0x18: {  	s0 =	sld [smem:$0x3F98];
	_ =	swait.ge [sflag:s4], $0x0  }
0x19: {  	s7 =	sld [smem:$0x3F99]  }
0x1a: {  	s8 =	sadd.s32 $0xFFFFE003, lr  }
0x1b: {  	s9 =	sadd.s32 $0xFFFFFEF7, lr;
	s5 =	simm.s32 $0xFFFFFFFF;
	p2 =	slt.u32 s8, $0xFFFFF086  }
0x1c: {  	p1 =	slt.u32 s9, $0xF7A;
	s5 =	simm.s32 @!p2 $0x0  }
0x1d: {  	s5 =	simm.s32 @p1 $0x1;
	p0 =	seq.s32 s7, s2  }
0x1e: {  	s7 =	smul.u32 @!p0 $0xF7A, s2;
	p2 =	seq.s32 @!p0 s5, $0x0  }
0x1f: {  	s9 =	smul.u32 $0xF7A, s1;
	s8 =	simm.s32 @!p0 $0x1BF5;
	p2 =	por !p2, p0  }
0x20: {  	[sflag:s8] =	ssyncset.s32 @!p0 $0xFFFFF086;
	s6 =	sadd.s32 @!p0 s3, s7;
	s7 =	simm.s32 @!p0 $0x108  }
0x21: {  	s3 =	sadd.s32 s3, s9;
	s6 =	sadd.s32 @!p0 $0x88, s6;
	s7 =	simm.s32 @p2 $0x1082  }
0x22: {  	[simem:s7], [sflag:s8] =	dma.local @!p0 [hbm:s6], $0xF7A  }
0x23: {  	s9 =	sor.u32 $0xD0000000, s2;
	s6 =	simm.s32 $0x108;
	_ =	swait.ge @!p0 [sflag:s8], $0x0  }
0x24: {  	s3 =	sadd.s32 $0x88, s3;
	s6 =	simm.s32 @!p1 $0x1082;
	[sflag:s4] =	ssyncset.s32 $0xFFFFF086  }
0x25: {  	[simem:s6], [sflag:s4] =	dma.local [hbm:s3], $0xF7A  }
0x26: {  	[smem:$0x3F99] =	sst s1;
	(tag) =	ssettag s2;
	_ =	strace s9  }
0x27: {  	s1 =	sld [smem:$0x3FA9]  }
0x28: {  	s2 =	sld [smem:$0x3FAA]  }
0x29: {  	s4 =	sld [smem:$0x3FAC]  }
0x2a: {  	p0 =	seq.s32 s5, $0x0;
	s5 =	sld [smem:$0x3FAD]  }
0x2b: {  	s6 =	sld [smem:$0x3FAE]  }
0x2c: {  	s7 =	sld [smem:$0x3FAF]  }
0x2d: {  	s3 =	simm.s32 $0x108;
	s8 =	sld [smem:$0x3FB0]  }
0x2e: {  	s3 =	simm.s32 @!p0 $0x1082;
	s9 =	sld [smem:$0x3FB1]  }
0x2f: {  	lr =	sadd.s32 s0, s3;
	s0 =	sld [smem:$0x3FA8]  }
0x30: {  	s3 =	sld [smem:$0x3FAB]  }
0x31: {  	[smem:$0x3FB4] =	sst s10  }
0x32: {  	s10 =	sld [smem:$0x3FB2];
	_ =	sdelay $0x3  }
0x33: {  	p0 =	seq.s32 s10, $0x1;
	s10 =	sld [smem:$0x3FB4];
	_ =	sdelay $0x3  }
0x34: {  	[smem:$0x3FB4] =	sst s10  }
0x35: {  	s10 =	sld [smem:$0x3FB3];
	_ =	sdelay $0x3  }
0x36: {  	p1 =	seq.s32 s10, $0x1;
	s10 =	sld [smem:$0x3FB4];
	_ =	sdelay $0x3  }
0x37: {  	[smem:$0x3FB4] =	sst s10  }
0x38: {  	s10 =	sld [smem:$0x3FB5]  }
0x39: {  	_ = 	snop;
	(pc) =	sbr.ind lr, $3  }
0x3a: {  	_ = 	snop  }
0x3b: {  	_ = 	snop  }
0x3c: {  	p2 =	seq.s32 s10, $0x1;
	s10 =	sld [smem:$0x3FB4]  }
0x3d: {  	_ =	shalt  }
0x3e: {  	_ =	shalt  }
0x3f: {  	_ =	shalt  }
0x40: {  	_ =	shalt  }
0x41: {  	_ =	shalt  }
0x42: {  	_ =	shalt  }
0x43: {  	_ =	shalt  }
0x44: {  	_ =	shalt  }
0x45: {  	_ =	shalt  }
0x46: {  	_ =	shalt  }
0x47: {  	_ =	shalt  }
0x48: {  	_ =	shalt  }
0x49: {  	_ =	shalt  }
0x4a: {  	_ =	shalt  }
0x4b: {  	_ =	shalt  }
0x4c: {  	_ =	shalt  }
0x4d: {  	_ =	shalt  }
0x4e: {  	_ =	shalt  }
0x4f: {  	_ =	shalt  }
0x50: {  	_ =	shalt  }
0x51: {  	_ =	shalt  }
0x52: {  	_ =	shalt  }
0x53: {  	_ =	shalt  }
0x54: {  	_ =	shalt  }
0x55: {  	_ =	shalt  }
0x56: {  	_ =	shalt  }
0x57: {  	_ =	shalt  }
0x58: {  	_ =	shalt  }
0x59: {  	_ =	shalt  }
0x5a: {  	_ =	shalt  }
0x5b: {  	_ =	shalt  }
0x5c: {  	_ =	shalt  }
0x5d: {  	_ =	shalt  }
0x5e: {  	_ =	shalt  }
0x5f: {  	_ =	shalt  }
0x60: {  	_ =	shalt  }
0x61: {  	_ =	shalt  }
0x62: {  	_ =	shalt  }
0x63: {  	_ =	shalt  }
0x64: {  	_ =	shalt  }
0x65: {  	_ =	shalt  }
0x66: {  	_ =	shalt  }
0x67: {  	_ =	shalt  }
0x68: {  	_ =	shalt  }
0x69: {  	_ =	shalt  }
0x6a: {  	_ =	shalt  }
0x6b: {  	_ =	shalt  }
0x6c: {  	_ =	shalt  }
0x6d: {  	_ =	shalt  }
0x6e: {  	_ =	shalt  }
0x6f: {  	_ =	shalt  }
0x70: {  	_ =	shalt  }
0x71: {  	_ =	shalt  }
0x72: {  	_ =	shalt  }
0x73: {  	_ =	shalt  }
0x74: {  	_ =	shalt  }
0x75: {  	_ =	shalt  }
0x76: {  	_ =	shalt  }
0x77: {  	_ =	shalt  }
0x78: {  	_ =	shalt  }
0x79: {  	_ =	shalt  }
0x7a: {  	_ =	shalt  }
0x7b: {  	_ =	shalt  }
0x7c: {  	_ =	shalt  }
0x7d: {  	_ =	shalt  }
0x7e: {  	_ =	shalt  }
0x7f: {  	_ =	shalt  }
0x80: {  	_ =	shalt  }
0x81: {  	_ =	shalt  }
0x82: {  	_ =	shalt  }
0x83: {  	_ =	shalt  }
0x84: {  	_ =	shalt  }
0x85: {  	_ =	shalt  }
0x86: {  	_ =	shalt  }
0x87: {  	_ =	shalt  }
.Lfunc_end0:
.L_simem_size_0:
called_computation_lowered:
.L_overlay_start_0:
0x88: {  	s2 =	sld [smem:$0x3FD9]  }
0x89: {  	s3 =	sld [smem:$0x3FFE];
	_ =	sdelay $0x1  }
0x8a: {  	s1 =	srdreg.scid  }
0x8b: {  	s0 =	sand.u32 $0x1, s1  }
0x8c: {  	s18 =	sshll.u32 s0, $0xA;
	s2 =	sadd.s32 s3, s2  }
0x8d: {  	s2 =	sadd.s32 s2, s18  }
0x8e: {  	[smem:$0x3FC0] =	sst s2  }
0x8f: {  	_ = 	snop  }
0x90: {  	s2 =	sld [smem:$0x3FC9]  }
0x91: {  	s19 =	sld [smem:$0x3FC8]  }
0x92: {  	s4 =	sld [smem:$0x3FC7]  }
0x93: {  	s5 =	sld [smem:$0x3FC6]  }
0x94: {  	s6 =	sld [smem:$0x3FC5]  }
0x95: {  	s7 =	sld [smem:$0x3FC4]  }
0x96: {  	s8 =	sld [smem:$0x3FC3]  }
0x97: {  	s9 =	sld [smem:$0x3FC2]  }
0x98: {  	s10 =	sld [smem:$0x3FD0];
	(tm) =	ssettm $0x1  }
0x99: {  	s11 =	sld [smem:$0x3FFB];
	_ =	sdelay $0x3  }
0x9a: {  	_ =	strace s11  }
0x9b: {  	s11 =	sld [smem:$0x3FFC];
	_ =	sdelay $0x3  }
0x9c: {  	_ =	strace s11  }
0x9d: {  	s11 =	sld [smem:$0x3FFD];
	_ =	sdelay $0x3  }
0x9e: {  	_ =	strace s11  }
0x9f: {  	_ =	strace $0x8FFFFFFF  }
0xa0: {  	s20 =	sld [smem:$0x3FDB];
	_ =	sdelay $0x1  }
0xa1: {  	s12 =	simm.s32 $_scs_section_size  }
0xa2: {  	s13 =	simm.s32 $_size__tile_overlayer_lowered;
	s14 =	simm.s32 $_tile_overlayer_lowered  }
0xa3: {  	s23 =	simm.s32 $0x1BFF;
	s22 =	sshll.u32 s14, $0x1;
	s11 =	sadd.s32 s12, s20  }
0xa4: {  	s15 =	simm.s32 $0x0;
	s21 =	sshll.u32 s13, $0x1;
	s13 =	sadd.s32 s22, s11  }
0xa5: {  	[timem:s15], [sflag:s23] =	dma.local [hbm:s13], s21  }
0xa6: {  	_ =	swait.ge [sflag:s23], s21  }
0xa7: {  	s12 =	ssub.s32 $0x0, s21;
	[sflag:s23] =	ssyncset.done $0x0  }
0xa8: {  	[sflag:s23] =	ssyncadd.s32 s12;
	_ =	sdelay $0x1  }
0xa9: {  	s24 =	simm.s32 $0x1B8B  }
0xaa: {  	_ =	swait.ge [sflag:s24], $0x1  }
0xab: {  	[sflag:s24] =	ssyncset.done $0x0  }
0xac: {  	s25 =	simm.s32 $0x1B8E;
	[sflag:s24] =	ssyncadd.s32 $0xFFFFFFFF  }
0xad: {  	s26 =	simm.s32 $execute0_lowered;
	[smem:$0x3FD2] =	sst s25  }
0xae: {  	s12 =	sshll.u32 s26, $0x1;
	_ =	strace $0x80000046;
	[dreg:$0x1] =	wrdreg $0xFFFFFFFF  }
0xaf: {  	s28 =	simm.s32 $_size_execute0_lowered;
	s11 =	sadd.s32 s11, s12;
	[dreg:$0x0] =	wrdreg $0x0  }
0xb0: {  	s12 =	sshll.u32 s28, $0x1;
	[dreg:$0x2] =	wrdreg s11  }
0xb1: {  	[dreg:$0x3] =	wrdreg s12  }
0xb2: {  	[dreg:$0x4] =	wrdreg $0xC0  }
0xb3: {  	_ =	task [dreg:s15], $0x5FFFF  }
0xb4: {  	[dreg:$0x1] =	wrdreg $0xFFFFFFFF  }
0xb5: {  	[dreg:$0x0] =	wrdreg $0x60  }
0xb6: {  	[dreg:$0x2] =	wrdreg s2  }
0xb7: {  	[dreg:$0x3] =	wrdreg s19  }
0xb8: {  	[dreg:$0x4] =	wrdreg s4  }
0xb9: {  	[dreg:$0x5] =	wrdreg s5  }
0xba: {  	[dreg:$0x6] =	wrdreg s6  }
0xbb: {  	[dreg:$0x7] =	wrdreg s7  }
0xbc: {  	[dreg:$0x8] =	wrdreg s8  }
0xbd: {  	[dreg:$0x9] =	wrdreg s9  }
0xbe: {  	[dreg:$0xa] =	wrdreg s10  }
0xbf: {  	[dreg:$0xb] =	wrdreg $0x9  }
0xc0: {  	_ =	task.clear_ibuf [dreg:s15], $0xCFFFF;
	_ =	strace $0x90000046  }
0xc1: {  	s29 =	simm.s32 $0x9;
	_ =	strace $0x80000048  }
0xc2: {  	_ =	swait.ge [sflag:s29], $0x1  }
0xc3: {  	[sflag:s29] =	ssyncadd.s32 $0xFFFFFFFF  }
0xc4: {  	_ =	strace $0x90000048  }
0xc5: {  	_ =	sfence  }
0xc6: {  	s30 =	sld [smem:$0x0];
	_ =	sdelay $0x2  }
0xc7: {  	s31 =	sshll.u32 s1, $0xD;
	s1 =	sshrl.u32 s1, $0x2  }
0xc8: {  	s3 =	sand.u32 $0x4000, s31;
	s1 =	sadd.s32 s1, s30  }
0xc9: {  	s0 =	sor.u32 s3, s0;
	s1 =	sshll.u32 s1, $0x11  }
0xca: {  	s0 =	sor.u32 s1, s0  }
0xcb: {  	s0 =	sadd.s32 $0x8F2B, s0  }
0xcc: {  	[sflag:s0] =	ssyncadd.remote.s32 $0x1  }
0xcd: {  	_ =	sfence.sel $0xFFFF  }
0xce: {  	[dreg:$0x0] =	wrdreg $0xFFFFFFFF;
	(pc) =	sbr.abs _section_cstart, $3  }
0xcf: {  	[dreg:$0x1] =	wrdreg $0xFFFFFFFF  }
0xd0: {  	_ =	task.clear_ibuf [dreg:s15], $0x2FFFF;
	_ =	strace $0x9FFFFFFF  }
0xd1: {  	(tm) =	ssettm $0x7FFFFFFF  }
tec
execute0_lowered:
.L_overlay_start_1:
0x0: {  	(tag) =	ssettag $0x1  }
0x1: {  	s4 =	rddreg [dreg:$0x0]  }
0x2: {  	s0 =	rddreg [dreg:$0x1]  }
0x3: {  	s1 =	rddreg [dreg:$0x2]  }
0x4: {  	s2 =	rddreg [dreg:$0x3]  }
0x5: {  	s3 =	rddreg [dreg:$0x4]  }
0x6: {  	s5 =	rddreg [dreg:$0x5];
	s6 =	srdreg.scid  }
0x7: {  	s7 =	stileid.u32;
	s9 =	rddreg [dreg:$0x8]  }
0x8: {  	s10 =	simm.s32 $0x0;
	s19 =	simm.s32 $0x400;
	s21 =	simm.s32 $0x5  }
0x9: {  	s22 =	simm.s32 $0x20;
	s23 =	simm.s32 $0x800;
	s16 =	simm.s32 $0xA800  }
0xa: {  	s15 =	simm.s32 $0xF800;
	s20 =	simm.s32 $0x10800;
	s24 =	simm.s32 $0x11800  }
0xb: {  	s26 =	simm.s32 $0x12800;
	s6 =	sand.u32 $0x1, s6;
	s7 =	sshll.u32 s7, $0x1  }
0xc: {  	s29 =	simm.s32 $0x13800;
	s31 =	simm.s32 $0x1;
	s7 =	sor.u32 s6, s7  }
0xd: {  	s18 =	simm.s32 $0x4;
	s6 =	ssub.s32 $0x2, s6;
	s8 =	smul.u32 $0x1900, s7  }
0xe: {  	[smem:$0x7FF] =	sst s10;
	s12 =	sshrl.u32 s6, $0x1;
	s11 =	smul.u32 $0xC8000, s7  }
0xf: {  	s14 =	simm.s32 $0x0;
	_ =	strace $0x80000047;
	s6 =	ssub.s32 s6, s12  }
0x10: {  	s12 =	sadd.s32 s4, s8;
	s13 =	sor.u32 $0x2000, s11;
	s30 =	smax.u32 s6, $0x1  }
0x11: {  	s6 =	simm.s32 $0xE800;
	s4 =	sadd.s32 $0x100, s12;
	[dreg:$0xb] =	wrdreg s30  }
0x12: {  	s8 =	simm.s32 $0x2;
	[dreg:$0xa] =	wrdreg s4;
	s4 =	simm.s32 $0x3  }
.LBB2_1:
0x13: {  	[dreg:$0xc] =	wrdreg s14  }
0x14: {  	s7 =	rddreg [dreg:$0x6];
	s17 =	simm.s32 $0x14800;
	s25 =	simm.s32 $0x6  }
0x15: {  	[tilespmem:s17], [sflag:$0x6] =	stream.linear.gather [hbm4b:s7+s10], $0x80, $0x38;
	[tilespmem:$0x14900] =	vst v63  }
0x16: {  	_ =	swait.ge [sflag:s25], $0x80  }
0x17: {  	[sflag:s25] =	ssyncset.done $0x0  }
0x18: {  	[sflag:s25] =	ssyncadd.s32 $0xFFFFFF80  }
0x19: {  	s17 =	simm.s32 $0x14880;
	s30 =	rddreg [dreg:$0x7]  }
0x1a: {  	[tilespmem:s17], [sflag:$0x6] =	stream.linear.gather [hbm4b:s30+s10], $0x80, $0x38;
	[tilespmem:$0x14900] =	vst v63  }
0x1b: {  	_ =	swait.ge [sflag:s25], $0x80  }
0x1c: {  	[sflag:s25] =	ssyncset.done $0x0  }
0x1d: {  	[sflag:s25] =	ssyncadd.s32 $0xFFFFFF80  }
0x1e: {  	v0 =	vld [tilespmem:$0x14800]  }
0x1f: {  	v1 =	vld [tilespmem:$0x14810]  }
0x20: {  	v2 =	vld [tilespmem:$0x14820]  }
0x21: {  	v3 =	vld [tilespmem:$0x14830]  }
0x22: {  	v4 =	vld [tilespmem:$0x14840]  }
0x23: {  	v5 =	vld [tilespmem:$0x14850]  }
0x24: {  	v6 =	vld [tilespmem:$0x14860]  }
0x25: {  	v7 =	vld [tilespmem:$0x14870]  }
0x26: {  	v8 =	vld [tilespmem:$0x14880]  }
0x27: {  	v9 =	vld [tilespmem:$0x14890]  }
0x28: {  	v10 =	vld [tilespmem:$0x148A0]  }
0x29: {  	v11 =	vld [tilespmem:$0x148B0]  }
0x2a: {  	v12 =	vld [tilespmem:$0x148C0]  }
0x2b: {  	v13 =	vld [tilespmem:$0x148D0]  }
0x2c: {  	s25 =	simm.s32 $0x190000;
	v14 =	vld [tilespmem:$0x148E0]  }
0x2d: {  	v15 =	vld [tilespmem:$0x148F0];
	[tilespmem:s10], [sflag:$0x5] =	stream.strided.gather [hbm4b:s12+s19], $0x0, s25, s19, $0x38  }
0x2e: {  	_ = 	snop  }
0x2f: {  	[tilespmem:s10], [sflag:$0x5] =	stream.linear.gather [hbm4b:s12+s10], $0x280, $0x38;
	[tilespmem:$0x14900] =	vst v63  }
0x30: {  	_ =	swait.ge [sflag:s21], $0x280  }
0x31: {  	[sflag:s21] =	ssyncset.done $0x0  }
0x32: {  	[sflag:s21] =	ssyncadd.s32 $0xFFFFFD80  }
0x33: {  	[tilespmem:s23], [sflag:$0x1] =	stream.indirect.gather [hbm4b:s0+s22], $0x80, s10, s22, $0xb8;
	[tilespmem:$0x14900] =	vst v63  }
0x34: {  	s30 =	simm.s32 $0x1800  }
0x35: {  	[tilespmem:s30], [sflag:$0x1] =	stream.indirect.gather [hbm4b:s0+s22], $0x80, s22, s22, $0xb8;
	[tilespmem:$0x14900] =	vst v63  }
0x36: {  	s14 =	simm.s32 $0x80;
	s17 =	simm.s32 $0x2800  }
0x37: {  	[tilespmem:s17], [sflag:$0x1] =	stream.indirect.gather [hbm4b:s1+s22], $0x80, s14, s22, $0xb8;
	[tilespmem:$0x14900] =	vst v63  }
0x38: {  	s25 =	simm.s32 $0xA0;
	s30 =	simm.s32 $0x3800  }
0x39: {  	[tilespmem:s30], [sflag:$0x1] =	stream.indirect.gather [hbm4b:s1+s22], $0x80, s25, s22, $0xb8;
	[tilespmem:$0x14900] =	vst v63  }
0x3a: {  	s14 =	simm.s32 $0x100;
	s17 =	simm.s32 $0x4800  }
0x3b: {  	[tilespmem:s17], [sflag:$0x1] =	stream.indirect.gather [hbm4b:s2+s22], $0x80, s14, s22, $0xb8;
	[tilespmem:$0x14900] =	vst v63  }
0x3c: {  	s25 =	simm.s32 $0x120;
	s30 =	simm.s32 $0x5800  }
0x3d: {  	[tilespmem:s30], [sflag:$0x1] =	stream.indirect.gather [hbm4b:s2+s22], $0x80, s25, s22, $0xb8;
	[tilespmem:$0x14900] =	vst v63  }
0x3e: {  	s14 =	simm.s32 $0x180;
	s17 =	simm.s32 $0x6800  }
0x3f: {  	[tilespmem:s17], [sflag:$0x1] =	stream.indirect.gather [hbm4b:s3+s22], $0x80, s14, s22, $0xb8;
	[tilespmem:$0x14900] =	vst v63  }
0x40: {  	s25 =	simm.s32 $0x1A0;
	s30 =	simm.s32 $0x7800  }
0x41: {  	[tilespmem:s30], [sflag:$0x1] =	stream.indirect.gather [hbm4b:s3+s22], $0x80, s25, s22, $0xb8;
	[tilespmem:$0x14900] =	vst v63  }
0x42: {  	s14 =	simm.s32 $0x200;
	s17 =	simm.s32 $0x8800  }
0x43: {  	[tilespmem:s17], [sflag:$0x1] =	stream.indirect.gather [hbm4b:s5+s22], $0x80, s14, s22, $0xb8;
	[tilespmem:$0x14900] =	vst v63  }
0x44: {  	s28 =	simm.s32 $0x0;
	s25 =	simm.s32 $0x220;
	s30 =	simm.s32 $0x9800  }
0x45: {  	[tilespmem:s30], [sflag:$0x1] =	stream.indirect.gather [hbm4b:s5+s22], $0x80, s25, s22, $0xb8;
	[tilespmem:$0x14900] =	vst v63  }
.LBB2_2:
0x46: {  	s7 =	sshllo.u32 s28, $0x1  }
0x47: {  	s14 =	sshll.u32 s7, $0x7  }
0x48: {  	s17 =	simm.s32 $0x190000;
	s14 =	sadd.s32 s14, s12  }
0x49: {  	[tilespmem:s19], [sflag:$0x5] =	stream.strided.gather [hbm4b:s14+s19], $0x0, s17, s19, $0x38;
	[tilespmem:$0x14900] =	vst v63  }
0x4a: {  	p0 =	seq.s32 s28, $0x0  }
0x4b: {  	[tilespmem:s19], [sflag:$0x5] =	stream.linear.gather [hbm4b:s14+s10], $0x280, $0x38;
	[tilespmem:$0x14900] =	vst v63  }
0x4c: {  	s14 =	simm.s32 @!p0 $0x4  }
0x4d: {  	_ =	swait.ge @!p0 [sflag:s14], $0x2000  }
0x4e: {  	[sflag:s14] =	ssyncset.done @!p0 $0x0  }
0x4f: {  	s25 =	simm.s32 $0x40;
	[sflag:s14] =	ssyncadd.s32 @!p0 $0xFFFFE000  }
0x50: {  	[tilespmem:s16], [sflag:$0x2] =	stream.indirect.gather [hbm4b:s0+s22], $0x80, s25, s22, $0xb8;
	[tilespmem:$0x14900] =	vst v63  }
0x51: {  	s17 =	simm.s32 $0x60;
	s25 =	simm.s32 $0xB800  }
0x52: {  	[tilespmem:s25], [sflag:$0x2] =	stream.indirect.gather [hbm4b:s0+s22], $0x80, s17, s22, $0xb8;
	[tilespmem:$0x14900] =	vst v63  }
0x53: {  	s17 =	simm.s32 $0xC0;
	s25 =	simm.s32 $0xC800  }
0x54: {  	[tilespmem:s25], [sflag:$0x2] =	stream.indirect.gather [hbm4b:s1+s22], $0x80, s17, s22, $0xb8;
	[tilespmem:$0x14900] =	vst v63  }
0x55: {  	s17 =	simm.s32 $0xE0;
	s25 =	simm.s32 $0xD800  }
0x56: {  	[tilespmem:s25], [sflag:$0x2] =	stream.indirect.gather [hbm4b:s1+s22], $0x80, s17, s22, $0xb8;
	[tilespmem:$0x14900] =	vst v63  }
0x57: {  	s17 =	simm.s32 $0x140  }
0x58: {  	[tilespmem:s6], [sflag:$0x2] =	stream.indirect.gather [hbm4b:s2+s22], $0x80, s17, s22, $0xb8;
	[tilespmem:$0x14900] =	vst v63  }
0x59: {  	s25 =	simm.s32 $0x160  }
0x5a: {  	[tilespmem:s15], [sflag:$0x2] =	stream.indirect.gather [hbm4b:s2+s22], $0x80, s25, s22, $0xb8;
	[tilespmem:$0x14900] =	vst v63  }
0x5b: {  	s17 =	simm.s32 $0x1C0  }
0x5c: {  	[tilespmem:s20], [sflag:$0x2] =	stream.indirect.gather [hbm4b:s3+s22], $0x80, s17, s22, $0xb8;
	[tilespmem:$0x14900] =	vst v63  }
0x5d: {  	s25 =	simm.s32 $0x1E0  }
0x5e: {  	[tilespmem:s24], [sflag:$0x2] =	stream.indirect.gather [hbm4b:s3+s22], $0x80, s25, s22, $0xb8;
	[tilespmem:$0x14900] =	vst v63  }
0x5f: {  	s17 =	simm.s32 $0x240  }
0x60: {  	[tilespmem:s26], [sflag:$0x2] =	stream.indirect.gather [hbm4b:s5+s22], $0x80, s17, s22, $0xb8;
	[tilespmem:$0x14900] =	vst v63  }
0x61: {  	s25 =	simm.s32 $0x260  }
0x62: {  	[tilespmem:s29], [sflag:$0x2] =	stream.indirect.gather [hbm4b:s5+s22], $0x80, s25, s22, $0xb8;
	[tilespmem:$0x14900] =	vst v63  }
0x63: {  	_ =	swait.ge [sflag:s31], $0x1000  }
0x64: {  	[sflag:s31] =	ssyncset.done $0x0  }
0x65: {  	[sflag:s31] =	ssyncadd.s32 $0xFFFFF000  }
0x66: {  	_ =	swait.ge [sflag:s31], $0x1000  }
0x67: {  	[sflag:s31] =	ssyncset.done $0x0  }
0x68: {  	[sflag:s31] =	ssyncadd.s32 $0xFFFFF000  }
0x69: {  	_ =	swait.ge [sflag:s31], $0x1000  }
0x6a: {  	[sflag:s31] =	ssyncset.done $0x0  }
0x6b: {  	[sflag:s31] =	ssyncadd.s32 $0xFFFFF000  }
0x6c: {  	_ =	swait.ge [sflag:s31], $0x1000  }
0x6d: {  	[sflag:s31] =	ssyncset.done $0x0  }
0x6e: {  	[sflag:s31] =	ssyncadd.s32 $0xFFFFF000  }
0x6f: {  	_ =	swait.ge [sflag:s31], $0x1000  }
0x70: {  	[sflag:s31] =	ssyncset.done $0x0  }
0x71: {  	[sflag:s31] =	ssyncadd.s32 $0xFFFFF000  }
0x72: {  	_ =	swait.ge [sflag:s31], $0x1000  }
0x73: {  	[sflag:s31] =	ssyncset.done $0x0  }
0x74: {  	[sflag:s31] =	ssyncadd.s32 $0xFFFFF000  }
0x75: {  	_ =	swait.ge [sflag:s31], $0x1000  }
0x76: {  	[sflag:s31] =	ssyncset.done $0x0  }
0x77: {  	[sflag:s31] =	ssyncadd.s32 $0xFFFFF000  }
0x78: {  	_ =	swait.ge [sflag:s31], $0x1000  }
0x79: {  	[sflag:s31] =	ssyncset.done $0x0  }
0x7a: {  	[sflag:s31] =	ssyncadd.s32 $0xFFFFF000  }
0x7b: {  	_ =	swait.ge [sflag:s31], $0x1000  }
0x7c: {  	[sflag:s31] =	ssyncset.done $0x0  }
0x7d: {  	[sflag:s31] =	ssyncadd.s32 $0xFFFFF000  }
0x7e: {  	_ =	swait.ge [sflag:s31], $0x1000  }
0x7f: {  	[sflag:s31] =	ssyncset.done $0x0  }
0x80: {  	s30 =	simm.s32 $0x0;
	[sflag:s31] =	ssyncadd.s32 $0xFFFFF000  }
0x81: {  	v16 =	vld [tilespmem:s30+$0x6840]  }
0x82: {  	v17 =	vld [tilespmem:s30+$0x2870]  }
0x83: {  	v18 =	vld [tilespmem:s30+$0x8830]  }
0x84: {  	v19 =	vld [tilespmem:s30+$0x4850]  }
0x85: {  	v20 =	vld [tilespmem:s30+$0x8800]  }
0x86: {  	v21 =	vld [tilespmem:s30+$0x2860]  }
0x87: {  	v22 =	vld [tilespmem:s30+$0x6800]  }
0x88: {  	v23 =	vld [tilespmem:s30+$0x6830]  }
0x89: {  	v24 =	vld [tilespmem:s30+$0x4800]  }
0x8a: {  	v25 =	vld [tilespmem:s30+$0x4810]  }
0x8b: {  	v26 =	vld [tilespmem:s30+$0x6810]  }
0x8c: {  	v27 =	vld [tilespmem:s30+$0x4820]  }
0x8d: {  	v28 =	vld [tilespmem:s30+$0x6820]  }
0x8e: {  	v29 =	vld [tilespmem:s30+$0x2830]  }
0x8f: {  	v30 =	vld [tilespmem:s30+$0x4830]  }
0x90: {  	v31 =	vld [tilespmem:s30+$0x2840]  }
0x91: {  	v32 =	vld [tilespmem:s30+$0x2820]  }
0x92: {  	v33 =	vld [tilespmem:s30+$0x2810]  }
0x93: {  	v34 =	vld [tilespmem:s30+$0x2800]  }
0x94: {  	v35 =	vld [tilespmem:s30+$0x800]  }
0x95: {  	v36 =	vld [tilespmem:s30+$0x820]  }
0x96: {  	v37 =	vld [tilespmem:s30+$0x810]  }
0x97: {  	v39 =	vld [tilespmem:s30+$0x830]  }
0x98: {  	v58 =	vld [tilespmem:s30+$0x870]  }
0x99: {  	v38 =	vld [tilespmem:s30+$0x2850]  }
0x9a: {  	v59 =	vld [tilespmem:s30+$0x860];
	v34 =	vadd.f32 v34, v35  }
0x9b: {  	v55 =	vld [tilespmem:s30+$0x840];
	v32 =	vadd.f32 v32, v36;
	v33 =	vadd.f32 v33, v37  }
0x9c: {  	v56 =	vld [tilespmem:s30+$0x4840];
	v29 =	vadd.f32 v29, v39;
	v24 =	vadd.f32 v24, v34  }
0x9d: {  	v57 =	vld [tilespmem:s30+$0x8810];
	v17 =	vadd.f32 v17, v58;
	v27 =	vadd.f32 v27, v32  }
0x9e: {  	v25 =	vadd.f32 v25, v33;
	v22 =	vadd.f32 v22, v24;
	v24 =	vld [tilespmem:s30+$0x850]  }
0x9f: {  	v40 =	vld [tilespmem:s30+$0x8820];
	v21 =	vadd.f32 v21, v59;
	v27 =	vadd.f32 v28, v27  }
0xa0: {  	v60 =	vld [tilespmem:s30+$0x6850];
	v28 =	vadd.f32 v31, v55;
	v25 =	vadd.f32 v26, v25  }
0xa1: {  	v61 =	vld [tilespmem:s30+$0x8850];
	v26 =	vadd.f32 v30, v29;
	v20 =	vadd.f32 v20, v22  }
0xa2: {  	v22 =	vadd.f32 v56, v28;
	v28 =	vld [tilespmem:s30+$0x4860];
	v25 =	vadd.f32 v57, v25  }
0xa3: {  	v29 =	vld [tilespmem:s30+$0x8840];
	v23 =	vadd.f32 v23, v26;
	v24 =	vadd.f32 v38, v24  }
0xa4: {  	v26 =	vadd.f32 v40, v27;
	v27 =	vld [tilespmem:s30+$0x6860];
	v62 =	vadd.f32 v25, v20  }
0xa5: {  	v18 =	vadd.f32 v18, v23;
	v23 =	vld [tilespmem:s30+$0x4870];
	v19 =	vadd.f32 v19, v24  }
0xa6: {  	v16 =	vadd.f32 v16, v22;
	v22 =	vld [tilespmem:s30+$0x8860];
	v24 =	vadd.f32 v26, v62  }
0xa7: {  	v63 =	vld [tilespmem:s30+$0x6870];
	v21 =	vadd.f32 v28, v21;
	v19 =	vadd.f32 v60, v19  }
0xa8: {  	v16 =	vadd.f32 v29, v16;
	v24 =	vadd.f32 v18, v24  }
0xa9: {  	v21 =	vadd.f32 v27, v21;
	v27 =	vadd.f32 v61, v19;
	v19 =	vld [tilespmem:s30+$0x8870]  }
0xaa: {  	v17 =	vadd.f32 v23, v17;
	v23 =	vadd.f32 v16, v24  }
0xab: {  	v24 =	vadd.f32 v22, v21  }
0xac: {  	v17 =	vadd.f32 v63, v17;
	v21 =	vadd.f32 v27, v23;
	_ =	sdelay $0x1  }
0xad: {  	v28 =	vadd.f32 v19, v17;
	v17 =	vadd.f32 v24, v21;
	_ =	sdelay $0x1  }
0xae: {  	v17 =	vadd.f32 v28, v17;
	_ =	sdelay $0x1  }
0xaf: {  	(xrf2) =	vadd.scan.msk.f32 $0xffff, v17;
	_ =	sdelay $0x9  }
0xb0: {  	v17, _, _ =	vpop (xrf2)  }
0xb1: {  	(v2sf) =	vpush v17, $0xF;
	_ =	sdelay $0xe  }
0xb2: {  	s17 =	spop (v2sf)  }
0xb3: {  	s14 =	smul.f32 $7.812500000e-03, s17;
	_ =	sdelay $0x1  }
0xb4: {  	v29 =	vmov s14  }
0xb5: {  	v21 =	vsub.f32 v20, v29;
	v20 =	vsub.f32 v25, v29;
	_ =	sdelay $0x1  }
0xb6: {  	v23 =	vsub.f32 v26, v29;
	v17 =	vmul.f32 v21, v21;
	v19 =	vmul.f32 v20, v20;
	_ =	sdelay $0x1  }
0xb7: {  	v22 =	vsub.f32 v18, v29;
	v18 =	vmul.f32 v23, v23;
	v17 =	vadd.f32 v19, v17;
	_ =	sdelay $0x1  }
0xb8: {  	v19 =	vsub.f32 v16, v29;
	v16 =	vadd.f32 v17, v18;
	v17 =	vmul.f32 v22, v22;
	_ =	sdelay $0x1  }
0xb9: {  	v18 =	vsub.f32 v27, v29;
	v25 =	vmul.f32 v19, v19;
	v16 =	vadd.f32 v16, v17;
	_ =	sdelay $0x1  }
0xba: {  	v17 =	vsub.f32 v24, v29;
	v24 =	vadd.f32 v16, v25;
	v25 =	vmul.f32 v18, v18;
	_ =	sdelay $0x1  }
0xbb: {  	v16 =	vsub.f32 v28, v29;
	v24 =	vadd.f32 v24, v25;
	v25 =	vmul.f32 v17, v17;
	_ =	sdelay $0x1  }
0xbc: {  	v24 =	vadd.f32 v24, v25;
	v25 =	vmul.f32 v16, v16;
	_ =	sdelay $0x1  }
0xbd: {  	v24 =	vadd.f32 v24, v25;
	_ =	sdelay $0x1  }
0xbe: {  	(xrf2) =	vadd.scan.msk.f32 $0xffff, v24;
	_ =	sdelay $0x9  }
0xbf: {  	v24, _, _ =	vpop (xrf2)  }
0xc0: {  	(v2sf) =	vpush v24, $0xF;
	_ =	sdelay $0xe  }
0xc1: {  	s25 =	spop (v2sf)  }
0xc2: {  	s14 =	smul.f32 $7.812500000e-03, s25;
	_ =	sdelay $0x1  }
0xc3: {  	s14 =	sadd.f32 $9.999999960e-13, s14;
	_ =	sdelay $0x1  }
0xc4: {  	v24 =	vmov s14  }
0xc5: {  	v25 =	vshra.s32 v24, $0x1;
	v27 =	vmul.f32 $5.000000000e-01, v24  }
0xc6: {  	v24 =	vsub.s32 $0x5F3759DF, v25  }
0xc7: {  	v25 =	vmul.f32 v24, v27;
	_ =	sdelay $0x1  }
0xc8: {  	v25 =	vmul.f32 v24, v25;
	_ =	sdelay $0x1  }
0xc9: {  	s17 =	simm.s32 $0x200;
	s14 =	sshll.u32 s28, $0xF;
	v25 =	vsub.f32 $1.500000000e+00, v25  }
.LBB2_3:
0xca: {  	_ = 	snop  }
0xcb: {  	p0 =	sne.s32 s17, $0x7E00;
	s25 =	smov.u32 s17;
	s17 =	sadd.s32 $0x200, s17;
	v24 =	vmul.f32 v24, v25  }
0xcc: {  	_ = 	snop  }
0xcd: {  	v25 =	vmul.f32 v24, v27;
	_ =	sdelay $0x1  }
0xce: {  	s25 =	sshra.s32 s25, $0x2;
	v26 =	vmul.f32 v25, v24  }
0xcf: {  	v25 =	vld [tilespmem:s25+$0x6840]  }
0xd0: {  	v28 =	vld [tilespmem:s25+$0x2870];
	v29 =	vsub.f32 $1.500000000e+00, v26  }
0xd1: {  	v30 =	vld [tilespmem:s25+$0x8830]  }
0xd2: {  	v26 =	vld [tilespmem:s25+$0x4850];
	v29 =	vmul.f32 v29, v24  }
0xd3: {  	v24 =	vld [tilespmem:s25+$0x6870]  }
0xd4: {  	v31 =	vld [tilespmem:s25+$0x8800];
	v27 =	vmul.f32 v29, v27  }
0xd5: {  	v32 =	vld [tilespmem:s25+$0x2860]  }
0xd6: {  	v33 =	vld [tilespmem:s25+$0x6800];
	v27 =	vmul.f32 v27, v29  }
0xd7: {  	v34 =	vld [tilespmem:s25+$0x6830]  }
0xd8: {  	v35 =	vld [tilespmem:s25+$0x4800];
	v27 =	vsub.f32 $1.500000000e+00, v27  }
0xd9: {  	v36 =	vld [tilespmem:s25+$0x4810]  }
0xda: {  	v37 =	vld [tilespmem:s25+$0x6810];
	v27 =	vmul.f32 v27, v29  }
0xdb: {  	v29 =	vld [tilespmem:s25+$0x4820]  }
0xdc: {  	v38 =	vld [tilespmem:s25+$0x6820];
	v21 =	vmul.f32 v27, v21;
	v23 =	vmul.f32 v27, v23  }
0xdd: {  	v20 =	vmul.f32 v27, v20;
	v22 =	vmul.f32 v27, v22;
	v39 =	vld [tilespmem:s25+$0x2830]  }
0xde: {  	v40 =	vld [tilespmem:s25+$0x4830];
	v21 =	vmul.f32 v21, v0;
	v23 =	vmul.f32 v23, v2  }
0xdf: {  	v20 =	vmul.f32 v20, v1;
	v22 =	vmul.f32 v22, v3;
	v41 =	vld [tilespmem:s25+$0x2840]  }
0xe0: {  	v19 =	vmul.f32 v27, v19;
	v42 =	vld [tilespmem:s25+$0x2820];
	v21 =	vadd.f32 v21, v8;
	v23 =	vadd.f32 v23, v10  }
0xe1: {  	v18 =	vmul.f32 v27, v18;
	v20 =	vadd.f32 v20, v9;
	v22 =	vadd.f32 v22, v11;
	v43 =	vld [tilespmem:s25+$0x2810]  }
0xe2: {  	v17 =	vmul.f32 v27, v17;
	v19 =	vmul.f32 v19, v4;
	v44 =	vld [tilespmem:s25+$0x2800];
	[tilespmem:s30+$0x800] =	vst v21  }
0xe3: {  	v16 =	vmul.f32 v27, v16;
	v18 =	vmul.f32 v18, v5;
	v21 =	vld [tilespmem:s25+$0x800];
	[tilespmem:s30+$0x820] =	vst v23  }
0xe4: {  	v17 =	vmul.f32 v17, v6;
	v19 =	vadd.f32 v19, v12;
	v23 =	vld [tilespmem:s25+$0x2850];
	[tilespmem:s30+$0x810] =	vst v20  }
0xe5: {  	v16 =	vmul.f32 v16, v7;
	v18 =	vadd.f32 v18, v13;
	v20 =	vld [tilespmem:s25+$0x820];
	[tilespmem:s30+$0x830] =	vst v22  }
0xe6: {  	v17 =	vadd.f32 v17, v14;
	v22 =	vld [tilespmem:s25+$0x810];
	[tilespmem:s30+$0x840] =	vst v19  }
0xe7: {  	v16 =	vadd.f32 v16, v15;
	v19 =	vld [tilespmem:s25+$0x830];
	[tilespmem:s30+$0x850] =	vst v18  }
0xe8: {  	v18 =	vadd.f32 v44, v21;
	v21 =	vld [tilespmem:s25+$0x840];
	[tilespmem:s30+$0x860] =	vst v17  }
0xe9: {  	v17 =	vld [tilespmem:s25+$0x8820];
	[tilespmem:s30+$0x870] =	vst v16;
	s30 =	smov.u32 s25  }
0xea: {  	v16 =	vadd.f32 v35, v18;
	v18 =	vadd.f32 v42, v20;
	v20 =	vld [tilespmem:s30+$0x4840]  }
0xeb: {  	v22 =	vadd.f32 v43, v22;
	v27 =	vld [tilespmem:s30+$0x8810]  }
0xec: {  	v16 =	vadd.f32 v33, v16;
	v18 =	vadd.f32 v29, v18;
	v29 =	vld [tilespmem:s30+$0x850]  }
0xed: {  	v19 =	vadd.f32 v39, v19;
	v22 =	vadd.f32 v36, v22;
	v33 =	vld [tilespmem:s30+$0x870]  }
0xee: {  	v21 =	vadd.f32 v41, v21;
	v18 =	vadd.f32 v38, v18;
	v35 =	vld [tilespmem:s30+$0x860]  }
0xef: {  	v19 =	vadd.f32 v40, v19;
	v22 =	vadd.f32 v37, v22;
	v36 =	vld [tilespmem:s30+$0x8840]  }
0xf0: {  	v16 =	vadd.f32 v31, v16;
	v20 =	vadd.f32 v20, v21;
	v21 =	vld [tilespmem:s30+$0x4860]  }
0xf1: {  	v22 =	vadd.f32 v27, v22;
	v23 =	vadd.f32 v23, v29;
	v27 =	vld [tilespmem:s30+$0x6850]  }
0xf2: {  	v17 =	vadd.f32 v17, v18;
	v18 =	vadd.f32 v34, v19;
	v19 =	vld [tilespmem:s30+$0x6860]  }
0xf3: {  	v28 =	vadd.f32 v28, v33;
	v29 =	vld [tilespmem:s30+$0x8850];
	v31 =	vadd.f32 v22, v16  }
0xf4: {  	v18 =	vadd.f32 v30, v18;
	v30 =	vadd.f32 v32, v35;
	v32 =	vld [tilespmem:s30+$0x4870]  }
0xf5: {  	v23 =	vadd.f32 v26, v23;
	v26 =	vadd.f32 v17, v31  }
0xf6: {  	v20 =	vadd.f32 v25, v20;
	v21 =	vadd.f32 v21, v30;
	v25 =	vld [tilespmem:s30+$0x8860]  }
0xf7: {  	v23 =	vadd.f32 v27, v23;
	v26 =	vadd.f32 v18, v26  }
0xf8: {  	v27 =	vadd.f32 v36, v20;
	v19 =	vadd.f32 v19, v21  }
0xf9: {  	v29 =	vadd.f32 v29, v23;
	v20 =	vadd.f32 v32, v28;
	v21 =	vld [tilespmem:s30+$0x8870]  }
0xfa: {  	v23 =	vadd.f32 v27, v26  }
0xfb: {  	v25 =	vadd.f32 v25, v19;
	v19 =	vadd.f32 v24, v20  }
0xfc: {  	v20 =	vadd.f32 v29, v23;
	_ =	sdelay $0x1  }
0xfd: {  	v24 =	vadd.f32 v21, v19;
	v19 =	vadd.f32 v25, v20;
	_ =	sdelay $0x1  }
0xfe: {  	v19 =	vadd.f32 v24, v19;
	_ =	sdelay $0x1  }
0xff: {  	(xrf2) =	vadd.scan.msk.f32 $0xffff, v19;
	_ =	sdelay $0x9  }
0x100: {  	v19, _, _ =	vpop (xrf2)  }
0x101: {  	(v2sf) =	vpush v19, $0xF;
	_ =	sdelay $0xe  }
0x102: {  	s25 =	spop (v2sf)  }
0x103: {  	s25 =	smul.f32 $7.812500000e-03, s25;
	_ =	sdelay $0x1  }
0x104: {  	v26 =	vmov s25  }
0x105: {  	v21 =	vsub.f32 v16, v26;
	v20 =	vsub.f32 v22, v26  }
0x106: {  	v23 =	vsub.f32 v17, v26;
	v22 =	vsub.f32 v18, v26  }
0x107: {  	v19 =	vsub.f32 v27, v26;
	v27 =	vmul.f32 v21, v21;
	v28 =	vmul.f32 v20, v20  }
0x108: {  	v18 =	vsub.f32 v29, v26;
	v17 =	vsub.f32 v25, v26  }
0x109: {  	v16 =	vsub.f32 v24, v26;
	v25 =	vmul.f32 v23, v23;
	v24 =	vadd.f32 v28, v27;
	_ =	sdelay $0x1  }
0x10a: {  	v24 =	vadd.f32 v24, v25;
	v25 =	vmul.f32 v22, v22;
	_ =	sdelay $0x1  }
0x10b: {  	v24 =	vadd.f32 v24, v25;
	v25 =	vmul.f32 v19, v19;
	_ =	sdelay $0x1  }
0x10c: {  	v24 =	vadd.f32 v24, v25;
	v25 =	vmul.f32 v18, v18;
	_ =	sdelay $0x1  }
0x10d: {  	v24 =	vadd.f32 v24, v25;
	v25 =	vmul.f32 v17, v17;
	_ =	sdelay $0x1  }
0x10e: {  	v24 =	vadd.f32 v24, v25;
	v25 =	vmul.f32 v16, v16;
	_ =	sdelay $0x1  }
0x10f: {  	v24 =	vadd.f32 v24, v25;
	_ =	sdelay $0x1  }
0x110: {  	(xrf2) =	vadd.scan.msk.f32 $0xffff, v24;
	_ =	sdelay $0x9  }
0x111: {  	v24, _, _ =	vpop (xrf2)  }
0x112: {  	(v2sf) =	vpush v24, $0xF;
	_ =	sdelay $0xe  }
0x113: {  	s25 =	spop (v2sf)  }
0x114: {  	s25 =	smul.f32 $7.812500000e-03, s25;
	_ =	sdelay $0x1  }
0x115: {  	s25 =	sadd.f32 $9.999999960e-13, s25;
	_ =	sdelay $0x1  }
0x116: {  	v24 =	vmov s25  }
0x117: {  	v25 =	vshra.s32 v24, $0x1;
	v27 =	vmul.f32 $5.000000000e-01, v24  }
0x118: {  	v24 =	vsub.s32 $0x5F3759DF, v25  }
.Ltmp0:
0x119: {  	v25 =	vmul.f32 v24, v27;
	(pc) =	sbr.rel @p0 .LBB2_3-.Ltmp0, $3  }
0x11a: {  	_ = 	snop  }
0x11b: {  	v25 =	vmul.f32 v24, v25;
	_ =	sdelay $0x1  }
0x11c: {  	v25 =	vsub.f32 $1.500000000e+00, v25  }
0x11d: {  	_ = 	snop  }
0x11e: {  	v24 =	vmul.f32 v24, v25;
	_ =	sdelay $0x1  }
0x11f: {  	v25 =	vmul.f32 v24, v27;
	_ =	sdelay $0x1  }
0x120: {  	v25 =	vmul.f32 v25, v24;
	_ =	sdelay $0x1  }
0x121: {  	v25 =	vsub.f32 $1.500000000e+00, v25;
	_ =	sdelay $0x1  }
0x122: {  	v24 =	vmul.f32 v25, v24;
	_ =	sdelay $0x1  }
0x123: {  	v25 =	vmul.f32 v24, v27;
	_ =	sdelay $0x1  }
0x124: {  	v25 =	vmul.f32 v25, v24;
	_ =	sdelay $0x1  }
0x125: {  	v25 =	vsub.f32 $1.500000000e+00, v25;
	_ =	sdelay $0x1  }
0x126: {  	v24 =	vmul.f32 v25, v24;
	_ =	sdelay $0x1  }
0x127: {  	v21 =	vmul.f32 v24, v21  }
0x128: {  	v23 =	vmul.f32 v24, v23  }
0x129: {  	v20 =	vmul.f32 v24, v20;
	v21 =	vmul.f32 v21, v0  }
0x12a: {  	v19 =	vmul.f32 v24, v19;
	v23 =	vmul.f32 v23, v2  }
0x12b: {  	v18 =	vmul.f32 v24, v18;
	v20 =	vmul.f32 v20, v1;
	v21 =	vadd.f32 v21, v8  }
0x12c: {  	v17 =	vmul.f32 v24, v17;
	v19 =	vmul.f32 v19, v4;
	v23 =	vadd.f32 v23, v10  }
0x12d: {  	v16 =	vmul.f32 v24, v16;
	v18 =	vmul.f32 v18, v5;
	v20 =	vadd.f32 v20, v9;
	[tilespmem:s30+$0x800] =	vst v21  }
0x12e: {  	v22 =	vmul.f32 v24, v22;
	v17 =	vmul.f32 v17, v6;
	v19 =	vadd.f32 v19, v12;
	[tilespmem:s30+$0x820] =	vst v23  }
0x12f: {  	v16 =	vmul.f32 v16, v7;
	v18 =	vadd.f32 v18, v13;
	[tilespmem:s30+$0x810] =	vst v20  }
0x130: {  	v22 =	vmul.f32 v22, v3;
	v17 =	vadd.f32 v17, v14;
	[tilespmem:s30+$0x840] =	vst v19  }
0x131: {  	v16 =	vadd.f32 v16, v15;
	[tilespmem:s30+$0x850] =	vst v18  }
0x132: {  	s17 =	sadd.s32 s11, s14;
	v21 =	vadd.f32 v22, v11;
	[tilespmem:s30+$0x860] =	vst v17  }
0x133: {  	s17 =	sshrl.u32 s17, $0x3;
	[tilespmem:s30+$0x870] =	vst v16  }
0x134: {  	s25 =	simm.s32 $0x0;
	s17 =	sadd.s32 s9, s17;
	[tilespmem:s30+$0x830] =	vst v21  }
0x135: {  	[hbm4b:s17+s25] =	stream.linear.scatter [tilespmem:s23], [sflag:$0x3], $0x2000, $0x38;
	[tilespmem:$0x14900] =	vst v63  }
0x136: {  	_ =	swait.ge [sflag:s4], $0x2000  }
0x137: {  	[sflag:s4] =	ssyncset.done $0x0  }
0x138: {  	[sflag:s4] =	ssyncadd.s32 $0xFFFFE000  }
0x139: {  	_ =	swait.ge [sflag:s21], $0x280  }
0x13a: {  	[sflag:s21] =	ssyncset.done $0x0  }
0x13b: {  	[sflag:s21] =	ssyncadd.s32 $0xFFFFFD80  }
0x13c: {  	[tilespmem:s23], [sflag:$0x1] =	stream.indirect.gather [hbm4b:s0+s22], $0x80, s19, s22, $0xb8;
	[tilespmem:$0x14900] =	vst v63  }
0x13d: {  	s17 =	simm.s32 $0x1800;
	s25 =	simm.s32 $0x420  }
0x13e: {  	[tilespmem:s17], [sflag:$0x1] =	stream.indirect.gather [hbm4b:s0+s22], $0x80, s25, s22, $0xb8;
	[tilespmem:$0x14900] =	vst v63  }
0x13f: {  	s17 =	simm.s32 $0x2800;
	s25 =	simm.s32 $0x480  }
0x140: {  	[tilespmem:s17], [sflag:$0x1] =	stream.indirect.gather [hbm4b:s1+s22], $0x80, s25, s22, $0xb8;
	[tilespmem:$0x14900] =	vst v63  }
0x141: {  	s17 =	simm.s32 $0x3800;
	s25 =	simm.s32 $0x4A0  }
0x142: {  	[tilespmem:s17], [sflag:$0x1] =	stream.indirect.gather [hbm4b:s1+s22], $0x80, s25, s22, $0xb8;
	[tilespmem:$0x14900] =	vst v63  }
0x143: {  	s17 =	simm.s32 $0x4800;
	s25 =	simm.s32 $0x500  }
0x144: {  	[tilespmem:s17], [sflag:$0x1] =	stream.indirect.gather [hbm4b:s2+s22], $0x80, s25, s22, $0xb8;
	[tilespmem:$0x14900] =	vst v63  }
0x145: {  	s17 =	simm.s32 $0x5800;
	s25 =	simm.s32 $0x520  }
0x146: {  	[tilespmem:s17], [sflag:$0x1] =	stream.indirect.gather [hbm4b:s2+s22], $0x80, s25, s22, $0xb8;
	[tilespmem:$0x14900] =	vst v63  }
0x147: {  	s17 =	simm.s32 $0x6800;
	s25 =	simm.s32 $0x580  }
0x148: {  	[tilespmem:s17], [sflag:$0x1] =	stream.indirect.gather [hbm4b:s3+s22], $0x80, s25, s22, $0xb8;
	[tilespmem:$0x14900] =	vst v63  }
0x149: {  	s17 =	simm.s32 $0x7800;
	s25 =	simm.s32 $0x5A0  }
0x14a: {  	[tilespmem:s17], [sflag:$0x1] =	stream.indirect.gather [hbm4b:s3+s22], $0x80, s25, s22, $0xb8;
	[tilespmem:$0x14900] =	vst v63  }
0x14b: {  	s17 =	simm.s32 $0x8800;
	s25 =	simm.s32 $0x600  }
0x14c: {  	[tilespmem:s17], [sflag:$0x1] =	stream.indirect.gather [hbm4b:s5+s22], $0x80, s25, s22, $0xb8;
	[tilespmem:$0x14900] =	vst v63  }
0x14d: {  	s17 =	simm.s32 $0x9800;
	s25 =	simm.s32 $0x620  }
0x14e: {  	[tilespmem:s17], [sflag:$0x1] =	stream.indirect.gather [hbm4b:s5+s22], $0x80, s25, s22, $0xb8;
	[tilespmem:$0x14900] =	vst v63  }
0x14f: {  	_ =	swait.ge [sflag:s8], $0x1000  }
0x150: {  	[sflag:s8] =	ssyncset.done $0x0  }
0x151: {  	[sflag:s8] =	ssyncadd.s32 $0xFFFFF000  }
0x152: {  	_ =	swait.ge [sflag:s8], $0x1000  }
0x153: {  	[sflag:s8] =	ssyncset.done $0x0  }
0x154: {  	[sflag:s8] =	ssyncadd.s32 $0xFFFFF000  }
0x155: {  	_ =	swait.ge [sflag:s8], $0x1000  }
0x156: {  	[sflag:s8] =	ssyncset.done $0x0  }
0x157: {  	[sflag:s8] =	ssyncadd.s32 $0xFFFFF000  }
0x158: {  	_ =	swait.ge [sflag:s8], $0x1000  }
0x159: {  	[sflag:s8] =	ssyncset.done $0x0  }
0x15a: {  	[sflag:s8] =	ssyncadd.s32 $0xFFFFF000  }
0x15b: {  	_ =	swait.ge [sflag:s8], $0x1000  }
0x15c: {  	[sflag:s8] =	ssyncset.done $0x0  }
0x15d: {  	[sflag:s8] =	ssyncadd.s32 $0xFFFFF000  }
0x15e: {  	_ =	swait.ge [sflag:s8], $0x1000  }
0x15f: {  	[sflag:s8] =	ssyncset.done $0x0  }
0x160: {  	[sflag:s8] =	ssyncadd.s32 $0xFFFFF000  }
0x161: {  	_ =	swait.ge [sflag:s8], $0x1000  }
0x162: {  	[sflag:s8] =	ssyncset.done $0x0  }
0x163: {  	[sflag:s8] =	ssyncadd.s32 $0xFFFFF000  }
0x164: {  	_ =	swait.ge [sflag:s8], $0x1000  }
0x165: {  	[sflag:s8] =	ssyncset.done $0x0  }
0x166: {  	[sflag:s8] =	ssyncadd.s32 $0xFFFFF000  }
0x167: {  	_ =	swait.ge [sflag:s8], $0x1000  }
0x168: {  	[sflag:s8] =	ssyncset.done $0x0  }
0x169: {  	[sflag:s8] =	ssyncadd.s32 $0xFFFFF000  }
0x16a: {  	_ =	swait.ge [sflag:s8], $0x1000  }
0x16b: {  	[sflag:s8] =	ssyncset.done $0x0  }
0x16c: {  	s30 =	simm.s32 $0x0;
	[sflag:s8] =	ssyncadd.s32 $0xFFFFF000  }
0x16d: {  	v16 =	vld [tilespmem:s30+$0x10840]  }
0x16e: {  	v17 =	vld [tilespmem:s30+$0xC870]  }
0x16f: {  	v18 =	vld [tilespmem:s30+$0x12830]  }
0x170: {  	v19 =	vld [tilespmem:s30+$0xE850]  }
0x171: {  	v20 =	vld [tilespmem:s30+$0x12800]  }
0x172: {  	v21 =	vld [tilespmem:s30+$0xC860]  }
0x173: {  	v22 =	vld [tilespmem:s30+$0x10800]  }
0x174: {  	v23 =	vld [tilespmem:s30+$0x10830]  }
0x175: {  	v24 =	vld [tilespmem:s30+$0xE800]  }
0x176: {  	v25 =	vld [tilespmem:s30+$0xE810]  }
0x177: {  	v26 =	vld [tilespmem:s30+$0x10810]  }
0x178: {  	v27 =	vld [tilespmem:s30+$0xE820]  }
0x179: {  	v28 =	vld [tilespmem:s30+$0x10820]  }
0x17a: {  	v29 =	vld [tilespmem:s30+$0xC830]  }
0x17b: {  	v30 =	vld [tilespmem:s30+$0xE830]  }
0x17c: {  	v31 =	vld [tilespmem:s30+$0xC840]  }
0x17d: {  	v32 =	vld [tilespmem:s30+$0xC820]  }
0x17e: {  	v33 =	vld [tilespmem:s30+$0xC810]  }
0x17f: {  	v34 =	vld [tilespmem:s30+$0xC800]  }
0x180: {  	v35 =	vld [tilespmem:s30+$0xA800]  }
0x181: {  	v36 =	vld [tilespmem:s30+$0xA820]  }
0x182: {  	v37 =	vld [tilespmem:s30+$0xA810]  }
0x183: {  	v39 =	vld [tilespmem:s30+$0xA830]  }
0x184: {  	v58 =	vld [tilespmem:s30+$0xA870]  }
0x185: {  	v38 =	vld [tilespmem:s30+$0xC850]  }
0x186: {  	v59 =	vld [tilespmem:s30+$0xA860];
	v34 =	vadd.f32 v34, v35  }
0x187: {  	v55 =	vld [tilespmem:s30+$0xA840];
	v32 =	vadd.f32 v32, v36;
	v33 =	vadd.f32 v33, v37  }
0x188: {  	v56 =	vld [tilespmem:s30+$0xE840];
	v29 =	vadd.f32 v29, v39;
	v24 =	vadd.f32 v24, v34  }
0x189: {  	v57 =	vld [tilespmem:s30+$0x12810];
	v17 =	vadd.f32 v17, v58;
	v27 =	vadd.f32 v27, v32  }
0x18a: {  	v25 =	vadd.f32 v25, v33;
	v22 =	vadd.f32 v22, v24;
	v24 =	vld [tilespmem:s30+$0xA850]  }
0x18b: {  	v40 =	vld [tilespmem:s30+$0x12820];
	v21 =	vadd.f32 v21, v59;
	v27 =	vadd.f32 v28, v27  }
0x18c: {  	v60 =	vld [tilespmem:s30+$0x10850];
	v28 =	vadd.f32 v31, v55;
	v25 =	vadd.f32 v26, v25  }
0x18d: {  	v61 =	vld [tilespmem:s30+$0x12850];
	v26 =	vadd.f32 v30, v29;
	v20 =	vadd.f32 v20, v22  }
0x18e: {  	v22 =	vadd.f32 v56, v28;
	v28 =	vld [tilespmem:s30+$0xE860];
	v25 =	vadd.f32 v57, v25  }
0x18f: {  	v29 =	vld [tilespmem:s30+$0x12840];
	v23 =	vadd.f32 v23, v26;
	v24 =	vadd.f32 v38, v24  }
0x190: {  	v26 =	vadd.f32 v40, v27;
	v27 =	vld [tilespmem:s30+$0x10860];
	v62 =	vadd.f32 v25, v20  }
0x191: {  	v18 =	vadd.f32 v18, v23;
	v23 =	vld [tilespmem:s30+$0xE870];
	v19 =	vadd.f32 v19, v24  }
0x192: {  	v16 =	vadd.f32 v16, v22;
	v22 =	vld [tilespmem:s30+$0x12860];
	v24 =	vadd.f32 v26, v62  }
0x193: {  	v63 =	vld [tilespmem:s30+$0x10870];
	v21 =	vadd.f32 v28, v21;
	v19 =	vadd.f32 v60, v19  }
0x194: {  	v16 =	vadd.f32 v29, v16;
	v24 =	vadd.f32 v18, v24  }
0x195: {  	v21 =	vadd.f32 v27, v21;
	v27 =	vadd.f32 v61, v19;
	v19 =	vld [tilespmem:s30+$0x12870]  }
0x196: {  	v17 =	vadd.f32 v23, v17;
	v23 =	vadd.f32 v16, v24  }
0x197: {  	v24 =	vadd.f32 v22, v21  }
0x198: {  	v17 =	vadd.f32 v63, v17;
	v21 =	vadd.f32 v27, v23;
	_ =	sdelay $0x1  }
0x199: {  	v28 =	vadd.f32 v19, v17;
	v17 =	vadd.f32 v24, v21;
	_ =	sdelay $0x1  }
0x19a: {  	v17 =	vadd.f32 v28, v17;
	_ =	sdelay $0x1  }
0x19b: {  	(xrf2) =	vadd.scan.msk.f32 $0xffff, v17;
	_ =	sdelay $0x9  }
0x19c: {  	v17, _, _ =	vpop (xrf2)  }
0x19d: {  	(v2sf) =	vpush v17, $0xF;
	_ =	sdelay $0xe  }
0x19e: {  	s25 =	spop (v2sf)  }
0x19f: {  	s17 =	smul.f32 $7.812500000e-03, s25;
	_ =	sdelay $0x1  }
0x1a0: {  	v29 =	vmov s17  }
0x1a1: {  	v21 =	vsub.f32 v20, v29;
	v20 =	vsub.f32 v25, v29;
	_ =	sdelay $0x1  }
0x1a2: {  	v23 =	vsub.f32 v26, v29;
	v17 =	vmul.f32 v21, v21;
	v19 =	vmul.f32 v20, v20;
	_ =	sdelay $0x1  }
0x1a3: {  	v22 =	vsub.f32 v18, v29;
	v18 =	vmul.f32 v23, v23;
	v17 =	vadd.f32 v19, v17;
	_ =	sdelay $0x1  }
0x1a4: {  	v19 =	vsub.f32 v16, v29;
	v16 =	vadd.f32 v17, v18;
	v17 =	vmul.f32 v22, v22;
	_ =	sdelay $0x1  }
0x1a5: {  	v18 =	vsub.f32 v27, v29;
	v25 =	vmul.f32 v19, v19;
	v16 =	vadd.f32 v16, v17;
	_ =	sdelay $0x1  }
0x1a6: {  	v17 =	vsub.f32 v24, v29;
	v24 =	vadd.f32 v16, v25;
	v25 =	vmul.f32 v18, v18;
	_ =	sdelay $0x1  }
0x1a7: {  	v16 =	vsub.f32 v28, v29;
	v24 =	vadd.f32 v24, v25;
	v25 =	vmul.f32 v17, v17;
	_ =	sdelay $0x1  }
0x1a8: {  	v24 =	vadd.f32 v24, v25;
	v25 =	vmul.f32 v16, v16;
	_ =	sdelay $0x1  }
0x1a9: {  	v24 =	vadd.f32 v24, v25;
	_ =	sdelay $0x1  }
0x1aa: {  	(xrf2) =	vadd.scan.msk.f32 $0xffff, v24;
	_ =	sdelay $0x9  }
0x1ab: {  	v24, _, _ =	vpop (xrf2)  }
0x1ac: {  	(v2sf) =	vpush v24, $0xF;
	_ =	sdelay $0xe  }
0x1ad: {  	s25 =	spop (v2sf)  }
0x1ae: {  	s17 =	smul.f32 $7.812500000e-03, s25;
	_ =	sdelay $0x1  }
0x1af: {  	s17 =	sadd.f32 $9.999999960e-13, s17;
	_ =	sdelay $0x1  }
0x1b0: {  	v24 =	vmov s17  }
0x1b1: {  	v25 =	vshra.s32 v24, $0x1;
	v27 =	vmul.f32 $5.000000000e-01, v24  }
0x1b2: {  	v24 =	vsub.s32 $0x5F3759DF, v25  }
0x1b3: {  	v25 =	vmul.f32 v24, v27;
	_ =	sdelay $0x1  }
0x1b4: {  	v25 =	vmul.f32 v24, v25;
	_ =	sdelay $0x1  }
0x1b5: {  	s17 =	simm.s32 $0x200;
	v25 =	vsub.f32 $1.500000000e+00, v25  }
.LBB2_5:
0x1b6: {  	_ = 	snop  }
0x1b7: {  	p0 =	sne.s32 s17, $0x7E00;
	s25 =	smov.u32 s17;
	s17 =	sadd.s32 $0x200, s17;
	v24 =	vmul.f32 v24, v25  }
0x1b8: {  	_ = 	snop  }
0x1b9: {  	v25 =	vmul.f32 v24, v27;
	_ =	sdelay $0x1  }
0x1ba: {  	s25 =	sshra.s32 s25, $0x2;
	v26 =	vmul.f32 v25, v24  }
0x1bb: {  	v25 =	vld [tilespmem:s25+$0x10840]  }
0x1bc: {  	v28 =	vld [tilespmem:s25+$0xC870];
	v29 =	vsub.f32 $1.500000000e+00, v26  }
0x1bd: {  	v30 =	vld [tilespmem:s25+$0x12830]  }
0x1be: {  	v26 =	vld [tilespmem:s25+$0xE850];
	v29 =	vmul.f32 v29, v24  }
0x1bf: {  	v24 =	vld [tilespmem:s25+$0x10870]  }
0x1c0: {  	v31 =	vld [tilespmem:s25+$0x12800];
	v27 =	vmul.f32 v29, v27  }
0x1c1: {  	v32 =	vld [tilespmem:s25+$0xC860]  }
0x1c2: {  	v33 =	vld [tilespmem:s25+$0x10800];
	v27 =	vmul.f32 v27, v29  }
0x1c3: {  	v34 =	vld [tilespmem:s25+$0x10830]  }
0x1c4: {  	v35 =	vld [tilespmem:s25+$0xE800];
	v27 =	vsub.f32 $1.500000000e+00, v27  }
0x1c5: {  	v36 =	vld [tilespmem:s25+$0xE810]  }
0x1c6: {  	v37 =	vld [tilespmem:s25+$0x10810];
	v27 =	vmul.f32 v27, v29  }
0x1c7: {  	v29 =	vld [tilespmem:s25+$0xE820]  }
0x1c8: {  	v38 =	vld [tilespmem:s25+$0x10820];
	v21 =	vmul.f32 v27, v21;
	v23 =	vmul.f32 v27, v23  }
0x1c9: {  	v20 =	vmul.f32 v27, v20;
	v22 =	vmul.f32 v27, v22;
	v39 =	vld [tilespmem:s25+$0xC830]  }
0x1ca: {  	v40 =	vld [tilespmem:s25+$0xE830];
	v21 =	vmul.f32 v21, v0;
	v23 =	vmul.f32 v23, v2  }
0x1cb: {  	v20 =	vmul.f32 v20, v1;
	v22 =	vmul.f32 v22, v3;
	v41 =	vld [tilespmem:s25+$0xC840]  }
0x1cc: {  	v19 =	vmul.f32 v27, v19;
	v42 =	vld [tilespmem:s25+$0xC820];
	v21 =	vadd.f32 v21, v8;
	v23 =	vadd.f32 v23, v10  }
0x1cd: {  	v18 =	vmul.f32 v27, v18;
	v20 =	vadd.f32 v20, v9;
	v22 =	vadd.f32 v22, v11;
	v43 =	vld [tilespmem:s25+$0xC810]  }
0x1ce: {  	v17 =	vmul.f32 v27, v17;
	v19 =	vmul.f32 v19, v4;
	v44 =	vld [tilespmem:s25+$0xC800];
	[tilespmem:s30+$0xA800] =	vst v21  }
0x1cf: {  	v16 =	vmul.f32 v27, v16;
	v18 =	vmul.f32 v18, v5;
	v21 =	vld [tilespmem:s25+$0xA800];
	[tilespmem:s30+$0xA820] =	vst v23  }
0x1d0: {  	v17 =	vmul.f32 v17, v6;
	v19 =	vadd.f32 v19, v12;
	v23 =	vld [tilespmem:s25+$0xC850];
	[tilespmem:s30+$0xA810] =	vst v20  }
0x1d1: {  	v16 =	vmul.f32 v16, v7;
	v18 =	vadd.f32 v18, v13;
	v20 =	vld [tilespmem:s25+$0xA820];
	[tilespmem:s30+$0xA830] =	vst v22  }
0x1d2: {  	v17 =	vadd.f32 v17, v14;
	v22 =	vld [tilespmem:s25+$0xA810];
	[tilespmem:s30+$0xA840] =	vst v19  }
0x1d3: {  	v16 =	vadd.f32 v16, v15;
	v19 =	vld [tilespmem:s25+$0xA830];
	[tilespmem:s30+$0xA850] =	vst v18  }
0x1d4: {  	v18 =	vadd.f32 v44, v21;
	v21 =	vld [tilespmem:s25+$0xA840];
	[tilespmem:s30+$0xA860] =	vst v17  }
0x1d5: {  	v17 =	vld [tilespmem:s25+$0x12820];
	[tilespmem:s30+$0xA870] =	vst v16;
	s30 =	smov.u32 s25  }
0x1d6: {  	v16 =	vadd.f32 v35, v18;
	v18 =	vadd.f32 v42, v20;
	v20 =	vld [tilespmem:s30+$0xE840]  }
0x1d7: {  	v22 =	vadd.f32 v43, v22;
	v27 =	vld [tilespmem:s30+$0x12810]  }
0x1d8: {  	v16 =	vadd.f32 v33, v16;
	v18 =	vadd.f32 v29, v18;
	v29 =	vld [tilespmem:s30+$0xA850]  }
0x1d9: {  	v19 =	vadd.f32 v39, v19;
	v22 =	vadd.f32 v36, v22;
	v33 =	vld [tilespmem:s30+$0xA870]  }
0x1da: {  	v21 =	vadd.f32 v41, v21;
	v18 =	vadd.f32 v38, v18;
	v35 =	vld [tilespmem:s30+$0xA860]  }
0x1db: {  	v19 =	vadd.f32 v40, v19;
	v22 =	vadd.f32 v37, v22;
	v36 =	vld [tilespmem:s30+$0x12840]  }
0x1dc: {  	v16 =	vadd.f32 v31, v16;
	v20 =	vadd.f32 v20, v21;
	v21 =	vld [tilespmem:s30+$0xE860]  }
0x1dd: {  	v22 =	vadd.f32 v27, v22;
	v23 =	vadd.f32 v23, v29;
	v27 =	vld [tilespmem:s30+$0x10850]  }
0x1de: {  	v17 =	vadd.f32 v17, v18;
	v18 =	vadd.f32 v34, v19;
	v19 =	vld [tilespmem:s30+$0x10860]  }
0x1df: {  	v28 =	vadd.f32 v28, v33;
	v29 =	vld [tilespmem:s30+$0x12850];
	v31 =	vadd.f32 v22, v16  }
0x1e0: {  	v18 =	vadd.f32 v30, v18;
	v30 =	vadd.f32 v32, v35;
	v32 =	vld [tilespmem:s30+$0xE870]  }
0x1e1: {  	v23 =	vadd.f32 v26, v23;
	v26 =	vadd.f32 v17, v31  }
0x1e2: {  	v20 =	vadd.f32 v25, v20;
	v21 =	vadd.f32 v21, v30;
	v25 =	vld [tilespmem:s30+$0x12860]  }
0x1e3: {  	v23 =	vadd.f32 v27, v23;
	v26 =	vadd.f32 v18, v26  }
0x1e4: {  	v27 =	vadd.f32 v36, v20;
	v19 =	vadd.f32 v19, v21  }
0x1e5: {  	v29 =	vadd.f32 v29, v23;
	v20 =	vadd.f32 v32, v28;
	v21 =	vld [tilespmem:s30+$0x12870]  }
0x1e6: {  	v23 =	vadd.f32 v27, v26  }
0x1e7: {  	v25 =	vadd.f32 v25, v19;
	v19 =	vadd.f32 v24, v20  }
0x1e8: {  	v20 =	vadd.f32 v29, v23;
	_ =	sdelay $0x1  }
0x1e9: {  	v24 =	vadd.f32 v21, v19;
	v19 =	vadd.f32 v25, v20;
	_ =	sdelay $0x1  }
0x1ea: {  	v19 =	vadd.f32 v24, v19;
	_ =	sdelay $0x1  }
0x1eb: {  	(xrf2) =	vadd.scan.msk.f32 $0xffff, v19;
	_ =	sdelay $0x9  }
0x1ec: {  	v19, _, _ =	vpop (xrf2)  }
0x1ed: {  	(v2sf) =	vpush v19, $0xF;
	_ =	sdelay $0xe  }
0x1ee: {  	s25 =	spop (v2sf)  }
0x1ef: {  	s25 =	smul.f32 $7.812500000e-03, s25;
	_ =	sdelay $0x1  }
0x1f0: {  	v26 =	vmov s25  }
0x1f1: {  	v21 =	vsub.f32 v16, v26;
	v20 =	vsub.f32 v22, v26  }
0x1f2: {  	v23 =	vsub.f32 v17, v26;
	v22 =	vsub.f32 v18, v26  }
0x1f3: {  	v19 =	vsub.f32 v27, v26;
	v27 =	vmul.f32 v21, v21;
	v28 =	vmul.f32 v20, v20  }
0x1f4: {  	v18 =	vsub.f32 v29, v26;
	v17 =	vsub.f32 v25, v26  }
0x1f5: {  	v16 =	vsub.f32 v24, v26;
	v25 =	vmul.f32 v23, v23;
	v24 =	vadd.f32 v28, v27;
	_ =	sdelay $0x1  }
0x1f6: {  	v24 =	vadd.f32 v24, v25;
	v25 =	vmul.f32 v22, v22;
	_ =	sdelay $0x1  }
0x1f7: {  	v24 =	vadd.f32 v24, v25;
	v25 =	vmul.f32 v19, v19;
	_ =	sdelay $0x1  }
0x1f8: {  	v24 =	vadd.f32 v24, v25;
	v25 =	vmul.f32 v18, v18;
	_ =	sdelay $0x1  }
0x1f9: {  	v24 =	vadd.f32 v24, v25;
	v25 =	vmul.f32 v17, v17;
	_ =	sdelay $0x1  }
0x1fa: {  	v24 =	vadd.f32 v24, v25;
	v25 =	vmul.f32 v16, v16;
	_ =	sdelay $0x1  }
0x1fb: {  	v24 =	vadd.f32 v24, v25;
	_ =	sdelay $0x1  }
0x1fc: {  	(xrf2) =	vadd.scan.msk.f32 $0xffff, v24;
	_ =	sdelay $0x9  }
0x1fd: {  	v24, _, _ =	vpop (xrf2)  }
0x1fe: {  	(v2sf) =	vpush v24, $0xF;
	_ =	sdelay $0xe  }
0x1ff: {  	s25 =	spop (v2sf)  }
0x200: {  	s25 =	smul.f32 $7.812500000e-03, s25;
	_ =	sdelay $0x1  }
0x201: {  	s25 =	sadd.f32 $9.999999960e-13, s25;
	_ =	sdelay $0x1  }
0x202: {  	v24 =	vmov s25  }
0x203: {  	v25 =	vshra.s32 v24, $0x1;
	v27 =	vmul.f32 $5.000000000e-01, v24  }
0x204: {  	v24 =	vsub.s32 $0x5F3759DF, v25  }
.Ltmp1:
0x205: {  	v25 =	vmul.f32 v24, v27;
	(pc) =	sbr.rel @p0 .LBB2_5-.Ltmp1, $3  }
0x206: {  	_ = 	snop  }
0x207: {  	v25 =	vmul.f32 v24, v25;
	_ =	sdelay $0x1  }
0x208: {  	v25 =	vsub.f32 $1.500000000e+00, v25  }
0x209: {  	_ = 	snop  }
0x20a: {  	v24 =	vmul.f32 v24, v25;
	_ =	sdelay $0x1  }
0x20b: {  	v25 =	vmul.f32 v24, v27;
	_ =	sdelay $0x1  }
0x20c: {  	v25 =	vmul.f32 v25, v24;
	_ =	sdelay $0x1  }
0x20d: {  	v25 =	vsub.f32 $1.500000000e+00, v25;
	_ =	sdelay $0x1  }
0x20e: {  	v24 =	vmul.f32 v25, v24;
	_ =	sdelay $0x1  }
0x20f: {  	v25 =	vmul.f32 v24, v27;
	_ =	sdelay $0x1  }
0x210: {  	v25 =	vmul.f32 v25, v24;
	_ =	sdelay $0x1  }
0x211: {  	v25 =	vsub.f32 $1.500000000e+00, v25;
	_ =	sdelay $0x1  }
0x212: {  	v24 =	vmul.f32 v25, v24;
	_ =	sdelay $0x1  }
0x213: {  	v21 =	vmul.f32 v24, v21  }
0x214: {  	v23 =	vmul.f32 v24, v23  }
0x215: {  	v20 =	vmul.f32 v24, v20;
	v21 =	vmul.f32 v21, v0  }
0x216: {  	v19 =	vmul.f32 v24, v19;
	v23 =	vmul.f32 v23, v2  }
0x217: {  	v18 =	vmul.f32 v24, v18;
	v20 =	vmul.f32 v20, v1;
	v21 =	vadd.f32 v21, v8  }
0x218: {  	v17 =	vmul.f32 v24, v17;
	v19 =	vmul.f32 v19, v4;
	v23 =	vadd.f32 v23, v10  }
0x219: {  	v16 =	vmul.f32 v24, v16;
	v18 =	vmul.f32 v18, v5;
	v20 =	vadd.f32 v20, v9;
	[tilespmem:s30+$0xA800] =	vst v21  }
0x21a: {  	v22 =	vmul.f32 v24, v22;
	v17 =	vmul.f32 v17, v6;
	v19 =	vadd.f32 v19, v12;
	[tilespmem:s30+$0xA820] =	vst v23  }
0x21b: {  	v16 =	vmul.f32 v16, v7;
	v18 =	vadd.f32 v18, v13;
	[tilespmem:s30+$0xA810] =	vst v20  }
0x21c: {  	v22 =	vmul.f32 v22, v3;
	v17 =	vadd.f32 v17, v14;
	[tilespmem:s30+$0xA840] =	vst v19  }
0x21d: {  	v16 =	vadd.f32 v16, v15;
	[tilespmem:s30+$0xA850] =	vst v18  }
0x21e: {  	s14 =	sadd.s32 s14, s13;
	v21 =	vadd.f32 v22, v11;
	[tilespmem:s30+$0xA860] =	vst v17  }
0x21f: {  	s14 =	sshrl.u32 s14, $0x3;
	[tilespmem:s30+$0xA870] =	vst v16  }
0x220: {  	p0 =	seq.s32 s28, $0x18;
	s14 =	sadd.s32 s9, s14;
	[tilespmem:s30+$0xA830] =	vst v21  }
0x221: {  	[hbm4b:s14+s10] =	stream.linear.scatter [tilespmem:s16], [sflag:$0x4], $0x2000, $0x38;
	[tilespmem:$0x14900] =	vst v63  }
0x222: {  	s17 =	rddreg [dreg:$0xa];
	s25 =	simm.s32 @!p0 $0x190000;
	s14 =	sshll.u32 @!p0 s28, $0x8  }
0x223: {  	s30 =	simm.s32 @!p0 $0x0;
	s14 =	sadd.s32 @!p0 s14, s17;
	s17 =	simm.s32 @!p0 $0x400  }
0x224: {  	[tilespmem:s30], [sflag:$0x5] =	stream.strided.gather @!p0 [hbm4b:s14+s17], $0x0, s25, s17, $0x38;
	[tilespmem:$0x14900] =	vst v63  }
0x225: {  	_ = 	snop  }
0x226: {  	[tilespmem:s30], [sflag:$0x5] =	stream.linear.gather @!p0 [hbm4b:s14+s30], $0x280, $0x38;
	[tilespmem:$0x14900] =	vst v63  }
0x227: {  	_ =	swait.ge [sflag:s18], $0x2000  }
0x228: {  	[sflag:s18] =	ssyncset.done $0x0  }
0x229: {  	s25 =	simm.s32 $0x440;
	[sflag:s18] =	ssyncadd.s32 $0xFFFFE000  }
0x22a: {  	[tilespmem:s16], [sflag:$0x2] =	stream.indirect.gather [hbm4b:s0+s22], $0x80, s25, s22, $0xb8;
	[tilespmem:$0x14900] =	vst v63  }
0x22b: {  	s17 =	simm.s32 $0xB800;
	s25 =	simm.s32 $0x460  }
0x22c: {  	[tilespmem:s17], [sflag:$0x2] =	stream.indirect.gather [hbm4b:s0+s22], $0x80, s25, s22, $0xb8;
	[tilespmem:$0x14900] =	vst v63  }
0x22d: {  	s17 =	simm.s32 $0xC800;
	s25 =	simm.s32 $0x4C0  }
0x22e: {  	[tilespmem:s17], [sflag:$0x2] =	stream.indirect.gather [hbm4b:s1+s22], $0x80, s25, s22, $0xb8;
	[tilespmem:$0x14900] =	vst v63  }
0x22f: {  	s17 =	simm.s32 $0xD800;
	s25 =	simm.s32 $0x4E0  }
0x230: {  	[tilespmem:s17], [sflag:$0x2] =	stream.indirect.gather [hbm4b:s1+s22], $0x80, s25, s22, $0xb8;
	[tilespmem:$0x14900] =	vst v63  }
0x231: {  	s17 =	simm.s32 $0x540  }
0x232: {  	[tilespmem:s6], [sflag:$0x2] =	stream.indirect.gather [hbm4b:s2+s22], $0x80, s17, s22, $0xb8;
	[tilespmem:$0x14900] =	vst v63  }
0x233: {  	s25 =	simm.s32 $0x560  }
0x234: {  	[tilespmem:s15], [sflag:$0x2] =	stream.indirect.gather [hbm4b:s2+s22], $0x80, s25, s22, $0xb8;
	[tilespmem:$0x14900] =	vst v63  }
0x235: {  	s17 =	simm.s32 $0x5C0  }
0x236: {  	[tilespmem:s20], [sflag:$0x2] =	stream.indirect.gather [hbm4b:s3+s22], $0x80, s17, s22, $0xb8;
	[tilespmem:$0x14900] =	vst v63  }
0x237: {  	s25 =	simm.s32 $0x5E0  }
0x238: {  	[tilespmem:s24], [sflag:$0x2] =	stream.indirect.gather [hbm4b:s3+s22], $0x80, s25, s22, $0xb8;
	[tilespmem:$0x14900] =	vst v63  }
0x239: {  	s17 =	simm.s32 $0x640  }
0x23a: {  	[tilespmem:s26], [sflag:$0x2] =	stream.indirect.gather [hbm4b:s5+s22], $0x80, s17, s22, $0xb8;
	[tilespmem:$0x14900] =	vst v63  }
0x23b: {  	s25 =	simm.s32 $0x660  }
0x23c: {  	[tilespmem:s29], [sflag:$0x2] =	stream.indirect.gather [hbm4b:s5+s22], $0x80, s25, s22, $0xb8;
	[tilespmem:$0x14900] =	vst v63  }
0x23d: {  	_ =	swait.ge [sflag:s31], $0x1000  }
0x23e: {  	[sflag:s31] =	ssyncset.done $0x0  }
0x23f: {  	[sflag:s31] =	ssyncadd.s32 $0xFFFFF000  }
0x240: {  	_ =	swait.ge [sflag:s31], $0x1000  }
0x241: {  	[sflag:s31] =	ssyncset.done $0x0  }
0x242: {  	[sflag:s31] =	ssyncadd.s32 $0xFFFFF000  }
0x243: {  	_ =	swait.ge [sflag:s31], $0x1000  }
0x244: {  	[sflag:s31] =	ssyncset.done $0x0  }
0x245: {  	[sflag:s31] =	ssyncadd.s32 $0xFFFFF000  }
0x246: {  	_ =	swait.ge [sflag:s31], $0x1000  }
0x247: {  	[sflag:s31] =	ssyncset.done $0x0  }
0x248: {  	[sflag:s31] =	ssyncadd.s32 $0xFFFFF000  }
0x249: {  	_ =	swait.ge [sflag:s31], $0x1000  }
0x24a: {  	[sflag:s31] =	ssyncset.done $0x0  }
0x24b: {  	[sflag:s31] =	ssyncadd.s32 $0xFFFFF000  }
0x24c: {  	_ =	swait.ge [sflag:s31], $0x1000  }
0x24d: {  	[sflag:s31] =	ssyncset.done $0x0  }
0x24e: {  	[sflag:s31] =	ssyncadd.s32 $0xFFFFF000  }
0x24f: {  	_ =	swait.ge [sflag:s31], $0x1000  }
0x250: {  	[sflag:s31] =	ssyncset.done $0x0  }
0x251: {  	[sflag:s31] =	ssyncadd.s32 $0xFFFFF000  }
0x252: {  	_ =	swait.ge [sflag:s31], $0x1000  }
0x253: {  	[sflag:s31] =	ssyncset.done $0x0  }
0x254: {  	[sflag:s31] =	ssyncadd.s32 $0xFFFFF000  }
0x255: {  	_ =	swait.ge [sflag:s31], $0x1000  }
0x256: {  	[sflag:s31] =	ssyncset.done $0x0  }
0x257: {  	[sflag:s31] =	ssyncadd.s32 $0xFFFFF000  }
0x258: {  	_ =	swait.ge [sflag:s31], $0x1000  }
0x259: {  	[sflag:s31] =	ssyncset.done $0x0  }
0x25a: {  	s30 =	simm.s32 $0x0;
	[sflag:s31] =	ssyncadd.s32 $0xFFFFF000  }
0x25b: {  	v16 =	vld [tilespmem:s30+$0x6840]  }
0x25c: {  	v17 =	vld [tilespmem:s30+$0x2870]  }
0x25d: {  	v18 =	vld [tilespmem:s30+$0x8830]  }
0x25e: {  	v19 =	vld [tilespmem:s30+$0x4850]  }
0x25f: {  	v20 =	vld [tilespmem:s30+$0x8800]  }
0x260: {  	v21 =	vld [tilespmem:s30+$0x2860]  }
0x261: {  	v22 =	vld [tilespmem:s30+$0x6800]  }
0x262: {  	v23 =	vld [tilespmem:s30+$0x6830]  }
0x263: {  	v24 =	vld [tilespmem:s30+$0x4800]  }
0x264: {  	v25 =	vld [tilespmem:s30+$0x4810]  }
0x265: {  	v26 =	vld [tilespmem:s30+$0x6810]  }
0x266: {  	v27 =	vld [tilespmem:s30+$0x4820]  }
0x267: {  	v28 =	vld [tilespmem:s30+$0x6820]  }
0x268: {  	v29 =	vld [tilespmem:s30+$0x2830]  }
0x269: {  	v30 =	vld [tilespmem:s30+$0x4830]  }
0x26a: {  	v31 =	vld [tilespmem:s30+$0x2840]  }
0x26b: {  	v32 =	vld [tilespmem:s30+$0x2820]  }
0x26c: {  	v33 =	vld [tilespmem:s30+$0x2810]  }
0x26d: {  	v34 =	vld [tilespmem:s30+$0x2800]  }
0x26e: {  	v35 =	vld [tilespmem:s30+$0x800]  }
0x26f: {  	v36 =	vld [tilespmem:s30+$0x820]  }
0x270: {  	v37 =	vld [tilespmem:s30+$0x810]  }
0x271: {  	v39 =	vld [tilespmem:s30+$0x830]  }
0x272: {  	v58 =	vld [tilespmem:s30+$0x870]  }
0x273: {  	v38 =	vld [tilespmem:s30+$0x2850]  }
0x274: {  	v59 =	vld [tilespmem:s30+$0x860];
	v34 =	vadd.f32 v34, v35  }
0x275: {  	v55 =	vld [tilespmem:s30+$0x840];
	v32 =	vadd.f32 v32, v36;
	v33 =	vadd.f32 v33, v37  }
0x276: {  	v56 =	vld [tilespmem:s30+$0x4840];
	v29 =	vadd.f32 v29, v39;
	v24 =	vadd.f32 v24, v34  }
0x277: {  	v57 =	vld [tilespmem:s30+$0x8810];
	v17 =	vadd.f32 v17, v58;
	v27 =	vadd.f32 v27, v32  }
0x278: {  	v25 =	vadd.f32 v25, v33;
	v22 =	vadd.f32 v22, v24;
	v24 =	vld [tilespmem:s30+$0x850]  }
0x279: {  	v40 =	vld [tilespmem:s30+$0x8820];
	v21 =	vadd.f32 v21, v59;
	v27 =	vadd.f32 v28, v27  }
0x27a: {  	v60 =	vld [tilespmem:s30+$0x6850];
	v28 =	vadd.f32 v31, v55;
	v25 =	vadd.f32 v26, v25  }
0x27b: {  	v61 =	vld [tilespmem:s30+$0x8850];
	v26 =	vadd.f32 v30, v29;
	v20 =	vadd.f32 v20, v22  }
0x27c: {  	v22 =	vadd.f32 v56, v28;
	v28 =	vld [tilespmem:s30+$0x4860];
	v25 =	vadd.f32 v57, v25  }
0x27d: {  	v29 =	vld [tilespmem:s30+$0x8840];
	v23 =	vadd.f32 v23, v26;
	v24 =	vadd.f32 v38, v24  }
0x27e: {  	v26 =	vadd.f32 v40, v27;
	v27 =	vld [tilespmem:s30+$0x6860];
	v62 =	vadd.f32 v25, v20  }
0x27f: {  	v18 =	vadd.f32 v18, v23;
	v23 =	vld [tilespmem:s30+$0x4870];
	v19 =	vadd.f32 v19, v24  }
0x280: {  	v16 =	vadd.f32 v16, v22;
	v22 =	vld [tilespmem:s30+$0x8860];
	v24 =	vadd.f32 v26, v62  }
0x281: {  	v63 =	vld [tilespmem:s30+$0x6870];
	v21 =	vadd.f32 v28, v21;
	v19 =	vadd.f32 v60, v19  }
0x282: {  	v16 =	vadd.f32 v29, v16;
	v24 =	vadd.f32 v18, v24  }
0x283: {  	v21 =	vadd.f32 v27, v21;
	v27 =	vadd.f32 v61, v19;
	v19 =	vld [tilespmem:s30+$0x8870]  }
0x284: {  	v17 =	vadd.f32 v23, v17;
	v23 =	vadd.f32 v16, v24  }
0x285: {  	v24 =	vadd.f32 v22, v21  }
0x286: {  	v17 =	vadd.f32 v63, v17;
	v21 =	vadd.f32 v27, v23;
	_ =	sdelay $0x1  }
0x287: {  	v28 =	vadd.f32 v19, v17;
	v17 =	vadd.f32 v24, v21;
	_ =	sdelay $0x1  }
0x288: {  	v17 =	vadd.f32 v28, v17;
	_ =	sdelay $0x1  }
0x289: {  	(xrf2) =	vadd.scan.msk.f32 $0xffff, v17;
	_ =	sdelay $0x9  }
0x28a: {  	v17, _, _ =	vpop (xrf2)  }
0x28b: {  	(v2sf) =	vpush v17, $0xF;
	_ =	sdelay $0xe  }
0x28c: {  	s17 =	spop (v2sf)  }
0x28d: {  	s14 =	smul.f32 $7.812500000e-03, s17;
	_ =	sdelay $0x1  }
0x28e: {  	v29 =	vmov s14  }
0x28f: {  	v21 =	vsub.f32 v20, v29;
	v20 =	vsub.f32 v25, v29;
	_ =	sdelay $0x1  }
0x290: {  	v23 =	vsub.f32 v26, v29;
	v17 =	vmul.f32 v21, v21;
	v19 =	vmul.f32 v20, v20;
	_ =	sdelay $0x1  }
0x291: {  	v22 =	vsub.f32 v18, v29;
	v18 =	vmul.f32 v23, v23;
	v17 =	vadd.f32 v19, v17;
	_ =	sdelay $0x1  }
0x292: {  	v19 =	vsub.f32 v16, v29;
	v16 =	vadd.f32 v17, v18;
	v17 =	vmul.f32 v22, v22;
	_ =	sdelay $0x1  }
0x293: {  	v18 =	vsub.f32 v27, v29;
	v25 =	vmul.f32 v19, v19;
	v16 =	vadd.f32 v16, v17;
	_ =	sdelay $0x1  }
0x294: {  	v17 =	vsub.f32 v24, v29;
	v24 =	vadd.f32 v16, v25;
	v25 =	vmul.f32 v18, v18;
	_ =	sdelay $0x1  }
0x295: {  	v16 =	vsub.f32 v28, v29;
	v24 =	vadd.f32 v24, v25;
	v25 =	vmul.f32 v17, v17;
	_ =	sdelay $0x1  }
0x296: {  	v24 =	vadd.f32 v24, v25;
	v25 =	vmul.f32 v16, v16;
	_ =	sdelay $0x1  }
0x297: {  	v24 =	vadd.f32 v24, v25;
	_ =	sdelay $0x1  }
0x298: {  	(xrf2) =	vadd.scan.msk.f32 $0xffff, v24;
	_ =	sdelay $0x9  }
0x299: {  	v24, _, _ =	vpop (xrf2)  }
0x29a: {  	(v2sf) =	vpush v24, $0xF;
	_ =	sdelay $0xe  }
0x29b: {  	s25 =	spop (v2sf)  }
0x29c: {  	s14 =	smul.f32 $7.812500000e-03, s25;
	_ =	sdelay $0x1  }
0x29d: {  	s14 =	sadd.f32 $9.999999960e-13, s14;
	_ =	sdelay $0x1  }
0x29e: {  	v24 =	vmov s14  }
0x29f: {  	v25 =	vshra.s32 v24, $0x1;
	v27 =	vmul.f32 $5.000000000e-01, v24  }
0x2a0: {  	v24 =	vsub.s32 $0x5F3759DF, v25  }
0x2a1: {  	v25 =	vmul.f32 v24, v27;
	_ =	sdelay $0x1  }
0x2a2: {  	v25 =	vmul.f32 v24, v25;
	_ =	sdelay $0x1  }
0x2a3: {  	s14 =	simm.s32 $0x200;
	v25 =	vsub.f32 $1.500000000e+00, v25  }
.LBB2_7:
0x2a4: {  	_ = 	snop  }
0x2a5: {  	p0 =	sne.s32 s14, $0x7E00;
	s17 =	smov.u32 s14;
	s14 =	sadd.s32 $0x200, s14;
	v24 =	vmul.f32 v24, v25  }
0x2a6: {  	_ = 	snop  }
0x2a7: {  	v25 =	vmul.f32 v24, v27;
	_ =	sdelay $0x1  }
0x2a8: {  	s17 =	sshra.s32 s17, $0x2;
	v26 =	vmul.f32 v25, v24  }
0x2a9: {  	v25 =	vld [tilespmem:s17+$0x6840]  }
0x2aa: {  	v28 =	vld [tilespmem:s17+$0x2870];
	v29 =	vsub.f32 $1.500000000e+00, v26  }
0x2ab: {  	v30 =	vld [tilespmem:s17+$0x8830]  }
0x2ac: {  	v26 =	vld [tilespmem:s17+$0x4850];
	v29 =	vmul.f32 v29, v24  }
0x2ad: {  	v24 =	vld [tilespmem:s17+$0x6870]  }
0x2ae: {  	v31 =	vld [tilespmem:s17+$0x8800];
	v27 =	vmul.f32 v29, v27  }
0x2af: {  	v32 =	vld [tilespmem:s17+$0x2860]  }
0x2b0: {  	v33 =	vld [tilespmem:s17+$0x6800];
	v27 =	vmul.f32 v27, v29  }
0x2b1: {  	v34 =	vld [tilespmem:s17+$0x6830]  }
0x2b2: {  	v35 =	vld [tilespmem:s17+$0x4800];
	v27 =	vsub.f32 $1.500000000e+00, v27  }
0x2b3: {  	v36 =	vld [tilespmem:s17+$0x4810]  }
0x2b4: {  	v37 =	vld [tilespmem:s17+$0x6810];
	v27 =	vmul.f32 v27, v29  }
0x2b5: {  	v29 =	vld [tilespmem:s17+$0x4820]  }
0x2b6: {  	v38 =	vld [tilespmem:s17+$0x6820];
	v21 =	vmul.f32 v27, v21;
	v23 =	vmul.f32 v27, v23  }
0x2b7: {  	v20 =	vmul.f32 v27, v20;
	v22 =	vmul.f32 v27, v22;
	v39 =	vld [tilespmem:s17+$0x2830]  }
0x2b8: {  	v40 =	vld [tilespmem:s17+$0x4830];
	v21 =	vmul.f32 v21, v0;
	v23 =	vmul.f32 v23, v2  }
0x2b9: {  	v20 =	vmul.f32 v20, v1;
	v22 =	vmul.f32 v22, v3;
	v41 =	vld [tilespmem:s17+$0x2840]  }
0x2ba: {  	v19 =	vmul.f32 v27, v19;
	v42 =	vld [tilespmem:s17+$0x2820];
	v21 =	vadd.f32 v21, v8;
	v23 =	vadd.f32 v23, v10  }
0x2bb: {  	v18 =	vmul.f32 v27, v18;
	v20 =	vadd.f32 v20, v9;
	v22 =	vadd.f32 v22, v11;
	v43 =	vld [tilespmem:s17+$0x2810]  }
0x2bc: {  	v17 =	vmul.f32 v27, v17;
	v19 =	vmul.f32 v19, v4;
	v44 =	vld [tilespmem:s17+$0x2800];
	[tilespmem:s30+$0x800] =	vst v21  }
0x2bd: {  	v16 =	vmul.f32 v27, v16;
	v18 =	vmul.f32 v18, v5;
	v21 =	vld [tilespmem:s17+$0x800];
	[tilespmem:s30+$0x820] =	vst v23  }
0x2be: {  	v17 =	vmul.f32 v17, v6;
	v19 =	vadd.f32 v19, v12;
	v23 =	vld [tilespmem:s17+$0x2850];
	[tilespmem:s30+$0x810] =	vst v20  }
0x2bf: {  	v16 =	vmul.f32 v16, v7;
	v18 =	vadd.f32 v18, v13;
	v20 =	vld [tilespmem:s17+$0x820];
	[tilespmem:s30+$0x830] =	vst v22  }
0x2c0: {  	v17 =	vadd.f32 v17, v14;
	v22 =	vld [tilespmem:s17+$0x810];
	[tilespmem:s30+$0x840] =	vst v19  }
0x2c1: {  	v16 =	vadd.f32 v16, v15;
	v19 =	vld [tilespmem:s17+$0x830];
	[tilespmem:s30+$0x850] =	vst v18  }
0x2c2: {  	v18 =	vadd.f32 v44, v21;
	v21 =	vld [tilespmem:s17+$0x840];
	[tilespmem:s30+$0x860] =	vst v17  }
0x2c3: {  	v17 =	vld [tilespmem:s17+$0x8820];
	[tilespmem:s30+$0x870] =	vst v16;
	s30 =	smov.u32 s17  }
0x2c4: {  	v16 =	vadd.f32 v35, v18;
	v18 =	vadd.f32 v42, v20;
	v20 =	vld [tilespmem:s30+$0x4840]  }
0x2c5: {  	v22 =	vadd.f32 v43, v22;
	v27 =	vld [tilespmem:s30+$0x8810]  }
0x2c6: {  	v16 =	vadd.f32 v33, v16;
	v18 =	vadd.f32 v29, v18;
	v29 =	vld [tilespmem:s30+$0x850]  }
0x2c7: {  	v19 =	vadd.f32 v39, v19;
	v22 =	vadd.f32 v36, v22;
	v33 =	vld [tilespmem:s30+$0x870]  }
0x2c8: {  	v21 =	vadd.f32 v41, v21;
	v18 =	vadd.f32 v38, v18;
	v35 =	vld [tilespmem:s30+$0x860]  }
0x2c9: {  	v19 =	vadd.f32 v40, v19;
	v22 =	vadd.f32 v37, v22;
	v36 =	vld [tilespmem:s30+$0x8840]  }
0x2ca: {  	v16 =	vadd.f32 v31, v16;
	v20 =	vadd.f32 v20, v21;
	v21 =	vld [tilespmem:s30+$0x4860]  }
0x2cb: {  	v22 =	vadd.f32 v27, v22;
	v23 =	vadd.f32 v23, v29;
	v27 =	vld [tilespmem:s30+$0x6850]  }
0x2cc: {  	v17 =	vadd.f32 v17, v18;
	v18 =	vadd.f32 v34, v19;
	v19 =	vld [tilespmem:s30+$0x6860]  }
0x2cd: {  	v28 =	vadd.f32 v28, v33;
	v29 =	vld [tilespmem:s30+$0x8850];
	v31 =	vadd.f32 v22, v16  }
0x2ce: {  	v18 =	vadd.f32 v30, v18;
	v30 =	vadd.f32 v32, v35;
	v32 =	vld [tilespmem:s30+$0x4870]  }
0x2cf: {  	v23 =	vadd.f32 v26, v23;
	v26 =	vadd.f32 v17, v31  }
0x2d0: {  	v20 =	vadd.f32 v25, v20;
	v21 =	vadd.f32 v21, v30;
	v25 =	vld [tilespmem:s30+$0x8860]  }
0x2d1: {  	v23 =	vadd.f32 v27, v23;
	v26 =	vadd.f32 v18, v26  }
0x2d2: {  	v27 =	vadd.f32 v36, v20;
	v19 =	vadd.f32 v19, v21  }
0x2d3: {  	v29 =	vadd.f32 v29, v23;
	v20 =	vadd.f32 v32, v28;
	v21 =	vld [tilespmem:s30+$0x8870]  }
0x2d4: {  	v23 =	vadd.f32 v27, v26  }
0x2d5: {  	v25 =	vadd.f32 v25, v19;
	v19 =	vadd.f32 v24, v20  }
0x2d6: {  	v20 =	vadd.f32 v29, v23;
	_ =	sdelay $0x1  }
0x2d7: {  	v24 =	vadd.f32 v21, v19;
	v19 =	vadd.f32 v25, v20;
	_ =	sdelay $0x1  }
0x2d8: {  	v19 =	vadd.f32 v24, v19;
	_ =	sdelay $0x1  }
0x2d9: {  	(xrf2) =	vadd.scan.msk.f32 $0xffff, v19;
	_ =	sdelay $0x9  }
0x2da: {  	v19, _, _ =	vpop (xrf2)  }
0x2db: {  	(v2sf) =	vpush v19, $0xF;
	_ =	sdelay $0xe  }
0x2dc: {  	s17 =	spop (v2sf)  }
0x2dd: {  	s17 =	smul.f32 $7.812500000e-03, s17;
	_ =	sdelay $0x1  }
0x2de: {  	v26 =	vmov s17  }
0x2df: {  	v21 =	vsub.f32 v16, v26;
	v20 =	vsub.f32 v22, v26  }
0x2e0: {  	v23 =	vsub.f32 v17, v26;
	v22 =	vsub.f32 v18, v26  }
0x2e1: {  	v19 =	vsub.f32 v27, v26;
	v27 =	vmul.f32 v21, v21;
	v28 =	vmul.f32 v20, v20  }
0x2e2: {  	v18 =	vsub.f32 v29, v26;
	v17 =	vsub.f32 v25, v26  }
0x2e3: {  	v16 =	vsub.f32 v24, v26;
	v25 =	vmul.f32 v23, v23;
	v24 =	vadd.f32 v28, v27;
	_ =	sdelay $0x1  }
0x2e4: {  	v24 =	vadd.f32 v24, v25;
	v25 =	vmul.f32 v22, v22;
	_ =	sdelay $0x1  }
0x2e5: {  	v24 =	vadd.f32 v24, v25;
	v25 =	vmul.f32 v19, v19;
	_ =	sdelay $0x1  }
0x2e6: {  	v24 =	vadd.f32 v24, v25;
	v25 =	vmul.f32 v18, v18;
	_ =	sdelay $0x1  }
0x2e7: {  	v24 =	vadd.f32 v24, v25;
	v25 =	vmul.f32 v17, v17;
	_ =	sdelay $0x1  }
0x2e8: {  	v24 =	vadd.f32 v24, v25;
	v25 =	vmul.f32 v16, v16;
	_ =	sdelay $0x1  }
0x2e9: {  	v24 =	vadd.f32 v24, v25;
	_ =	sdelay $0x1  }
0x2ea: {  	(xrf2) =	vadd.scan.msk.f32 $0xffff, v24;
	_ =	sdelay $0x9  }
0x2eb: {  	v24, _, _ =	vpop (xrf2)  }
0x2ec: {  	(v2sf) =	vpush v24, $0xF;
	_ =	sdelay $0xe  }
0x2ed: {  	s17 =	spop (v2sf)  }
0x2ee: {  	s17 =	smul.f32 $7.812500000e-03, s17;
	_ =	sdelay $0x1  }
0x2ef: {  	s17 =	sadd.f32 $9.999999960e-13, s17;
	_ =	sdelay $0x1  }
0x2f0: {  	v24 =	vmov s17  }
0x2f1: {  	v25 =	vshra.s32 v24, $0x1;
	v27 =	vmul.f32 $5.000000000e-01, v24  }
0x2f2: {  	v24 =	vsub.s32 $0x5F3759DF, v25  }
.Ltmp2:
0x2f3: {  	v25 =	vmul.f32 v24, v27;
	(pc) =	sbr.rel @p0 .LBB2_7-.Ltmp2, $3  }
0x2f4: {  	_ = 	snop  }
0x2f5: {  	v25 =	vmul.f32 v24, v25;
	_ =	sdelay $0x1  }
0x2f6: {  	v25 =	vsub.f32 $1.500000000e+00, v25  }
0x2f7: {  	_ = 	snop  }
0x2f8: {  	v24 =	vmul.f32 v24, v25;
	_ =	sdelay $0x1  }
0x2f9: {  	v25 =	vmul.f32 v24, v27;
	_ =	sdelay $0x1  }
0x2fa: {  	v25 =	vmul.f32 v25, v24;
	_ =	sdelay $0x1  }
0x2fb: {  	v25 =	vsub.f32 $1.500000000e+00, v25;
	_ =	sdelay $0x1  }
0x2fc: {  	v24 =	vmul.f32 v25, v24;
	_ =	sdelay $0x1  }
0x2fd: {  	v25 =	vmul.f32 v24, v27;
	_ =	sdelay $0x1  }
0x2fe: {  	v25 =	vmul.f32 v25, v24;
	_ =	sdelay $0x1  }
0x2ff: {  	v25 =	vsub.f32 $1.500000000e+00, v25;
	_ =	sdelay $0x1  }
0x300: {  	v24 =	vmul.f32 v25, v24;
	_ =	sdelay $0x1  }
0x301: {  	v21 =	vmul.f32 v24, v21  }
0x302: {  	v23 =	vmul.f32 v24, v23  }
0x303: {  	v20 =	vmul.f32 v24, v20;
	v21 =	vmul.f32 v21, v0  }
0x304: {  	v19 =	vmul.f32 v24, v19;
	v23 =	vmul.f32 v23, v2  }
0x305: {  	v18 =	vmul.f32 v24, v18;
	v20 =	vmul.f32 v20, v1;
	v21 =	vadd.f32 v21, v8  }
0x306: {  	v17 =	vmul.f32 v24, v17;
	v19 =	vmul.f32 v19, v4;
	v23 =	vadd.f32 v23, v10  }
0x307: {  	v16 =	vmul.f32 v24, v16;
	v18 =	vmul.f32 v18, v5;
	v20 =	vadd.f32 v20, v9;
	[tilespmem:s30+$0x800] =	vst v21  }
0x308: {  	v22 =	vmul.f32 v24, v22;
	v17 =	vmul.f32 v17, v6;
	v19 =	vadd.f32 v19, v12;
	[tilespmem:s30+$0x820] =	vst v23  }
0x309: {  	v16 =	vmul.f32 v16, v7;
	v18 =	vadd.f32 v18, v13;
	[tilespmem:s30+$0x810] =	vst v20  }
0x30a: {  	v22 =	vmul.f32 v22, v3;
	v17 =	vadd.f32 v17, v14;
	[tilespmem:s30+$0x840] =	vst v19  }
0x30b: {  	s14 =	sshll.u32 s7, $0xE;
	v16 =	vadd.f32 v16, v15;
	[tilespmem:s30+$0x850] =	vst v18  }
0x30c: {  	s17 =	sadd.s32 s11, s14;
	v21 =	vadd.f32 v22, v11;
	[tilespmem:s30+$0x860] =	vst v17  }
0x30d: {  	p0 =	sgt.u32 s7, $0x30;
	s17 =	sshrl.u32 s17, $0x3;
	[tilespmem:s30+$0x870] =	vst v16  }
0x30e: {  	s7 =	simm.s32 @!p0 $0x3;
	s17 =	sadd.s32 s9, s17;
	[tilespmem:s30+$0x830] =	vst v21  }
0x30f: {  	[hbm4b:s17+s10] =	stream.linear.scatter [tilespmem:s23], [sflag:$0x3], $0x2000, $0x38;
	[tilespmem:$0x14900] =	vst v63  }
0x310: {  	_ =	swait.ge @!p0 [sflag:s7], $0x2000  }
0x311: {  	[sflag:s7] =	ssyncset.done @!p0 $0x0  }
0x312: {  	[sflag:s7] =	ssyncadd.s32 @!p0 $0xFFFFE000;
	s7 =	simm.s32 @!p0 $0x5  }
0x313: {  	_ =	swait.ge @!p0 [sflag:s7], $0x280  }
0x314: {  	s25 =	simm.s32 @!p0 $0x800;
	[sflag:s7] =	ssyncset.done @!p0 $0x0  }
0x315: {  	s17 =	simm.s32 @!p0 $0x0;
	[sflag:s7] =	ssyncadd.s32 @!p0 $0xFFFFFD80;
	s7 =	simm.s32 @!p0 $0x20  }
0x316: {  	[tilespmem:s25], [sflag:$0x1] =	stream.indirect.gather @!p0 [hbm4b:s0+s7], $0x80, s17, s7, $0xb8;
	[tilespmem:$0x14900] =	vst v63  }
0x317: {  	s17 =	simm.s32 @!p0 $0x1800  }
0x318: {  	[tilespmem:s17], [sflag:$0x1] =	stream.indirect.gather @!p0 [hbm4b:s0+s7], $0x80, s7, s7, $0xb8;
	[tilespmem:$0x14900] =	vst v63  }
0x319: {  	s25 =	simm.s32 @!p0 $0x2800;
	s17 =	simm.s32 @!p0 $0x80  }
0x31a: {  	[tilespmem:s25], [sflag:$0x1] =	stream.indirect.gather @!p0 [hbm4b:s1+s7], $0x80, s17, s7, $0xb8;
	[tilespmem:$0x14900] =	vst v63  }
0x31b: {  	s17 =	simm.s32 @!p0 $0xA0;
	s25 =	simm.s32 @!p0 $0x3800  }
0x31c: {  	[tilespmem:s25], [sflag:$0x1] =	stream.indirect.gather @!p0 [hbm4b:s1+s7], $0x80, s17, s7, $0xb8;
	[tilespmem:$0x14900] =	vst v63  }
0x31d: {  	s17 =	simm.s32 @!p0 $0x100;
	s25 =	simm.s32 @!p0 $0x4800  }
0x31e: {  	[tilespmem:s25], [sflag:$0x1] =	stream.indirect.gather @!p0 [hbm4b:s2+s7], $0x80, s17, s7, $0xb8;
	[tilespmem:$0x14900] =	vst v63  }
0x31f: {  	s17 =	simm.s32 @!p0 $0x120;
	s25 =	simm.s32 @!p0 $0x5800  }
0x320: {  	[tilespmem:s25], [sflag:$0x1] =	stream.indirect.gather @!p0 [hbm4b:s2+s7], $0x80, s17, s7, $0xb8;
	[tilespmem:$0x14900] =	vst v63  }
0x321: {  	s17 =	simm.s32 @!p0 $0x180;
	s25 =	simm.s32 @!p0 $0x6800  }
0x322: {  	[tilespmem:s25], [sflag:$0x1] =	stream.indirect.gather @!p0 [hbm4b:s3+s7], $0x80, s17, s7, $0xb8;
	[tilespmem:$0x14900] =	vst v63  }
0x323: {  	s17 =	simm.s32 @!p0 $0x1A0;
	s25 =	simm.s32 @!p0 $0x7800  }
0x324: {  	[tilespmem:s25], [sflag:$0x1] =	stream.indirect.gather @!p0 [hbm4b:s3+s7], $0x80, s17, s7, $0xb8;
	[tilespmem:$0x14900] =	vst v63  }
0x325: {  	s17 =	simm.s32 @!p0 $0x200;
	s25 =	simm.s32 @!p0 $0x8800  }
0x326: {  	[tilespmem:s25], [sflag:$0x1] =	stream.indirect.gather @!p0 [hbm4b:s5+s7], $0x80, s17, s7, $0xb8;
	[tilespmem:$0x14900] =	vst v63  }
0x327: {  	s17 =	simm.s32 @!p0 $0x220;
	s25 =	simm.s32 @!p0 $0x9800  }
0x328: {  	[tilespmem:s25], [sflag:$0x1] =	stream.indirect.gather @!p0 [hbm4b:s5+s7], $0x80, s17, s7, $0xb8;
	[tilespmem:$0x14900] =	vst v63  }
0x329: {  	_ =	swait.ge [sflag:s8], $0x1000  }
0x32a: {  	[sflag:s8] =	ssyncset.done $0x0  }
0x32b: {  	[sflag:s8] =	ssyncadd.s32 $0xFFFFF000  }
0x32c: {  	_ =	swait.ge [sflag:s8], $0x1000  }
0x32d: {  	[sflag:s8] =	ssyncset.done $0x0  }
0x32e: {  	[sflag:s8] =	ssyncadd.s32 $0xFFFFF000  }
0x32f: {  	_ =	swait.ge [sflag:s8], $0x1000  }
0x330: {  	[sflag:s8] =	ssyncset.done $0x0  }
0x331: {  	[sflag:s8] =	ssyncadd.s32 $0xFFFFF000  }
0x332: {  	_ =	swait.ge [sflag:s8], $0x1000  }
0x333: {  	[sflag:s8] =	ssyncset.done $0x0  }
0x334: {  	[sflag:s8] =	ssyncadd.s32 $0xFFFFF000  }
0x335: {  	_ =	swait.ge [sflag:s8], $0x1000  }
0x336: {  	[sflag:s8] =	ssyncset.done $0x0  }
0x337: {  	[sflag:s8] =	ssyncadd.s32 $0xFFFFF000  }
0x338: {  	_ =	swait.ge [sflag:s8], $0x1000  }
0x339: {  	[sflag:s8] =	ssyncset.done $0x0  }
0x33a: {  	[sflag:s8] =	ssyncadd.s32 $0xFFFFF000  }
0x33b: {  	_ =	swait.ge [sflag:s8], $0x1000  }
0x33c: {  	[sflag:s8] =	ssyncset.done $0x0  }
0x33d: {  	[sflag:s8] =	ssyncadd.s32 $0xFFFFF000  }
0x33e: {  	_ =	swait.ge [sflag:s8], $0x1000  }
0x33f: {  	[sflag:s8] =	ssyncset.done $0x0  }
0x340: {  	[sflag:s8] =	ssyncadd.s32 $0xFFFFF000  }
0x341: {  	_ =	swait.ge [sflag:s8], $0x1000  }
0x342: {  	[sflag:s8] =	ssyncset.done $0x0  }
0x343: {  	[sflag:s8] =	ssyncadd.s32 $0xFFFFF000  }
0x344: {  	_ =	swait.ge [sflag:s8], $0x1000  }
0x345: {  	[sflag:s8] =	ssyncset.done $0x0  }
0x346: {  	s7 =	simm.s32 $0x0;
	[sflag:s8] =	ssyncadd.s32 $0xFFFFF000  }
0x347: {  	v16 =	vld [tilespmem:s7+$0x10840]  }
0x348: {  	v17 =	vld [tilespmem:s7+$0xC870]  }
0x349: {  	v18 =	vld [tilespmem:s7+$0x12830]  }
0x34a: {  	v19 =	vld [tilespmem:s7+$0xE850]  }
0x34b: {  	v20 =	vld [tilespmem:s7+$0x12800]  }
0x34c: {  	v21 =	vld [tilespmem:s7+$0xC860]  }
0x34d: {  	v22 =	vld [tilespmem:s7+$0x10800]  }
0x34e: {  	v23 =	vld [tilespmem:s7+$0x10830]  }
0x34f: {  	v24 =	vld [tilespmem:s7+$0xE800]  }
0x350: {  	v25 =	vld [tilespmem:s7+$0xE810]  }
0x351: {  	v26 =	vld [tilespmem:s7+$0x10810]  }
0x352: {  	v27 =	vld [tilespmem:s7+$0xE820]  }
0x353: {  	v28 =	vld [tilespmem:s7+$0x10820]  }
0x354: {  	v29 =	vld [tilespmem:s7+$0xC830]  }
0x355: {  	v30 =	vld [tilespmem:s7+$0xE830]  }
0x356: {  	v31 =	vld [tilespmem:s7+$0xC840]  }
0x357: {  	v32 =	vld [tilespmem:s7+$0xC820]  }
0x358: {  	v33 =	vld [tilespmem:s7+$0xC810]  }
0x359: {  	v34 =	vld [tilespmem:s7+$0xC800]  }
0x35a: {  	v35 =	vld [tilespmem:s7+$0xA800]  }
0x35b: {  	v36 =	vld [tilespmem:s7+$0xA820]  }
0x35c: {  	v37 =	vld [tilespmem:s7+$0xA810]  }
0x35d: {  	v39 =	vld [tilespmem:s7+$0xA830]  }
0x35e: {  	v58 =	vld [tilespmem:s7+$0xA870]  }
0x35f: {  	v38 =	vld [tilespmem:s7+$0xC850]  }
0x360: {  	v59 =	vld [tilespmem:s7+$0xA860];
	v34 =	vadd.f32 v34, v35  }
0x361: {  	v55 =	vld [tilespmem:s7+$0xA840];
	v32 =	vadd.f32 v32, v36;
	v33 =	vadd.f32 v33, v37  }
0x362: {  	v56 =	vld [tilespmem:s7+$0xE840];
	v29 =	vadd.f32 v29, v39;
	v24 =	vadd.f32 v24, v34  }
0x363: {  	v57 =	vld [tilespmem:s7+$0x12810];
	v17 =	vadd.f32 v17, v58;
	v27 =	vadd.f32 v27, v32  }
0x364: {  	v25 =	vadd.f32 v25, v33;
	v22 =	vadd.f32 v22, v24;
	v24 =	vld [tilespmem:s7+$0xA850]  }
0x365: {  	v40 =	vld [tilespmem:s7+$0x12820];
	v21 =	vadd.f32 v21, v59;
	v27 =	vadd.f32 v28, v27  }
0x366: {  	v60 =	vld [tilespmem:s7+$0x10850];
	v28 =	vadd.f32 v31, v55;
	v25 =	vadd.f32 v26, v25  }
0x367: {  	v61 =	vld [tilespmem:s7+$0x12850];
	v26 =	vadd.f32 v30, v29;
	v20 =	vadd.f32 v20, v22  }
0x368: {  	v22 =	vadd.f32 v56, v28;
	v28 =	vld [tilespmem:s7+$0xE860];
	v25 =	vadd.f32 v57, v25  }
0x369: {  	v29 =	vld [tilespmem:s7+$0x12840];
	v23 =	vadd.f32 v23, v26;
	v24 =	vadd.f32 v38, v24  }
0x36a: {  	v26 =	vadd.f32 v40, v27;
	v27 =	vld [tilespmem:s7+$0x10860];
	v62 =	vadd.f32 v25, v20  }
0x36b: {  	v18 =	vadd.f32 v18, v23;
	v23 =	vld [tilespmem:s7+$0xE870];
	v19 =	vadd.f32 v19, v24  }
0x36c: {  	v16 =	vadd.f32 v16, v22;
	v22 =	vld [tilespmem:s7+$0x12860];
	v24 =	vadd.f32 v26, v62  }
0x36d: {  	v63 =	vld [tilespmem:s7+$0x10870];
	v21 =	vadd.f32 v28, v21;
	v19 =	vadd.f32 v60, v19  }
0x36e: {  	v16 =	vadd.f32 v29, v16;
	v24 =	vadd.f32 v18, v24  }
0x36f: {  	v21 =	vadd.f32 v27, v21;
	v27 =	vadd.f32 v61, v19;
	v19 =	vld [tilespmem:s7+$0x12870]  }
0x370: {  	v17 =	vadd.f32 v23, v17;
	v23 =	vadd.f32 v16, v24  }
0x371: {  	v24 =	vadd.f32 v22, v21  }
0x372: {  	v17 =	vadd.f32 v63, v17;
	v21 =	vadd.f32 v27, v23;
	_ =	sdelay $0x1  }
0x373: {  	v28 =	vadd.f32 v19, v17;
	v17 =	vadd.f32 v24, v21;
	_ =	sdelay $0x1  }
0x374: {  	v17 =	vadd.f32 v28, v17;
	_ =	sdelay $0x1  }
0x375: {  	(xrf2) =	vadd.scan.msk.f32 $0xffff, v17;
	_ =	sdelay $0x9  }
0x376: {  	v17, _, _ =	vpop (xrf2)  }
0x377: {  	(v2sf) =	vpush v17, $0xF;
	_ =	sdelay $0xe  }
0x378: {  	s25 =	spop (v2sf)  }
0x379: {  	s17 =	smul.f32 $7.812500000e-03, s25;
	_ =	sdelay $0x1  }
0x37a: {  	v29 =	vmov s17  }
0x37b: {  	v21 =	vsub.f32 v20, v29;
	v20 =	vsub.f32 v25, v29;
	_ =	sdelay $0x1  }
0x37c: {  	v23 =	vsub.f32 v26, v29;
	v17 =	vmul.f32 v21, v21;
	v19 =	vmul.f32 v20, v20;
	_ =	sdelay $0x1  }
0x37d: {  	v22 =	vsub.f32 v18, v29;
	v18 =	vmul.f32 v23, v23;
	v17 =	vadd.f32 v19, v17;
	_ =	sdelay $0x1  }
0x37e: {  	v19 =	vsub.f32 v16, v29;
	v16 =	vadd.f32 v17, v18;
	v17 =	vmul.f32 v22, v22;
	_ =	sdelay $0x1  }
0x37f: {  	v18 =	vsub.f32 v27, v29;
	v25 =	vmul.f32 v19, v19;
	v16 =	vadd.f32 v16, v17;
	_ =	sdelay $0x1  }
0x380: {  	v17 =	vsub.f32 v24, v29;
	v24 =	vadd.f32 v16, v25;
	v25 =	vmul.f32 v18, v18;
	_ =	sdelay $0x1  }
0x381: {  	v16 =	vsub.f32 v28, v29;
	v24 =	vadd.f32 v24, v25;
	v25 =	vmul.f32 v17, v17;
	_ =	sdelay $0x1  }
0x382: {  	v24 =	vadd.f32 v24, v25;
	v25 =	vmul.f32 v16, v16;
	_ =	sdelay $0x1  }
0x383: {  	v24 =	vadd.f32 v24, v25;
	_ =	sdelay $0x1  }
0x384: {  	(xrf2) =	vadd.scan.msk.f32 $0xffff, v24;
	_ =	sdelay $0x9  }
0x385: {  	v24, _, _ =	vpop (xrf2)  }
0x386: {  	(v2sf) =	vpush v24, $0xF;
	_ =	sdelay $0xe  }
0x387: {  	s30 =	spop (v2sf)  }
0x388: {  	s17 =	smul.f32 $7.812500000e-03, s30;
	_ =	sdelay $0x1  }
0x389: {  	s17 =	sadd.f32 $9.999999960e-13, s17;
	_ =	sdelay $0x1  }
0x38a: {  	v24 =	vmov s17  }
0x38b: {  	v25 =	vshra.s32 v24, $0x1;
	v27 =	vmul.f32 $5.000000000e-01, v24  }
0x38c: {  	v24 =	vsub.s32 $0x5F3759DF, v25  }
0x38d: {  	v25 =	vmul.f32 v24, v27;
	_ =	sdelay $0x1  }
0x38e: {  	v25 =	vmul.f32 v24, v25;
	_ =	sdelay $0x1  }
0x38f: {  	s17 =	simm.s32 $0x200;
	v25 =	vsub.f32 $1.500000000e+00, v25  }
.LBB2_9:
0x390: {  	_ = 	snop  }
0x391: {  	p0 =	sne.s32 s17, $0x7E00;
	s25 =	smov.u32 s17;
	s17 =	sadd.s32 $0x200, s17;
	v24 =	vmul.f32 v24, v25  }
0x392: {  	_ = 	snop  }
0x393: {  	v25 =	vmul.f32 v24, v27;
	_ =	sdelay $0x1  }
0x394: {  	s25 =	sshra.s32 s25, $0x2;
	v26 =	vmul.f32 v25, v24  }
0x395: {  	v25 =	vld [tilespmem:s25+$0x10840]  }
0x396: {  	v28 =	vld [tilespmem:s25+$0xC870];
	v29 =	vsub.f32 $1.500000000e+00, v26  }
0x397: {  	v30 =	vld [tilespmem:s25+$0x12830]  }
0x398: {  	v26 =	vld [tilespmem:s25+$0xE850];
	v29 =	vmul.f32 v29, v24  }
0x399: {  	v24 =	vld [tilespmem:s25+$0x10870]  }
0x39a: {  	v31 =	vld [tilespmem:s25+$0x12800];
	v27 =	vmul.f32 v29, v27  }
0x39b: {  	v32 =	vld [tilespmem:s25+$0xC860]  }
0x39c: {  	v33 =	vld [tilespmem:s25+$0x10800];
	v27 =	vmul.f32 v27, v29  }
0x39d: {  	v34 =	vld [tilespmem:s25+$0x10830]  }
0x39e: {  	v35 =	vld [tilespmem:s25+$0xE800];
	v27 =	vsub.f32 $1.500000000e+00, v27  }
0x39f: {  	v36 =	vld [tilespmem:s25+$0xE810]  }
0x3a0: {  	v37 =	vld [tilespmem:s25+$0x10810];
	v27 =	vmul.f32 v27, v29  }
0x3a1: {  	v29 =	vld [tilespmem:s25+$0xE820]  }
0x3a2: {  	v38 =	vld [tilespmem:s25+$0x10820];
	v21 =	vmul.f32 v27, v21;
	v23 =	vmul.f32 v27, v23  }
0x3a3: {  	v20 =	vmul.f32 v27, v20;
	v22 =	vmul.f32 v27, v22;
	v39 =	vld [tilespmem:s25+$0xC830]  }
0x3a4: {  	v40 =	vld [tilespmem:s25+$0xE830];
	v21 =	vmul.f32 v21, v0;
	v23 =	vmul.f32 v23, v2  }
0x3a5: {  	v20 =	vmul.f32 v20, v1;
	v22 =	vmul.f32 v22, v3;
	v41 =	vld [tilespmem:s25+$0xC840]  }
0x3a6: {  	v19 =	vmul.f32 v27, v19;
	v42 =	vld [tilespmem:s25+$0xC820];
	v21 =	vadd.f32 v21, v8;
	v23 =	vadd.f32 v23, v10  }
0x3a7: {  	v18 =	vmul.f32 v27, v18;
	v20 =	vadd.f32 v20, v9;
	v22 =	vadd.f32 v22, v11;
	v43 =	vld [tilespmem:s25+$0xC810]  }
0x3a8: {  	v17 =	vmul.f32 v27, v17;
	v19 =	vmul.f32 v19, v4;
	v44 =	vld [tilespmem:s25+$0xC800];
	[tilespmem:s7+$0xA800] =	vst v21  }
0x3a9: {  	v16 =	vmul.f32 v27, v16;
	v18 =	vmul.f32 v18, v5;
	v21 =	vld [tilespmem:s25+$0xA800];
	[tilespmem:s7+$0xA820] =	vst v23  }
0x3aa: {  	v17 =	vmul.f32 v17, v6;
	v19 =	vadd.f32 v19, v12;
	v23 =	vld [tilespmem:s25+$0xC850];
	[tilespmem:s7+$0xA810] =	vst v20  }
0x3ab: {  	v16 =	vmul.f32 v16, v7;
	v18 =	vadd.f32 v18, v13;
	v20 =	vld [tilespmem:s25+$0xA820];
	[tilespmem:s7+$0xA830] =	vst v22  }
0x3ac: {  	v17 =	vadd.f32 v17, v14;
	v22 =	vld [tilespmem:s25+$0xA810];
	[tilespmem:s7+$0xA840] =	vst v19  }
0x3ad: {  	v16 =	vadd.f32 v16, v15;
	v19 =	vld [tilespmem:s25+$0xA830];
	[tilespmem:s7+$0xA850] =	vst v18  }
0x3ae: {  	v18 =	vadd.f32 v44, v21;
	v21 =	vld [tilespmem:s25+$0xA840];
	[tilespmem:s7+$0xA860] =	vst v17  }
0x3af: {  	v17 =	vld [tilespmem:s25+$0x12820];
	[tilespmem:s7+$0xA870] =	vst v16;
	s7 =	smov.u32 s25  }
0x3b0: {  	v16 =	vadd.f32 v35, v18;
	v18 =	vadd.f32 v42, v20;
	v20 =	vld [tilespmem:s7+$0xE840]  }
0x3b1: {  	v22 =	vadd.f32 v43, v22;
	v27 =	vld [tilespmem:s7+$0x12810]  }
0x3b2: {  	v16 =	vadd.f32 v33, v16;
	v18 =	vadd.f32 v29, v18;
	v29 =	vld [tilespmem:s7+$0xA850]  }
0x3b3: {  	v19 =	vadd.f32 v39, v19;
	v22 =	vadd.f32 v36, v22;
	v33 =	vld [tilespmem:s7+$0xA870]  }
0x3b4: {  	v21 =	vadd.f32 v41, v21;
	v18 =	vadd.f32 v38, v18;
	v35 =	vld [tilespmem:s7+$0xA860]  }
0x3b5: {  	v19 =	vadd.f32 v40, v19;
	v22 =	vadd.f32 v37, v22;
	v36 =	vld [tilespmem:s7+$0x12840]  }
0x3b6: {  	v16 =	vadd.f32 v31, v16;
	v20 =	vadd.f32 v20, v21;
	v21 =	vld [tilespmem:s7+$0xE860]  }
0x3b7: {  	v22 =	vadd.f32 v27, v22;
	v23 =	vadd.f32 v23, v29;
	v27 =	vld [tilespmem:s7+$0x10850]  }
0x3b8: {  	v17 =	vadd.f32 v17, v18;
	v18 =	vadd.f32 v34, v19;
	v19 =	vld [tilespmem:s7+$0x10860]  }
0x3b9: {  	v28 =	vadd.f32 v28, v33;
	v29 =	vld [tilespmem:s7+$0x12850];
	v31 =	vadd.f32 v22, v16  }
0x3ba: {  	v18 =	vadd.f32 v30, v18;
	v30 =	vadd.f32 v32, v35;
	v32 =	vld [tilespmem:s7+$0xE870]  }
0x3bb: {  	v23 =	vadd.f32 v26, v23;
	v26 =	vadd.f32 v17, v31  }
0x3bc: {  	v20 =	vadd.f32 v25, v20;
	v21 =	vadd.f32 v21, v30;
	v25 =	vld [tilespmem:s7+$0x12860]  }
0x3bd: {  	v23 =	vadd.f32 v27, v23;
	v26 =	vadd.f32 v18, v26  }
0x3be: {  	v27 =	vadd.f32 v36, v20;
	v19 =	vadd.f32 v19, v21  }
0x3bf: {  	v29 =	vadd.f32 v29, v23;
	v20 =	vadd.f32 v32, v28;
	v21 =	vld [tilespmem:s7+$0x12870]  }
0x3c0: {  	v23 =	vadd.f32 v27, v26  }
0x3c1: {  	v25 =	vadd.f32 v25, v19;
	v19 =	vadd.f32 v24, v20  }
0x3c2: {  	v20 =	vadd.f32 v29, v23;
	_ =	sdelay $0x1  }
0x3c3: {  	v24 =	vadd.f32 v21, v19;
	v19 =	vadd.f32 v25, v20;
	_ =	sdelay $0x1  }
0x3c4: {  	v19 =	vadd.f32 v24, v19;
	_ =	sdelay $0x1  }
0x3c5: {  	(xrf2) =	vadd.scan.msk.f32 $0xffff, v19;
	_ =	sdelay $0x9  }
0x3c6: {  	v19, _, _ =	vpop (xrf2)  }
0x3c7: {  	(v2sf) =	vpush v19, $0xF;
	_ =	sdelay $0xe  }
0x3c8: {  	s25 =	spop (v2sf)  }
0x3c9: {  	s25 =	smul.f32 $7.812500000e-03, s25;
	_ =	sdelay $0x1  }
0x3ca: {  	v26 =	vmov s25  }
0x3cb: {  	v21 =	vsub.f32 v16, v26;
	v20 =	vsub.f32 v22, v26  }
0x3cc: {  	v23 =	vsub.f32 v17, v26;
	v22 =	vsub.f32 v18, v26  }
0x3cd: {  	v19 =	vsub.f32 v27, v26;
	v27 =	vmul.f32 v21, v21;
	v28 =	vmul.f32 v20, v20  }
0x3ce: {  	v18 =	vsub.f32 v29, v26;
	v17 =	vsub.f32 v25, v26  }
0x3cf: {  	v16 =	vsub.f32 v24, v26;
	v25 =	vmul.f32 v23, v23;
	v24 =	vadd.f32 v28, v27;
	_ =	sdelay $0x1  }
0x3d0: {  	v24 =	vadd.f32 v24, v25;
	v25 =	vmul.f32 v22, v22;
	_ =	sdelay $0x1  }
0x3d1: {  	v24 =	vadd.f32 v24, v25;
	v25 =	vmul.f32 v19, v19;
	_ =	sdelay $0x1  }
0x3d2: {  	v24 =	vadd.f32 v24, v25;
	v25 =	vmul.f32 v18, v18;
	_ =	sdelay $0x1  }
0x3d3: {  	v24 =	vadd.f32 v24, v25;
	v25 =	vmul.f32 v17, v17;
	_ =	sdelay $0x1  }
0x3d4: {  	v24 =	vadd.f32 v24, v25;
	v25 =	vmul.f32 v16, v16;
	_ =	sdelay $0x1  }
0x3d5: {  	v24 =	vadd.f32 v24, v25;
	_ =	sdelay $0x1  }
0x3d6: {  	(xrf2) =	vadd.scan.msk.f32 $0xffff, v24;
	_ =	sdelay $0x9  }
0x3d7: {  	v24, _, _ =	vpop (xrf2)  }
0x3d8: {  	(v2sf) =	vpush v24, $0xF;
	_ =	sdelay $0xe  }
0x3d9: {  	s25 =	spop (v2sf)  }
0x3da: {  	s25 =	smul.f32 $7.812500000e-03, s25;
	_ =	sdelay $0x1  }
0x3db: {  	s25 =	sadd.f32 $9.999999960e-13, s25;
	_ =	sdelay $0x1  }
0x3dc: {  	v24 =	vmov s25  }
0x3dd: {  	v25 =	vshra.s32 v24, $0x1;
	v27 =	vmul.f32 $5.000000000e-01, v24  }
0x3de: {  	v24 =	vsub.s32 $0x5F3759DF, v25  }
.Ltmp3:
0x3df: {  	v25 =	vmul.f32 v24, v27;
	(pc) =	sbr.rel @p0 .LBB2_9-.Ltmp3, $3  }
0x3e0: {  	_ = 	snop  }
0x3e1: {  	v25 =	vmul.f32 v24, v25;
	_ =	sdelay $0x1  }
0x3e2: {  	v25 =	vsub.f32 $1.500000000e+00, v25  }
0x3e3: {  	_ = 	snop  }
0x3e4: {  	v24 =	vmul.f32 v24, v25;
	_ =	sdelay $0x1  }
0x3e5: {  	v25 =	vmul.f32 v24, v27;
	_ =	sdelay $0x1  }
0x3e6: {  	v25 =	vmul.f32 v25, v24;
	_ =	sdelay $0x1  }
0x3e7: {  	v25 =	vsub.f32 $1.500000000e+00, v25;
	_ =	sdelay $0x1  }
0x3e8: {  	v24 =	vmul.f32 v25, v24;
	_ =	sdelay $0x1  }
0x3e9: {  	v25 =	vmul.f32 v24, v27;
	_ =	sdelay $0x1  }
0x3ea: {  	v25 =	vmul.f32 v25, v24;
	_ =	sdelay $0x1  }
0x3eb: {  	v25 =	vsub.f32 $1.500000000e+00, v25;
	_ =	sdelay $0x1  }
0x3ec: {  	v24 =	vmul.f32 v25, v24;
	_ =	sdelay $0x1  }
0x3ed: {  	v21 =	vmul.f32 v24, v21  }
0x3ee: {  	v23 =	vmul.f32 v24, v23  }
0x3ef: {  	v20 =	vmul.f32 v24, v20;
	v21 =	vmul.f32 v21, v0  }
0x3f0: {  	v22 =	vmul.f32 v24, v22;
	v23 =	vmul.f32 v23, v2  }
0x3f1: {  	v19 =	vmul.f32 v24, v19;
	v20 =	vmul.f32 v20, v1;
	v21 =	vadd.f32 v21, v8  }
0x3f2: {  	v18 =	vmul.f32 v24, v18;
	v22 =	vmul.f32 v22, v3;
	v23 =	vadd.f32 v23, v10  }
0x3f3: {  	v17 =	vmul.f32 v24, v17;
	v19 =	vmul.f32 v19, v4;
	v20 =	vadd.f32 v20, v9;
	[tilespmem:s7+$0xA800] =	vst v21  }
0x3f4: {  	v16 =	vmul.f32 v24, v16;
	v18 =	vmul.f32 v18, v5;
	v63 =	vadd.f32 v22, v11;
	[tilespmem:s7+$0xA820] =	vst v23  }
0x3f5: {  	s28 =	sadd.s32 $0x1, s28;
	v17 =	vmul.f32 v17, v6;
	v19 =	vadd.f32 v19, v12;
	[tilespmem:s7+$0xA810] =	vst v20  }
0x3f6: {  	p0 =	sne.s32 s28, $0x19;
	v16 =	vmul.f32 v16, v7;
	v18 =	vadd.f32 v18, v13;
	[tilespmem:s7+$0xA830] =	vst v63  }
.Ltmp4:
0x3f7: {  	v17 =	vadd.f32 v17, v14;
	[tilespmem:s7+$0xA840] =	vst v19;
	(pc) =	sbr.rel @p0 .LBB2_2-.Ltmp4, $4  }
0x3f8: {  	s14 =	sadd.s32 s14, s13;
	v16 =	vadd.f32 v16, v15;
	[tilespmem:s7+$0xA850] =	vst v18  }
0x3f9: {  	s14 =	sshrl.u32 s14, $0x3;
	[tilespmem:s7+$0xA860] =	vst v17  }
0x3fa: {  	s30 =	sadd.s32 s9, s14;
	[tilespmem:s7+$0xA870] =	vst v16  }
0x3fb: {  	[hbm4b:s30+s10] =	stream.linear.scatter [tilespmem:s16], [sflag:$0x4], $0x2000, $0x38;
	[tilespmem:$0x14900] =	vst v63  }
0x3fc: {  	_ =	swait.ge [sflag:s4], $0x2000  }
0x3fd: {  	[sflag:s4] =	ssyncset.done $0x0  }
0x3fe: {  	[sflag:s4] =	ssyncadd.s32 $0xFFFFE000  }
0x3ff: {  	_ =	swait.ge [sflag:s18], $0x2000  }
0x400: {  	s14 =	rddreg [dreg:$0xc]  }
0x401: {  	s7 =	rddreg [dreg:$0xb];
	s14 =	sadd.s32 $0x1, s14  }
0x402: {  	p0 =	sne.s32 s14, s7  }
.Ltmp5:
0x403: {  	_ = 	snop;
	(pc) =	sbr.rel @p0 .LBB2_1-.Ltmp5, $3  }
0x404: {  	_ =	sdelay $0x1  }
0x405: {  	[sflag:s18] =	ssyncset.done $0x0  }
0x406: {  	[sflag:s18] =	ssyncadd.s32 $0xFFFFE000  }
0x407: {  	_ =	sfence.sel $0x180000  }
0x408: {  	[bflag:$0x0] =	sbarrier.arrive $0xFFFF  }
0x409: {  	_ =	strace $0x90000047  }
0x40a: {  	s0 =	stileid.u32;
	[bflag:$0x2] =	sbarrier.arrive $0xFFFF  }
0x40b: {  	p0 =	sne.s32 s0, $0x0;
	s0 =	rddreg [dreg:$0x9]  }
0x40c: {  	s0 =	sadd.s32 @!p0 $0x100000, s0  }
0x40d: {  	[sflag:s0] =	ssyncadd.tile.s32 @!p0 $0x1;
	_ =	shalt  }
.Lfunc_end2:
_tile_overlayer_lowered:
.L_overlay_start_2:
0x40e: {  	(tag) =	ssettag $0x2  }
0x40f: {  	s0 =	rddreg [dreg:$0x0];
	s2 =	stileid.u32  }
0x410: {  	s1 =	rddreg [dreg:$0x1];
	p0 =	sne.s32 s2, $0x0  }
0x411: {  	s3 =	rddreg [dreg:$0x2];
	[bflag:$0x3] =	sbarrier.arrive $0xFFFF;
	s2 =	simm.s32 @!p0 $0x1C06  }
0x412: {  	[timem:s3], [sflag:s2] =	dma.local @!p0 [hbm:s0], s1  }
0x413: {  	s0 =	simm.s32 @!p0 $0x6  }
0x414: {  	_ =	swait.ge @!p0 [sflag:s0], s1  }
0x415: {  	s1 =	ssub.s32 @!p0 $0x0, s1;
	[sflag:s0] =	ssyncset.done @!p0 $0x0  }
0x416: {  	[sflag:s0] =	ssyncadd.s32 @!p0 s1  }
0x417: {  	[bflag:$0x3] =	sbarrier.arrive $0xFFFF  }
0x418: {  	_ =	shalt  }

</sc_bundles>
